<compile_context>
chip_gen: v7x
topology: tpu7x:2x2x1
jax: 0.10.2.dev20260603
libtpu: 0.0.44.dev20260713+nightly
codegen_flags: <defaults>
</compile_context>

<pallas_src>
import functools

import jax
import jax.numpy as jnp
from jax import lax
from jax.experimental import pallas as pl
from jax.experimental.pallas import tpu as pltpu
from jax.experimental.pallas import tpu_sc as plsc

NUM_ITEMS = 100000
EMBED_DIM = 64
BATCH = 4096
HIST = 50

NUM_WORKERS = 32
BBLK = BATCH // NUM_WORKERS
LANES = 16
RB = BBLK // LANES
EB = EMBED_DIM // LANES
RB_E = EMBED_DIM // 8
LAG = 4


def _transpose_block(gbuf, tbuf, lane, diag):
    for eb in range(EB):
        cols = [diag[k] + eb * LANES for k in range(LANES)]

        @plsc.parallel_loop(0, RB, 1, unroll=2)
        def _rb_loop(rb):
            rows = lane + rb * LANES
            vals = {}
            for k in range(LANES):
                vals[k] = plsc.load_gather(gbuf, [rows, cols[k]])
                if k >= LAG:
                    plsc.store_scatter(tbuf, [cols[k - LAG], rows],
                                       vals.pop(k - LAG))
            for k in range(LANES - LAG, LANES):
                plsc.store_scatter(tbuf, [cols[k], rows], vals.pop(k))


def _gather_kernel(idx_hbm, table_hbm, out_hbm,
                   idx_v, gbuf0, gbuf1, tbuf0, tbuf1,
                   gsem0, gsem1, wsem0, wsem1):
    c = lax.axis_index("c")
    s = lax.axis_index("s")
    wid = s * 2 + c
    bbase = wid * BBLK

    lane = lax.iota(jnp.int32, LANES)
    diag = [(lane + k) & (LANES - 1) for k in range(LANES)]

    pltpu.sync_copy(idx_hbm.at[wid], idx_v)

    def fire(h, gbuf, sem):
        pltpu.async_copy(table_hbm.at[idx_v.at[h]], gbuf, sem)

    def drain_gather(gbuf, sem):
        pltpu.make_async_copy(table_hbm.at[pl.ds(0, BBLK)], gbuf, sem).wait()

    def wb(h, tbuf, sem):
        for er in range(RB_E):
            pltpu.async_copy(tbuf.at[pl.ds(er * 8, 8)],
                             out_hbm.at[h * RB_E + er, wid], sem)

    def drain_wb(tbuf, sem):
        for er in range(RB_E):
            pltpu.make_async_copy(tbuf.at[pl.ds(er * 8, 8)],
                                  out_hbm.at[er, wid], sem).wait()

    fire(0, gbuf0, gsem0)
    fire(1, gbuf1, gsem1)

    def pair_body(p, carry):
        h0 = 2 * p

        drain_gather(gbuf0, gsem0)

        @pl.when(p > 0)
        def _():
            drain_wb(tbuf0, wsem0)

        _transpose_block(gbuf0, tbuf0, lane, diag)

        @pl.when(p < HIST // 2 - 1)
        def _():
            fire(h0 + 2, gbuf0, gsem0)

        wb(h0, tbuf0, wsem0)

        drain_gather(gbuf1, gsem1)

        @pl.when(p > 0)
        def _():
            drain_wb(tbuf1, wsem1)

        _transpose_block(gbuf1, tbuf1, lane, diag)

        @pl.when(p < HIST // 2 - 1)
        def _():
            fire(h0 + 3, gbuf1, gsem1)

        wb(h0 + 1, tbuf1, wsem1)
        return carry

    lax.fori_loop(0, HIST // 2, pair_body, None)
    drain_wb(tbuf0, wsem0)
    drain_wb(tbuf1, wsem1)


@functools.partial(jax.jit, static_argnames=())
def kernel(item_inputs, item_embedding):
    idx = (item_inputs.astype(jnp.int32)
           .reshape(NUM_WORKERS, BBLK, HIST)
           .transpose(0, 2, 1)) * 2
    table2 = jnp.pad(item_embedding, ((0, 0), (0, EMBED_DIM))) \
        .reshape(2 * NUM_ITEMS, EMBED_DIM)
    mesh = plsc.VectorSubcoreMesh(core_axis_name="c", subcore_axis_name="s")
    out4 = pl.kernel(
        _gather_kernel,
        out_type=jax.ShapeDtypeStruct(
            (HIST * RB_E, NUM_WORKERS, 8, 128), jnp.float32),
        mesh=mesh,
        scratch_types=[
            pltpu.VMEM((HIST, BBLK), jnp.int32),
            pltpu.VMEM((BBLK, EMBED_DIM), jnp.float32),
            pltpu.VMEM((BBLK, EMBED_DIM), jnp.float32),
            pltpu.VMEM((EMBED_DIM, BBLK), jnp.float32),
            pltpu.VMEM((EMBED_DIM, BBLK), jnp.float32),
            pltpu.SemaphoreType.DMA,
            pltpu.SemaphoreType.DMA,
            pltpu.SemaphoreType.DMA,
            pltpu.SemaphoreType.DMA,
        ],
        compiler_params=pltpu.CompilerParams(
            use_tc_tiling_on_sc=False, needs_layout_passes=False),
    )(idx, table2)
    out = (out4.reshape(HIST, RB_E, NUM_WORKERS, 8, 128)
           .transpose(2, 4, 0, 1, 3)
           .reshape(BATCH, HIST, EMBED_DIM))
    return out

# --- scband reference (transcript-rebuilt; emitter-appended) ---
"""Pipeline reference for scband-item-embedding-layer-56169582297416 (READ-ONLY COPY).

The authoritative reference and input builder live on the scoring server;
editing this copy changes nothing except your own understanding.
"""

import jax, jax.numpy as jnp
import numpy as np

NUM_ITEMS = 100000
EMBED_DIM = 64
BATCH = 4096
HIST = 50

def setup_inputs(seed: int = 0) -> dict:
    key = jax.random.key(seed)
    k1, k2 = jax.random.split(key)
    item_inputs = jax.random.randint(k1, (BATCH, HIST), 0, NUM_ITEMS, dtype=jnp.int64 if jax.config.jax_enable_x64 else jnp.int32)
    item_embedding = jax.random.normal(k2, (NUM_ITEMS, EMBED_DIM), dtype=jnp.float32)
    return {"item_inputs": item_inputs, "item_embedding": item_embedding}

def reference(item_inputs, item_embedding):
    # Faithful translation of nn.Embedding lookup: table[indices]
    item_embeds = jnp.take(item_embedding, item_inputs, axis=0)
    return item_embeds

if __name__ == "__main__":
    import jax
    _d = setup_inputs()
    print(jax.jit(kernel)(*tuple(_d.values())))

</pallas_src>

<mosaic_0001>
#map = affine_map<(d0, d1) -> (0, 0, 0)>
#map1 = affine_map<(d0, d1) -> (0, 0)>
#map2 = affine_map<(d0, d1) -> (0, 0, 0, 0)>
module attributes {stable_mosaic.version = 14 : i64} {
  func.func @_gather_kernel(%arg0: i32, %arg1: i32, %arg2: memref<32x50x128xi32, #tpu.memory_space<hbm>>, %arg3: memref<200000x64xf32, #tpu.memory_space<hbm>>, %arg4: memref<400x32x8x128xf32, #tpu.memory_space<hbm>>, %arg5: memref<50x128xi32, #tpu.memory_space<vmem>>, %arg6: memref<128x64xf32, #tpu.memory_space<vmem>>, %arg7: memref<128x64xf32, #tpu.memory_space<vmem>>, %arg8: memref<64x128xf32, #tpu.memory_space<vmem>>, %arg9: memref<64x128xf32, #tpu.memory_space<vmem>>, %arg10: memref<!tpu.dma_semaphore, #tpu.memory_space<semaphore_mem>>, %arg11: memref<!tpu.dma_semaphore, #tpu.memory_space<semaphore_mem>>, %arg12: memref<!tpu.dma_semaphore, #tpu.memory_space<semaphore_mem>>, %arg13: memref<!tpu.dma_semaphore, #tpu.memory_space<semaphore_mem>>) attributes {dimension_semantics = [#tpu.dimension_semantics<core_parallel>, #tpu.dimension_semantics<subcore_parallel>], iteration_bounds = array<i64: 2, 16>, scalar_prefetch = 0 : i64, scratch_operands = 9 : i64, tpu.core_type = #tpu.core_type<sc_vector_subcore>, window_params = [{transform_indices = #map}, {transform_indices = #map1}, {transform_indices = #map2}]} {
    %mul3A = arith.constant 2 : i32
    %mul3A_0 = arith.muli %arg1, %mul3A : i32
    %add3A = arith.addi %mul3A_0, %arg0 : i32
    %mul3A_1 = arith.constant 128 : i32
    %mul3A_2 = arith.muli %add3A, %mul3A_1 : i32
    %iota3A = tpu.iota {dimensions = array<i32: 0>} : vector<16xi32>
    %add3A_3 = arith.constant 0 : i32
    %add3A_4 = vector.broadcast %add3A_3 : i32 to vector<16xi32>
    %add3A_5 = arith.addi %iota3A, %add3A_4 : vector<16xi32>
    %and3A = arith.constant 15 : i32
    %and3A_6 = vector.broadcast %and3A : i32 to vector<16xi32>
    %and3A_7 = arith.andi %add3A_5, %and3A_6 : vector<16xi32>
    %add3A_8 = arith.constant 1 : i32
    %add3A_9 = vector.broadcast %add3A_8 : i32 to vector<16xi32>
    %add3A_10 = arith.addi %iota3A, %add3A_9 : vector<16xi32>
    %and3A_11 = arith.constant 15 : i32
    %and3A_12 = vector.broadcast %and3A_11 : i32 to vector<16xi32>
    %and3A_13 = arith.andi %add3A_10, %and3A_12 : vector<16xi32>
    %add3A_14 = arith.constant 2 : i32
    %add3A_15 = vector.broadcast %add3A_14 : i32 to vector<16xi32>
    %add3A_16 = arith.addi %iota3A, %add3A_15 : vector<16xi32>
    %and3A_17 = arith.constant 15 : i32
    %and3A_18 = vector.broadcast %and3A_17 : i32 to vector<16xi32>
    %and3A_19 = arith.andi %add3A_16, %and3A_18 : vector<16xi32>
    %add3A_20 = arith.constant 3 : i32
    %add3A_21 = vector.broadcast %add3A_20 : i32 to vector<16xi32>
    %add3A_22 = arith.addi %iota3A, %add3A_21 : vector<16xi32>
    %and3A_23 = arith.constant 15 : i32
    %and3A_24 = vector.broadcast %and3A_23 : i32 to vector<16xi32>
    %and3A_25 = arith.andi %add3A_22, %and3A_24 : vector<16xi32>
    %add3A_26 = arith.constant 4 : i32
    %add3A_27 = vector.broadcast %add3A_26 : i32 to vector<16xi32>
    %add3A_28 = arith.addi %iota3A, %add3A_27 : vector<16xi32>
    %and3A_29 = arith.constant 15 : i32
    %and3A_30 = vector.broadcast %and3A_29 : i32 to vector<16xi32>
    %and3A_31 = arith.andi %add3A_28, %and3A_30 : vector<16xi32>
    %add3A_32 = arith.constant 5 : i32
    %add3A_33 = vector.broadcast %add3A_32 : i32 to vector<16xi32>
    %add3A_34 = arith.addi %iota3A, %add3A_33 : vector<16xi32>
    %and3A_35 = arith.constant 15 : i32
    %and3A_36 = vector.broadcast %and3A_35 : i32 to vector<16xi32>
    %and3A_37 = arith.andi %add3A_34, %and3A_36 : vector<16xi32>
    %add3A_38 = arith.constant 6 : i32
    %add3A_39 = vector.broadcast %add3A_38 : i32 to vector<16xi32>
    %add3A_40 = arith.addi %iota3A, %add3A_39 : vector<16xi32>
    %and3A_41 = arith.constant 15 : i32
    %and3A_42 = vector.broadcast %and3A_41 : i32 to vector<16xi32>
    %and3A_43 = arith.andi %add3A_40, %and3A_42 : vector<16xi32>
    %add3A_44 = arith.constant 7 : i32
    %add3A_45 = vector.broadcast %add3A_44 : i32 to vector<16xi32>
    %add3A_46 = arith.addi %iota3A, %add3A_45 : vector<16xi32>
    %and3A_47 = arith.constant 15 : i32
    %and3A_48 = vector.broadcast %and3A_47 : i32 to vector<16xi32>
    %and3A_49 = arith.andi %add3A_46, %and3A_48 : vector<16xi32>
    %add3A_50 = arith.constant 8 : i32
    %add3A_51 = vector.broadcast %add3A_50 : i32 to vector<16xi32>
    %add3A_52 = arith.addi %iota3A, %add3A_51 : vector<16xi32>
    %and3A_53 = arith.constant 15 : i32
    %and3A_54 = vector.broadcast %and3A_53 : i32 to vector<16xi32>
    %and3A_55 = arith.andi %add3A_52, %and3A_54 : vector<16xi32>
    %add3A_56 = arith.constant 9 : i32
    %add3A_57 = vector.broadcast %add3A_56 : i32 to vector<16xi32>
    %add3A_58 = arith.addi %iota3A, %add3A_57 : vector<16xi32>
    %and3A_59 = arith.constant 15 : i32
    %and3A_60 = vector.broadcast %and3A_59 : i32 to vector<16xi32>
    %and3A_61 = arith.andi %add3A_58, %and3A_60 : vector<16xi32>
    %add3A_62 = arith.constant 10 : i32
    %add3A_63 = vector.broadcast %add3A_62 : i32 to vector<16xi32>
    %add3A_64 = arith.addi %iota3A, %add3A_63 : vector<16xi32>
    %and3A_65 = arith.constant 15 : i32
    %and3A_66 = vector.broadcast %and3A_65 : i32 to vector<16xi32>
    %and3A_67 = arith.andi %add3A_64, %and3A_66 : vector<16xi32>
    %add3A_68 = arith.constant 11 : i32
    %add3A_69 = vector.broadcast %add3A_68 : i32 to vector<16xi32>
    %add3A_70 = arith.addi %iota3A, %add3A_69 : vector<16xi32>
    %and3A_71 = arith.constant 15 : i32
    %and3A_72 = vector.broadcast %and3A_71 : i32 to vector<16xi32>
    %and3A_73 = arith.andi %add3A_70, %and3A_72 : vector<16xi32>
    %add3A_74 = arith.constant 12 : i32
    %add3A_75 = vector.broadcast %add3A_74 : i32 to vector<16xi32>
    %add3A_76 = arith.addi %iota3A, %add3A_75 : vector<16xi32>
    %and3A_77 = arith.constant 15 : i32
    %and3A_78 = vector.broadcast %and3A_77 : i32 to vector<16xi32>
    %and3A_79 = arith.andi %add3A_76, %and3A_78 : vector<16xi32>
    %add3A_80 = arith.constant 13 : i32
    %add3A_81 = vector.broadcast %add3A_80 : i32 to vector<16xi32>
    %add3A_82 = arith.addi %iota3A, %add3A_81 : vector<16xi32>
    %and3A_83 = arith.constant 15 : i32
    %and3A_84 = vector.broadcast %and3A_83 : i32 to vector<16xi32>
    %and3A_85 = arith.andi %add3A_82, %and3A_84 : vector<16xi32>
    %add3A_86 = arith.constant 14 : i32
    %add3A_87 = vector.broadcast %add3A_86 : i32 to vector<16xi32>
    %add3A_88 = arith.addi %iota3A, %add3A_87 : vector<16xi32>
    %and3A_89 = arith.constant 15 : i32
    %and3A_90 = vector.broadcast %and3A_89 : i32 to vector<16xi32>
    %and3A_91 = arith.andi %add3A_88, %and3A_90 : vector<16xi32>
    %add3A_92 = arith.constant 15 : i32
    %add3A_93 = vector.broadcast %add3A_92 : i32 to vector<16xi32>
    %add3A_94 = arith.addi %iota3A, %add3A_93 : vector<16xi32>
    %and3A_95 = arith.constant 15 : i32
    %and3A_96 = vector.broadcast %and3A_95 : i32 to vector<16xi32>
    %and3A_97 = arith.andi %add3A_94, %and3A_96 : vector<16xi32>
    "tpu.region"() ({
      %run_scoped3A = tpu.sem_alloc : memref<!tpu.dma_semaphore, #tpu.memory_space<semaphore_mem>>
      %dma_start3A_354 = arith.constant 0 : i32
      %dma_start3A_355 = arith.constant 0 : i32
      %dma_start3A_356 = tpu.memref_slice %arg2[%add3A, %dma_start3A_354, %dma_start3A_355] : memref<32x50x128xi32, #tpu.memory_space<hbm>> -> memref<1x50x128xi32, #tpu.memory_space<hbm>>
      %dma_start3A_357 = tpu.memref_squeeze %dma_start3A_356 : memref<1x50x128xi32, #tpu.memory_space<hbm>> -> memref<50x128xi32, #tpu.memory_space<hbm>>
      %dma_start3A_358 = arith.constant 0 : i32
      %dma_start3A_359 = arith.constant 0 : i32
      %dma_start3A_360 = tpu.memref_slice %arg2[%add3A, %dma_start3A_358, %dma_start3A_359] : memref<32x50x128xi32, #tpu.memory_space<hbm>> -> memref<1x50x128xi32, #tpu.memory_space<hbm>>
      %dma_start3A_361 = tpu.memref_squeeze %dma_start3A_360 : memref<1x50x128xi32, #tpu.memory_space<hbm>> -> memref<50x128xi32, #tpu.memory_space<hbm>>
      tpu.enqueue_dma source(%dma_start3A_361 : memref<50x128xi32, #tpu.memory_space<hbm>>) target(%arg5 : memref<50x128xi32, #tpu.memory_space<vmem>>) target_semaphore(%run_scoped3A : memref<!tpu.dma_semaphore, #tpu.memory_space<semaphore_mem>>)
      %dma_wait3A_362 = arith.constant 0 : i32
      %dma_wait3A_363 = arith.constant 0 : i32
      %dma_wait3A_364 = tpu.memref_slice %arg2[%add3A, %dma_wait3A_362, %dma_wait3A_363] : memref<32x50x128xi32, #tpu.memory_space<hbm>> -> memref<1x50x128xi32, #tpu.memory_space<hbm>>
      %dma_wait3A_365 = tpu.memref_squeeze %dma_wait3A_364 : memref<1x50x128xi32, #tpu.memory_space<hbm>> -> memref<50x128xi32, #tpu.memory_space<hbm>>
      %dma_wait3A_366 = arith.constant 0 : i32
      %dma_wait3A_367 = arith.constant 0 : i32
      %dma_wait3A_368 = tpu.memref_slice %arg2[%add3A, %dma_wait3A_366, %dma_wait3A_367] : memref<32x50x128xi32, #tpu.memory_space<hbm>> -> memref<1x50x128xi32, #tpu.memory_space<hbm>>
      %dma_wait3A_369 = tpu.memref_squeeze %dma_wait3A_368 : memref<1x50x128xi32, #tpu.memory_space<hbm>> -> memref<50x128xi32, #tpu.memory_space<hbm>>
      tpu.wait_dma2 semaphore(%run_scoped3A : memref<!tpu.dma_semaphore, #tpu.memory_space<semaphore_mem>>) src(%dma_wait3A_369 : memref<50x128xi32, #tpu.memory_space<hbm>>) dst(%arg5 : memref<50x128xi32, #tpu.memory_space<vmem>>)
      tpu.yield
    }) : () -> ()
    %dma_start3A = arith.constant 0 : i32
    %dma_start3A_98 = arith.constant 0 : i32
    %dma_start3A_99 = tpu.memref_slice %arg5[%dma_start3A, %dma_start3A_98] : memref<50x128xi32, #tpu.memory_space<vmem>> -> memref<1x128xi32, #tpu.memory_space<vmem>>
    %dma_start3A_100 = tpu.memref_squeeze %dma_start3A_99 : memref<1x128xi32, #tpu.memory_space<vmem>> -> memref<128xi32, #tpu.memory_space<vmem>>
    %dma_start3A_101 = arith.constant 0 : i32
    %dma_start3A_102 = arith.constant 0 : i32
    %dma_start3A_103 = tpu.memref_slice %arg3[%dma_start3A_101, %dma_start3A_102] : memref<200000x64xf32, #tpu.memory_space<hbm>> -> memref<200000x64xf32, #tpu.memory_space<hbm>>
    tpu.enqueue_indirect_dma source(%dma_start3A_103 : memref<200000x64xf32, #tpu.memory_space<hbm>>) target(%arg6 : memref<128x64xf32, #tpu.memory_space<vmem>>) offsets(%dma_start3A_100 : memref<128xi32, #tpu.memory_space<vmem>>) semaphore(%arg10 : memref<!tpu.dma_semaphore, #tpu.memory_space<semaphore_mem>>)
    %dma_start3A_104 = arith.constant 1 : i32
    %dma_start3A_105 = arith.constant 0 : i32
    %dma_start3A_106 = tpu.memref_slice %arg5[%dma_start3A_104, %dma_start3A_105] : memref<50x128xi32, #tpu.memory_space<vmem>> -> memref<1x128xi32, #tpu.memory_space<vmem>>
    %dma_start3A_107 = tpu.memref_squeeze %dma_start3A_106 : memref<1x128xi32, #tpu.memory_space<vmem>> -> memref<128xi32, #tpu.memory_space<vmem>>
    %dma_start3A_108 = arith.constant 0 : i32
    %dma_start3A_109 = arith.constant 0 : i32
    %dma_start3A_110 = tpu.memref_slice %arg3[%dma_start3A_108, %dma_start3A_109] : memref<200000x64xf32, #tpu.memory_space<hbm>> -> memref<200000x64xf32, #tpu.memory_space<hbm>>
    tpu.enqueue_indirect_dma source(%dma_start3A_110 : memref<200000x64xf32, #tpu.memory_space<hbm>>) target(%arg7 : memref<128x64xf32, #tpu.memory_space<vmem>>) offsets(%dma_start3A_107 : memref<128xi32, #tpu.memory_space<vmem>>) semaphore(%arg11 : memref<!tpu.dma_semaphore, #tpu.memory_space<semaphore_mem>>)
    %scan3A = arith.constant 0 : i32
    %scan3A_111 = arith.constant 25 : i32
    %scan3A_112 = arith.addi %scan3A, %scan3A_111 : i32
    %scan3A_113 = arith.constant 1 : i32
    scf.for %scan3A_354 = %scan3A to %scan3A_112 step %scan3A_113  : i32 {
      %mul3A_355 = arith.constant 2 : i32
      %mul3A_356 = arith.muli %mul3A_355, %scan3A_354 : i32
      %dma_wait3A_357 = arith.constant 0 : i32
      %dma_wait3A_358 = arith.constant 0 : i32
      %dma_wait3A_359 = tpu.memref_slice %arg3[%dma_wait3A_357, %dma_wait3A_358] : memref<200000x64xf32, #tpu.memory_space<hbm>> -> memref<128x64xf32, #tpu.memory_space<hbm>>
      %dma_wait3A_360 = arith.constant 0 : i32
      %dma_wait3A_361 = arith.constant 0 : i32
      %dma_wait3A_362 = tpu.memref_slice %arg3[%dma_wait3A_360, %dma_wait3A_361] : memref<200000x64xf32, #tpu.memory_space<hbm>> -> memref<128x64xf32, #tpu.memory_space<hbm>>
      tpu.wait_dma2 semaphore(%arg10 : memref<!tpu.dma_semaphore, #tpu.memory_space<semaphore_mem>>) src(%dma_wait3A_362 : memref<128x64xf32, #tpu.memory_space<hbm>>) dst(%arg6 : memref<128x64xf32, #tpu.memory_space<vmem>>)
      %gt3A = arith.constant 0 : i32
      %gt3A_363 = arith.cmpi sgt, %scan3A_354, %gt3A : i32
      %convert_element_type3A = arith.extui %gt3A_363 : i1 to i32
      %cond3A = arith.constant 0 : i32
      %cond3A_364 = arith.cmpi ne, %convert_element_type3A, %cond3A : i32
      scf.if %cond3A_364 {
        %dma_wait3A_1082 = arith.constant 0 : i32
        %dma_wait3A_1083 = arith.constant 0 : i32
        %dma_wait3A_1084 = arith.constant 0 : i32
        %dma_wait3A_1085 = tpu.memref_slice %arg8[%dma_wait3A_1083, %dma_wait3A_1084] : memref<64x128xf32, #tpu.memory_space<vmem>> -> memref<8x128xf32, #tpu.memory_space<vmem>>
        %dma_wait3A_1086 = arith.constant 0 : i32
        %dma_wait3A_1087 = arith.constant 0 : i32
        %dma_wait3A_1088 = tpu.memref_slice %arg4[%dma_wait3A_1082, %add3A, %dma_wait3A_1086, %dma_wait3A_1087] : memref<400x32x8x128xf32, #tpu.memory_space<hbm>> -> memref<1x1x8x128xf32, #tpu.memory_space<hbm>>
        %dma_wait3A_1089 = tpu.memref_squeeze %dma_wait3A_1088 : memref<1x1x8x128xf32, #tpu.memory_space<hbm>> -> memref<8x128xf32, #tpu.memory_space<hbm>>
        %dma_wait3A_1090 = arith.constant 0 : i32
        %dma_wait3A_1091 = arith.constant 0 : i32
        %dma_wait3A_1092 = tpu.memref_slice %arg4[%dma_wait3A_1082, %add3A, %dma_wait3A_1090, %dma_wait3A_1091] : memref<400x32x8x128xf32, #tpu.memory_space<hbm>> -> memref<1x1x8x128xf32, #tpu.memory_space<hbm>>
        %dma_wait3A_1093 = tpu.memref_squeeze %dma_wait3A_1092 : memref<1x1x8x128xf32, #tpu.memory_space<hbm>> -> memref<8x128xf32, #tpu.memory_space<hbm>>
        %dma_wait3A_1094 = arith.constant 0 : i32
        %dma_wait3A_1095 = arith.constant 0 : i32
        %dma_wait3A_1096 = tpu.memref_slice %arg8[%dma_wait3A_1094, %dma_wait3A_1095] : memref<64x128xf32, #tpu.memory_space<vmem>> -> memref<8x128xf32, #tpu.memory_space<vmem>>
        tpu.wait_dma2 semaphore(%arg12 : memref<!tpu.dma_semaphore, #tpu.memory_space<semaphore_mem>>) src(%dma_wait3A_1096 : memref<8x128xf32, #tpu.memory_space<vmem>>) dst(%dma_wait3A_1093 : memref<8x128xf32, #tpu.memory_space<hbm>>)
        %dma_wait3A_1097 = arith.constant 1 : i32
        %dma_wait3A_1098 = arith.constant 8 : i32
        %dma_wait3A_1099 = arith.constant 0 : i32
        %dma_wait3A_1100 = tpu.memref_slice %arg8[%dma_wait3A_1098, %dma_wait3A_1099] : memref<64x128xf32, #tpu.memory_space<vmem>> -> memref<8x128xf32, #tpu.memory_space<vmem>>
        %dma_wait3A_1101 = arith.constant 0 : i32
        %dma_wait3A_1102 = arith.constant 0 : i32
        %dma_wait3A_1103 = tpu.memref_slice %arg4[%dma_wait3A_1097, %add3A, %dma_wait3A_1101, %dma_wait3A_1102] : memref<400x32x8x128xf32, #tpu.memory_space<hbm>> -> memref<1x1x8x128xf32, #tpu.memory_space<hbm>>
        %dma_wait3A_1104 = tpu.memref_squeeze %dma_wait3A_1103 : memref<1x1x8x128xf32, #tpu.memory_space<hbm>> -> memref<8x128xf32, #tpu.memory_space<hbm>>
        %dma_wait3A_1105 = arith.constant 0 : i32
        %dma_wait3A_1106 = arith.constant 0 : i32
        %dma_wait3A_1107 = tpu.memref_slice %arg4[%dma_wait3A_1097, %add3A, %dma_wait3A_1105, %dma_wait3A_1106] : memref<400x32x8x128xf32, #tpu.memory_space<hbm>> -> memref<1x1x8x128xf32, #tpu.memory_space<hbm>>
        %dma_wait3A_1108 = tpu.memref_squeeze %dma_wait3A_1107 : memref<1x1x8x128xf32, #tpu.memory_space<hbm>> -> memref<8x128xf32, #tpu.memory_space<hbm>>
        %dma_wait3A_1109 = arith.constant 8 : i32
        %dma_wait3A_1110 = arith.constant 0 : i32
        %dma_wait3A_1111 = tpu.memref_slice %arg8[%dma_wait3A_1109, %dma_wait3A_1110] : memref<64x128xf32, #tpu.memory_space<vmem>> -> memref<8x128xf32, #tpu.memory_space<vmem>>
        tpu.wait_dma2 semaphore(%arg12 : memref<!tpu.dma_semaphore, #tpu.memory_space<semaphore_mem>>) src(%dma_wait3A_1111 : memref<8x128xf32, #tpu.memory_space<vmem>>) dst(%dma_wait3A_1108 : memref<8x128xf32, #tpu.memory_space<hbm>>)
        %dma_wait3A_1112 = arith.constant 2 : i32
        %dma_wait3A_1113 = arith.constant 16 : i32
        %dma_wait3A_1114 = arith.constant 0 : i32
        %dma_wait3A_1115 = tpu.memref_slice %arg8[%dma_wait3A_1113, %dma_wait3A_1114] : memref<64x128xf32, #tpu.memory_space<vmem>> -> memref<8x128xf32, #tpu.memory_space<vmem>>
        %dma_wait3A_1116 = arith.constant 0 : i32
        %dma_wait3A_1117 = arith.constant 0 : i32
        %dma_wait3A_1118 = tpu.memref_slice %arg4[%dma_wait3A_1112, %add3A, %dma_wait3A_1116, %dma_wait3A_1117] : memref<400x32x8x128xf32, #tpu.memory_space<hbm>> -> memref<1x1x8x128xf32, #tpu.memory_space<hbm>>
        %dma_wait3A_1119 = tpu.memref_squeeze %dma_wait3A_1118 : memref<1x1x8x128xf32, #tpu.memory_space<hbm>> -> memref<8x128xf32, #tpu.memory_space<hbm>>
        %dma_wait3A_1120 = arith.constant 0 : i32
        %dma_wait3A_1121 = arith.constant 0 : i32
        %dma_wait3A_1122 = tpu.memref_slice %arg4[%dma_wait3A_1112, %add3A, %dma_wait3A_1120, %dma_wait3A_1121] : memref<400x32x8x128xf32, #tpu.memory_space<hbm>> -> memref<1x1x8x128xf32, #tpu.memory_space<hbm>>
        %dma_wait3A_1123 = tpu.memref_squeeze %dma_wait3A_1122 : memref<1x1x8x128xf32, #tpu.memory_space<hbm>> -> memref<8x128xf32, #tpu.memory_space<hbm>>
        %dma_wait3A_1124 = arith.constant 16 : i32
        %dma_wait3A_1125 = arith.constant 0 : i32
        %dma_wait3A_1126 = tpu.memref_slice %arg8[%dma_wait3A_1124, %dma_wait3A_1125] : memref<64x128xf32, #tpu.memory_space<vmem>> -> memref<8x128xf32, #tpu.memory_space<vmem>>
        tpu.wait_dma2 semaphore(%arg12 : memref<!tpu.dma_semaphore, #tpu.memory_space<semaphore_mem>>) src(%dma_wait3A_1126 : memref<8x128xf32, #tpu.memory_space<vmem>>) dst(%dma_wait3A_1123 : memref<8x128xf32, #tpu.memory_space<hbm>>)
        %dma_wait3A_1127 = arith.constant 3 : i32
        %dma_wait3A_1128 = arith.constant 24 : i32
        %dma_wait3A_1129 = arith.constant 0 : i32
        %dma_wait3A_1130 = tpu.memref_slice %arg8[%dma_wait3A_1128, %dma_wait3A_1129] : memref<64x128xf32, #tpu.memory_space<vmem>> -> memref<8x128xf32, #tpu.memory_space<vmem>>
        %dma_wait3A_1131 = arith.constant 0 : i32
        %dma_wait3A_1132 = arith.constant 0 : i32
        %dma_wait3A_1133 = tpu.memref_slice %arg4[%dma_wait3A_1127, %add3A, %dma_wait3A_1131, %dma_wait3A_1132] : memref<400x32x8x128xf32, #tpu.memory_space<hbm>> -> memref<1x1x8x128xf32, #tpu.memory_space<hbm>>
        %dma_wait3A_1134 = tpu.memref_squeeze %dma_wait3A_1133 : memref<1x1x8x128xf32, #tpu.memory_space<hbm>> -> memref<8x128xf32, #tpu.memory_space<hbm>>
        %dma_wait3A_1135 = arith.constant 0 : i32
        %dma_wait3A_1136 = arith.constant 0 : i32
        %dma_wait3A_1137 = tpu.memref_slice %arg4[%dma_wait3A_1127, %add3A, %dma_wait3A_1135, %dma_wait3A_1136] : memref<400x32x8x128xf32, #tpu.memory_space<hbm>> -> memref<1x1x8x128xf32, #tpu.memory_space<hbm>>
        %dma_wait3A_1138 = tpu.memref_squeeze %dma_wait3A_1137 : memref<1x1x8x128xf32, #tpu.memory_space<hbm>> -> memref<8x128xf32, #tpu.memory_space<hbm>>
        %dma_wait3A_1139 = arith.constant 24 : i32
        %dma_wait3A_1140 = arith.constant 0 : i32
        %dma_wait3A_1141 = tpu.memref_slice %arg8[%dma_wait3A_1139, %dma_wait3A_1140] : memref<64x128xf32, #tpu.memory_space<vmem>> -> memref<8x128xf32, #tpu.memory_space<vmem>>
        tpu.wait_dma2 semaphore(%arg12 : memref<!tpu.dma_semaphore, #tpu.memory_space<semaphore_mem>>) src(%dma_wait3A_1141 : memref<8x128xf32, #tpu.memory_space<vmem>>) dst(%dma_wait3A_1138 : memref<8x128xf32, #tpu.memory_space<hbm>>)
        %dma_wait3A_1142 = arith.constant 4 : i32
        %dma_wait3A_1143 = arith.constant 32 : i32
        %dma_wait3A_1144 = arith.constant 0 : i32
        %dma_wait3A_1145 = tpu.memref_slice %arg8[%dma_wait3A_1143, %dma_wait3A_1144] : memref<64x128xf32, #tpu.memory_space<vmem>> -> memref<8x128xf32, #tpu.memory_space<vmem>>
        %dma_wait3A_1146 = arith.constant 0 : i32
        %dma_wait3A_1147 = arith.constant 0 : i32
        %dma_wait3A_1148 = tpu.memref_slice %arg4[%dma_wait3A_1142, %add3A, %dma_wait3A_1146, %dma_wait3A_1147] : memref<400x32x8x128xf32, #tpu.memory_space<hbm>> -> memref<1x1x8x128xf32, #tpu.memory_space<hbm>>
        %dma_wait3A_1149 = tpu.memref_squeeze %dma_wait3A_1148 : memref<1x1x8x128xf32, #tpu.memory_space<hbm>> -> memref<8x128xf32, #tpu.memory_space<hbm>>
        %dma_wait3A_1150 = arith.constant 0 : i32
        %dma_wait3A_1151 = arith.constant 0 : i32
        %dma_wait3A_1152 = tpu.memref_slice %arg4[%dma_wait3A_1142, %add3A, %dma_wait3A_1150, %dma_wait3A_1151] : memref<400x32x8x128xf32, #tpu.memory_space<hbm>> -> memref<1x1x8x128xf32, #tpu.memory_space<hbm>>
        %dma_wait3A_1153 = tpu.memref_squeeze %dma_wait3A_1152 : memref<1x1x8x128xf32, #tpu.memory_space<hbm>> -> memref<8x128xf32, #tpu.memory_space<hbm>>
        %dma_wait3A_1154 = arith.constant 32 : i32
        %dma_wait3A_1155 = arith.constant 0 : i32
        %dma_wait3A_1156 = tpu.memref_slice %arg8[%dma_wait3A_1154, %dma_wait3A_1155] : memref<64x128xf32, #tpu.memory_space<vmem>> -> memref<8x128xf32, #tpu.memory_space<vmem>>
        tpu.wait_dma2 semaphore(%arg12 : memref<!tpu.dma_semaphore, #tpu.memory_space<semaphore_mem>>) src(%dma_wait3A_1156 : memref<8x128xf32, #tpu.memory_space<vmem>>) dst(%dma_wait3A_1153 : memref<8x128xf32, #tpu.memory_space<hbm>>)
        %dma_wait3A_1157 = arith.constant 5 : i32
        %dma_wait3A_1158 = arith.constant 40 : i32
        %dma_wait3A_1159 = arith.constant 0 : i32
        %dma_wait3A_1160 = tpu.memref_slice %arg8[%dma_wait3A_1158, %dma_wait3A_1159] : memref<64x128xf32, #tpu.memory_space<vmem>> -> memref<8x128xf32, #tpu.memory_space<vmem>>
        %dma_wait3A_1161 = arith.constant 0 : i32
        %dma_wait3A_1162 = arith.constant 0 : i32
        %dma_wait3A_1163 = tpu.memref_slice %arg4[%dma_wait3A_1157, %add3A, %dma_wait3A_1161, %dma_wait3A_1162] : memref<400x32x8x128xf32, #tpu.memory_space<hbm>> -> memref<1x1x8x128xf32, #tpu.memory_space<hbm>>
        %dma_wait3A_1164 = tpu.memref_squeeze %dma_wait3A_1163 : memref<1x1x8x128xf32, #tpu.memory_space<hbm>> -> memref<8x128xf32, #tpu.memory_space<hbm>>
        %dma_wait3A_1165 = arith.constant 0 : i32
        %dma_wait3A_1166 = arith.constant 0 : i32
        %dma_wait3A_1167 = tpu.memref_slice %arg4[%dma_wait3A_1157, %add3A, %dma_wait3A_1165, %dma_wait3A_1166] : memref<400x32x8x128xf32, #tpu.memory_space<hbm>> -> memref<1x1x8x128xf32, #tpu.memory_space<hbm>>
        %dma_wait3A_1168 = tpu.memref_squeeze %dma_wait3A_1167 : memref<1x1x8x128xf32, #tpu.memory_space<hbm>> -> memref<8x128xf32, #tpu.memory_space<hbm>>
        %dma_wait3A_1169 = arith.constant 40 : i32
        %dma_wait3A_1170 = arith.constant 0 : i32
        %dma_wait3A_1171 = tpu.memref_slice %arg8[%dma_wait3A_1169, %dma_wait3A_1170] : memref<64x128xf32, #tpu.memory_space<vmem>> -> memref<8x128xf32, #tpu.memory_space<vmem>>
        tpu.wait_dma2 semaphore(%arg12 : memref<!tpu.dma_semaphore, #tpu.memory_space<semaphore_mem>>) src(%dma_wait3A_1171 : memref<8x128xf32, #tpu.memory_space<vmem>>) dst(%dma_wait3A_1168 : memref<8x128xf32, #tpu.memory_space<hbm>>)
        %dma_wait3A_1172 = arith.constant 6 : i32
        %dma_wait3A_1173 = arith.constant 48 : i32
        %dma_wait3A_1174 = arith.constant 0 : i32
        %dma_wait3A_1175 = tpu.memref_slice %arg8[%dma_wait3A_1173, %dma_wait3A_1174] : memref<64x128xf32, #tpu.memory_space<vmem>> -> memref<8x128xf32, #tpu.memory_space<vmem>>
        %dma_wait3A_1176 = arith.constant 0 : i32
        %dma_wait3A_1177 = arith.constant 0 : i32
        %dma_wait3A_1178 = tpu.memref_slice %arg4[%dma_wait3A_1172, %add3A, %dma_wait3A_1176, %dma_wait3A_1177] : memref<400x32x8x128xf32, #tpu.memory_space<hbm>> -> memref<1x1x8x128xf32, #tpu.memory_space<hbm>>
        %dma_wait3A_1179 = tpu.memref_squeeze %dma_wait3A_1178 : memref<1x1x8x128xf32, #tpu.memory_space<hbm>> -> memref<8x128xf32, #tpu.memory_space<hbm>>
        %dma_wait3A_1180 = arith.constant 0 : i32
        %dma_wait3A_1181 = arith.constant 0 : i32
        %dma_wait3A_1182 = tpu.memref_slice %arg4[%dma_wait3A_1172, %add3A, %dma_wait3A_1180, %dma_wait3A_1181] : memref<400x32x8x128xf32, #tpu.memory_space<hbm>> -> memref<1x1x8x128xf32, #tpu.memory_space<hbm>>
        %dma_wait3A_1183 = tpu.memref_squeeze %dma_wait3A_1182 : memref<1x1x8x128xf32, #tpu.memory_space<hbm>> -> memref<8x128xf32, #tpu.memory_space<hbm>>
        %dma_wait3A_1184 = arith.constant 48 : i32
        %dma_wait3A_1185 = arith.constant 0 : i32
        %dma_wait3A_1186 = tpu.memref_slice %arg8[%dma_wait3A_1184, %dma_wait3A_1185] : memref<64x128xf32, #tpu.memory_space<vmem>> -> memref<8x128xf32, #tpu.memory_space<vmem>>
        tpu.wait_dma2 semaphore(%arg12 : memref<!tpu.dma_semaphore, #tpu.memory_space<semaphore_mem>>) src(%dma_wait3A_1186 : memref<8x128xf32, #tpu.memory_space<vmem>>) dst(%dma_wait3A_1183 : memref<8x128xf32, #tpu.memory_space<hbm>>)
        %dma_wait3A_1187 = arith.constant 7 : i32
        %dma_wait3A_1188 = arith.constant 56 : i32
        %dma_wait3A_1189 = arith.constant 0 : i32
        %dma_wait3A_1190 = tpu.memref_slice %arg8[%dma_wait3A_1188, %dma_wait3A_1189] : memref<64x128xf32, #tpu.memory_space<vmem>> -> memref<8x128xf32, #tpu.memory_space<vmem>>
        %dma_wait3A_1191 = arith.constant 0 : i32
        %dma_wait3A_1192 = arith.constant 0 : i32
        %dma_wait3A_1193 = tpu.memref_slice %arg4[%dma_wait3A_1187, %add3A, %dma_wait3A_1191, %dma_wait3A_1192] : memref<400x32x8x128xf32, #tpu.memory_space<hbm>> -> memref<1x1x8x128xf32, #tpu.memory_space<hbm>>
        %dma_wait3A_1194 = tpu.memref_squeeze %dma_wait3A_1193 : memref<1x1x8x128xf32, #tpu.memory_space<hbm>> -> memref<8x128xf32, #tpu.memory_space<hbm>>
        %dma_wait3A_1195 = arith.constant 0 : i32
        %dma_wait3A_1196 = arith.constant 0 : i32
        %dma_wait3A_1197 = tpu.memref_slice %arg4[%dma_wait3A_1187, %add3A, %dma_wait3A_1195, %dma_wait3A_1196] : memref<400x32x8x128xf32, #tpu.memory_space<hbm>> -> memref<1x1x8x128xf32, #tpu.memory_space<hbm>>
        %dma_wait3A_1198 = tpu.memref_squeeze %dma_wait3A_1197 : memref<1x1x8x128xf32, #tpu.memory_space<hbm>> -> memref<8x128xf32, #tpu.memory_space<hbm>>
        %dma_wait3A_1199 = arith.constant 56 : i32
        %dma_wait3A_1200 = arith.constant 0 : i32
        %dma_wait3A_1201 = tpu.memref_slice %arg8[%dma_wait3A_1199, %dma_wait3A_1200] : memref<64x128xf32, #tpu.memory_space<vmem>> -> memref<8x128xf32, #tpu.memory_space<vmem>>
        tpu.wait_dma2 semaphore(%arg12 : memref<!tpu.dma_semaphore, #tpu.memory_space<semaphore_mem>>) src(%dma_wait3A_1201 : memref<8x128xf32, #tpu.memory_space<vmem>>) dst(%dma_wait3A_1198 : memref<8x128xf32, #tpu.memory_space<hbm>>)
      } else {
      }
      %add3A_365 = arith.constant 0 : i32
      %add3A_366 = vector.broadcast %add3A_365 : i32 to vector<16xi32>
      %add3A_367 = arith.addi %and3A_7, %add3A_366 : vector<16xi32>
      %add3A_368 = arith.constant 0 : i32
      %add3A_369 = vector.broadcast %add3A_368 : i32 to vector<16xi32>
      %add3A_370 = arith.addi %and3A_13, %add3A_369 : vector<16xi32>
      %add3A_371 = arith.constant 0 : i32
      %add3A_372 = vector.broadcast %add3A_371 : i32 to vector<16xi32>
      %add3A_373 = arith.addi %and3A_19, %add3A_372 : vector<16xi32>
      %add3A_374 = arith.constant 0 : i32
      %add3A_375 = vector.broadcast %add3A_374 : i32 to vector<16xi32>
      %add3A_376 = arith.addi %and3A_25, %add3A_375 : vector<16xi32>
      %add3A_377 = arith.constant 0 : i32
      %add3A_378 = vector.broadcast %add3A_377 : i32 to vector<16xi32>
      %add3A_379 = arith.addi %and3A_31, %add3A_378 : vector<16xi32>
      %add3A_380 = arith.constant 0 : i32
      %add3A_381 = vector.broadcast %add3A_380 : i32 to vector<16xi32>
      %add3A_382 = arith.addi %and3A_37, %add3A_381 : vector<16xi32>
      %add3A_383 = arith.constant 0 : i32
      %add3A_384 = vector.broadcast %add3A_383 : i32 to vector<16xi32>
      %add3A_385 = arith.addi %and3A_43, %add3A_384 : vector<16xi32>
      %add3A_386 = arith.constant 0 : i32
      %add3A_387 = vector.broadcast %add3A_386 : i32 to vector<16xi32>
      %add3A_388 = arith.addi %and3A_49, %add3A_387 : vector<16xi32>
      %add3A_389 = arith.constant 0 : i32
      %add3A_390 = vector.broadcast %add3A_389 : i32 to vector<16xi32>
      %add3A_391 = arith.addi %and3A_55, %add3A_390 : vector<16xi32>
      %add3A_392 = arith.constant 0 : i32
      %add3A_393 = vector.broadcast %add3A_392 : i32 to vector<16xi32>
      %add3A_394 = arith.addi %and3A_61, %add3A_393 : vector<16xi32>
      %add3A_395 = arith.constant 0 : i32
      %add3A_396 = vector.broadcast %add3A_395 : i32 to vector<16xi32>
      %add3A_397 = arith.addi %and3A_67, %add3A_396 : vector<16xi32>
      %add3A_398 = arith.constant 0 : i32
      %add3A_399 = vector.broadcast %add3A_398 : i32 to vector<16xi32>
      %add3A_400 = arith.addi %and3A_73, %add3A_399 : vector<16xi32>
      %add3A_401 = arith.constant 0 : i32
      %add3A_402 = vector.broadcast %add3A_401 : i32 to vector<16xi32>
      %add3A_403 = arith.addi %and3A_79, %add3A_402 : vector<16xi32>
      %add3A_404 = arith.constant 0 : i32
      %add3A_405 = vector.broadcast %add3A_404 : i32 to vector<16xi32>
      %add3A_406 = arith.addi %and3A_85, %add3A_405 : vector<16xi32>
      %add3A_407 = arith.constant 0 : i32
      %add3A_408 = vector.broadcast %add3A_407 : i32 to vector<16xi32>
      %add3A_409 = arith.addi %and3A_91, %add3A_408 : vector<16xi32>
      %add3A_410 = arith.constant 0 : i32
      %add3A_411 = vector.broadcast %add3A_410 : i32 to vector<16xi32>
      %add3A_412 = arith.addi %and3A_97, %add3A_411 : vector<16xi32>
      %parallel_loop3A = arith.constant 0 : i32
      %parallel_loop3A_413 = arith.constant 8 : i32
      %parallel_loop3A_414 = arith.constant 1 : i32
      scf.for %parallel_loop3A_1082 = %parallel_loop3A to %parallel_loop3A_413 step %parallel_loop3A_414  : i32 {
        %parallel_loop3A_1083 = arith.constant 16 : i32
        %parallel_loop3A_1084 = arith.muli %parallel_loop3A_1082, %parallel_loop3A_1083 : i32
        %parallel_loop3A_1085 = vector.broadcast %parallel_loop3A_1084 : i32 to vector<16xi32>
        %parallel_loop3A_1086 = arith.addi %iota3A, %parallel_loop3A_1085 : vector<16xi32>
        %parallel_loop3A_1087 = tpu.vector_load_idx %arg6[%parallel_loop3A_1086, %add3A_367] : memref<128x64xf32, #tpu.memory_space<vmem>>[vector<16xi32>, vector<16xi32>], vector<16xf32>,
        %parallel_loop3A_1088 = tpu.vector_load_idx %arg6[%parallel_loop3A_1086, %add3A_370] : memref<128x64xf32, #tpu.memory_space<vmem>>[vector<16xi32>, vector<16xi32>], vector<16xf32>,
        %parallel_loop3A_1089 = tpu.vector_load_idx %arg6[%parallel_loop3A_1086, %add3A_373] : memref<128x64xf32, #tpu.memory_space<vmem>>[vector<16xi32>, vector<16xi32>], vector<16xf32>,
        %parallel_loop3A_1090 = tpu.vector_load_idx %arg6[%parallel_loop3A_1086, %add3A_376] : memref<128x64xf32, #tpu.memory_space<vmem>>[vector<16xi32>, vector<16xi32>], vector<16xf32>,
        %parallel_loop3A_1091 = tpu.vector_load_idx %arg6[%parallel_loop3A_1086, %add3A_379] : memref<128x64xf32, #tpu.memory_space<vmem>>[vector<16xi32>, vector<16xi32>], vector<16xf32>,
        tpu.vector_store_idx %arg8[%add3A_367, %parallel_loop3A_1086], %parallel_loop3A_1087 : memref<64x128xf32, #tpu.memory_space<vmem>>[vector<16xi32>, vector<16xi32>], vector<16xf32>,
        %parallel_loop3A_1092 = tpu.vector_load_idx %arg6[%parallel_loop3A_1086, %add3A_382] : memref<128x64xf32, #tpu.memory_space<vmem>>[vector<16xi32>, vector<16xi32>], vector<16xf32>,
        tpu.vector_store_idx %arg8[%add3A_370, %parallel_loop3A_1086], %parallel_loop3A_1088 : memref<64x128xf32, #tpu.memory_space<vmem>>[vector<16xi32>, vector<16xi32>], vector<16xf32>,
        %parallel_loop3A_1093 = tpu.vector_load_idx %arg6[%parallel_loop3A_1086, %add3A_385] : memref<128x64xf32, #tpu.memory_space<vmem>>[vector<16xi32>, vector<16xi32>], vector<16xf32>,
        tpu.vector_store_idx %arg8[%add3A_373, %parallel_loop3A_1086], %parallel_loop3A_1089 : memref<64x128xf32, #tpu.memory_space<vmem>>[vector<16xi32>, vector<16xi32>], vector<16xf32>,
        %parallel_loop3A_1094 = tpu.vector_load_idx %arg6[%parallel_loop3A_1086, %add3A_388] : memref<128x64xf32, #tpu.memory_space<vmem>>[vector<16xi32>, vector<16xi32>], vector<16xf32>,
        tpu.vector_store_idx %arg8[%add3A_376, %parallel_loop3A_1086], %parallel_loop3A_1090 : memref<64x128xf32, #tpu.memory_space<vmem>>[vector<16xi32>, vector<16xi32>], vector<16xf32>,
        %parallel_loop3A_1095 = tpu.vector_load_idx %arg6[%parallel_loop3A_1086, %add3A_391] : memref<128x64xf32, #tpu.memory_space<vmem>>[vector<16xi32>, vector<16xi32>], vector<16xf32>,
        tpu.vector_store_idx %arg8[%add3A_379, %parallel_loop3A_1086], %parallel_loop3A_1091 : memref<64x128xf32, #tpu.memory_space<vmem>>[vector<16xi32>, vector<16xi32>], vector<16xf32>,
        %parallel_loop3A_1096 = tpu.vector_load_idx %arg6[%parallel_loop3A_1086, %add3A_394] : memref<128x64xf32, #tpu.memory_space<vmem>>[vector<16xi32>, vector<16xi32>], vector<16xf32>,
        tpu.vector_store_idx %arg8[%add3A_382, %parallel_loop3A_1086], %parallel_loop3A_1092 : memref<64x128xf32, #tpu.memory_space<vmem>>[vector<16xi32>, vector<16xi32>], vector<16xf32>,
        %parallel_loop3A_1097 = tpu.vector_load_idx %arg6[%parallel_loop3A_1086, %add3A_397] : memref<128x64xf32, #tpu.memory_space<vmem>>[vector<16xi32>, vector<16xi32>], vector<16xf32>,
        tpu.vector_store_idx %arg8[%add3A_385, %parallel_loop3A_1086], %parallel_loop3A_1093 : memref<64x128xf32, #tpu.memory_space<vmem>>[vector<16xi32>, vector<16xi32>], vector<16xf32>,
        %parallel_loop3A_1098 = tpu.vector_load_idx %arg6[%parallel_loop3A_1086, %add3A_400] : memref<128x64xf32, #tpu.memory_space<vmem>>[vector<16xi32>, vector<16xi32>], vector<16xf32>,
        tpu.vector_store_idx %arg8[%add3A_388, %parallel_loop3A_1086], %parallel_loop3A_1094 : memref<64x128xf32, #tpu.memory_space<vmem>>[vector<16xi32>, vector<16xi32>], vector<16xf32>,
        %parallel_loop3A_1099 = tpu.vector_load_idx %arg6[%parallel_loop3A_1086, %add3A_403] : memref<128x64xf32, #tpu.memory_space<vmem>>[vector<16xi32>, vector<16xi32>], vector<16xf32>,
        tpu.vector_store_idx %arg8[%add3A_391, %parallel_loop3A_1086], %parallel_loop3A_1095 : memref<64x128xf32, #tpu.memory_space<vmem>>[vector<16xi32>, vector<16xi32>], vector<16xf32>,
        %parallel_loop3A_1100 = tpu.vector_load_idx %arg6[%parallel_loop3A_1086, %add3A_406] : memref<128x64xf32, #tpu.memory_space<vmem>>[vector<16xi32>, vector<16xi32>], vector<16xf32>,
        tpu.vector_store_idx %arg8[%add3A_394, %parallel_loop3A_1086], %parallel_loop3A_1096 : memref<64x128xf32, #tpu.memory_space<vmem>>[vector<16xi32>, vector<16xi32>], vector<16xf32>,
        %parallel_loop3A_1101 = tpu.vector_load_idx %arg6[%parallel_loop3A_1086, %add3A_409] : memref<128x64xf32, #tpu.memory_space<vmem>>[vector<16xi32>, vector<16xi32>], vector<16xf32>,
        tpu.vector_store_idx %arg8[%add3A_397, %parallel_loop3A_1086], %parallel_loop3A_1097 : memref<64x128xf32, #tpu.memory_space<vmem>>[vector<16xi32>, vector<16xi32>], vector<16xf32>,
        %parallel_loop3A_1102 = tpu.vector_load_idx %arg6[%parallel_loop3A_1086, %add3A_412] : memref<128x64xf32, #tpu.memory_space<vmem>>[vector<16xi32>, vector<16xi32>], vector<16xf32>,
        tpu.vector_store_idx %arg8[%add3A_400, %parallel_loop3A_1086], %parallel_loop3A_1098 : memref<64x128xf32, #tpu.memory_space<vmem>>[vector<16xi32>, vector<16xi32>], vector<16xf32>,
        tpu.vector_store_idx %arg8[%add3A_403, %parallel_loop3A_1086], %parallel_loop3A_1099 : memref<64x128xf32, #tpu.memory_space<vmem>>[vector<16xi32>, vector<16xi32>], vector<16xf32>,
        tpu.vector_store_idx %arg8[%add3A_406, %parallel_loop3A_1086], %parallel_loop3A_1100 : memref<64x128xf32, #tpu.memory_space<vmem>>[vector<16xi32>, vector<16xi32>], vector<16xf32>,
        tpu.vector_store_idx %arg8[%add3A_409, %parallel_loop3A_1086], %parallel_loop3A_1101 : memref<64x128xf32, #tpu.memory_space<vmem>>[vector<16xi32>, vector<16xi32>], vector<16xf32>,
        tpu.vector_store_idx %arg8[%add3A_412, %parallel_loop3A_1086], %parallel_loop3A_1102 : memref<64x128xf32, #tpu.memory_space<vmem>>[vector<16xi32>, vector<16xi32>], vector<16xf32>,
      } {sc.loop_unroll_factor = 2 : i64, sc.parallel_access}
      %add3A_415 = arith.constant 16 : i32
      %add3A_416 = vector.broadcast %add3A_415 : i32 to vector<16xi32>
      %add3A_417 = arith.addi %and3A_7, %add3A_416 : vector<16xi32>
      %add3A_418 = arith.constant 16 : i32
      %add3A_419 = vector.broadcast %add3A_418 : i32 to vector<16xi32>
      %add3A_420 = arith.addi %and3A_13, %add3A_419 : vector<16xi32>
      %add3A_421 = arith.constant 16 : i32
      %add3A_422 = vector.broadcast %add3A_421 : i32 to vector<16xi32>
      %add3A_423 = arith.addi %and3A_19, %add3A_422 : vector<16xi32>
      %add3A_424 = arith.constant 16 : i32
      %add3A_425 = vector.broadcast %add3A_424 : i32 to vector<16xi32>
      %add3A_426 = arith.addi %and3A_25, %add3A_425 : vector<16xi32>
      %add3A_427 = arith.constant 16 : i32
      %add3A_428 = vector.broadcast %add3A_427 : i32 to vector<16xi32>
      %add3A_429 = arith.addi %and3A_31, %add3A_428 : vector<16xi32>
      %add3A_430 = arith.constant 16 : i32
      %add3A_431 = vector.broadcast %add3A_430 : i32 to vector<16xi32>
      %add3A_432 = arith.addi %and3A_37, %add3A_431 : vector<16xi32>
      %add3A_433 = arith.constant 16 : i32
      %add3A_434 = vector.broadcast %add3A_433 : i32 to vector<16xi32>
      %add3A_435 = arith.addi %and3A_43, %add3A_434 : vector<16xi32>
      %add3A_436 = arith.constant 16 : i32
      %add3A_437 = vector.broadcast %add3A_436 : i32 to vector<16xi32>
      %add3A_438 = arith.addi %and3A_49, %add3A_437 : vector<16xi32>
      %add3A_439 = arith.constant 16 : i32
      %add3A_440 = vector.broadcast %add3A_439 : i32 to vector<16xi32>
      %add3A_441 = arith.addi %and3A_55, %add3A_440 : vector<16xi32>
      %add3A_442 = arith.constant 16 : i32
      %add3A_443 = vector.broadcast %add3A_442 : i32 to vector<16xi32>
      %add3A_444 = arith.addi %and3A_61, %add3A_443 : vector<16xi32>
      %add3A_445 = arith.constant 16 : i32
      %add3A_446 = vector.broadcast %add3A_445 : i32 to vector<16xi32>
      %add3A_447 = arith.addi %and3A_67, %add3A_446 : vector<16xi32>
      %add3A_448 = arith.constant 16 : i32
      %add3A_449 = vector.broadcast %add3A_448 : i32 to vector<16xi32>
      %add3A_450 = arith.addi %and3A_73, %add3A_449 : vector<16xi32>
      %add3A_451 = arith.constant 16 : i32
      %add3A_452 = vector.broadcast %add3A_451 : i32 to vector<16xi32>
      %add3A_453 = arith.addi %and3A_79, %add3A_452 : vector<16xi32>
      %add3A_454 = arith.constant 16 : i32
      %add3A_455 = vector.broadcast %add3A_454 : i32 to vector<16xi32>
      %add3A_456 = arith.addi %and3A_85, %add3A_455 : vector<16xi32>
      %add3A_457 = arith.constant 16 : i32
      %add3A_458 = vector.broadcast %add3A_457 : i32 to vector<16xi32>
      %add3A_459 = arith.addi %and3A_91, %add3A_458 : vector<16xi32>
      %add3A_460 = arith.constant 16 : i32
      %add3A_461 = vector.broadcast %add3A_460 : i32 to vector<16xi32>
      %add3A_462 = arith.addi %and3A_97, %add3A_461 : vector<16xi32>
      %parallel_loop3A_463 = arith.constant 0 : i32
      %parallel_loop3A_464 = arith.constant 8 : i32
      %parallel_loop3A_465 = arith.constant 1 : i32
      scf.for %parallel_loop3A_1082 = %parallel_loop3A_463 to %parallel_loop3A_464 step %parallel_loop3A_465  : i32 {
        %parallel_loop3A_1083 = arith.constant 16 : i32
        %parallel_loop3A_1084 = arith.muli %parallel_loop3A_1082, %parallel_loop3A_1083 : i32
        %parallel_loop3A_1085 = vector.broadcast %parallel_loop3A_1084 : i32 to vector<16xi32>
        %parallel_loop3A_1086 = arith.addi %iota3A, %parallel_loop3A_1085 : vector<16xi32>
        %parallel_loop3A_1087 = tpu.vector_load_idx %arg6[%parallel_loop3A_1086, %add3A_417] : memref<128x64xf32, #tpu.memory_space<vmem>>[vector<16xi32>, vector<16xi32>], vector<16xf32>,
        %parallel_loop3A_1088 = tpu.vector_load_idx %arg6[%parallel_loop3A_1086, %add3A_420] : memref<128x64xf32, #tpu.memory_space<vmem>>[vector<16xi32>, vector<16xi32>], vector<16xf32>,
        %parallel_loop3A_1089 = tpu.vector_load_idx %arg6[%parallel_loop3A_1086, %add3A_423] : memref<128x64xf32, #tpu.memory_space<vmem>>[vector<16xi32>, vector<16xi32>], vector<16xf32>,
        %parallel_loop3A_1090 = tpu.vector_load_idx %arg6[%parallel_loop3A_1086, %add3A_426] : memref<128x64xf32, #tpu.memory_space<vmem>>[vector<16xi32>, vector<16xi32>], vector<16xf32>,
        %parallel_loop3A_1091 = tpu.vector_load_idx %arg6[%parallel_loop3A_1086, %add3A_429] : memref<128x64xf32, #tpu.memory_space<vmem>>[vector<16xi32>, vector<16xi32>], vector<16xf32>,
        tpu.vector_store_idx %arg8[%add3A_417, %parallel_loop3A_1086], %parallel_loop3A_1087 : memref<64x128xf32, #tpu.memory_space<vmem>>[vector<16xi32>, vector<16xi32>], vector<16xf32>,
        %parallel_loop3A_1092 = tpu.vector_load_idx %arg6[%parallel_loop3A_1086, %add3A_432] : memref<128x64xf32, #tpu.memory_space<vmem>>[vector<16xi32>, vector<16xi32>], vector<16xf32>,
        tpu.vector_store_idx %arg8[%add3A_420, %parallel_loop3A_1086], %parallel_loop3A_1088 : memref<64x128xf32, #tpu.memory_space<vmem>>[vector<16xi32>, vector<16xi32>], vector<16xf32>,
        %parallel_loop3A_1093 = tpu.vector_load_idx %arg6[%parallel_loop3A_1086, %add3A_435] : memref<128x64xf32, #tpu.memory_space<vmem>>[vector<16xi32>, vector<16xi32>], vector<16xf32>,
        tpu.vector_store_idx %arg8[%add3A_423, %parallel_loop3A_1086], %parallel_loop3A_1089 : memref<64x128xf32, #tpu.memory_space<vmem>>[vector<16xi32>, vector<16xi32>], vector<16xf32>,
        %parallel_loop3A_1094 = tpu.vector_load_idx %arg6[%parallel_loop3A_1086, %add3A_438] : memref<128x64xf32, #tpu.memory_space<vmem>>[vector<16xi32>, vector<16xi32>], vector<16xf32>,
        tpu.vector_store_idx %arg8[%add3A_426, %parallel_loop3A_1086], %parallel_loop3A_1090 : memref<64x128xf32, #tpu.memory_space<vmem>>[vector<16xi32>, vector<16xi32>], vector<16xf32>,
        %parallel_loop3A_1095 = tpu.vector_load_idx %arg6[%parallel_loop3A_1086, %add3A_441] : memref<128x64xf32, #tpu.memory_space<vmem>>[vector<16xi32>, vector<16xi32>], vector<16xf32>,
        tpu.vector_store_idx %arg8[%add3A_429, %parallel_loop3A_1086], %parallel_loop3A_1091 : memref<64x128xf32, #tpu.memory_space<vmem>>[vector<16xi32>, vector<16xi32>], vector<16xf32>,
        %parallel_loop3A_1096 = tpu.vector_load_idx %arg6[%parallel_loop3A_1086, %add3A_444] : memref<128x64xf32, #tpu.memory_space<vmem>>[vector<16xi32>, vector<16xi32>], vector<16xf32>,
        tpu.vector_store_idx %arg8[%add3A_432, %parallel_loop3A_1086], %parallel_loop3A_1092 : memref<64x128xf32, #tpu.memory_space<vmem>>[vector<16xi32>, vector<16xi32>], vector<16xf32>,
        %parallel_loop3A_1097 = tpu.vector_load_idx %arg6[%parallel_loop3A_1086, %add3A_447] : memref<128x64xf32, #tpu.memory_space<vmem>>[vector<16xi32>, vector<16xi32>], vector<16xf32>,
        tpu.vector_store_idx %arg8[%add3A_435, %parallel_loop3A_1086], %parallel_loop3A_1093 : memref<64x128xf32, #tpu.memory_space<vmem>>[vector<16xi32>, vector<16xi32>], vector<16xf32>,
        %parallel_loop3A_1098 = tpu.vector_load_idx %arg6[%parallel_loop3A_1086, %add3A_450] : memref<128x64xf32, #tpu.memory_space<vmem>>[vector<16xi32>, vector<16xi32>], vector<16xf32>,
        tpu.vector_store_idx %arg8[%add3A_438, %parallel_loop3A_1086], %parallel_loop3A_1094 : memref<64x128xf32, #tpu.memory_space<vmem>>[vector<16xi32>, vector<16xi32>], vector<16xf32>,
        %parallel_loop3A_1099 = tpu.vector_load_idx %arg6[%parallel_loop3A_1086, %add3A_453] : memref<128x64xf32, #tpu.memory_space<vmem>>[vector<16xi32>, vector<16xi32>], vector<16xf32>,
        tpu.vector_store_idx %arg8[%add3A_441, %parallel_loop3A_1086], %parallel_loop3A_1095 : memref<64x128xf32, #tpu.memory_space<vmem>>[vector<16xi32>, vector<16xi32>], vector<16xf32>,
        %parallel_loop3A_1100 = tpu.vector_load_idx %arg6[%parallel_loop3A_1086, %add3A_456] : memref<128x64xf32, #tpu.memory_space<vmem>>[vector<16xi32>, vector<16xi32>], vector<16xf32>,
        tpu.vector_store_idx %arg8[%add3A_444, %parallel_loop3A_1086], %parallel_loop3A_1096 : memref<64x128xf32, #tpu.memory_space<vmem>>[vector<16xi32>, vector<16xi32>], vector<16xf32>,
        %parallel_loop3A_1101 = tpu.vector_load_idx %arg6[%parallel_loop3A_1086, %add3A_459] : memref<128x64xf32, #tpu.memory_space<vmem>>[vector<16xi32>, vector<16xi32>], vector<16xf32>,
        tpu.vector_store_idx %arg8[%add3A_447, %parallel_loop3A_1086], %parallel_loop3A_1097 : memref<64x128xf32, #tpu.memory_space<vmem>>[vector<16xi32>, vector<16xi32>], vector<16xf32>,
        %parallel_loop3A_1102 = tpu.vector_load_idx %arg6[%parallel_loop3A_1086, %add3A_462] : memref<128x64xf32, #tpu.memory_space<vmem>>[vector<16xi32>, vector<16xi32>], vector<16xf32>,
        tpu.vector_store_idx %arg8[%add3A_450, %parallel_loop3A_1086], %parallel_loop3A_1098 : memref<64x128xf32, #tpu.memory_space<vmem>>[vector<16xi32>, vector<16xi32>], vector<16xf32>,
        tpu.vector_store_idx %arg8[%add3A_453, %parallel_loop3A_1086], %parallel_loop3A_1099 : memref<64x128xf32, #tpu.memory_space<vmem>>[vector<16xi32>, vector<16xi32>], vector<16xf32>,
        tpu.vector_store_idx %arg8[%add3A_456, %parallel_loop3A_1086], %parallel_loop3A_1100 : memref<64x128xf32, #tpu.memory_space<vmem>>[vector<16xi32>, vector<16xi32>], vector<16xf32>,
        tpu.vector_store_idx %arg8[%add3A_459, %parallel_loop3A_1086], %parallel_loop3A_1101 : memref<64x128xf32, #tpu.memory_space<vmem>>[vector<16xi32>, vector<16xi32>], vector<16xf32>,
        tpu.vector_store_idx %arg8[%add3A_462, %parallel_loop3A_1086], %parallel_loop3A_1102 : memref<64x128xf32, #tpu.memory_space<vmem>>[vector<16xi32>, vector<16xi32>], vector<16xf32>,
      } {sc.loop_unroll_factor = 2 : i64, sc.parallel_access}
      %add3A_466 = arith.constant 32 : i32
      %add3A_467 = vector.broadcast %add3A_466 : i32 to vector<16xi32>
      %add3A_468 = arith.addi %and3A_7, %add3A_467 : vector<16xi32>
      %add3A_469 = arith.constant 32 : i32
      %add3A_470 = vector.broadcast %add3A_469 : i32 to vector<16xi32>
      %add3A_471 = arith.addi %and3A_13, %add3A_470 : vector<16xi32>
      %add3A_472 = arith.constant 32 : i32
      %add3A_473 = vector.broadcast %add3A_472 : i32 to vector<16xi32>
      %add3A_474 = arith.addi %and3A_19, %add3A_473 : vector<16xi32>
      %add3A_475 = arith.constant 32 : i32
      %add3A_476 = vector.broadcast %add3A_475 : i32 to vector<16xi32>
      %add3A_477 = arith.addi %and3A_25, %add3A_476 : vector<16xi32>
      %add3A_478 = arith.constant 32 : i32
      %add3A_479 = vector.broadcast %add3A_478 : i32 to vector<16xi32>
      %add3A_480 = arith.addi %and3A_31, %add3A_479 : vector<16xi32>
      %add3A_481 = arith.constant 32 : i32
      %add3A_482 = vector.broadcast %add3A_481 : i32 to vector<16xi32>
      %add3A_483 = arith.addi %and3A_37, %add3A_482 : vector<16xi32>
      %add3A_484 = arith.constant 32 : i32
      %add3A_485 = vector.broadcast %add3A_484 : i32 to vector<16xi32>
      %add3A_486 = arith.addi %and3A_43, %add3A_485 : vector<16xi32>
      %add3A_487 = arith.constant 32 : i32
      %add3A_488 = vector.broadcast %add3A_487 : i32 to vector<16xi32>
      %add3A_489 = arith.addi %and3A_49, %add3A_488 : vector<16xi32>
      %add3A_490 = arith.constant 32 : i32
      %add3A_491 = vector.broadcast %add3A_490 : i32 to vector<16xi32>
      %add3A_492 = arith.addi %and3A_55, %add3A_491 : vector<16xi32>
      %add3A_493 = arith.constant 32 : i32
      %add3A_494 = vector.broadcast %add3A_493 : i32 to vector<16xi32>
      %add3A_495 = arith.addi %and3A_61, %add3A_494 : vector<16xi32>
      %add3A_496 = arith.constant 32 : i32
      %add3A_497 = vector.broadcast %add3A_496 : i32 to vector<16xi32>
      %add3A_498 = arith.addi %and3A_67, %add3A_497 : vector<16xi32>
      %add3A_499 = arith.constant 32 : i32
      %add3A_500 = vector.broadcast %add3A_499 : i32 to vector<16xi32>
      %add3A_501 = arith.addi %and3A_73, %add3A_500 : vector<16xi32>
      %add3A_502 = arith.constant 32 : i32
      %add3A_503 = vector.broadcast %add3A_502 : i32 to vector<16xi32>
      %add3A_504 = arith.addi %and3A_79, %add3A_503 : vector<16xi32>
      %add3A_505 = arith.constant 32 : i32
      %add3A_506 = vector.broadcast %add3A_505 : i32 to vector<16xi32>
      %add3A_507 = arith.addi %and3A_85, %add3A_506 : vector<16xi32>
      %add3A_508 = arith.constant 32 : i32
      %add3A_509 = vector.broadcast %add3A_508 : i32 to vector<16xi32>
      %add3A_510 = arith.addi %and3A_91, %add3A_509 : vector<16xi32>
      %add3A_511 = arith.constant 32 : i32
      %add3A_512 = vector.broadcast %add3A_511 : i32 to vector<16xi32>
      %add3A_513 = arith.addi %and3A_97, %add3A_512 : vector<16xi32>
      %parallel_loop3A_514 = arith.constant 0 : i32
      %parallel_loop3A_515 = arith.constant 8 : i32
      %parallel_loop3A_516 = arith.constant 1 : i32
      scf.for %parallel_loop3A_1082 = %parallel_loop3A_514 to %parallel_loop3A_515 step %parallel_loop3A_516  : i32 {
        %parallel_loop3A_1083 = arith.constant 16 : i32
        %parallel_loop3A_1084 = arith.muli %parallel_loop3A_1082, %parallel_loop3A_1083 : i32
        %parallel_loop3A_1085 = vector.broadcast %parallel_loop3A_1084 : i32 to vector<16xi32>
        %parallel_loop3A_1086 = arith.addi %iota3A, %parallel_loop3A_1085 : vector<16xi32>
        %parallel_loop3A_1087 = tpu.vector_load_idx %arg6[%parallel_loop3A_1086, %add3A_468] : memref<128x64xf32, #tpu.memory_space<vmem>>[vector<16xi32>, vector<16xi32>], vector<16xf32>,
        %parallel_loop3A_1088 = tpu.vector_load_idx %arg6[%parallel_loop3A_1086, %add3A_471] : memref<128x64xf32, #tpu.memory_space<vmem>>[vector<16xi32>, vector<16xi32>], vector<16xf32>,
        %parallel_loop3A_1089 = tpu.vector_load_idx %arg6[%parallel_loop3A_1086, %add3A_474] : memref<128x64xf32, #tpu.memory_space<vmem>>[vector<16xi32>, vector<16xi32>], vector<16xf32>,
        %parallel_loop3A_1090 = tpu.vector_load_idx %arg6[%parallel_loop3A_1086, %add3A_477] : memref<128x64xf32, #tpu.memory_space<vmem>>[vector<16xi32>, vector<16xi32>], vector<16xf32>,
        %parallel_loop3A_1091 = tpu.vector_load_idx %arg6[%parallel_loop3A_1086, %add3A_480] : memref<128x64xf32, #tpu.memory_space<vmem>>[vector<16xi32>, vector<16xi32>], vector<16xf32>,
        tpu.vector_store_idx %arg8[%add3A_468, %parallel_loop3A_1086], %parallel_loop3A_1087 : memref<64x128xf32, #tpu.memory_space<vmem>>[vector<16xi32>, vector<16xi32>], vector<16xf32>,
        %parallel_loop3A_1092 = tpu.vector_load_idx %arg6[%parallel_loop3A_1086, %add3A_483] : memref<128x64xf32, #tpu.memory_space<vmem>>[vector<16xi32>, vector<16xi32>], vector<16xf32>,
        tpu.vector_store_idx %arg8[%add3A_471, %parallel_loop3A_1086], %parallel_loop3A_1088 : memref<64x128xf32, #tpu.memory_space<vmem>>[vector<16xi32>, vector<16xi32>], vector<16xf32>,
        %parallel_loop3A_1093 = tpu.vector_load_idx %arg6[%parallel_loop3A_1086, %add3A_486] : memref<128x64xf32, #tpu.memory_space<vmem>>[vector<16xi32>, vector<16xi32>], vector<16xf32>,
        tpu.vector_store_idx %arg8[%add3A_474, %parallel_loop3A_1086], %parallel_loop3A_1089 : memref<64x128xf32, #tpu.memory_space<vmem>>[vector<16xi32>, vector<16xi32>], vector<16xf32>,
        %parallel_loop3A_1094 = tpu.vector_load_idx %arg6[%parallel_loop3A_1086, %add3A_489] : memref<128x64xf32, #tpu.memory_space<vmem>>[vector<16xi32>, vector<16xi32>], vector<16xf32>,
        tpu.vector_store_idx %arg8[%add3A_477, %parallel_loop3A_1086], %parallel_loop3A_1090 : memref<64x128xf32, #tpu.memory_space<vmem>>[vector<16xi32>, vector<16xi32>], vector<16xf32>,
        %parallel_loop3A_1095 = tpu.vector_load_idx %arg6[%parallel_loop3A_1086, %add3A_492] : memref<128x64xf32, #tpu.memory_space<vmem>>[vector<16xi32>, vector<16xi32>], vector<16xf32>,
        tpu.vector_store_idx %arg8[%add3A_480, %parallel_loop3A_1086], %parallel_loop3A_1091 : memref<64x128xf32, #tpu.memory_space<vmem>>[vector<16xi32>, vector<16xi32>], vector<16xf32>,
        %parallel_loop3A_1096 = tpu.vector_load_idx %arg6[%parallel_loop3A_1086, %add3A_495] : memref<128x64xf32, #tpu.memory_space<vmem>>[vector<16xi32>, vector<16xi32>], vector<16xf32>,
        tpu.vector_store_idx %arg8[%add3A_483, %parallel_loop3A_1086], %parallel_loop3A_1092 : memref<64x128xf32, #tpu.memory_space<vmem>>[vector<16xi32>, vector<16xi32>], vector<16xf32>,
        %parallel_loop3A_1097 = tpu.vector_load_idx %arg6[%parallel_loop3A_1086, %add3A_498] : memref<128x64xf32, #tpu.memory_space<vmem>>[vector<16xi32>, vector<16xi32>], vector<16xf32>,
        tpu.vector_store_idx %arg8[%add3A_486, %parallel_loop3A_1086], %parallel_loop3A_1093 : memref<64x128xf32, #tpu.memory_space<vmem>>[vector<16xi32>, vector<16xi32>], vector<16xf32>,
        %parallel_loop3A_1098 = tpu.vector_load_idx %arg6[%parallel_loop3A_1086, %add3A_501] : memref<128x64xf32, #tpu.memory_space<vmem>>[vector<16xi32>, vector<16xi32>], vector<16xf32>,
        tpu.vector_store_idx %arg8[%add3A_489, %parallel_loop3A_1086], %parallel_loop3A_1094 : memref<64x128xf32, #tpu.memory_space<vmem>>[vector<16xi32>, vector<16xi32>], vector<16xf32>,
        %parallel_loop3A_1099 = tpu.vector_load_idx %arg6[%parallel_loop3A_1086, %add3A_504] : memref<128x64xf32, #tpu.memory_space<vmem>>[vector<16xi32>, vector<16xi32>], vector<16xf32>,
        tpu.vector_store_idx %arg8[%add3A_492, %parallel_loop3A_1086], %parallel_loop3A_1095 : memref<64x128xf32, #tpu.memory_space<vmem>>[vector<16xi32>, vector<16xi32>], vector<16xf32>,
        %parallel_loop3A_1100 = tpu.vector_load_idx %arg6[%parallel_loop3A_1086, %add3A_507] : memref<128x64xf32, #tpu.memory_space<vmem>>[vector<16xi32>, vector<16xi32>], vector<16xf32>,
        tpu.vector_store_idx %arg8[%add3A_495, %parallel_loop3A_1086], %parallel_loop3A_1096 : memref<64x128xf32, #tpu.memory_space<vmem>>[vector<16xi32>, vector<16xi32>], vector<16xf32>,
        %parallel_loop3A_1101 = tpu.vector_load_idx %arg6[%parallel_loop3A_1086, %add3A_510] : memref<128x64xf32, #tpu.memory_space<vmem>>[vector<16xi32>, vector<16xi32>], vector<16xf32>,
        tpu.vector_store_idx %arg8[%add3A_498, %parallel_loop3A_1086], %parallel_loop3A_1097 : memref<64x128xf32, #tpu.memory_space<vmem>>[vector<16xi32>, vector<16xi32>], vector<16xf32>,
        %parallel_loop3A_1102 = tpu.vector_load_idx %arg6[%parallel_loop3A_1086, %add3A_513] : memref<128x64xf32, #tpu.memory_space<vmem>>[vector<16xi32>, vector<16xi32>], vector<16xf32>,
        tpu.vector_store_idx %arg8[%add3A_501, %parallel_loop3A_1086], %parallel_loop3A_1098 : memref<64x128xf32, #tpu.memory_space<vmem>>[vector<16xi32>, vector<16xi32>], vector<16xf32>,
        tpu.vector_store_idx %arg8[%add3A_504, %parallel_loop3A_1086], %parallel_loop3A_1099 : memref<64x128xf32, #tpu.memory_space<vmem>>[vector<16xi32>, vector<16xi32>], vector<16xf32>,
        tpu.vector_store_idx %arg8[%add3A_507, %parallel_loop3A_1086], %parallel_loop3A_1100 : memref<64x128xf32, #tpu.memory_space<vmem>>[vector<16xi32>, vector<16xi32>], vector<16xf32>,
        tpu.vector_store_idx %arg8[%add3A_510, %parallel_loop3A_1086], %parallel_loop3A_1101 : memref<64x128xf32, #tpu.memory_space<vmem>>[vector<16xi32>, vector<16xi32>], vector<16xf32>,
        tpu.vector_store_idx %arg8[%add3A_513, %parallel_loop3A_1086], %parallel_loop3A_1102 : memref<64x128xf32, #tpu.memory_space<vmem>>[vector<16xi32>, vector<16xi32>], vector<16xf32>,
      } {sc.loop_unroll_factor = 2 : i64, sc.parallel_access}
      %add3A_517 = arith.constant 48 : i32
      %add3A_518 = vector.broadcast %add3A_517 : i32 to vector<16xi32>
      %add3A_519 = arith.addi %and3A_7, %add3A_518 : vector<16xi32>
      %add3A_520 = arith.constant 48 : i32
      %add3A_521 = vector.broadcast %add3A_520 : i32 to vector<16xi32>
      %add3A_522 = arith.addi %and3A_13, %add3A_521 : vector<16xi32>
      %add3A_523 = arith.constant 48 : i32
      %add3A_524 = vector.broadcast %add3A_523 : i32 to vector<16xi32>
      %add3A_525 = arith.addi %and3A_19, %add3A_524 : vector<16xi32>
      %add3A_526 = arith.constant 48 : i32
      %add3A_527 = vector.broadcast %add3A_526 : i32 to vector<16xi32>
      %add3A_528 = arith.addi %and3A_25, %add3A_527 : vector<16xi32>
      %add3A_529 = arith.constant 48 : i32
      %add3A_530 = vector.broadcast %add3A_529 : i32 to vector<16xi32>
      %add3A_531 = arith.addi %and3A_31, %add3A_530 : vector<16xi32>
      %add3A_532 = arith.constant 48 : i32
      %add3A_533 = vector.broadcast %add3A_532 : i32 to vector<16xi32>
      %add3A_534 = arith.addi %and3A_37, %add3A_533 : vector<16xi32>
      %add3A_535 = arith.constant 48 : i32
      %add3A_536 = vector.broadcast %add3A_535 : i32 to vector<16xi32>
      %add3A_537 = arith.addi %and3A_43, %add3A_536 : vector<16xi32>
      %add3A_538 = arith.constant 48 : i32
      %add3A_539 = vector.broadcast %add3A_538 : i32 to vector<16xi32>
      %add3A_540 = arith.addi %and3A_49, %add3A_539 : vector<16xi32>
      %add3A_541 = arith.constant 48 : i32
      %add3A_542 = vector.broadcast %add3A_541 : i32 to vector<16xi32>
      %add3A_543 = arith.addi %and3A_55, %add3A_542 : vector<16xi32>
      %add3A_544 = arith.constant 48 : i32
      %add3A_545 = vector.broadcast %add3A_544 : i32 to vector<16xi32>
      %add3A_546 = arith.addi %and3A_61, %add3A_545 : vector<16xi32>
      %add3A_547 = arith.constant 48 : i32
      %add3A_548 = vector.broadcast %add3A_547 : i32 to vector<16xi32>
      %add3A_549 = arith.addi %and3A_67, %add3A_548 : vector<16xi32>
      %add3A_550 = arith.constant 48 : i32
      %add3A_551 = vector.broadcast %add3A_550 : i32 to vector<16xi32>
      %add3A_552 = arith.addi %and3A_73, %add3A_551 : vector<16xi32>
      %add3A_553 = arith.constant 48 : i32
      %add3A_554 = vector.broadcast %add3A_553 : i32 to vector<16xi32>
      %add3A_555 = arith.addi %and3A_79, %add3A_554 : vector<16xi32>
      %add3A_556 = arith.constant 48 : i32
      %add3A_557 = vector.broadcast %add3A_556 : i32 to vector<16xi32>
      %add3A_558 = arith.addi %and3A_85, %add3A_557 : vector<16xi32>
      %add3A_559 = arith.constant 48 : i32
      %add3A_560 = vector.broadcast %add3A_559 : i32 to vector<16xi32>
      %add3A_561 = arith.addi %and3A_91, %add3A_560 : vector<16xi32>
      %add3A_562 = arith.constant 48 : i32
      %add3A_563 = vector.broadcast %add3A_562 : i32 to vector<16xi32>
      %add3A_564 = arith.addi %and3A_97, %add3A_563 : vector<16xi32>
      %parallel_loop3A_565 = arith.constant 0 : i32
      %parallel_loop3A_566 = arith.constant 8 : i32
      %parallel_loop3A_567 = arith.constant 1 : i32
      scf.for %parallel_loop3A_1082 = %parallel_loop3A_565 to %parallel_loop3A_566 step %parallel_loop3A_567  : i32 {
        %parallel_loop3A_1083 = arith.constant 16 : i32
        %parallel_loop3A_1084 = arith.muli %parallel_loop3A_1082, %parallel_loop3A_1083 : i32
        %parallel_loop3A_1085 = vector.broadcast %parallel_loop3A_1084 : i32 to vector<16xi32>
        %parallel_loop3A_1086 = arith.addi %iota3A, %parallel_loop3A_1085 : vector<16xi32>
        %parallel_loop3A_1087 = tpu.vector_load_idx %arg6[%parallel_loop3A_1086, %add3A_519] : memref<128x64xf32, #tpu.memory_space<vmem>>[vector<16xi32>, vector<16xi32>], vector<16xf32>,
        %parallel_loop3A_1088 = tpu.vector_load_idx %arg6[%parallel_loop3A_1086, %add3A_522] : memref<128x64xf32, #tpu.memory_space<vmem>>[vector<16xi32>, vector<16xi32>], vector<16xf32>,
        %parallel_loop3A_1089 = tpu.vector_load_idx %arg6[%parallel_loop3A_1086, %add3A_525] : memref<128x64xf32, #tpu.memory_space<vmem>>[vector<16xi32>, vector<16xi32>], vector<16xf32>,
        %parallel_loop3A_1090 = tpu.vector_load_idx %arg6[%parallel_loop3A_1086, %add3A_528] : memref<128x64xf32, #tpu.memory_space<vmem>>[vector<16xi32>, vector<16xi32>], vector<16xf32>,
        %parallel_loop3A_1091 = tpu.vector_load_idx %arg6[%parallel_loop3A_1086, %add3A_531] : memref<128x64xf32, #tpu.memory_space<vmem>>[vector<16xi32>, vector<16xi32>], vector<16xf32>,
        tpu.vector_store_idx %arg8[%add3A_519, %parallel_loop3A_1086], %parallel_loop3A_1087 : memref<64x128xf32, #tpu.memory_space<vmem>>[vector<16xi32>, vector<16xi32>], vector<16xf32>,
        %parallel_loop3A_1092 = tpu.vector_load_idx %arg6[%parallel_loop3A_1086, %add3A_534] : memref<128x64xf32, #tpu.memory_space<vmem>>[vector<16xi32>, vector<16xi32>], vector<16xf32>,
        tpu.vector_store_idx %arg8[%add3A_522, %parallel_loop3A_1086], %parallel_loop3A_1088 : memref<64x128xf32, #tpu.memory_space<vmem>>[vector<16xi32>, vector<16xi32>], vector<16xf32>,
        %parallel_loop3A_1093 = tpu.vector_load_idx %arg6[%parallel_loop3A_1086, %add3A_537] : memref<128x64xf32, #tpu.memory_space<vmem>>[vector<16xi32>, vector<16xi32>], vector<16xf32>,
        tpu.vector_store_idx %arg8[%add3A_525, %parallel_loop3A_1086], %parallel_loop3A_1089 : memref<64x128xf32, #tpu.memory_space<vmem>>[vector<16xi32>, vector<16xi32>], vector<16xf32>,
        %parallel_loop3A_1094 = tpu.vector_load_idx %arg6[%parallel_loop3A_1086, %add3A_540] : memref<128x64xf32, #tpu.memory_space<vmem>>[vector<16xi32>, vector<16xi32>], vector<16xf32>,
        tpu.vector_store_idx %arg8[%add3A_528, %parallel_loop3A_1086], %parallel_loop3A_1090 : memref<64x128xf32, #tpu.memory_space<vmem>>[vector<16xi32>, vector<16xi32>], vector<16xf32>,
        %parallel_loop3A_1095 = tpu.vector_load_idx %arg6[%parallel_loop3A_1086, %add3A_543] : memref<128x64xf32, #tpu.memory_space<vmem>>[vector<16xi32>, vector<16xi32>], vector<16xf32>,
        tpu.vector_store_idx %arg8[%add3A_531, %parallel_loop3A_1086], %parallel_loop3A_1091 : memref<64x128xf32, #tpu.memory_space<vmem>>[vector<16xi32>, vector<16xi32>], vector<16xf32>,
        %parallel_loop3A_1096 = tpu.vector_load_idx %arg6[%parallel_loop3A_1086, %add3A_546] : memref<128x64xf32, #tpu.memory_space<vmem>>[vector<16xi32>, vector<16xi32>], vector<16xf32>,
        tpu.vector_store_idx %arg8[%add3A_534, %parallel_loop3A_1086], %parallel_loop3A_1092 : memref<64x128xf32, #tpu.memory_space<vmem>>[vector<16xi32>, vector<16xi32>], vector<16xf32>,
        %parallel_loop3A_1097 = tpu.vector_load_idx %arg6[%parallel_loop3A_1086, %add3A_549] : memref<128x64xf32, #tpu.memory_space<vmem>>[vector<16xi32>, vector<16xi32>], vector<16xf32>,
        tpu.vector_store_idx %arg8[%add3A_537, %parallel_loop3A_1086], %parallel_loop3A_1093 : memref<64x128xf32, #tpu.memory_space<vmem>>[vector<16xi32>, vector<16xi32>], vector<16xf32>,
        %parallel_loop3A_1098 = tpu.vector_load_idx %arg6[%parallel_loop3A_1086, %add3A_552] : memref<128x64xf32, #tpu.memory_space<vmem>>[vector<16xi32>, vector<16xi32>], vector<16xf32>,
        tpu.vector_store_idx %arg8[%add3A_540, %parallel_loop3A_1086], %parallel_loop3A_1094 : memref<64x128xf32, #tpu.memory_space<vmem>>[vector<16xi32>, vector<16xi32>], vector<16xf32>,
        %parallel_loop3A_1099 = tpu.vector_load_idx %arg6[%parallel_loop3A_1086, %add3A_555] : memref<128x64xf32, #tpu.memory_space<vmem>>[vector<16xi32>, vector<16xi32>], vector<16xf32>,
        tpu.vector_store_idx %arg8[%add3A_543, %parallel_loop3A_1086], %parallel_loop3A_1095 : memref<64x128xf32, #tpu.memory_space<vmem>>[vector<16xi32>, vector<16xi32>], vector<16xf32>,
        %parallel_loop3A_1100 = tpu.vector_load_idx %arg6[%parallel_loop3A_1086, %add3A_558] : memref<128x64xf32, #tpu.memory_space<vmem>>[vector<16xi32>, vector<16xi32>], vector<16xf32>,
        tpu.vector_store_idx %arg8[%add3A_546, %parallel_loop3A_1086], %parallel_loop3A_1096 : memref<64x128xf32, #tpu.memory_space<vmem>>[vector<16xi32>, vector<16xi32>], vector<16xf32>,
        %parallel_loop3A_1101 = tpu.vector_load_idx %arg6[%parallel_loop3A_1086, %add3A_561] : memref<128x64xf32, #tpu.memory_space<vmem>>[vector<16xi32>, vector<16xi32>], vector<16xf32>,
        tpu.vector_store_idx %arg8[%add3A_549, %parallel_loop3A_1086], %parallel_loop3A_1097 : memref<64x128xf32, #tpu.memory_space<vmem>>[vector<16xi32>, vector<16xi32>], vector<16xf32>,
        %parallel_loop3A_1102 = tpu.vector_load_idx %arg6[%parallel_loop3A_1086, %add3A_564] : memref<128x64xf32, #tpu.memory_space<vmem>>[vector<16xi32>, vector<16xi32>], vector<16xf32>,
        tpu.vector_store_idx %arg8[%add3A_552, %parallel_loop3A_1086], %parallel_loop3A_1098 : memref<64x128xf32, #tpu.memory_space<vmem>>[vector<16xi32>, vector<16xi32>], vector<16xf32>,
        tpu.vector_store_idx %arg8[%add3A_555, %parallel_loop3A_1086], %parallel_loop3A_1099 : memref<64x128xf32, #tpu.memory_space<vmem>>[vector<16xi32>, vector<16xi32>], vector<16xf32>,
        tpu.vector_store_idx %arg8[%add3A_558, %parallel_loop3A_1086], %parallel_loop3A_1100 : memref<64x128xf32, #tpu.memory_space<vmem>>[vector<16xi32>, vector<16xi32>], vector<16xf32>,
        tpu.vector_store_idx %arg8[%add3A_561, %parallel_loop3A_1086], %parallel_loop3A_1101 : memref<64x128xf32, #tpu.memory_space<vmem>>[vector<16xi32>, vector<16xi32>], vector<16xf32>,
        tpu.vector_store_idx %arg8[%add3A_564, %parallel_loop3A_1086], %parallel_loop3A_1102 : memref<64x128xf32, #tpu.memory_space<vmem>>[vector<16xi32>, vector<16xi32>], vector<16xf32>,
      } {sc.loop_unroll_factor = 2 : i64, sc.parallel_access}
      %lt3A = arith.constant 24 : i32
      %lt3A_568 = arith.cmpi slt, %scan3A_354, %lt3A : i32
      %convert_element_type3A_569 = arith.extui %lt3A_568 : i1 to i32
      %cond3A_570 = arith.constant 0 : i32
      %cond3A_571 = arith.cmpi ne, %convert_element_type3A_569, %cond3A_570 : i32
      scf.if %cond3A_571 {
        %add3A_1082 = arith.constant 2 : i32
        %add3A_1083 = arith.addi %mul3A_356, %add3A_1082 : i32
        %dma_start3A_1084 = arith.constant 0 : i32
        %dma_start3A_1085 = tpu.memref_slice %arg5[%add3A_1083, %dma_start3A_1084] : memref<50x128xi32, #tpu.memory_space<vmem>> -> memref<1x128xi32, #tpu.memory_space<vmem>>
        %dma_start3A_1086 = tpu.memref_squeeze %dma_start3A_1085 : memref<1x128xi32, #tpu.memory_space<vmem>> -> memref<128xi32, #tpu.memory_space<vmem>>
        %dma_start3A_1087 = arith.constant 0 : i32
        %dma_start3A_1088 = arith.constant 0 : i32
        %dma_start3A_1089 = tpu.memref_slice %arg3[%dma_start3A_1087, %dma_start3A_1088] : memref<200000x64xf32, #tpu.memory_space<hbm>> -> memref<200000x64xf32, #tpu.memory_space<hbm>>
        tpu.enqueue_indirect_dma source(%dma_start3A_1089 : memref<200000x64xf32, #tpu.memory_space<hbm>>) target(%arg6 : memref<128x64xf32, #tpu.memory_space<vmem>>) offsets(%dma_start3A_1086 : memref<128xi32, #tpu.memory_space<vmem>>) semaphore(%arg10 : memref<!tpu.dma_semaphore, #tpu.memory_space<semaphore_mem>>)
      } else {
      }
      %mul3A_572 = arith.constant 8 : i32
      %mul3A_573 = arith.muli %mul3A_356, %mul3A_572 : i32
      %add3A_574 = arith.constant 0 : i32
      %add3A_575 = arith.addi %mul3A_573, %add3A_574 : i32
      %dma_start3A_576 = arith.constant 0 : i32
      %dma_start3A_577 = arith.constant 0 : i32
      %dma_start3A_578 = tpu.memref_slice %arg8[%dma_start3A_576, %dma_start3A_577] : memref<64x128xf32, #tpu.memory_space<vmem>> -> memref<8x128xf32, #tpu.memory_space<vmem>>
      %dma_start3A_579 = arith.constant 0 : i32
      %dma_start3A_580 = arith.constant 0 : i32
      %dma_start3A_581 = tpu.memref_slice %arg4[%add3A_575, %add3A, %dma_start3A_579, %dma_start3A_580] : memref<400x32x8x128xf32, #tpu.memory_space<hbm>> -> memref<1x1x8x128xf32, #tpu.memory_space<hbm>>
      %dma_start3A_582 = tpu.memref_squeeze %dma_start3A_581 : memref<1x1x8x128xf32, #tpu.memory_space<hbm>> -> memref<8x128xf32, #tpu.memory_space<hbm>>
      %dma_start3A_583 = arith.constant 0 : i32
      %dma_start3A_584 = arith.constant 0 : i32
      %dma_start3A_585 = tpu.memref_slice %arg4[%add3A_575, %add3A, %dma_start3A_583, %dma_start3A_584] : memref<400x32x8x128xf32, #tpu.memory_space<hbm>> -> memref<1x1x8x128xf32, #tpu.memory_space<hbm>>
      %dma_start3A_586 = tpu.memref_squeeze %dma_start3A_585 : memref<1x1x8x128xf32, #tpu.memory_space<hbm>> -> memref<8x128xf32, #tpu.memory_space<hbm>>
      %dma_start3A_587 = arith.constant 0 : i32
      %dma_start3A_588 = arith.constant 0 : i32
      %dma_start3A_589 = tpu.memref_slice %arg8[%dma_start3A_587, %dma_start3A_588] : memref<64x128xf32, #tpu.memory_space<vmem>> -> memref<8x128xf32, #tpu.memory_space<vmem>>
      tpu.enqueue_dma source(%dma_start3A_589 : memref<8x128xf32, #tpu.memory_space<vmem>>) target(%dma_start3A_586 : memref<8x128xf32, #tpu.memory_space<hbm>>) target_semaphore(%arg12 : memref<!tpu.dma_semaphore, #tpu.memory_space<semaphore_mem>>)
      %mul3A_590 = arith.constant 8 : i32
      %mul3A_591 = arith.muli %mul3A_356, %mul3A_590 : i32
      %add3A_592 = arith.constant 1 : i32
      %add3A_593 = arith.addi %mul3A_591, %add3A_592 : i32
      %dma_start3A_594 = arith.constant 8 : i32
      %dma_start3A_595 = arith.constant 0 : i32
      %dma_start3A_596 = tpu.memref_slice %arg8[%dma_start3A_594, %dma_start3A_595] : memref<64x128xf32, #tpu.memory_space<vmem>> -> memref<8x128xf32, #tpu.memory_space<vmem>>
      %dma_start3A_597 = arith.constant 0 : i32
      %dma_start3A_598 = arith.constant 0 : i32
      %dma_start3A_599 = tpu.memref_slice %arg4[%add3A_593, %add3A, %dma_start3A_597, %dma_start3A_598] : memref<400x32x8x128xf32, #tpu.memory_space<hbm>> -> memref<1x1x8x128xf32, #tpu.memory_space<hbm>>
      %dma_start3A_600 = tpu.memref_squeeze %dma_start3A_599 : memref<1x1x8x128xf32, #tpu.memory_space<hbm>> -> memref<8x128xf32, #tpu.memory_space<hbm>>
      %dma_start3A_601 = arith.constant 0 : i32
      %dma_start3A_602 = arith.constant 0 : i32
      %dma_start3A_603 = tpu.memref_slice %arg4[%add3A_593, %add3A, %dma_start3A_601, %dma_start3A_602] : memref<400x32x8x128xf32, #tpu.memory_space<hbm>> -> memref<1x1x8x128xf32, #tpu.memory_space<hbm>>
      %dma_start3A_604 = tpu.memref_squeeze %dma_start3A_603 : memref<1x1x8x128xf32, #tpu.memory_space<hbm>> -> memref<8x128xf32, #tpu.memory_space<hbm>>
      %dma_start3A_605 = arith.constant 8 : i32
      %dma_start3A_606 = arith.constant 0 : i32
      %dma_start3A_607 = tpu.memref_slice %arg8[%dma_start3A_605, %dma_start3A_606] : memref<64x128xf32, #tpu.memory_space<vmem>> -> memref<8x128xf32, #tpu.memory_space<vmem>>
      tpu.enqueue_dma source(%dma_start3A_607 : memref<8x128xf32, #tpu.memory_space<vmem>>) target(%dma_start3A_604 : memref<8x128xf32, #tpu.memory_space<hbm>>) target_semaphore(%arg12 : memref<!tpu.dma_semaphore, #tpu.memory_space<semaphore_mem>>)
      %mul3A_608 = arith.constant 8 : i32
      %mul3A_609 = arith.muli %mul3A_356, %mul3A_608 : i32
      %add3A_610 = arith.constant 2 : i32
      %add3A_611 = arith.addi %mul3A_609, %add3A_610 : i32
      %dma_start3A_612 = arith.constant 16 : i32
      %dma_start3A_613 = arith.constant 0 : i32
      %dma_start3A_614 = tpu.memref_slice %arg8[%dma_start3A_612, %dma_start3A_613] : memref<64x128xf32, #tpu.memory_space<vmem>> -> memref<8x128xf32, #tpu.memory_space<vmem>>
      %dma_start3A_615 = arith.constant 0 : i32
      %dma_start3A_616 = arith.constant 0 : i32
      %dma_start3A_617 = tpu.memref_slice %arg4[%add3A_611, %add3A, %dma_start3A_615, %dma_start3A_616] : memref<400x32x8x128xf32, #tpu.memory_space<hbm>> -> memref<1x1x8x128xf32, #tpu.memory_space<hbm>>
      %dma_start3A_618 = tpu.memref_squeeze %dma_start3A_617 : memref<1x1x8x128xf32, #tpu.memory_space<hbm>> -> memref<8x128xf32, #tpu.memory_space<hbm>>
      %dma_start3A_619 = arith.constant 0 : i32
      %dma_start3A_620 = arith.constant 0 : i32
      %dma_start3A_621 = tpu.memref_slice %arg4[%add3A_611, %add3A, %dma_start3A_619, %dma_start3A_620] : memref<400x32x8x128xf32, #tpu.memory_space<hbm>> -> memref<1x1x8x128xf32, #tpu.memory_space<hbm>>
      %dma_start3A_622 = tpu.memref_squeeze %dma_start3A_621 : memref<1x1x8x128xf32, #tpu.memory_space<hbm>> -> memref<8x128xf32, #tpu.memory_space<hbm>>
      %dma_start3A_623 = arith.constant 16 : i32
      %dma_start3A_624 = arith.constant 0 : i32
      %dma_start3A_625 = tpu.memref_slice %arg8[%dma_start3A_623, %dma_start3A_624] : memref<64x128xf32, #tpu.memory_space<vmem>> -> memref<8x128xf32, #tpu.memory_space<vmem>>
      tpu.enqueue_dma source(%dma_start3A_625 : memref<8x128xf32, #tpu.memory_space<vmem>>) target(%dma_start3A_622 : memref<8x128xf32, #tpu.memory_space<hbm>>) target_semaphore(%arg12 : memref<!tpu.dma_semaphore, #tpu.memory_space<semaphore_mem>>)
      %mul3A_626 = arith.constant 8 : i32
      %mul3A_627 = arith.muli %mul3A_356, %mul3A_626 : i32
      %add3A_628 = arith.constant 3 : i32
      %add3A_629 = arith.addi %mul3A_627, %add3A_628 : i32
      %dma_start3A_630 = arith.constant 24 : i32
      %dma_start3A_631 = arith.constant 0 : i32
      %dma_start3A_632 = tpu.memref_slice %arg8[%dma_start3A_630, %dma_start3A_631] : memref<64x128xf32, #tpu.memory_space<vmem>> -> memref<8x128xf32, #tpu.memory_space<vmem>>
      %dma_start3A_633 = arith.constant 0 : i32
      %dma_start3A_634 = arith.constant 0 : i32
      %dma_start3A_635 = tpu.memref_slice %arg4[%add3A_629, %add3A, %dma_start3A_633, %dma_start3A_634] : memref<400x32x8x128xf32, #tpu.memory_space<hbm>> -> memref<1x1x8x128xf32, #tpu.memory_space<hbm>>
      %dma_start3A_636 = tpu.memref_squeeze %dma_start3A_635 : memref<1x1x8x128xf32, #tpu.memory_space<hbm>> -> memref<8x128xf32, #tpu.memory_space<hbm>>
      %dma_start3A_637 = arith.constant 0 : i32
      %dma_start3A_638 = arith.constant 0 : i32
      %dma_start3A_639 = tpu.memref_slice %arg4[%add3A_629, %add3A, %dma_start3A_637, %dma_start3A_638] : memref<400x32x8x128xf32, #tpu.memory_space<hbm>> -> memref<1x1x8x128xf32, #tpu.memory_space<hbm>>
      %dma_start3A_640 = tpu.memref_squeeze %dma_start3A_639 : memref<1x1x8x128xf32, #tpu.memory_space<hbm>> -> memref<8x128xf32, #tpu.memory_space<hbm>>
      %dma_start3A_641 = arith.constant 24 : i32
      %dma_start3A_642 = arith.constant 0 : i32
      %dma_start3A_643 = tpu.memref_slice %arg8[%dma_start3A_641, %dma_start3A_642] : memref<64x128xf32, #tpu.memory_space<vmem>> -> memref<8x128xf32, #tpu.memory_space<vmem>>
      tpu.enqueue_dma source(%dma_start3A_643 : memref<8x128xf32, #tpu.memory_space<vmem>>) target(%dma_start3A_640 : memref<8x128xf32, #tpu.memory_space<hbm>>) target_semaphore(%arg12 : memref<!tpu.dma_semaphore, #tpu.memory_space<semaphore_mem>>)
      %mul3A_644 = arith.constant 8 : i32
      %mul3A_645 = arith.muli %mul3A_356, %mul3A_644 : i32
      %add3A_646 = arith.constant 4 : i32
      %add3A_647 = arith.addi %mul3A_645, %add3A_646 : i32
      %dma_start3A_648 = arith.constant 32 : i32
      %dma_start3A_649 = arith.constant 0 : i32
      %dma_start3A_650 = tpu.memref_slice %arg8[%dma_start3A_648, %dma_start3A_649] : memref<64x128xf32, #tpu.memory_space<vmem>> -> memref<8x128xf32, #tpu.memory_space<vmem>>
      %dma_start3A_651 = arith.constant 0 : i32
      %dma_start3A_652 = arith.constant 0 : i32
      %dma_start3A_653 = tpu.memref_slice %arg4[%add3A_647, %add3A, %dma_start3A_651, %dma_start3A_652] : memref<400x32x8x128xf32, #tpu.memory_space<hbm>> -> memref<1x1x8x128xf32, #tpu.memory_space<hbm>>
      %dma_start3A_654 = tpu.memref_squeeze %dma_start3A_653 : memref<1x1x8x128xf32, #tpu.memory_space<hbm>> -> memref<8x128xf32, #tpu.memory_space<hbm>>
      %dma_start3A_655 = arith.constant 0 : i32
      %dma_start3A_656 = arith.constant 0 : i32
      %dma_start3A_657 = tpu.memref_slice %arg4[%add3A_647, %add3A, %dma_start3A_655, %dma_start3A_656] : memref<400x32x8x128xf32, #tpu.memory_space<hbm>> -> memref<1x1x8x128xf32, #tpu.memory_space<hbm>>
      %dma_start3A_658 = tpu.memref_squeeze %dma_start3A_657 : memref<1x1x8x128xf32, #tpu.memory_space<hbm>> -> memref<8x128xf32, #tpu.memory_space<hbm>>
      %dma_start3A_659 = arith.constant 32 : i32
      %dma_start3A_660 = arith.constant 0 : i32
      %dma_start3A_661 = tpu.memref_slice %arg8[%dma_start3A_659, %dma_start3A_660] : memref<64x128xf32, #tpu.memory_space<vmem>> -> memref<8x128xf32, #tpu.memory_space<vmem>>
      tpu.enqueue_dma source(%dma_start3A_661 : memref<8x128xf32, #tpu.memory_space<vmem>>) target(%dma_start3A_658 : memref<8x128xf32, #tpu.memory_space<hbm>>) target_semaphore(%arg12 : memref<!tpu.dma_semaphore, #tpu.memory_space<semaphore_mem>>)
      %mul3A_662 = arith.constant 8 : i32
      %mul3A_663 = arith.muli %mul3A_356, %mul3A_662 : i32
      %add3A_664 = arith.constant 5 : i32
      %add3A_665 = arith.addi %mul3A_663, %add3A_664 : i32
      %dma_start3A_666 = arith.constant 40 : i32
      %dma_start3A_667 = arith.constant 0 : i32
      %dma_start3A_668 = tpu.memref_slice %arg8[%dma_start3A_666, %dma_start3A_667] : memref<64x128xf32, #tpu.memory_space<vmem>> -> memref<8x128xf32, #tpu.memory_space<vmem>>
      %dma_start3A_669 = arith.constant 0 : i32
      %dma_start3A_670 = arith.constant 0 : i32
      %dma_start3A_671 = tpu.memref_slice %arg4[%add3A_665, %add3A, %dma_start3A_669, %dma_start3A_670] : memref<400x32x8x128xf32, #tpu.memory_space<hbm>> -> memref<1x1x8x128xf32, #tpu.memory_space<hbm>>
      %dma_start3A_672 = tpu.memref_squeeze %dma_start3A_671 : memref<1x1x8x128xf32, #tpu.memory_space<hbm>> -> memref<8x128xf32, #tpu.memory_space<hbm>>
      %dma_start3A_673 = arith.constant 0 : i32
      %dma_start3A_674 = arith.constant 0 : i32
      %dma_start3A_675 = tpu.memref_slice %arg4[%add3A_665, %add3A, %dma_start3A_673, %dma_start3A_674] : memref<400x32x8x128xf32, #tpu.memory_space<hbm>> -> memref<1x1x8x128xf32, #tpu.memory_space<hbm>>
      %dma_start3A_676 = tpu.memref_squeeze %dma_start3A_675 : memref<1x1x8x128xf32, #tpu.memory_space<hbm>> -> memref<8x128xf32, #tpu.memory_space<hbm>>
      %dma_start3A_677 = arith.constant 40 : i32
      %dma_start3A_678 = arith.constant 0 : i32
      %dma_start3A_679 = tpu.memref_slice %arg8[%dma_start3A_677, %dma_start3A_678] : memref<64x128xf32, #tpu.memory_space<vmem>> -> memref<8x128xf32, #tpu.memory_space<vmem>>
      tpu.enqueue_dma source(%dma_start3A_679 : memref<8x128xf32, #tpu.memory_space<vmem>>) target(%dma_start3A_676 : memref<8x128xf32, #tpu.memory_space<hbm>>) target_semaphore(%arg12 : memref<!tpu.dma_semaphore, #tpu.memory_space<semaphore_mem>>)
      %mul3A_680 = arith.constant 8 : i32
      %mul3A_681 = arith.muli %mul3A_356, %mul3A_680 : i32
      %add3A_682 = arith.constant 6 : i32
      %add3A_683 = arith.addi %mul3A_681, %add3A_682 : i32
      %dma_start3A_684 = arith.constant 48 : i32
      %dma_start3A_685 = arith.constant 0 : i32
      %dma_start3A_686 = tpu.memref_slice %arg8[%dma_start3A_684, %dma_start3A_685] : memref<64x128xf32, #tpu.memory_space<vmem>> -> memref<8x128xf32, #tpu.memory_space<vmem>>
      %dma_start3A_687 = arith.constant 0 : i32
      %dma_start3A_688 = arith.constant 0 : i32
      %dma_start3A_689 = tpu.memref_slice %arg4[%add3A_683, %add3A, %dma_start3A_687, %dma_start3A_688] : memref<400x32x8x128xf32, #tpu.memory_space<hbm>> -> memref<1x1x8x128xf32, #tpu.memory_space<hbm>>
      %dma_start3A_690 = tpu.memref_squeeze %dma_start3A_689 : memref<1x1x8x128xf32, #tpu.memory_space<hbm>> -> memref<8x128xf32, #tpu.memory_space<hbm>>
      %dma_start3A_691 = arith.constant 0 : i32
      %dma_start3A_692 = arith.constant 0 : i32
      %dma_start3A_693 = tpu.memref_slice %arg4[%add3A_683, %add3A, %dma_start3A_691, %dma_start3A_692] : memref<400x32x8x128xf32, #tpu.memory_space<hbm>> -> memref<1x1x8x128xf32, #tpu.memory_space<hbm>>
      %dma_start3A_694 = tpu.memref_squeeze %dma_start3A_693 : memref<1x1x8x128xf32, #tpu.memory_space<hbm>> -> memref<8x128xf32, #tpu.memory_space<hbm>>
      %dma_start3A_695 = arith.constant 48 : i32
      %dma_start3A_696 = arith.constant 0 : i32
      %dma_start3A_697 = tpu.memref_slice %arg8[%dma_start3A_695, %dma_start3A_696] : memref<64x128xf32, #tpu.memory_space<vmem>> -> memref<8x128xf32, #tpu.memory_space<vmem>>
      tpu.enqueue_dma source(%dma_start3A_697 : memref<8x128xf32, #tpu.memory_space<vmem>>) target(%dma_start3A_694 : memref<8x128xf32, #tpu.memory_space<hbm>>) target_semaphore(%arg12 : memref<!tpu.dma_semaphore, #tpu.memory_space<semaphore_mem>>)
      %mul3A_698 = arith.constant 8 : i32
      %mul3A_699 = arith.muli %mul3A_356, %mul3A_698 : i32
      %add3A_700 = arith.constant 7 : i32
      %add3A_701 = arith.addi %mul3A_699, %add3A_700 : i32
      %dma_start3A_702 = arith.constant 56 : i32
      %dma_start3A_703 = arith.constant 0 : i32
      %dma_start3A_704 = tpu.memref_slice %arg8[%dma_start3A_702, %dma_start3A_703] : memref<64x128xf32, #tpu.memory_space<vmem>> -> memref<8x128xf32, #tpu.memory_space<vmem>>
      %dma_start3A_705 = arith.constant 0 : i32
      %dma_start3A_706 = arith.constant 0 : i32
      %dma_start3A_707 = tpu.memref_slice %arg4[%add3A_701, %add3A, %dma_start3A_705, %dma_start3A_706] : memref<400x32x8x128xf32, #tpu.memory_space<hbm>> -> memref<1x1x8x128xf32, #tpu.memory_space<hbm>>
      %dma_start3A_708 = tpu.memref_squeeze %dma_start3A_707 : memref<1x1x8x128xf32, #tpu.memory_space<hbm>> -> memref<8x128xf32, #tpu.memory_space<hbm>>
      %dma_start3A_709 = arith.constant 0 : i32
      %dma_start3A_710 = arith.constant 0 : i32
      %dma_start3A_711 = tpu.memref_slice %arg4[%add3A_701, %add3A, %dma_start3A_709, %dma_start3A_710] : memref<400x32x8x128xf32, #tpu.memory_space<hbm>> -> memref<1x1x8x128xf32, #tpu.memory_space<hbm>>
      %dma_start3A_712 = tpu.memref_squeeze %dma_start3A_711 : memref<1x1x8x128xf32, #tpu.memory_space<hbm>> -> memref<8x128xf32, #tpu.memory_space<hbm>>
      %dma_start3A_713 = arith.constant 56 : i32
      %dma_start3A_714 = arith.constant 0 : i32
      %dma_start3A_715 = tpu.memref_slice %arg8[%dma_start3A_713, %dma_start3A_714] : memref<64x128xf32, #tpu.memory_space<vmem>> -> memref<8x128xf32, #tpu.memory_space<vmem>>
      tpu.enqueue_dma source(%dma_start3A_715 : memref<8x128xf32, #tpu.memory_space<vmem>>) target(%dma_start3A_712 : memref<8x128xf32, #tpu.memory_space<hbm>>) target_semaphore(%arg12 : memref<!tpu.dma_semaphore, #tpu.memory_space<semaphore_mem>>)
      %dma_wait3A_716 = arith.constant 0 : i32
      %dma_wait3A_717 = arith.constant 0 : i32
      %dma_wait3A_718 = tpu.memref_slice %arg3[%dma_wait3A_716, %dma_wait3A_717] : memref<200000x64xf32, #tpu.memory_space<hbm>> -> memref<128x64xf32, #tpu.memory_space<hbm>>
      %dma_wait3A_719 = arith.constant 0 : i32
      %dma_wait3A_720 = arith.constant 0 : i32
      %dma_wait3A_721 = tpu.memref_slice %arg3[%dma_wait3A_719, %dma_wait3A_720] : memref<200000x64xf32, #tpu.memory_space<hbm>> -> memref<128x64xf32, #tpu.memory_space<hbm>>
      tpu.wait_dma2 semaphore(%arg11 : memref<!tpu.dma_semaphore, #tpu.memory_space<semaphore_mem>>) src(%dma_wait3A_721 : memref<128x64xf32, #tpu.memory_space<hbm>>) dst(%arg7 : memref<128x64xf32, #tpu.memory_space<vmem>>)
      %gt3A_722 = arith.constant 0 : i32
      %gt3A_723 = arith.cmpi sgt, %scan3A_354, %gt3A_722 : i32
      %convert_element_type3A_724 = arith.extui %gt3A_723 : i1 to i32
      %cond3A_725 = arith.constant 0 : i32
      %cond3A_726 = arith.cmpi ne, %convert_element_type3A_724, %cond3A_725 : i32
      scf.if %cond3A_726 {
        %dma_wait3A_1082 = arith.constant 0 : i32
        %dma_wait3A_1083 = arith.constant 0 : i32
        %dma_wait3A_1084 = arith.constant 0 : i32
        %dma_wait3A_1085 = tpu.memref_slice %arg9[%dma_wait3A_1083, %dma_wait3A_1084] : memref<64x128xf32, #tpu.memory_space<vmem>> -> memref<8x128xf32, #tpu.memory_space<vmem>>
        %dma_wait3A_1086 = arith.constant 0 : i32
        %dma_wait3A_1087 = arith.constant 0 : i32
        %dma_wait3A_1088 = tpu.memref_slice %arg4[%dma_wait3A_1082, %add3A, %dma_wait3A_1086, %dma_wait3A_1087] : memref<400x32x8x128xf32, #tpu.memory_space<hbm>> -> memref<1x1x8x128xf32, #tpu.memory_space<hbm>>
        %dma_wait3A_1089 = tpu.memref_squeeze %dma_wait3A_1088 : memref<1x1x8x128xf32, #tpu.memory_space<hbm>> -> memref<8x128xf32, #tpu.memory_space<hbm>>
        %dma_wait3A_1090 = arith.constant 0 : i32
        %dma_wait3A_1091 = arith.constant 0 : i32
        %dma_wait3A_1092 = tpu.memref_slice %arg4[%dma_wait3A_1082, %add3A, %dma_wait3A_1090, %dma_wait3A_1091] : memref<400x32x8x128xf32, #tpu.memory_space<hbm>> -> memref<1x1x8x128xf32, #tpu.memory_space<hbm>>
        %dma_wait3A_1093 = tpu.memref_squeeze %dma_wait3A_1092 : memref<1x1x8x128xf32, #tpu.memory_space<hbm>> -> memref<8x128xf32, #tpu.memory_space<hbm>>
        %dma_wait3A_1094 = arith.constant 0 : i32
        %dma_wait3A_1095 = arith.constant 0 : i32
        %dma_wait3A_1096 = tpu.memref_slice %arg9[%dma_wait3A_1094, %dma_wait3A_1095] : memref<64x128xf32, #tpu.memory_space<vmem>> -> memref<8x128xf32, #tpu.memory_space<vmem>>
        tpu.wait_dma2 semaphore(%arg13 : memref<!tpu.dma_semaphore, #tpu.memory_space<semaphore_mem>>) src(%dma_wait3A_1096 : memref<8x128xf32, #tpu.memory_space<vmem>>) dst(%dma_wait3A_1093 : memref<8x128xf32, #tpu.memory_space<hbm>>)
        %dma_wait3A_1097 = arith.constant 1 : i32
        %dma_wait3A_1098 = arith.constant 8 : i32
        %dma_wait3A_1099 = arith.constant 0 : i32
        %dma_wait3A_1100 = tpu.memref_slice %arg9[%dma_wait3A_1098, %dma_wait3A_1099] : memref<64x128xf32, #tpu.memory_space<vmem>> -> memref<8x128xf32, #tpu.memory_space<vmem>>
        %dma_wait3A_1101 = arith.constant 0 : i32
        %dma_wait3A_1102 = arith.constant 0 : i32
        %dma_wait3A_1103 = tpu.memref_slice %arg4[%dma_wait3A_1097, %add3A, %dma_wait3A_1101, %dma_wait3A_1102] : memref<400x32x8x128xf32, #tpu.memory_space<hbm>> -> memref<1x1x8x128xf32, #tpu.memory_space<hbm>>
        %dma_wait3A_1104 = tpu.memref_squeeze %dma_wait3A_1103 : memref<1x1x8x128xf32, #tpu.memory_space<hbm>> -> memref<8x128xf32, #tpu.memory_space<hbm>>
        %dma_wait3A_1105 = arith.constant 0 : i32
        %dma_wait3A_1106 = arith.constant 0 : i32
        %dma_wait3A_1107 = tpu.memref_slice %arg4[%dma_wait3A_1097, %add3A, %dma_wait3A_1105, %dma_wait3A_1106] : memref<400x32x8x128xf32, #tpu.memory_space<hbm>> -> memref<1x1x8x128xf32, #tpu.memory_space<hbm>>
        %dma_wait3A_1108 = tpu.memref_squeeze %dma_wait3A_1107 : memref<1x1x8x128xf32, #tpu.memory_space<hbm>> -> memref<8x128xf32, #tpu.memory_space<hbm>>
        %dma_wait3A_1109 = arith.constant 8 : i32
        %dma_wait3A_1110 = arith.constant 0 : i32
        %dma_wait3A_1111 = tpu.memref_slice %arg9[%dma_wait3A_1109, %dma_wait3A_1110] : memref<64x128xf32, #tpu.memory_space<vmem>> -> memref<8x128xf32, #tpu.memory_space<vmem>>
        tpu.wait_dma2 semaphore(%arg13 : memref<!tpu.dma_semaphore, #tpu.memory_space<semaphore_mem>>) src(%dma_wait3A_1111 : memref<8x128xf32, #tpu.memory_space<vmem>>) dst(%dma_wait3A_1108 : memref<8x128xf32, #tpu.memory_space<hbm>>)
        %dma_wait3A_1112 = arith.constant 2 : i32
        %dma_wait3A_1113 = arith.constant 16 : i32
        %dma_wait3A_1114 = arith.constant 0 : i32
        %dma_wait3A_1115 = tpu.memref_slice %arg9[%dma_wait3A_1113, %dma_wait3A_1114] : memref<64x128xf32, #tpu.memory_space<vmem>> -> memref<8x128xf32, #tpu.memory_space<vmem>>
        %dma_wait3A_1116 = arith.constant 0 : i32
        %dma_wait3A_1117 = arith.constant 0 : i32
        %dma_wait3A_1118 = tpu.memref_slice %arg4[%dma_wait3A_1112, %add3A, %dma_wait3A_1116, %dma_wait3A_1117] : memref<400x32x8x128xf32, #tpu.memory_space<hbm>> -> memref<1x1x8x128xf32, #tpu.memory_space<hbm>>
        %dma_wait3A_1119 = tpu.memref_squeeze %dma_wait3A_1118 : memref<1x1x8x128xf32, #tpu.memory_space<hbm>> -> memref<8x128xf32, #tpu.memory_space<hbm>>
        %dma_wait3A_1120 = arith.constant 0 : i32
        %dma_wait3A_1121 = arith.constant 0 : i32
        %dma_wait3A_1122 = tpu.memref_slice %arg4[%dma_wait3A_1112, %add3A, %dma_wait3A_1120, %dma_wait3A_1121] : memref<400x32x8x128xf32, #tpu.memory_space<hbm>> -> memref<1x1x8x128xf32, #tpu.memory_space<hbm>>
        %dma_wait3A_1123 = tpu.memref_squeeze %dma_wait3A_1122 : memref<1x1x8x128xf32, #tpu.memory_space<hbm>> -> memref<8x128xf32, #tpu.memory_space<hbm>>
        %dma_wait3A_1124 = arith.constant 16 : i32
        %dma_wait3A_1125 = arith.constant 0 : i32
        %dma_wait3A_1126 = tpu.memref_slice %arg9[%dma_wait3A_1124, %dma_wait3A_1125] : memref<64x128xf32, #tpu.memory_space<vmem>> -> memref<8x128xf32, #tpu.memory_space<vmem>>
        tpu.wait_dma2 semaphore(%arg13 : memref<!tpu.dma_semaphore, #tpu.memory_space<semaphore_mem>>) src(%dma_wait3A_1126 : memref<8x128xf32, #tpu.memory_space<vmem>>) dst(%dma_wait3A_1123 : memref<8x128xf32, #tpu.memory_space<hbm>>)
        %dma_wait3A_1127 = arith.constant 3 : i32
        %dma_wait3A_1128 = arith.constant 24 : i32
        %dma_wait3A_1129 = arith.constant 0 : i32
        %dma_wait3A_1130 = tpu.memref_slice %arg9[%dma_wait3A_1128, %dma_wait3A_1129] : memref<64x128xf32, #tpu.memory_space<vmem>> -> memref<8x128xf32, #tpu.memory_space<vmem>>
        %dma_wait3A_1131 = arith.constant 0 : i32
        %dma_wait3A_1132 = arith.constant 0 : i32
        %dma_wait3A_1133 = tpu.memref_slice %arg4[%dma_wait3A_1127, %add3A, %dma_wait3A_1131, %dma_wait3A_1132] : memref<400x32x8x128xf32, #tpu.memory_space<hbm>> -> memref<1x1x8x128xf32, #tpu.memory_space<hbm>>
        %dma_wait3A_1134 = tpu.memref_squeeze %dma_wait3A_1133 : memref<1x1x8x128xf32, #tpu.memory_space<hbm>> -> memref<8x128xf32, #tpu.memory_space<hbm>>
        %dma_wait3A_1135 = arith.constant 0 : i32
        %dma_wait3A_1136 = arith.constant 0 : i32
        %dma_wait3A_1137 = tpu.memref_slice %arg4[%dma_wait3A_1127, %add3A, %dma_wait3A_1135, %dma_wait3A_1136] : memref<400x32x8x128xf32, #tpu.memory_space<hbm>> -> memref<1x1x8x128xf32, #tpu.memory_space<hbm>>
        %dma_wait3A_1138 = tpu.memref_squeeze %dma_wait3A_1137 : memref<1x1x8x128xf32, #tpu.memory_space<hbm>> -> memref<8x128xf32, #tpu.memory_space<hbm>>
        %dma_wait3A_1139 = arith.constant 24 : i32
        %dma_wait3A_1140 = arith.constant 0 : i32
        %dma_wait3A_1141 = tpu.memref_slice %arg9[%dma_wait3A_1139, %dma_wait3A_1140] : memref<64x128xf32, #tpu.memory_space<vmem>> -> memref<8x128xf32, #tpu.memory_space<vmem>>
        tpu.wait_dma2 semaphore(%arg13 : memref<!tpu.dma_semaphore, #tpu.memory_space<semaphore_mem>>) src(%dma_wait3A_1141 : memref<8x128xf32, #tpu.memory_space<vmem>>) dst(%dma_wait3A_1138 : memref<8x128xf32, #tpu.memory_space<hbm>>)
        %dma_wait3A_1142 = arith.constant 4 : i32
        %dma_wait3A_1143 = arith.constant 32 : i32
        %dma_wait3A_1144 = arith.constant 0 : i32
        %dma_wait3A_1145 = tpu.memref_slice %arg9[%dma_wait3A_1143, %dma_wait3A_1144] : memref<64x128xf32, #tpu.memory_space<vmem>> -> memref<8x128xf32, #tpu.memory_space<vmem>>
        %dma_wait3A_1146 = arith.constant 0 : i32
        %dma_wait3A_1147 = arith.constant 0 : i32
        %dma_wait3A_1148 = tpu.memref_slice %arg4[%dma_wait3A_1142, %add3A, %dma_wait3A_1146, %dma_wait3A_1147] : memref<400x32x8x128xf32, #tpu.memory_space<hbm>> -> memref<1x1x8x128xf32, #tpu.memory_space<hbm>>
        %dma_wait3A_1149 = tpu.memref_squeeze %dma_wait3A_1148 : memref<1x1x8x128xf32, #tpu.memory_space<hbm>> -> memref<8x128xf32, #tpu.memory_space<hbm>>
        %dma_wait3A_1150 = arith.constant 0 : i32
        %dma_wait3A_1151 = arith.constant 0 : i32
        %dma_wait3A_1152 = tpu.memref_slice %arg4[%dma_wait3A_1142, %add3A, %dma_wait3A_1150, %dma_wait3A_1151] : memref<400x32x8x128xf32, #tpu.memory_space<hbm>> -> memref<1x1x8x128xf32, #tpu.memory_space<hbm>>
        %dma_wait3A_1153 = tpu.memref_squeeze %dma_wait3A_1152 : memref<1x1x8x128xf32, #tpu.memory_space<hbm>> -> memref<8x128xf32, #tpu.memory_space<hbm>>
        %dma_wait3A_1154 = arith.constant 32 : i32
        %dma_wait3A_1155 = arith.constant 0 : i32
        %dma_wait3A_1156 = tpu.memref_slice %arg9[%dma_wait3A_1154, %dma_wait3A_1155] : memref<64x128xf32, #tpu.memory_space<vmem>> -> memref<8x128xf32, #tpu.memory_space<vmem>>
        tpu.wait_dma2 semaphore(%arg13 : memref<!tpu.dma_semaphore, #tpu.memory_space<semaphore_mem>>) src(%dma_wait3A_1156 : memref<8x128xf32, #tpu.memory_space<vmem>>) dst(%dma_wait3A_1153 : memref<8x128xf32, #tpu.memory_space<hbm>>)
        %dma_wait3A_1157 = arith.constant 5 : i32
        %dma_wait3A_1158 = arith.constant 40 : i32
        %dma_wait3A_1159 = arith.constant 0 : i32
        %dma_wait3A_1160 = tpu.memref_slice %arg9[%dma_wait3A_1158, %dma_wait3A_1159] : memref<64x128xf32, #tpu.memory_space<vmem>> -> memref<8x128xf32, #tpu.memory_space<vmem>>
        %dma_wait3A_1161 = arith.constant 0 : i32
        %dma_wait3A_1162 = arith.constant 0 : i32
        %dma_wait3A_1163 = tpu.memref_slice %arg4[%dma_wait3A_1157, %add3A, %dma_wait3A_1161, %dma_wait3A_1162] : memref<400x32x8x128xf32, #tpu.memory_space<hbm>> -> memref<1x1x8x128xf32, #tpu.memory_space<hbm>>
        %dma_wait3A_1164 = tpu.memref_squeeze %dma_wait3A_1163 : memref<1x1x8x128xf32, #tpu.memory_space<hbm>> -> memref<8x128xf32, #tpu.memory_space<hbm>>
        %dma_wait3A_1165 = arith.constant 0 : i32
        %dma_wait3A_1166 = arith.constant 0 : i32
        %dma_wait3A_1167 = tpu.memref_slice %arg4[%dma_wait3A_1157, %add3A, %dma_wait3A_1165, %dma_wait3A_1166] : memref<400x32x8x128xf32, #tpu.memory_space<hbm>> -> memref<1x1x8x128xf32, #tpu.memory_space<hbm>>
        %dma_wait3A_1168 = tpu.memref_squeeze %dma_wait3A_1167 : memref<1x1x8x128xf32, #tpu.memory_space<hbm>> -> memref<8x128xf32, #tpu.memory_space<hbm>>
        %dma_wait3A_1169 = arith.constant 40 : i32
        %dma_wait3A_1170 = arith.constant 0 : i32
        %dma_wait3A_1171 = tpu.memref_slice %arg9[%dma_wait3A_1169, %dma_wait3A_1170] : memref<64x128xf32, #tpu.memory_space<vmem>> -> memref<8x128xf32, #tpu.memory_space<vmem>>
        tpu.wait_dma2 semaphore(%arg13 : memref<!tpu.dma_semaphore, #tpu.memory_space<semaphore_mem>>) src(%dma_wait3A_1171 : memref<8x128xf32, #tpu.memory_space<vmem>>) dst(%dma_wait3A_1168 : memref<8x128xf32, #tpu.memory_space<hbm>>)
        %dma_wait3A_1172 = arith.constant 6 : i32
        %dma_wait3A_1173 = arith.constant 48 : i32
        %dma_wait3A_1174 = arith.constant 0 : i32
        %dma_wait3A_1175 = tpu.memref_slice %arg9[%dma_wait3A_1173, %dma_wait3A_1174] : memref<64x128xf32, #tpu.memory_space<vmem>> -> memref<8x128xf32, #tpu.memory_space<vmem>>
        %dma_wait3A_1176 = arith.constant 0 : i32
        %dma_wait3A_1177 = arith.constant 0 : i32
        %dma_wait3A_1178 = tpu.memref_slice %arg4[%dma_wait3A_1172, %add3A, %dma_wait3A_1176, %dma_wait3A_1177] : memref<400x32x8x128xf32, #tpu.memory_space<hbm>> -> memref<1x1x8x128xf32, #tpu.memory_space<hbm>>
        %dma_wait3A_1179 = tpu.memref_squeeze %dma_wait3A_1178 : memref<1x1x8x128xf32, #tpu.memory_space<hbm>> -> memref<8x128xf32, #tpu.memory_space<hbm>>
        %dma_wait3A_1180 = arith.constant 0 : i32
        %dma_wait3A_1181 = arith.constant 0 : i32
        %dma_wait3A_1182 = tpu.memref_slice %arg4[%dma_wait3A_1172, %add3A, %dma_wait3A_1180, %dma_wait3A_1181] : memref<400x32x8x128xf32, #tpu.memory_space<hbm>> -> memref<1x1x8x128xf32, #tpu.memory_space<hbm>>
        %dma_wait3A_1183 = tpu.memref_squeeze %dma_wait3A_1182 : memref<1x1x8x128xf32, #tpu.memory_space<hbm>> -> memref<8x128xf32, #tpu.memory_space<hbm>>
        %dma_wait3A_1184 = arith.constant 48 : i32
        %dma_wait3A_1185 = arith.constant 0 : i32
        %dma_wait3A_1186 = tpu.memref_slice %arg9[%dma_wait3A_1184, %dma_wait3A_1185] : memref<64x128xf32, #tpu.memory_space<vmem>> -> memref<8x128xf32, #tpu.memory_space<vmem>>
        tpu.wait_dma2 semaphore(%arg13 : memref<!tpu.dma_semaphore, #tpu.memory_space<semaphore_mem>>) src(%dma_wait3A_1186 : memref<8x128xf32, #tpu.memory_space<vmem>>) dst(%dma_wait3A_1183 : memref<8x128xf32, #tpu.memory_space<hbm>>)
        %dma_wait3A_1187 = arith.constant 7 : i32
        %dma_wait3A_1188 = arith.constant 56 : i32
        %dma_wait3A_1189 = arith.constant 0 : i32
        %dma_wait3A_1190 = tpu.memref_slice %arg9[%dma_wait3A_1188, %dma_wait3A_1189] : memref<64x128xf32, #tpu.memory_space<vmem>> -> memref<8x128xf32, #tpu.memory_space<vmem>>
        %dma_wait3A_1191 = arith.constant 0 : i32
        %dma_wait3A_1192 = arith.constant 0 : i32
        %dma_wait3A_1193 = tpu.memref_slice %arg4[%dma_wait3A_1187, %add3A, %dma_wait3A_1191, %dma_wait3A_1192] : memref<400x32x8x128xf32, #tpu.memory_space<hbm>> -> memref<1x1x8x128xf32, #tpu.memory_space<hbm>>
        %dma_wait3A_1194 = tpu.memref_squeeze %dma_wait3A_1193 : memref<1x1x8x128xf32, #tpu.memory_space<hbm>> -> memref<8x128xf32, #tpu.memory_space<hbm>>
        %dma_wait3A_1195 = arith.constant 0 : i32
        %dma_wait3A_1196 = arith.constant 0 : i32
        %dma_wait3A_1197 = tpu.memref_slice %arg4[%dma_wait3A_1187, %add3A, %dma_wait3A_1195, %dma_wait3A_1196] : memref<400x32x8x128xf32, #tpu.memory_space<hbm>> -> memref<1x1x8x128xf32, #tpu.memory_space<hbm>>
        %dma_wait3A_1198 = tpu.memref_squeeze %dma_wait3A_1197 : memref<1x1x8x128xf32, #tpu.memory_space<hbm>> -> memref<8x128xf32, #tpu.memory_space<hbm>>
        %dma_wait3A_1199 = arith.constant 56 : i32
        %dma_wait3A_1200 = arith.constant 0 : i32
        %dma_wait3A_1201 = tpu.memref_slice %arg9[%dma_wait3A_1199, %dma_wait3A_1200] : memref<64x128xf32, #tpu.memory_space<vmem>> -> memref<8x128xf32, #tpu.memory_space<vmem>>
        tpu.wait_dma2 semaphore(%arg13 : memref<!tpu.dma_semaphore, #tpu.memory_space<semaphore_mem>>) src(%dma_wait3A_1201 : memref<8x128xf32, #tpu.memory_space<vmem>>) dst(%dma_wait3A_1198 : memref<8x128xf32, #tpu.memory_space<hbm>>)
      } else {
      }
      %add3A_727 = arith.constant 0 : i32
      %add3A_728 = vector.broadcast %add3A_727 : i32 to vector<16xi32>
      %add3A_729 = arith.addi %and3A_7, %add3A_728 : vector<16xi32>
      %add3A_730 = arith.constant 0 : i32
      %add3A_731 = vector.broadcast %add3A_730 : i32 to vector<16xi32>
      %add3A_732 = arith.addi %and3A_13, %add3A_731 : vector<16xi32>
      %add3A_733 = arith.constant 0 : i32
      %add3A_734 = vector.broadcast %add3A_733 : i32 to vector<16xi32>
      %add3A_735 = arith.addi %and3A_19, %add3A_734 : vector<16xi32>
      %add3A_736 = arith.constant 0 : i32
      %add3A_737 = vector.broadcast %add3A_736 : i32 to vector<16xi32>
      %add3A_738 = arith.addi %and3A_25, %add3A_737 : vector<16xi32>
      %add3A_739 = arith.constant 0 : i32
      %add3A_740 = vector.broadcast %add3A_739 : i32 to vector<16xi32>
      %add3A_741 = arith.addi %and3A_31, %add3A_740 : vector<16xi32>
      %add3A_742 = arith.constant 0 : i32
      %add3A_743 = vector.broadcast %add3A_742 : i32 to vector<16xi32>
      %add3A_744 = arith.addi %and3A_37, %add3A_743 : vector<16xi32>
      %add3A_745 = arith.constant 0 : i32
      %add3A_746 = vector.broadcast %add3A_745 : i32 to vector<16xi32>
      %add3A_747 = arith.addi %and3A_43, %add3A_746 : vector<16xi32>
      %add3A_748 = arith.constant 0 : i32
      %add3A_749 = vector.broadcast %add3A_748 : i32 to vector<16xi32>
      %add3A_750 = arith.addi %and3A_49, %add3A_749 : vector<16xi32>
      %add3A_751 = arith.constant 0 : i32
      %add3A_752 = vector.broadcast %add3A_751 : i32 to vector<16xi32>
      %add3A_753 = arith.addi %and3A_55, %add3A_752 : vector<16xi32>
      %add3A_754 = arith.constant 0 : i32
      %add3A_755 = vector.broadcast %add3A_754 : i32 to vector<16xi32>
      %add3A_756 = arith.addi %and3A_61, %add3A_755 : vector<16xi32>
      %add3A_757 = arith.constant 0 : i32
      %add3A_758 = vector.broadcast %add3A_757 : i32 to vector<16xi32>
      %add3A_759 = arith.addi %and3A_67, %add3A_758 : vector<16xi32>
      %add3A_760 = arith.constant 0 : i32
      %add3A_761 = vector.broadcast %add3A_760 : i32 to vector<16xi32>
      %add3A_762 = arith.addi %and3A_73, %add3A_761 : vector<16xi32>
      %add3A_763 = arith.constant 0 : i32
      %add3A_764 = vector.broadcast %add3A_763 : i32 to vector<16xi32>
      %add3A_765 = arith.addi %and3A_79, %add3A_764 : vector<16xi32>
      %add3A_766 = arith.constant 0 : i32
      %add3A_767 = vector.broadcast %add3A_766 : i32 to vector<16xi32>
      %add3A_768 = arith.addi %and3A_85, %add3A_767 : vector<16xi32>
      %add3A_769 = arith.constant 0 : i32
      %add3A_770 = vector.broadcast %add3A_769 : i32 to vector<16xi32>
      %add3A_771 = arith.addi %and3A_91, %add3A_770 : vector<16xi32>
      %add3A_772 = arith.constant 0 : i32
      %add3A_773 = vector.broadcast %add3A_772 : i32 to vector<16xi32>
      %add3A_774 = arith.addi %and3A_97, %add3A_773 : vector<16xi32>
      %parallel_loop3A_775 = arith.constant 0 : i32
      %parallel_loop3A_776 = arith.constant 8 : i32
      %parallel_loop3A_777 = arith.constant 1 : i32
      scf.for %parallel_loop3A_1082 = %parallel_loop3A_775 to %parallel_loop3A_776 step %parallel_loop3A_777  : i32 {
        %parallel_loop3A_1083 = arith.constant 16 : i32
        %parallel_loop3A_1084 = arith.muli %parallel_loop3A_1082, %parallel_loop3A_1083 : i32
        %parallel_loop3A_1085 = vector.broadcast %parallel_loop3A_1084 : i32 to vector<16xi32>
        %parallel_loop3A_1086 = arith.addi %iota3A, %parallel_loop3A_1085 : vector<16xi32>
        %parallel_loop3A_1087 = tpu.vector_load_idx %arg7[%parallel_loop3A_1086, %add3A_729] : memref<128x64xf32, #tpu.memory_space<vmem>>[vector<16xi32>, vector<16xi32>], vector<16xf32>,
        %parallel_loop3A_1088 = tpu.vector_load_idx %arg7[%parallel_loop3A_1086, %add3A_732] : memref<128x64xf32, #tpu.memory_space<vmem>>[vector<16xi32>, vector<16xi32>], vector<16xf32>,
        %parallel_loop3A_1089 = tpu.vector_load_idx %arg7[%parallel_loop3A_1086, %add3A_735] : memref<128x64xf32, #tpu.memory_space<vmem>>[vector<16xi32>, vector<16xi32>], vector<16xf32>,
        %parallel_loop3A_1090 = tpu.vector_load_idx %arg7[%parallel_loop3A_1086, %add3A_738] : memref<128x64xf32, #tpu.memory_space<vmem>>[vector<16xi32>, vector<16xi32>], vector<16xf32>,
        %parallel_loop3A_1091 = tpu.vector_load_idx %arg7[%parallel_loop3A_1086, %add3A_741] : memref<128x64xf32, #tpu.memory_space<vmem>>[vector<16xi32>, vector<16xi32>], vector<16xf32>,
        tpu.vector_store_idx %arg9[%add3A_729, %parallel_loop3A_1086], %parallel_loop3A_1087 : memref<64x128xf32, #tpu.memory_space<vmem>>[vector<16xi32>, vector<16xi32>], vector<16xf32>,
        %parallel_loop3A_1092 = tpu.vector_load_idx %arg7[%parallel_loop3A_1086, %add3A_744] : memref<128x64xf32, #tpu.memory_space<vmem>>[vector<16xi32>, vector<16xi32>], vector<16xf32>,
        tpu.vector_store_idx %arg9[%add3A_732, %parallel_loop3A_1086], %parallel_loop3A_1088 : memref<64x128xf32, #tpu.memory_space<vmem>>[vector<16xi32>, vector<16xi32>], vector<16xf32>,
        %parallel_loop3A_1093 = tpu.vector_load_idx %arg7[%parallel_loop3A_1086, %add3A_747] : memref<128x64xf32, #tpu.memory_space<vmem>>[vector<16xi32>, vector<16xi32>], vector<16xf32>,
        tpu.vector_store_idx %arg9[%add3A_735, %parallel_loop3A_1086], %parallel_loop3A_1089 : memref<64x128xf32, #tpu.memory_space<vmem>>[vector<16xi32>, vector<16xi32>], vector<16xf32>,
        %parallel_loop3A_1094 = tpu.vector_load_idx %arg7[%parallel_loop3A_1086, %add3A_750] : memref<128x64xf32, #tpu.memory_space<vmem>>[vector<16xi32>, vector<16xi32>], vector<16xf32>,
        tpu.vector_store_idx %arg9[%add3A_738, %parallel_loop3A_1086], %parallel_loop3A_1090 : memref<64x128xf32, #tpu.memory_space<vmem>>[vector<16xi32>, vector<16xi32>], vector<16xf32>,
        %parallel_loop3A_1095 = tpu.vector_load_idx %arg7[%parallel_loop3A_1086, %add3A_753] : memref<128x64xf32, #tpu.memory_space<vmem>>[vector<16xi32>, vector<16xi32>], vector<16xf32>,
        tpu.vector_store_idx %arg9[%add3A_741, %parallel_loop3A_1086], %parallel_loop3A_1091 : memref<64x128xf32, #tpu.memory_space<vmem>>[vector<16xi32>, vector<16xi32>], vector<16xf32>,
        %parallel_loop3A_1096 = tpu.vector_load_idx %arg7[%parallel_loop3A_1086, %add3A_756] : memref<128x64xf32, #tpu.memory_space<vmem>>[vector<16xi32>, vector<16xi32>], vector<16xf32>,
        tpu.vector_store_idx %arg9[%add3A_744, %parallel_loop3A_1086], %parallel_loop3A_1092 : memref<64x128xf32, #tpu.memory_space<vmem>>[vector<16xi32>, vector<16xi32>], vector<16xf32>,
        %parallel_loop3A_1097 = tpu.vector_load_idx %arg7[%parallel_loop3A_1086, %add3A_759] : memref<128x64xf32, #tpu.memory_space<vmem>>[vector<16xi32>, vector<16xi32>], vector<16xf32>,
        tpu.vector_store_idx %arg9[%add3A_747, %parallel_loop3A_1086], %parallel_loop3A_1093 : memref<64x128xf32, #tpu.memory_space<vmem>>[vector<16xi32>, vector<16xi32>], vector<16xf32>,
        %parallel_loop3A_1098 = tpu.vector_load_idx %arg7[%parallel_loop3A_1086, %add3A_762] : memref<128x64xf32, #tpu.memory_space<vmem>>[vector<16xi32>, vector<16xi32>], vector<16xf32>,
        tpu.vector_store_idx %arg9[%add3A_750, %parallel_loop3A_1086], %parallel_loop3A_1094 : memref<64x128xf32, #tpu.memory_space<vmem>>[vector<16xi32>, vector<16xi32>], vector<16xf32>,
        %parallel_loop3A_1099 = tpu.vector_load_idx %arg7[%parallel_loop3A_1086, %add3A_765] : memref<128x64xf32, #tpu.memory_space<vmem>>[vector<16xi32>, vector<16xi32>], vector<16xf32>,
        tpu.vector_store_idx %arg9[%add3A_753, %parallel_loop3A_1086], %parallel_loop3A_1095 : memref<64x128xf32, #tpu.memory_space<vmem>>[vector<16xi32>, vector<16xi32>], vector<16xf32>,
        %parallel_loop3A_1100 = tpu.vector_load_idx %arg7[%parallel_loop3A_1086, %add3A_768] : memref<128x64xf32, #tpu.memory_space<vmem>>[vector<16xi32>, vector<16xi32>], vector<16xf32>,
        tpu.vector_store_idx %arg9[%add3A_756, %parallel_loop3A_1086], %parallel_loop3A_1096 : memref<64x128xf32, #tpu.memory_space<vmem>>[vector<16xi32>, vector<16xi32>], vector<16xf32>,
        %parallel_loop3A_1101 = tpu.vector_load_idx %arg7[%parallel_loop3A_1086, %add3A_771] : memref<128x64xf32, #tpu.memory_space<vmem>>[vector<16xi32>, vector<16xi32>], vector<16xf32>,
        tpu.vector_store_idx %arg9[%add3A_759, %parallel_loop3A_1086], %parallel_loop3A_1097 : memref<64x128xf32, #tpu.memory_space<vmem>>[vector<16xi32>, vector<16xi32>], vector<16xf32>,
        %parallel_loop3A_1102 = tpu.vector_load_idx %arg7[%parallel_loop3A_1086, %add3A_774] : memref<128x64xf32, #tpu.memory_space<vmem>>[vector<16xi32>, vector<16xi32>], vector<16xf32>,
        tpu.vector_store_idx %arg9[%add3A_762, %parallel_loop3A_1086], %parallel_loop3A_1098 : memref<64x128xf32, #tpu.memory_space<vmem>>[vector<16xi32>, vector<16xi32>], vector<16xf32>,
        tpu.vector_store_idx %arg9[%add3A_765, %parallel_loop3A_1086], %parallel_loop3A_1099 : memref<64x128xf32, #tpu.memory_space<vmem>>[vector<16xi32>, vector<16xi32>], vector<16xf32>,
        tpu.vector_store_idx %arg9[%add3A_768, %parallel_loop3A_1086], %parallel_loop3A_1100 : memref<64x128xf32, #tpu.memory_space<vmem>>[vector<16xi32>, vector<16xi32>], vector<16xf32>,
        tpu.vector_store_idx %arg9[%add3A_771, %parallel_loop3A_1086], %parallel_loop3A_1101 : memref<64x128xf32, #tpu.memory_space<vmem>>[vector<16xi32>, vector<16xi32>], vector<16xf32>,
        tpu.vector_store_idx %arg9[%add3A_774, %parallel_loop3A_1086], %parallel_loop3A_1102 : memref<64x128xf32, #tpu.memory_space<vmem>>[vector<16xi32>, vector<16xi32>], vector<16xf32>,
      } {sc.loop_unroll_factor = 2 : i64, sc.parallel_access}
      %add3A_778 = arith.constant 16 : i32
      %add3A_779 = vector.broadcast %add3A_778 : i32 to vector<16xi32>
      %add3A_780 = arith.addi %and3A_7, %add3A_779 : vector<16xi32>
      %add3A_781 = arith.constant 16 : i32
      %add3A_782 = vector.broadcast %add3A_781 : i32 to vector<16xi32>
      %add3A_783 = arith.addi %and3A_13, %add3A_782 : vector<16xi32>
      %add3A_784 = arith.constant 16 : i32
      %add3A_785 = vector.broadcast %add3A_784 : i32 to vector<16xi32>
      %add3A_786 = arith.addi %and3A_19, %add3A_785 : vector<16xi32>
      %add3A_787 = arith.constant 16 : i32
      %add3A_788 = vector.broadcast %add3A_787 : i32 to vector<16xi32>
      %add3A_789 = arith.addi %and3A_25, %add3A_788 : vector<16xi32>
      %add3A_790 = arith.constant 16 : i32
      %add3A_791 = vector.broadcast %add3A_790 : i32 to vector<16xi32>
      %add3A_792 = arith.addi %and3A_31, %add3A_791 : vector<16xi32>
      %add3A_793 = arith.constant 16 : i32
      %add3A_794 = vector.broadcast %add3A_793 : i32 to vector<16xi32>
      %add3A_795 = arith.addi %and3A_37, %add3A_794 : vector<16xi32>
      %add3A_796 = arith.constant 16 : i32
      %add3A_797 = vector.broadcast %add3A_796 : i32 to vector<16xi32>
      %add3A_798 = arith.addi %and3A_43, %add3A_797 : vector<16xi32>
      %add3A_799 = arith.constant 16 : i32
      %add3A_800 = vector.broadcast %add3A_799 : i32 to vector<16xi32>
      %add3A_801 = arith.addi %and3A_49, %add3A_800 : vector<16xi32>
      %add3A_802 = arith.constant 16 : i32
      %add3A_803 = vector.broadcast %add3A_802 : i32 to vector<16xi32>
      %add3A_804 = arith.addi %and3A_55, %add3A_803 : vector<16xi32>
      %add3A_805 = arith.constant 16 : i32
      %add3A_806 = vector.broadcast %add3A_805 : i32 to vector<16xi32>
      %add3A_807 = arith.addi %and3A_61, %add3A_806 : vector<16xi32>
      %add3A_808 = arith.constant 16 : i32
      %add3A_809 = vector.broadcast %add3A_808 : i32 to vector<16xi32>
      %add3A_810 = arith.addi %and3A_67, %add3A_809 : vector<16xi32>
      %add3A_811 = arith.constant 16 : i32
      %add3A_812 = vector.broadcast %add3A_811 : i32 to vector<16xi32>
      %add3A_813 = arith.addi %and3A_73, %add3A_812 : vector<16xi32>
      %add3A_814 = arith.constant 16 : i32
      %add3A_815 = vector.broadcast %add3A_814 : i32 to vector<16xi32>
      %add3A_816 = arith.addi %and3A_79, %add3A_815 : vector<16xi32>
      %add3A_817 = arith.constant 16 : i32
      %add3A_818 = vector.broadcast %add3A_817 : i32 to vector<16xi32>
      %add3A_819 = arith.addi %and3A_85, %add3A_818 : vector<16xi32>
      %add3A_820 = arith.constant 16 : i32
      %add3A_821 = vector.broadcast %add3A_820 : i32 to vector<16xi32>
      %add3A_822 = arith.addi %and3A_91, %add3A_821 : vector<16xi32>
      %add3A_823 = arith.constant 16 : i32
      %add3A_824 = vector.broadcast %add3A_823 : i32 to vector<16xi32>
      %add3A_825 = arith.addi %and3A_97, %add3A_824 : vector<16xi32>
      %parallel_loop3A_826 = arith.constant 0 : i32
      %parallel_loop3A_827 = arith.constant 8 : i32
      %parallel_loop3A_828 = arith.constant 1 : i32
      scf.for %parallel_loop3A_1082 = %parallel_loop3A_826 to %parallel_loop3A_827 step %parallel_loop3A_828  : i32 {
        %parallel_loop3A_1083 = arith.constant 16 : i32
        %parallel_loop3A_1084 = arith.muli %parallel_loop3A_1082, %parallel_loop3A_1083 : i32
        %parallel_loop3A_1085 = vector.broadcast %parallel_loop3A_1084 : i32 to vector<16xi32>
        %parallel_loop3A_1086 = arith.addi %iota3A, %parallel_loop3A_1085 : vector<16xi32>
        %parallel_loop3A_1087 = tpu.vector_load_idx %arg7[%parallel_loop3A_1086, %add3A_780] : memref<128x64xf32, #tpu.memory_space<vmem>>[vector<16xi32>, vector<16xi32>], vector<16xf32>,
        %parallel_loop3A_1088 = tpu.vector_load_idx %arg7[%parallel_loop3A_1086, %add3A_783] : memref<128x64xf32, #tpu.memory_space<vmem>>[vector<16xi32>, vector<16xi32>], vector<16xf32>,
        %parallel_loop3A_1089 = tpu.vector_load_idx %arg7[%parallel_loop3A_1086, %add3A_786] : memref<128x64xf32, #tpu.memory_space<vmem>>[vector<16xi32>, vector<16xi32>], vector<16xf32>,
        %parallel_loop3A_1090 = tpu.vector_load_idx %arg7[%parallel_loop3A_1086, %add3A_789] : memref<128x64xf32, #tpu.memory_space<vmem>>[vector<16xi32>, vector<16xi32>], vector<16xf32>,
        %parallel_loop3A_1091 = tpu.vector_load_idx %arg7[%parallel_loop3A_1086, %add3A_792] : memref<128x64xf32, #tpu.memory_space<vmem>>[vector<16xi32>, vector<16xi32>], vector<16xf32>,
        tpu.vector_store_idx %arg9[%add3A_780, %parallel_loop3A_1086], %parallel_loop3A_1087 : memref<64x128xf32, #tpu.memory_space<vmem>>[vector<16xi32>, vector<16xi32>], vector<16xf32>,
        %parallel_loop3A_1092 = tpu.vector_load_idx %arg7[%parallel_loop3A_1086, %add3A_795] : memref<128x64xf32, #tpu.memory_space<vmem>>[vector<16xi32>, vector<16xi32>], vector<16xf32>,
        tpu.vector_store_idx %arg9[%add3A_783, %parallel_loop3A_1086], %parallel_loop3A_1088 : memref<64x128xf32, #tpu.memory_space<vmem>>[vector<16xi32>, vector<16xi32>], vector<16xf32>,
        %parallel_loop3A_1093 = tpu.vector_load_idx %arg7[%parallel_loop3A_1086, %add3A_798] : memref<128x64xf32, #tpu.memory_space<vmem>>[vector<16xi32>, vector<16xi32>], vector<16xf32>,
        tpu.vector_store_idx %arg9[%add3A_786, %parallel_loop3A_1086], %parallel_loop3A_1089 : memref<64x128xf32, #tpu.memory_space<vmem>>[vector<16xi32>, vector<16xi32>], vector<16xf32>,
        %parallel_loop3A_1094 = tpu.vector_load_idx %arg7[%parallel_loop3A_1086, %add3A_801] : memref<128x64xf32, #tpu.memory_space<vmem>>[vector<16xi32>, vector<16xi32>], vector<16xf32>,
        tpu.vector_store_idx %arg9[%add3A_789, %parallel_loop3A_1086], %parallel_loop3A_1090 : memref<64x128xf32, #tpu.memory_space<vmem>>[vector<16xi32>, vector<16xi32>], vector<16xf32>,
        %parallel_loop3A_1095 = tpu.vector_load_idx %arg7[%parallel_loop3A_1086, %add3A_804] : memref<128x64xf32, #tpu.memory_space<vmem>>[vector<16xi32>, vector<16xi32>], vector<16xf32>,
        tpu.vector_store_idx %arg9[%add3A_792, %parallel_loop3A_1086], %parallel_loop3A_1091 : memref<64x128xf32, #tpu.memory_space<vmem>>[vector<16xi32>, vector<16xi32>], vector<16xf32>,
        %parallel_loop3A_1096 = tpu.vector_load_idx %arg7[%parallel_loop3A_1086, %add3A_807] : memref<128x64xf32, #tpu.memory_space<vmem>>[vector<16xi32>, vector<16xi32>], vector<16xf32>,
        tpu.vector_store_idx %arg9[%add3A_795, %parallel_loop3A_1086], %parallel_loop3A_1092 : memref<64x128xf32, #tpu.memory_space<vmem>>[vector<16xi32>, vector<16xi32>], vector<16xf32>,
        %parallel_loop3A_1097 = tpu.vector_load_idx %arg7[%parallel_loop3A_1086, %add3A_810] : memref<128x64xf32, #tpu.memory_space<vmem>>[vector<16xi32>, vector<16xi32>], vector<16xf32>,
        tpu.vector_store_idx %arg9[%add3A_798, %parallel_loop3A_1086], %parallel_loop3A_1093 : memref<64x128xf32, #tpu.memory_space<vmem>>[vector<16xi32>, vector<16xi32>], vector<16xf32>,
        %parallel_loop3A_1098 = tpu.vector_load_idx %arg7[%parallel_loop3A_1086, %add3A_813] : memref<128x64xf32, #tpu.memory_space<vmem>>[vector<16xi32>, vector<16xi32>], vector<16xf32>,
        tpu.vector_store_idx %arg9[%add3A_801, %parallel_loop3A_1086], %parallel_loop3A_1094 : memref<64x128xf32, #tpu.memory_space<vmem>>[vector<16xi32>, vector<16xi32>], vector<16xf32>,
        %parallel_loop3A_1099 = tpu.vector_load_idx %arg7[%parallel_loop3A_1086, %add3A_816] : memref<128x64xf32, #tpu.memory_space<vmem>>[vector<16xi32>, vector<16xi32>], vector<16xf32>,
        tpu.vector_store_idx %arg9[%add3A_804, %parallel_loop3A_1086], %parallel_loop3A_1095 : memref<64x128xf32, #tpu.memory_space<vmem>>[vector<16xi32>, vector<16xi32>], vector<16xf32>,
        %parallel_loop3A_1100 = tpu.vector_load_idx %arg7[%parallel_loop3A_1086, %add3A_819] : memref<128x64xf32, #tpu.memory_space<vmem>>[vector<16xi32>, vector<16xi32>], vector<16xf32>,
        tpu.vector_store_idx %arg9[%add3A_807, %parallel_loop3A_1086], %parallel_loop3A_1096 : memref<64x128xf32, #tpu.memory_space<vmem>>[vector<16xi32>, vector<16xi32>], vector<16xf32>,
        %parallel_loop3A_1101 = tpu.vector_load_idx %arg7[%parallel_loop3A_1086, %add3A_822] : memref<128x64xf32, #tpu.memory_space<vmem>>[vector<16xi32>, vector<16xi32>], vector<16xf32>,
        tpu.vector_store_idx %arg9[%add3A_810, %parallel_loop3A_1086], %parallel_loop3A_1097 : memref<64x128xf32, #tpu.memory_space<vmem>>[vector<16xi32>, vector<16xi32>], vector<16xf32>,
        %parallel_loop3A_1102 = tpu.vector_load_idx %arg7[%parallel_loop3A_1086, %add3A_825] : memref<128x64xf32, #tpu.memory_space<vmem>>[vector<16xi32>, vector<16xi32>], vector<16xf32>,
        tpu.vector_store_idx %arg9[%add3A_813, %parallel_loop3A_1086], %parallel_loop3A_1098 : memref<64x128xf32, #tpu.memory_space<vmem>>[vector<16xi32>, vector<16xi32>], vector<16xf32>,
        tpu.vector_store_idx %arg9[%add3A_816, %parallel_loop3A_1086], %parallel_loop3A_1099 : memref<64x128xf32, #tpu.memory_space<vmem>>[vector<16xi32>, vector<16xi32>], vector<16xf32>,
        tpu.vector_store_idx %arg9[%add3A_819, %parallel_loop3A_1086], %parallel_loop3A_1100 : memref<64x128xf32, #tpu.memory_space<vmem>>[vector<16xi32>, vector<16xi32>], vector<16xf32>,
        tpu.vector_store_idx %arg9[%add3A_822, %parallel_loop3A_1086], %parallel_loop3A_1101 : memref<64x128xf32, #tpu.memory_space<vmem>>[vector<16xi32>, vector<16xi32>], vector<16xf32>,
        tpu.vector_store_idx %arg9[%add3A_825, %parallel_loop3A_1086], %parallel_loop3A_1102 : memref<64x128xf32, #tpu.memory_space<vmem>>[vector<16xi32>, vector<16xi32>], vector<16xf32>,
      } {sc.loop_unroll_factor = 2 : i64, sc.parallel_access}
      %add3A_829 = arith.constant 32 : i32
      %add3A_830 = vector.broadcast %add3A_829 : i32 to vector<16xi32>
      %add3A_831 = arith.addi %and3A_7, %add3A_830 : vector<16xi32>
      %add3A_832 = arith.constant 32 : i32
      %add3A_833 = vector.broadcast %add3A_832 : i32 to vector<16xi32>
      %add3A_834 = arith.addi %and3A_13, %add3A_833 : vector<16xi32>
      %add3A_835 = arith.constant 32 : i32
      %add3A_836 = vector.broadcast %add3A_835 : i32 to vector<16xi32>
      %add3A_837 = arith.addi %and3A_19, %add3A_836 : vector<16xi32>
      %add3A_838 = arith.constant 32 : i32
      %add3A_839 = vector.broadcast %add3A_838 : i32 to vector<16xi32>
      %add3A_840 = arith.addi %and3A_25, %add3A_839 : vector<16xi32>
      %add3A_841 = arith.constant 32 : i32
      %add3A_842 = vector.broadcast %add3A_841 : i32 to vector<16xi32>
      %add3A_843 = arith.addi %and3A_31, %add3A_842 : vector<16xi32>
      %add3A_844 = arith.constant 32 : i32
      %add3A_845 = vector.broadcast %add3A_844 : i32 to vector<16xi32>
      %add3A_846 = arith.addi %and3A_37, %add3A_845 : vector<16xi32>
      %add3A_847 = arith.constant 32 : i32
      %add3A_848 = vector.broadcast %add3A_847 : i32 to vector<16xi32>
      %add3A_849 = arith.addi %and3A_43, %add3A_848 : vector<16xi32>
      %add3A_850 = arith.constant 32 : i32
      %add3A_851 = vector.broadcast %add3A_850 : i32 to vector<16xi32>
      %add3A_852 = arith.addi %and3A_49, %add3A_851 : vector<16xi32>
      %add3A_853 = arith.constant 32 : i32
      %add3A_854 = vector.broadcast %add3A_853 : i32 to vector<16xi32>
      %add3A_855 = arith.addi %and3A_55, %add3A_854 : vector<16xi32>
      %add3A_856 = arith.constant 32 : i32
      %add3A_857 = vector.broadcast %add3A_856 : i32 to vector<16xi32>
      %add3A_858 = arith.addi %and3A_61, %add3A_857 : vector<16xi32>
      %add3A_859 = arith.constant 32 : i32
      %add3A_860 = vector.broadcast %add3A_859 : i32 to vector<16xi32>
      %add3A_861 = arith.addi %and3A_67, %add3A_860 : vector<16xi32>
      %add3A_862 = arith.constant 32 : i32
      %add3A_863 = vector.broadcast %add3A_862 : i32 to vector<16xi32>
      %add3A_864 = arith.addi %and3A_73, %add3A_863 : vector<16xi32>
      %add3A_865 = arith.constant 32 : i32
      %add3A_866 = vector.broadcast %add3A_865 : i32 to vector<16xi32>
      %add3A_867 = arith.addi %and3A_79, %add3A_866 : vector<16xi32>
      %add3A_868 = arith.constant 32 : i32
      %add3A_869 = vector.broadcast %add3A_868 : i32 to vector<16xi32>
      %add3A_870 = arith.addi %and3A_85, %add3A_869 : vector<16xi32>
      %add3A_871 = arith.constant 32 : i32
      %add3A_872 = vector.broadcast %add3A_871 : i32 to vector<16xi32>
      %add3A_873 = arith.addi %and3A_91, %add3A_872 : vector<16xi32>
      %add3A_874 = arith.constant 32 : i32
      %add3A_875 = vector.broadcast %add3A_874 : i32 to vector<16xi32>
      %add3A_876 = arith.addi %and3A_97, %add3A_875 : vector<16xi32>
      %parallel_loop3A_877 = arith.constant 0 : i32
      %parallel_loop3A_878 = arith.constant 8 : i32
      %parallel_loop3A_879 = arith.constant 1 : i32
      scf.for %parallel_loop3A_1082 = %parallel_loop3A_877 to %parallel_loop3A_878 step %parallel_loop3A_879  : i32 {
        %parallel_loop3A_1083 = arith.constant 16 : i32
        %parallel_loop3A_1084 = arith.muli %parallel_loop3A_1082, %parallel_loop3A_1083 : i32
        %parallel_loop3A_1085 = vector.broadcast %parallel_loop3A_1084 : i32 to vector<16xi32>
        %parallel_loop3A_1086 = arith.addi %iota3A, %parallel_loop3A_1085 : vector<16xi32>
        %parallel_loop3A_1087 = tpu.vector_load_idx %arg7[%parallel_loop3A_1086, %add3A_831] : memref<128x64xf32, #tpu.memory_space<vmem>>[vector<16xi32>, vector<16xi32>], vector<16xf32>,
        %parallel_loop3A_1088 = tpu.vector_load_idx %arg7[%parallel_loop3A_1086, %add3A_834] : memref<128x64xf32, #tpu.memory_space<vmem>>[vector<16xi32>, vector<16xi32>], vector<16xf32>,
        %parallel_loop3A_1089 = tpu.vector_load_idx %arg7[%parallel_loop3A_1086, %add3A_837] : memref<128x64xf32, #tpu.memory_space<vmem>>[vector<16xi32>, vector<16xi32>], vector<16xf32>,
        %parallel_loop3A_1090 = tpu.vector_load_idx %arg7[%parallel_loop3A_1086, %add3A_840] : memref<128x64xf32, #tpu.memory_space<vmem>>[vector<16xi32>, vector<16xi32>], vector<16xf32>,
        %parallel_loop3A_1091 = tpu.vector_load_idx %arg7[%parallel_loop3A_1086, %add3A_843] : memref<128x64xf32, #tpu.memory_space<vmem>>[vector<16xi32>, vector<16xi32>], vector<16xf32>,
        tpu.vector_store_idx %arg9[%add3A_831, %parallel_loop3A_1086], %parallel_loop3A_1087 : memref<64x128xf32, #tpu.memory_space<vmem>>[vector<16xi32>, vector<16xi32>], vector<16xf32>,
        %parallel_loop3A_1092 = tpu.vector_load_idx %arg7[%parallel_loop3A_1086, %add3A_846] : memref<128x64xf32, #tpu.memory_space<vmem>>[vector<16xi32>, vector<16xi32>], vector<16xf32>,
        tpu.vector_store_idx %arg9[%add3A_834, %parallel_loop3A_1086], %parallel_loop3A_1088 : memref<64x128xf32, #tpu.memory_space<vmem>>[vector<16xi32>, vector<16xi32>], vector<16xf32>,
        %parallel_loop3A_1093 = tpu.vector_load_idx %arg7[%parallel_loop3A_1086, %add3A_849] : memref<128x64xf32, #tpu.memory_space<vmem>>[vector<16xi32>, vector<16xi32>], vector<16xf32>,
        tpu.vector_store_idx %arg9[%add3A_837, %parallel_loop3A_1086], %parallel_loop3A_1089 : memref<64x128xf32, #tpu.memory_space<vmem>>[vector<16xi32>, vector<16xi32>], vector<16xf32>,
        %parallel_loop3A_1094 = tpu.vector_load_idx %arg7[%parallel_loop3A_1086, %add3A_852] : memref<128x64xf32, #tpu.memory_space<vmem>>[vector<16xi32>, vector<16xi32>], vector<16xf32>,
        tpu.vector_store_idx %arg9[%add3A_840, %parallel_loop3A_1086], %parallel_loop3A_1090 : memref<64x128xf32, #tpu.memory_space<vmem>>[vector<16xi32>, vector<16xi32>], vector<16xf32>,
        %parallel_loop3A_1095 = tpu.vector_load_idx %arg7[%parallel_loop3A_1086, %add3A_855] : memref<128x64xf32, #tpu.memory_space<vmem>>[vector<16xi32>, vector<16xi32>], vector<16xf32>,
        tpu.vector_store_idx %arg9[%add3A_843, %parallel_loop3A_1086], %parallel_loop3A_1091 : memref<64x128xf32, #tpu.memory_space<vmem>>[vector<16xi32>, vector<16xi32>], vector<16xf32>,
        %parallel_loop3A_1096 = tpu.vector_load_idx %arg7[%parallel_loop3A_1086, %add3A_858] : memref<128x64xf32, #tpu.memory_space<vmem>>[vector<16xi32>, vector<16xi32>], vector<16xf32>,
        tpu.vector_store_idx %arg9[%add3A_846, %parallel_loop3A_1086], %parallel_loop3A_1092 : memref<64x128xf32, #tpu.memory_space<vmem>>[vector<16xi32>, vector<16xi32>], vector<16xf32>,
        %parallel_loop3A_1097 = tpu.vector_load_idx %arg7[%parallel_loop3A_1086, %add3A_861] : memref<128x64xf32, #tpu.memory_space<vmem>>[vector<16xi32>, vector<16xi32>], vector<16xf32>,
        tpu.vector_store_idx %arg9[%add3A_849, %parallel_loop3A_1086], %parallel_loop3A_1093 : memref<64x128xf32, #tpu.memory_space<vmem>>[vector<16xi32>, vector<16xi32>], vector<16xf32>,
        %parallel_loop3A_1098 = tpu.vector_load_idx %arg7[%parallel_loop3A_1086, %add3A_864] : memref<128x64xf32, #tpu.memory_space<vmem>>[vector<16xi32>, vector<16xi32>], vector<16xf32>,
        tpu.vector_store_idx %arg9[%add3A_852, %parallel_loop3A_1086], %parallel_loop3A_1094 : memref<64x128xf32, #tpu.memory_space<vmem>>[vector<16xi32>, vector<16xi32>], vector<16xf32>,
        %parallel_loop3A_1099 = tpu.vector_load_idx %arg7[%parallel_loop3A_1086, %add3A_867] : memref<128x64xf32, #tpu.memory_space<vmem>>[vector<16xi32>, vector<16xi32>], vector<16xf32>,
        tpu.vector_store_idx %arg9[%add3A_855, %parallel_loop3A_1086], %parallel_loop3A_1095 : memref<64x128xf32, #tpu.memory_space<vmem>>[vector<16xi32>, vector<16xi32>], vector<16xf32>,
        %parallel_loop3A_1100 = tpu.vector_load_idx %arg7[%parallel_loop3A_1086, %add3A_870] : memref<128x64xf32, #tpu.memory_space<vmem>>[vector<16xi32>, vector<16xi32>], vector<16xf32>,
        tpu.vector_store_idx %arg9[%add3A_858, %parallel_loop3A_1086], %parallel_loop3A_1096 : memref<64x128xf32, #tpu.memory_space<vmem>>[vector<16xi32>, vector<16xi32>], vector<16xf32>,
        %parallel_loop3A_1101 = tpu.vector_load_idx %arg7[%parallel_loop3A_1086, %add3A_873] : memref<128x64xf32, #tpu.memory_space<vmem>>[vector<16xi32>, vector<16xi32>], vector<16xf32>,
        tpu.vector_store_idx %arg9[%add3A_861, %parallel_loop3A_1086], %parallel_loop3A_1097 : memref<64x128xf32, #tpu.memory_space<vmem>>[vector<16xi32>, vector<16xi32>], vector<16xf32>,
        %parallel_loop3A_1102 = tpu.vector_load_idx %arg7[%parallel_loop3A_1086, %add3A_876] : memref<128x64xf32, #tpu.memory_space<vmem>>[vector<16xi32>, vector<16xi32>], vector<16xf32>,
        tpu.vector_store_idx %arg9[%add3A_864, %parallel_loop3A_1086], %parallel_loop3A_1098 : memref<64x128xf32, #tpu.memory_space<vmem>>[vector<16xi32>, vector<16xi32>], vector<16xf32>,
        tpu.vector_store_idx %arg9[%add3A_867, %parallel_loop3A_1086], %parallel_loop3A_1099 : memref<64x128xf32, #tpu.memory_space<vmem>>[vector<16xi32>, vector<16xi32>], vector<16xf32>,
        tpu.vector_store_idx %arg9[%add3A_870, %parallel_loop3A_1086], %parallel_loop3A_1100 : memref<64x128xf32, #tpu.memory_space<vmem>>[vector<16xi32>, vector<16xi32>], vector<16xf32>,
        tpu.vector_store_idx %arg9[%add3A_873, %parallel_loop3A_1086], %parallel_loop3A_1101 : memref<64x128xf32, #tpu.memory_space<vmem>>[vector<16xi32>, vector<16xi32>], vector<16xf32>,
        tpu.vector_store_idx %arg9[%add3A_876, %parallel_loop3A_1086], %parallel_loop3A_1102 : memref<64x128xf32, #tpu.memory_space<vmem>>[vector<16xi32>, vector<16xi32>], vector<16xf32>,
      } {sc.loop_unroll_factor = 2 : i64, sc.parallel_access}
      %add3A_880 = arith.constant 48 : i32
      %add3A_881 = vector.broadcast %add3A_880 : i32 to vector<16xi32>
      %add3A_882 = arith.addi %and3A_7, %add3A_881 : vector<16xi32>
      %add3A_883 = arith.constant 48 : i32
      %add3A_884 = vector.broadcast %add3A_883 : i32 to vector<16xi32>
      %add3A_885 = arith.addi %and3A_13, %add3A_884 : vector<16xi32>
      %add3A_886 = arith.constant 48 : i32
      %add3A_887 = vector.broadcast %add3A_886 : i32 to vector<16xi32>
      %add3A_888 = arith.addi %and3A_19, %add3A_887 : vector<16xi32>
      %add3A_889 = arith.constant 48 : i32
      %add3A_890 = vector.broadcast %add3A_889 : i32 to vector<16xi32>
      %add3A_891 = arith.addi %and3A_25, %add3A_890 : vector<16xi32>
      %add3A_892 = arith.constant 48 : i32
      %add3A_893 = vector.broadcast %add3A_892 : i32 to vector<16xi32>
      %add3A_894 = arith.addi %and3A_31, %add3A_893 : vector<16xi32>
      %add3A_895 = arith.constant 48 : i32
      %add3A_896 = vector.broadcast %add3A_895 : i32 to vector<16xi32>
      %add3A_897 = arith.addi %and3A_37, %add3A_896 : vector<16xi32>
      %add3A_898 = arith.constant 48 : i32
      %add3A_899 = vector.broadcast %add3A_898 : i32 to vector<16xi32>
      %add3A_900 = arith.addi %and3A_43, %add3A_899 : vector<16xi32>
      %add3A_901 = arith.constant 48 : i32
      %add3A_902 = vector.broadcast %add3A_901 : i32 to vector<16xi32>
      %add3A_903 = arith.addi %and3A_49, %add3A_902 : vector<16xi32>
      %add3A_904 = arith.constant 48 : i32
      %add3A_905 = vector.broadcast %add3A_904 : i32 to vector<16xi32>
      %add3A_906 = arith.addi %and3A_55, %add3A_905 : vector<16xi32>
      %add3A_907 = arith.constant 48 : i32
      %add3A_908 = vector.broadcast %add3A_907 : i32 to vector<16xi32>
      %add3A_909 = arith.addi %and3A_61, %add3A_908 : vector<16xi32>
      %add3A_910 = arith.constant 48 : i32
      %add3A_911 = vector.broadcast %add3A_910 : i32 to vector<16xi32>
      %add3A_912 = arith.addi %and3A_67, %add3A_911 : vector<16xi32>
      %add3A_913 = arith.constant 48 : i32
      %add3A_914 = vector.broadcast %add3A_913 : i32 to vector<16xi32>
      %add3A_915 = arith.addi %and3A_73, %add3A_914 : vector<16xi32>
      %add3A_916 = arith.constant 48 : i32
      %add3A_917 = vector.broadcast %add3A_916 : i32 to vector<16xi32>
      %add3A_918 = arith.addi %and3A_79, %add3A_917 : vector<16xi32>
      %add3A_919 = arith.constant 48 : i32
      %add3A_920 = vector.broadcast %add3A_919 : i32 to vector<16xi32>
      %add3A_921 = arith.addi %and3A_85, %add3A_920 : vector<16xi32>
      %add3A_922 = arith.constant 48 : i32
      %add3A_923 = vector.broadcast %add3A_922 : i32 to vector<16xi32>
      %add3A_924 = arith.addi %and3A_91, %add3A_923 : vector<16xi32>
      %add3A_925 = arith.constant 48 : i32
      %add3A_926 = vector.broadcast %add3A_925 : i32 to vector<16xi32>
      %add3A_927 = arith.addi %and3A_97, %add3A_926 : vector<16xi32>
      %parallel_loop3A_928 = arith.constant 0 : i32
      %parallel_loop3A_929 = arith.constant 8 : i32
      %parallel_loop3A_930 = arith.constant 1 : i32
      scf.for %parallel_loop3A_1082 = %parallel_loop3A_928 to %parallel_loop3A_929 step %parallel_loop3A_930  : i32 {
        %parallel_loop3A_1083 = arith.constant 16 : i32
        %parallel_loop3A_1084 = arith.muli %parallel_loop3A_1082, %parallel_loop3A_1083 : i32
        %parallel_loop3A_1085 = vector.broadcast %parallel_loop3A_1084 : i32 to vector<16xi32>
        %parallel_loop3A_1086 = arith.addi %iota3A, %parallel_loop3A_1085 : vector<16xi32>
        %parallel_loop3A_1087 = tpu.vector_load_idx %arg7[%parallel_loop3A_1086, %add3A_882] : memref<128x64xf32, #tpu.memory_space<vmem>>[vector<16xi32>, vector<16xi32>], vector<16xf32>,
        %parallel_loop3A_1088 = tpu.vector_load_idx %arg7[%parallel_loop3A_1086, %add3A_885] : memref<128x64xf32, #tpu.memory_space<vmem>>[vector<16xi32>, vector<16xi32>], vector<16xf32>,
        %parallel_loop3A_1089 = tpu.vector_load_idx %arg7[%parallel_loop3A_1086, %add3A_888] : memref<128x64xf32, #tpu.memory_space<vmem>>[vector<16xi32>, vector<16xi32>], vector<16xf32>,
        %parallel_loop3A_1090 = tpu.vector_load_idx %arg7[%parallel_loop3A_1086, %add3A_891] : memref<128x64xf32, #tpu.memory_space<vmem>>[vector<16xi32>, vector<16xi32>], vector<16xf32>,
        %parallel_loop3A_1091 = tpu.vector_load_idx %arg7[%parallel_loop3A_1086, %add3A_894] : memref<128x64xf32, #tpu.memory_space<vmem>>[vector<16xi32>, vector<16xi32>], vector<16xf32>,
        tpu.vector_store_idx %arg9[%add3A_882, %parallel_loop3A_1086], %parallel_loop3A_1087 : memref<64x128xf32, #tpu.memory_space<vmem>>[vector<16xi32>, vector<16xi32>], vector<16xf32>,
        %parallel_loop3A_1092 = tpu.vector_load_idx %arg7[%parallel_loop3A_1086, %add3A_897] : memref<128x64xf32, #tpu.memory_space<vmem>>[vector<16xi32>, vector<16xi32>], vector<16xf32>,
        tpu.vector_store_idx %arg9[%add3A_885, %parallel_loop3A_1086], %parallel_loop3A_1088 : memref<64x128xf32, #tpu.memory_space<vmem>>[vector<16xi32>, vector<16xi32>], vector<16xf32>,
        %parallel_loop3A_1093 = tpu.vector_load_idx %arg7[%parallel_loop3A_1086, %add3A_900] : memref<128x64xf32, #tpu.memory_space<vmem>>[vector<16xi32>, vector<16xi32>], vector<16xf32>,
        tpu.vector_store_idx %arg9[%add3A_888, %parallel_loop3A_1086], %parallel_loop3A_1089 : memref<64x128xf32, #tpu.memory_space<vmem>>[vector<16xi32>, vector<16xi32>], vector<16xf32>,
        %parallel_loop3A_1094 = tpu.vector_load_idx %arg7[%parallel_loop3A_1086, %add3A_903] : memref<128x64xf32, #tpu.memory_space<vmem>>[vector<16xi32>, vector<16xi32>], vector<16xf32>,
        tpu.vector_store_idx %arg9[%add3A_891, %parallel_loop3A_1086], %parallel_loop3A_1090 : memref<64x128xf32, #tpu.memory_space<vmem>>[vector<16xi32>, vector<16xi32>], vector<16xf32>,
        %parallel_loop3A_1095 = tpu.vector_load_idx %arg7[%parallel_loop3A_1086, %add3A_906] : memref<128x64xf32, #tpu.memory_space<vmem>>[vector<16xi32>, vector<16xi32>], vector<16xf32>,
        tpu.vector_store_idx %arg9[%add3A_894, %parallel_loop3A_1086], %parallel_loop3A_1091 : memref<64x128xf32, #tpu.memory_space<vmem>>[vector<16xi32>, vector<16xi32>], vector<16xf32>,
        %parallel_loop3A_1096 = tpu.vector_load_idx %arg7[%parallel_loop3A_1086, %add3A_909] : memref<128x64xf32, #tpu.memory_space<vmem>>[vector<16xi32>, vector<16xi32>], vector<16xf32>,
        tpu.vector_store_idx %arg9[%add3A_897, %parallel_loop3A_1086], %parallel_loop3A_1092 : memref<64x128xf32, #tpu.memory_space<vmem>>[vector<16xi32>, vector<16xi32>], vector<16xf32>,
        %parallel_loop3A_1097 = tpu.vector_load_idx %arg7[%parallel_loop3A_1086, %add3A_912] : memref<128x64xf32, #tpu.memory_space<vmem>>[vector<16xi32>, vector<16xi32>], vector<16xf32>,
        tpu.vector_store_idx %arg9[%add3A_900, %parallel_loop3A_1086], %parallel_loop3A_1093 : memref<64x128xf32, #tpu.memory_space<vmem>>[vector<16xi32>, vector<16xi32>], vector<16xf32>,
        %parallel_loop3A_1098 = tpu.vector_load_idx %arg7[%parallel_loop3A_1086, %add3A_915] : memref<128x64xf32, #tpu.memory_space<vmem>>[vector<16xi32>, vector<16xi32>], vector<16xf32>,
        tpu.vector_store_idx %arg9[%add3A_903, %parallel_loop3A_1086], %parallel_loop3A_1094 : memref<64x128xf32, #tpu.memory_space<vmem>>[vector<16xi32>, vector<16xi32>], vector<16xf32>,
        %parallel_loop3A_1099 = tpu.vector_load_idx %arg7[%parallel_loop3A_1086, %add3A_918] : memref<128x64xf32, #tpu.memory_space<vmem>>[vector<16xi32>, vector<16xi32>], vector<16xf32>,
        tpu.vector_store_idx %arg9[%add3A_906, %parallel_loop3A_1086], %parallel_loop3A_1095 : memref<64x128xf32, #tpu.memory_space<vmem>>[vector<16xi32>, vector<16xi32>], vector<16xf32>,
        %parallel_loop3A_1100 = tpu.vector_load_idx %arg7[%parallel_loop3A_1086, %add3A_921] : memref<128x64xf32, #tpu.memory_space<vmem>>[vector<16xi32>, vector<16xi32>], vector<16xf32>,
        tpu.vector_store_idx %arg9[%add3A_909, %parallel_loop3A_1086], %parallel_loop3A_1096 : memref<64x128xf32, #tpu.memory_space<vmem>>[vector<16xi32>, vector<16xi32>], vector<16xf32>,
        %parallel_loop3A_1101 = tpu.vector_load_idx %arg7[%parallel_loop3A_1086, %add3A_924] : memref<128x64xf32, #tpu.memory_space<vmem>>[vector<16xi32>, vector<16xi32>], vector<16xf32>,
        tpu.vector_store_idx %arg9[%add3A_912, %parallel_loop3A_1086], %parallel_loop3A_1097 : memref<64x128xf32, #tpu.memory_space<vmem>>[vector<16xi32>, vector<16xi32>], vector<16xf32>,
        %parallel_loop3A_1102 = tpu.vector_load_idx %arg7[%parallel_loop3A_1086, %add3A_927] : memref<128x64xf32, #tpu.memory_space<vmem>>[vector<16xi32>, vector<16xi32>], vector<16xf32>,
        tpu.vector_store_idx %arg9[%add3A_915, %parallel_loop3A_1086], %parallel_loop3A_1098 : memref<64x128xf32, #tpu.memory_space<vmem>>[vector<16xi32>, vector<16xi32>], vector<16xf32>,
        tpu.vector_store_idx %arg9[%add3A_918, %parallel_loop3A_1086], %parallel_loop3A_1099 : memref<64x128xf32, #tpu.memory_space<vmem>>[vector<16xi32>, vector<16xi32>], vector<16xf32>,
        tpu.vector_store_idx %arg9[%add3A_921, %parallel_loop3A_1086], %parallel_loop3A_1100 : memref<64x128xf32, #tpu.memory_space<vmem>>[vector<16xi32>, vector<16xi32>], vector<16xf32>,
        tpu.vector_store_idx %arg9[%add3A_924, %parallel_loop3A_1086], %parallel_loop3A_1101 : memref<64x128xf32, #tpu.memory_space<vmem>>[vector<16xi32>, vector<16xi32>], vector<16xf32>,
        tpu.vector_store_idx %arg9[%add3A_927, %parallel_loop3A_1086], %parallel_loop3A_1102 : memref<64x128xf32, #tpu.memory_space<vmem>>[vector<16xi32>, vector<16xi32>], vector<16xf32>,
      } {sc.loop_unroll_factor = 2 : i64, sc.parallel_access}
      %lt3A_931 = arith.constant 24 : i32
      %lt3A_932 = arith.cmpi slt, %scan3A_354, %lt3A_931 : i32
      %convert_element_type3A_933 = arith.extui %lt3A_932 : i1 to i32
      %cond3A_934 = arith.constant 0 : i32
      %cond3A_935 = arith.cmpi ne, %convert_element_type3A_933, %cond3A_934 : i32
      scf.if %cond3A_935 {
        %add3A_1082 = arith.constant 3 : i32
        %add3A_1083 = arith.addi %mul3A_356, %add3A_1082 : i32
        %dma_start3A_1084 = arith.constant 0 : i32
        %dma_start3A_1085 = tpu.memref_slice %arg5[%add3A_1083, %dma_start3A_1084] : memref<50x128xi32, #tpu.memory_space<vmem>> -> memref<1x128xi32, #tpu.memory_space<vmem>>
        %dma_start3A_1086 = tpu.memref_squeeze %dma_start3A_1085 : memref<1x128xi32, #tpu.memory_space<vmem>> -> memref<128xi32, #tpu.memory_space<vmem>>
        %dma_start3A_1087 = arith.constant 0 : i32
        %dma_start3A_1088 = arith.constant 0 : i32
        %dma_start3A_1089 = tpu.memref_slice %arg3[%dma_start3A_1087, %dma_start3A_1088] : memref<200000x64xf32, #tpu.memory_space<hbm>> -> memref<200000x64xf32, #tpu.memory_space<hbm>>
        tpu.enqueue_indirect_dma source(%dma_start3A_1089 : memref<200000x64xf32, #tpu.memory_space<hbm>>) target(%arg7 : memref<128x64xf32, #tpu.memory_space<vmem>>) offsets(%dma_start3A_1086 : memref<128xi32, #tpu.memory_space<vmem>>) semaphore(%arg11 : memref<!tpu.dma_semaphore, #tpu.memory_space<semaphore_mem>>)
      } else {
      }
      %add3A_936 = arith.constant 1 : i32
      %add3A_937 = arith.addi %mul3A_356, %add3A_936 : i32
      %mul3A_938 = arith.constant 8 : i32
      %mul3A_939 = arith.muli %add3A_937, %mul3A_938 : i32
      %add3A_940 = arith.constant 0 : i32
      %add3A_941 = arith.addi %mul3A_939, %add3A_940 : i32
      %dma_start3A_942 = arith.constant 0 : i32
      %dma_start3A_943 = arith.constant 0 : i32
      %dma_start3A_944 = tpu.memref_slice %arg9[%dma_start3A_942, %dma_start3A_943] : memref<64x128xf32, #tpu.memory_space<vmem>> -> memref<8x128xf32, #tpu.memory_space<vmem>>
      %dma_start3A_945 = arith.constant 0 : i32
      %dma_start3A_946 = arith.constant 0 : i32
      %dma_start3A_947 = tpu.memref_slice %arg4[%add3A_941, %add3A, %dma_start3A_945, %dma_start3A_946] : memref<400x32x8x128xf32, #tpu.memory_space<hbm>> -> memref<1x1x8x128xf32, #tpu.memory_space<hbm>>
      %dma_start3A_948 = tpu.memref_squeeze %dma_start3A_947 : memref<1x1x8x128xf32, #tpu.memory_space<hbm>> -> memref<8x128xf32, #tpu.memory_space<hbm>>
      %dma_start3A_949 = arith.constant 0 : i32
      %dma_start3A_950 = arith.constant 0 : i32
      %dma_start3A_951 = tpu.memref_slice %arg4[%add3A_941, %add3A, %dma_start3A_949, %dma_start3A_950] : memref<400x32x8x128xf32, #tpu.memory_space<hbm>> -> memref<1x1x8x128xf32, #tpu.memory_space<hbm>>
      %dma_start3A_952 = tpu.memref_squeeze %dma_start3A_951 : memref<1x1x8x128xf32, #tpu.memory_space<hbm>> -> memref<8x128xf32, #tpu.memory_space<hbm>>
      %dma_start3A_953 = arith.constant 0 : i32
      %dma_start3A_954 = arith.constant 0 : i32
      %dma_start3A_955 = tpu.memref_slice %arg9[%dma_start3A_953, %dma_start3A_954] : memref<64x128xf32, #tpu.memory_space<vmem>> -> memref<8x128xf32, #tpu.memory_space<vmem>>
      tpu.enqueue_dma source(%dma_start3A_955 : memref<8x128xf32, #tpu.memory_space<vmem>>) target(%dma_start3A_952 : memref<8x128xf32, #tpu.memory_space<hbm>>) target_semaphore(%arg13 : memref<!tpu.dma_semaphore, #tpu.memory_space<semaphore_mem>>)
      %mul3A_956 = arith.constant 8 : i32
      %mul3A_957 = arith.muli %add3A_937, %mul3A_956 : i32
      %add3A_958 = arith.constant 1 : i32
      %add3A_959 = arith.addi %mul3A_957, %add3A_958 : i32
      %dma_start3A_960 = arith.constant 8 : i32
      %dma_start3A_961 = arith.constant 0 : i32
      %dma_start3A_962 = tpu.memref_slice %arg9[%dma_start3A_960, %dma_start3A_961] : memref<64x128xf32, #tpu.memory_space<vmem>> -> memref<8x128xf32, #tpu.memory_space<vmem>>
      %dma_start3A_963 = arith.constant 0 : i32
      %dma_start3A_964 = arith.constant 0 : i32
      %dma_start3A_965 = tpu.memref_slice %arg4[%add3A_959, %add3A, %dma_start3A_963, %dma_start3A_964] : memref<400x32x8x128xf32, #tpu.memory_space<hbm>> -> memref<1x1x8x128xf32, #tpu.memory_space<hbm>>
      %dma_start3A_966 = tpu.memref_squeeze %dma_start3A_965 : memref<1x1x8x128xf32, #tpu.memory_space<hbm>> -> memref<8x128xf32, #tpu.memory_space<hbm>>
      %dma_start3A_967 = arith.constant 0 : i32
      %dma_start3A_968 = arith.constant 0 : i32
      %dma_start3A_969 = tpu.memref_slice %arg4[%add3A_959, %add3A, %dma_start3A_967, %dma_start3A_968] : memref<400x32x8x128xf32, #tpu.memory_space<hbm>> -> memref<1x1x8x128xf32, #tpu.memory_space<hbm>>
      %dma_start3A_970 = tpu.memref_squeeze %dma_start3A_969 : memref<1x1x8x128xf32, #tpu.memory_space<hbm>> -> memref<8x128xf32, #tpu.memory_space<hbm>>
      %dma_start3A_971 = arith.constant 8 : i32
      %dma_start3A_972 = arith.constant 0 : i32
      %dma_start3A_973 = tpu.memref_slice %arg9[%dma_start3A_971, %dma_start3A_972] : memref<64x128xf32, #tpu.memory_space<vmem>> -> memref<8x128xf32, #tpu.memory_space<vmem>>
      tpu.enqueue_dma source(%dma_start3A_973 : memref<8x128xf32, #tpu.memory_space<vmem>>) target(%dma_start3A_970 : memref<8x128xf32, #tpu.memory_space<hbm>>) target_semaphore(%arg13 : memref<!tpu.dma_semaphore, #tpu.memory_space<semaphore_mem>>)
      %mul3A_974 = arith.constant 8 : i32
      %mul3A_975 = arith.muli %add3A_937, %mul3A_974 : i32
      %add3A_976 = arith.constant 2 : i32
      %add3A_977 = arith.addi %mul3A_975, %add3A_976 : i32
      %dma_start3A_978 = arith.constant 16 : i32
      %dma_start3A_979 = arith.constant 0 : i32
      %dma_start3A_980 = tpu.memref_slice %arg9[%dma_start3A_978, %dma_start3A_979] : memref<64x128xf32, #tpu.memory_space<vmem>> -> memref<8x128xf32, #tpu.memory_space<vmem>>
      %dma_start3A_981 = arith.constant 0 : i32
      %dma_start3A_982 = arith.constant 0 : i32
      %dma_start3A_983 = tpu.memref_slice %arg4[%add3A_977, %add3A, %dma_start3A_981, %dma_start3A_982] : memref<400x32x8x128xf32, #tpu.memory_space<hbm>> -> memref<1x1x8x128xf32, #tpu.memory_space<hbm>>
      %dma_start3A_984 = tpu.memref_squeeze %dma_start3A_983 : memref<1x1x8x128xf32, #tpu.memory_space<hbm>> -> memref<8x128xf32, #tpu.memory_space<hbm>>
      %dma_start3A_985 = arith.constant 0 : i32
      %dma_start3A_986 = arith.constant 0 : i32
      %dma_start3A_987 = tpu.memref_slice %arg4[%add3A_977, %add3A, %dma_start3A_985, %dma_start3A_986] : memref<400x32x8x128xf32, #tpu.memory_space<hbm>> -> memref<1x1x8x128xf32, #tpu.memory_space<hbm>>
      %dma_start3A_988 = tpu.memref_squeeze %dma_start3A_987 : memref<1x1x8x128xf32, #tpu.memory_space<hbm>> -> memref<8x128xf32, #tpu.memory_space<hbm>>
      %dma_start3A_989 = arith.constant 16 : i32
      %dma_start3A_990 = arith.constant 0 : i32
      %dma_start3A_991 = tpu.memref_slice %arg9[%dma_start3A_989, %dma_start3A_990] : memref<64x128xf32, #tpu.memory_space<vmem>> -> memref<8x128xf32, #tpu.memory_space<vmem>>
      tpu.enqueue_dma source(%dma_start3A_991 : memref<8x128xf32, #tpu.memory_space<vmem>>) target(%dma_start3A_988 : memref<8x128xf32, #tpu.memory_space<hbm>>) target_semaphore(%arg13 : memref<!tpu.dma_semaphore, #tpu.memory_space<semaphore_mem>>)
      %mul3A_992 = arith.constant 8 : i32
      %mul3A_993 = arith.muli %add3A_937, %mul3A_992 : i32
      %add3A_994 = arith.constant 3 : i32
      %add3A_995 = arith.addi %mul3A_993, %add3A_994 : i32
      %dma_start3A_996 = arith.constant 24 : i32
      %dma_start3A_997 = arith.constant 0 : i32
      %dma_start3A_998 = tpu.memref_slice %arg9[%dma_start3A_996, %dma_start3A_997] : memref<64x128xf32, #tpu.memory_space<vmem>> -> memref<8x128xf32, #tpu.memory_space<vmem>>
      %dma_start3A_999 = arith.constant 0 : i32
      %dma_start3A_1000 = arith.constant 0 : i32
      %dma_start3A_1001 = tpu.memref_slice %arg4[%add3A_995, %add3A, %dma_start3A_999, %dma_start3A_1000] : memref<400x32x8x128xf32, #tpu.memory_space<hbm>> -> memref<1x1x8x128xf32, #tpu.memory_space<hbm>>
      %dma_start3A_1002 = tpu.memref_squeeze %dma_start3A_1001 : memref<1x1x8x128xf32, #tpu.memory_space<hbm>> -> memref<8x128xf32, #tpu.memory_space<hbm>>
      %dma_start3A_1003 = arith.constant 0 : i32
      %dma_start3A_1004 = arith.constant 0 : i32
      %dma_start3A_1005 = tpu.memref_slice %arg4[%add3A_995, %add3A, %dma_start3A_1003, %dma_start3A_1004] : memref<400x32x8x128xf32, #tpu.memory_space<hbm>> -> memref<1x1x8x128xf32, #tpu.memory_space<hbm>>
      %dma_start3A_1006 = tpu.memref_squeeze %dma_start3A_1005 : memref<1x1x8x128xf32, #tpu.memory_space<hbm>> -> memref<8x128xf32, #tpu.memory_space<hbm>>
      %dma_start3A_1007 = arith.constant 24 : i32
      %dma_start3A_1008 = arith.constant 0 : i32
      %dma_start3A_1009 = tpu.memref_slice %arg9[%dma_start3A_1007, %dma_start3A_1008] : memref<64x128xf32, #tpu.memory_space<vmem>> -> memref<8x128xf32, #tpu.memory_space<vmem>>
      tpu.enqueue_dma source(%dma_start3A_1009 : memref<8x128xf32, #tpu.memory_space<vmem>>) target(%dma_start3A_1006 : memref<8x128xf32, #tpu.memory_space<hbm>>) target_semaphore(%arg13 : memref<!tpu.dma_semaphore, #tpu.memory_space<semaphore_mem>>)
      %mul3A_1010 = arith.constant 8 : i32
      %mul3A_1011 = arith.muli %add3A_937, %mul3A_1010 : i32
      %add3A_1012 = arith.constant 4 : i32
      %add3A_1013 = arith.addi %mul3A_1011, %add3A_1012 : i32
      %dma_start3A_1014 = arith.constant 32 : i32
      %dma_start3A_1015 = arith.constant 0 : i32
      %dma_start3A_1016 = tpu.memref_slice %arg9[%dma_start3A_1014, %dma_start3A_1015] : memref<64x128xf32, #tpu.memory_space<vmem>> -> memref<8x128xf32, #tpu.memory_space<vmem>>
      %dma_start3A_1017 = arith.constant 0 : i32
      %dma_start3A_1018 = arith.constant 0 : i32
      %dma_start3A_1019 = tpu.memref_slice %arg4[%add3A_1013, %add3A, %dma_start3A_1017, %dma_start3A_1018] : memref<400x32x8x128xf32, #tpu.memory_space<hbm>> -> memref<1x1x8x128xf32, #tpu.memory_space<hbm>>
      %dma_start3A_1020 = tpu.memref_squeeze %dma_start3A_1019 : memref<1x1x8x128xf32, #tpu.memory_space<hbm>> -> memref<8x128xf32, #tpu.memory_space<hbm>>
      %dma_start3A_1021 = arith.constant 0 : i32
      %dma_start3A_1022 = arith.constant 0 : i32
      %dma_start3A_1023 = tpu.memref_slice %arg4[%add3A_1013, %add3A, %dma_start3A_1021, %dma_start3A_1022] : memref<400x32x8x128xf32, #tpu.memory_space<hbm>> -> memref<1x1x8x128xf32, #tpu.memory_space<hbm>>
      %dma_start3A_1024 = tpu.memref_squeeze %dma_start3A_1023 : memref<1x1x8x128xf32, #tpu.memory_space<hbm>> -> memref<8x128xf32, #tpu.memory_space<hbm>>
      %dma_start3A_1025 = arith.constant 32 : i32
      %dma_start3A_1026 = arith.constant 0 : i32
      %dma_start3A_1027 = tpu.memref_slice %arg9[%dma_start3A_1025, %dma_start3A_1026] : memref<64x128xf32, #tpu.memory_space<vmem>> -> memref<8x128xf32, #tpu.memory_space<vmem>>
      tpu.enqueue_dma source(%dma_start3A_1027 : memref<8x128xf32, #tpu.memory_space<vmem>>) target(%dma_start3A_1024 : memref<8x128xf32, #tpu.memory_space<hbm>>) target_semaphore(%arg13 : memref<!tpu.dma_semaphore, #tpu.memory_space<semaphore_mem>>)
      %mul3A_1028 = arith.constant 8 : i32
      %mul3A_1029 = arith.muli %add3A_937, %mul3A_1028 : i32
      %add3A_1030 = arith.constant 5 : i32
      %add3A_1031 = arith.addi %mul3A_1029, %add3A_1030 : i32
      %dma_start3A_1032 = arith.constant 40 : i32
      %dma_start3A_1033 = arith.constant 0 : i32
      %dma_start3A_1034 = tpu.memref_slice %arg9[%dma_start3A_1032, %dma_start3A_1033] : memref<64x128xf32, #tpu.memory_space<vmem>> -> memref<8x128xf32, #tpu.memory_space<vmem>>
      %dma_start3A_1035 = arith.constant 0 : i32
      %dma_start3A_1036 = arith.constant 0 : i32
      %dma_start3A_1037 = tpu.memref_slice %arg4[%add3A_1031, %add3A, %dma_start3A_1035, %dma_start3A_1036] : memref<400x32x8x128xf32, #tpu.memory_space<hbm>> -> memref<1x1x8x128xf32, #tpu.memory_space<hbm>>
      %dma_start3A_1038 = tpu.memref_squeeze %dma_start3A_1037 : memref<1x1x8x128xf32, #tpu.memory_space<hbm>> -> memref<8x128xf32, #tpu.memory_space<hbm>>
      %dma_start3A_1039 = arith.constant 0 : i32
      %dma_start3A_1040 = arith.constant 0 : i32
      %dma_start3A_1041 = tpu.memref_slice %arg4[%add3A_1031, %add3A, %dma_start3A_1039, %dma_start3A_1040] : memref<400x32x8x128xf32, #tpu.memory_space<hbm>> -> memref<1x1x8x128xf32, #tpu.memory_space<hbm>>
      %dma_start3A_1042 = tpu.memref_squeeze %dma_start3A_1041 : memref<1x1x8x128xf32, #tpu.memory_space<hbm>> -> memref<8x128xf32, #tpu.memory_space<hbm>>
      %dma_start3A_1043 = arith.constant 40 : i32
      %dma_start3A_1044 = arith.constant 0 : i32
      %dma_start3A_1045 = tpu.memref_slice %arg9[%dma_start3A_1043, %dma_start3A_1044] : memref<64x128xf32, #tpu.memory_space<vmem>> -> memref<8x128xf32, #tpu.memory_space<vmem>>
      tpu.enqueue_dma source(%dma_start3A_1045 : memref<8x128xf32, #tpu.memory_space<vmem>>) target(%dma_start3A_1042 : memref<8x128xf32, #tpu.memory_space<hbm>>) target_semaphore(%arg13 : memref<!tpu.dma_semaphore, #tpu.memory_space<semaphore_mem>>)
      %mul3A_1046 = arith.constant 8 : i32
      %mul3A_1047 = arith.muli %add3A_937, %mul3A_1046 : i32
      %add3A_1048 = arith.constant 6 : i32
      %add3A_1049 = arith.addi %mul3A_1047, %add3A_1048 : i32
      %dma_start3A_1050 = arith.constant 48 : i32
      %dma_start3A_1051 = arith.constant 0 : i32
      %dma_start3A_1052 = tpu.memref_slice %arg9[%dma_start3A_1050, %dma_start3A_1051] : memref<64x128xf32, #tpu.memory_space<vmem>> -> memref<8x128xf32, #tpu.memory_space<vmem>>
      %dma_start3A_1053 = arith.constant 0 : i32
      %dma_start3A_1054 = arith.constant 0 : i32
      %dma_start3A_1055 = tpu.memref_slice %arg4[%add3A_1049, %add3A, %dma_start3A_1053, %dma_start3A_1054] : memref<400x32x8x128xf32, #tpu.memory_space<hbm>> -> memref<1x1x8x128xf32, #tpu.memory_space<hbm>>
      %dma_start3A_1056 = tpu.memref_squeeze %dma_start3A_1055 : memref<1x1x8x128xf32, #tpu.memory_space<hbm>> -> memref<8x128xf32, #tpu.memory_space<hbm>>
      %dma_start3A_1057 = arith.constant 0 : i32
      %dma_start3A_1058 = arith.constant 0 : i32
      %dma_start3A_1059 = tpu.memref_slice %arg4[%add3A_1049, %add3A, %dma_start3A_1057, %dma_start3A_1058] : memref<400x32x8x128xf32, #tpu.memory_space<hbm>> -> memref<1x1x8x128xf32, #tpu.memory_space<hbm>>
      %dma_start3A_1060 = tpu.memref_squeeze %dma_start3A_1059 : memref<1x1x8x128xf32, #tpu.memory_space<hbm>> -> memref<8x128xf32, #tpu.memory_space<hbm>>
      %dma_start3A_1061 = arith.constant 48 : i32
      %dma_start3A_1062 = arith.constant 0 : i32
      %dma_start3A_1063 = tpu.memref_slice %arg9[%dma_start3A_1061, %dma_start3A_1062] : memref<64x128xf32, #tpu.memory_space<vmem>> -> memref<8x128xf32, #tpu.memory_space<vmem>>
      tpu.enqueue_dma source(%dma_start3A_1063 : memref<8x128xf32, #tpu.memory_space<vmem>>) target(%dma_start3A_1060 : memref<8x128xf32, #tpu.memory_space<hbm>>) target_semaphore(%arg13 : memref<!tpu.dma_semaphore, #tpu.memory_space<semaphore_mem>>)
      %mul3A_1064 = arith.constant 8 : i32
      %mul3A_1065 = arith.muli %add3A_937, %mul3A_1064 : i32
      %add3A_1066 = arith.constant 7 : i32
      %add3A_1067 = arith.addi %mul3A_1065, %add3A_1066 : i32
      %dma_start3A_1068 = arith.constant 56 : i32
      %dma_start3A_1069 = arith.constant 0 : i32
      %dma_start3A_1070 = tpu.memref_slice %arg9[%dma_start3A_1068, %dma_start3A_1069] : memref<64x128xf32, #tpu.memory_space<vmem>> -> memref<8x128xf32, #tpu.memory_space<vmem>>
      %dma_start3A_1071 = arith.constant 0 : i32
      %dma_start3A_1072 = arith.constant 0 : i32
      %dma_start3A_1073 = tpu.memref_slice %arg4[%add3A_1067, %add3A, %dma_start3A_1071, %dma_start3A_1072] : memref<400x32x8x128xf32, #tpu.memory_space<hbm>> -> memref<1x1x8x128xf32, #tpu.memory_space<hbm>>
      %dma_start3A_1074 = tpu.memref_squeeze %dma_start3A_1073 : memref<1x1x8x128xf32, #tpu.memory_space<hbm>> -> memref<8x128xf32, #tpu.memory_space<hbm>>
      %dma_start3A_1075 = arith.constant 0 : i32
      %dma_start3A_1076 = arith.constant 0 : i32
      %dma_start3A_1077 = tpu.memref_slice %arg4[%add3A_1067, %add3A, %dma_start3A_1075, %dma_start3A_1076] : memref<400x32x8x128xf32, #tpu.memory_space<hbm>> -> memref<1x1x8x128xf32, #tpu.memory_space<hbm>>
      %dma_start3A_1078 = tpu.memref_squeeze %dma_start3A_1077 : memref<1x1x8x128xf32, #tpu.memory_space<hbm>> -> memref<8x128xf32, #tpu.memory_space<hbm>>
      %dma_start3A_1079 = arith.constant 56 : i32
      %dma_start3A_1080 = arith.constant 0 : i32
      %dma_start3A_1081 = tpu.memref_slice %arg9[%dma_start3A_1079, %dma_start3A_1080] : memref<64x128xf32, #tpu.memory_space<vmem>> -> memref<8x128xf32, #tpu.memory_space<vmem>>
      tpu.enqueue_dma source(%dma_start3A_1081 : memref<8x128xf32, #tpu.memory_space<vmem>>) target(%dma_start3A_1078 : memref<8x128xf32, #tpu.memory_space<hbm>>) target_semaphore(%arg13 : memref<!tpu.dma_semaphore, #tpu.memory_space<semaphore_mem>>)
    }
    %scan3A_114 = arith.constant 25 : i32
    %dma_wait3A = arith.constant 0 : i32
    %dma_wait3A_115 = arith.constant 0 : i32
    %dma_wait3A_116 = arith.constant 0 : i32
    %dma_wait3A_117 = tpu.memref_slice %arg8[%dma_wait3A_115, %dma_wait3A_116] : memref<64x128xf32, #tpu.memory_space<vmem>> -> memref<8x128xf32, #tpu.memory_space<vmem>>
    %dma_wait3A_118 = arith.constant 0 : i32
    %dma_wait3A_119 = arith.constant 0 : i32
    %dma_wait3A_120 = tpu.memref_slice %arg4[%dma_wait3A, %add3A, %dma_wait3A_118, %dma_wait3A_119] : memref<400x32x8x128xf32, #tpu.memory_space<hbm>> -> memref<1x1x8x128xf32, #tpu.memory_space<hbm>>
    %dma_wait3A_121 = tpu.memref_squeeze %dma_wait3A_120 : memref<1x1x8x128xf32, #tpu.memory_space<hbm>> -> memref<8x128xf32, #tpu.memory_space<hbm>>
    %dma_wait3A_122 = arith.constant 0 : i32
    %dma_wait3A_123 = arith.constant 0 : i32
    %dma_wait3A_124 = tpu.memref_slice %arg4[%dma_wait3A, %add3A, %dma_wait3A_122, %dma_wait3A_123] : memref<400x32x8x128xf32, #tpu.memory_space<hbm>> -> memref<1x1x8x128xf32, #tpu.memory_space<hbm>>
    %dma_wait3A_125 = tpu.memref_squeeze %dma_wait3A_124 : memref<1x1x8x128xf32, #tpu.memory_space<hbm>> -> memref<8x128xf32, #tpu.memory_space<hbm>>
    %dma_wait3A_126 = arith.constant 0 : i32
    %dma_wait3A_127 = arith.constant 0 : i32
    %dma_wait3A_128 = tpu.memref_slice %arg8[%dma_wait3A_126, %dma_wait3A_127] : memref<64x128xf32, #tpu.memory_space<vmem>> -> memref<8x128xf32, #tpu.memory_space<vmem>>
    tpu.wait_dma2 semaphore(%arg12 : memref<!tpu.dma_semaphore, #tpu.memory_space<semaphore_mem>>) src(%dma_wait3A_128 : memref<8x128xf32, #tpu.memory_space<vmem>>) dst(%dma_wait3A_125 : memref<8x128xf32, #tpu.memory_space<hbm>>)
    %dma_wait3A_129 = arith.constant 1 : i32
    %dma_wait3A_130 = arith.constant 8 : i32
    %dma_wait3A_131 = arith.constant 0 : i32
    %dma_wait3A_132 = tpu.memref_slice %arg8[%dma_wait3A_130, %dma_wait3A_131] : memref<64x128xf32, #tpu.memory_space<vmem>> -> memref<8x128xf32, #tpu.memory_space<vmem>>
    %dma_wait3A_133 = arith.constant 0 : i32
    %dma_wait3A_134 = arith.constant 0 : i32
    %dma_wait3A_135 = tpu.memref_slice %arg4[%dma_wait3A_129, %add3A, %dma_wait3A_133, %dma_wait3A_134] : memref<400x32x8x128xf32, #tpu.memory_space<hbm>> -> memref<1x1x8x128xf32, #tpu.memory_space<hbm>>
    %dma_wait3A_136 = tpu.memref_squeeze %dma_wait3A_135 : memref<1x1x8x128xf32, #tpu.memory_space<hbm>> -> memref<8x128xf32, #tpu.memory_space<hbm>>
    %dma_wait3A_137 = arith.constant 0 : i32
    %dma_wait3A_138 = arith.constant 0 : i32
    %dma_wait3A_139 = tpu.memref_slice %arg4[%dma_wait3A_129, %add3A, %dma_wait3A_137, %dma_wait3A_138] : memref<400x32x8x128xf32, #tpu.memory_space<hbm>> -> memref<1x1x8x128xf32, #tpu.memory_space<hbm>>
    %dma_wait3A_140 = tpu.memref_squeeze %dma_wait3A_139 : memref<1x1x8x128xf32, #tpu.memory_space<hbm>> -> memref<8x128xf32, #tpu.memory_space<hbm>>
    %dma_wait3A_141 = arith.constant 8 : i32
    %dma_wait3A_142 = arith.constant 0 : i32
    %dma_wait3A_143 = tpu.memref_slice %arg8[%dma_wait3A_141, %dma_wait3A_142] : memref<64x128xf32, #tpu.memory_space<vmem>> -> memref<8x128xf32, #tpu.memory_space<vmem>>
    tpu.wait_dma2 semaphore(%arg12 : memref<!tpu.dma_semaphore, #tpu.memory_space<semaphore_mem>>) src(%dma_wait3A_143 : memref<8x128xf32, #tpu.memory_space<vmem>>) dst(%dma_wait3A_140 : memref<8x128xf32, #tpu.memory_space<hbm>>)
    %dma_wait3A_144 = arith.constant 2 : i32
    %dma_wait3A_145 = arith.constant 16 : i32
    %dma_wait3A_146 = arith.constant 0 : i32
    %dma_wait3A_147 = tpu.memref_slice %arg8[%dma_wait3A_145, %dma_wait3A_146] : memref<64x128xf32, #tpu.memory_space<vmem>> -> memref<8x128xf32, #tpu.memory_space<vmem>>
    %dma_wait3A_148 = arith.constant 0 : i32
    %dma_wait3A_149 = arith.constant 0 : i32
    %dma_wait3A_150 = tpu.memref_slice %arg4[%dma_wait3A_144, %add3A, %dma_wait3A_148, %dma_wait3A_149] : memref<400x32x8x128xf32, #tpu.memory_space<hbm>> -> memref<1x1x8x128xf32, #tpu.memory_space<hbm>>
    %dma_wait3A_151 = tpu.memref_squeeze %dma_wait3A_150 : memref<1x1x8x128xf32, #tpu.memory_space<hbm>> -> memref<8x128xf32, #tpu.memory_space<hbm>>
    %dma_wait3A_152 = arith.constant 0 : i32
    %dma_wait3A_153 = arith.constant 0 : i32
    %dma_wait3A_154 = tpu.memref_slice %arg4[%dma_wait3A_144, %add3A, %dma_wait3A_152, %dma_wait3A_153] : memref<400x32x8x128xf32, #tpu.memory_space<hbm>> -> memref<1x1x8x128xf32, #tpu.memory_space<hbm>>
    %dma_wait3A_155 = tpu.memref_squeeze %dma_wait3A_154 : memref<1x1x8x128xf32, #tpu.memory_space<hbm>> -> memref<8x128xf32, #tpu.memory_space<hbm>>
    %dma_wait3A_156 = arith.constant 16 : i32
    %dma_wait3A_157 = arith.constant 0 : i32
    %dma_wait3A_158 = tpu.memref_slice %arg8[%dma_wait3A_156, %dma_wait3A_157] : memref<64x128xf32, #tpu.memory_space<vmem>> -> memref<8x128xf32, #tpu.memory_space<vmem>>
    tpu.wait_dma2 semaphore(%arg12 : memref<!tpu.dma_semaphore, #tpu.memory_space<semaphore_mem>>) src(%dma_wait3A_158 : memref<8x128xf32, #tpu.memory_space<vmem>>) dst(%dma_wait3A_155 : memref<8x128xf32, #tpu.memory_space<hbm>>)
    %dma_wait3A_159 = arith.constant 3 : i32
    %dma_wait3A_160 = arith.constant 24 : i32
    %dma_wait3A_161 = arith.constant 0 : i32
    %dma_wait3A_162 = tpu.memref_slice %arg8[%dma_wait3A_160, %dma_wait3A_161] : memref<64x128xf32, #tpu.memory_space<vmem>> -> memref<8x128xf32, #tpu.memory_space<vmem>>
    %dma_wait3A_163 = arith.constant 0 : i32
    %dma_wait3A_164 = arith.constant 0 : i32
    %dma_wait3A_165 = tpu.memref_slice %arg4[%dma_wait3A_159, %add3A, %dma_wait3A_163, %dma_wait3A_164] : memref<400x32x8x128xf32, #tpu.memory_space<hbm>> -> memref<1x1x8x128xf32, #tpu.memory_space<hbm>>
    %dma_wait3A_166 = tpu.memref_squeeze %dma_wait3A_165 : memref<1x1x8x128xf32, #tpu.memory_space<hbm>> -> memref<8x128xf32, #tpu.memory_space<hbm>>
    %dma_wait3A_167 = arith.constant 0 : i32
    %dma_wait3A_168 = arith.constant 0 : i32
    %dma_wait3A_169 = tpu.memref_slice %arg4[%dma_wait3A_159, %add3A, %dma_wait3A_167, %dma_wait3A_168] : memref<400x32x8x128xf32, #tpu.memory_space<hbm>> -> memref<1x1x8x128xf32, #tpu.memory_space<hbm>>
    %dma_wait3A_170 = tpu.memref_squeeze %dma_wait3A_169 : memref<1x1x8x128xf32, #tpu.memory_space<hbm>> -> memref<8x128xf32, #tpu.memory_space<hbm>>
    %dma_wait3A_171 = arith.constant 24 : i32
    %dma_wait3A_172 = arith.constant 0 : i32
    %dma_wait3A_173 = tpu.memref_slice %arg8[%dma_wait3A_171, %dma_wait3A_172] : memref<64x128xf32, #tpu.memory_space<vmem>> -> memref<8x128xf32, #tpu.memory_space<vmem>>
    tpu.wait_dma2 semaphore(%arg12 : memref<!tpu.dma_semaphore, #tpu.memory_space<semaphore_mem>>) src(%dma_wait3A_173 : memref<8x128xf32, #tpu.memory_space<vmem>>) dst(%dma_wait3A_170 : memref<8x128xf32, #tpu.memory_space<hbm>>)
    %dma_wait3A_174 = arith.constant 4 : i32
    %dma_wait3A_175 = arith.constant 32 : i32
    %dma_wait3A_176 = arith.constant 0 : i32
    %dma_wait3A_177 = tpu.memref_slice %arg8[%dma_wait3A_175, %dma_wait3A_176] : memref<64x128xf32, #tpu.memory_space<vmem>> -> memref<8x128xf32, #tpu.memory_space<vmem>>
    %dma_wait3A_178 = arith.constant 0 : i32
    %dma_wait3A_179 = arith.constant 0 : i32
    %dma_wait3A_180 = tpu.memref_slice %arg4[%dma_wait3A_174, %add3A, %dma_wait3A_178, %dma_wait3A_179] : memref<400x32x8x128xf32, #tpu.memory_space<hbm>> -> memref<1x1x8x128xf32, #tpu.memory_space<hbm>>
    %dma_wait3A_181 = tpu.memref_squeeze %dma_wait3A_180 : memref<1x1x8x128xf32, #tpu.memory_space<hbm>> -> memref<8x128xf32, #tpu.memory_space<hbm>>
    %dma_wait3A_182 = arith.constant 0 : i32
    %dma_wait3A_183 = arith.constant 0 : i32
    %dma_wait3A_184 = tpu.memref_slice %arg4[%dma_wait3A_174, %add3A, %dma_wait3A_182, %dma_wait3A_183] : memref<400x32x8x128xf32, #tpu.memory_space<hbm>> -> memref<1x1x8x128xf32, #tpu.memory_space<hbm>>
    %dma_wait3A_185 = tpu.memref_squeeze %dma_wait3A_184 : memref<1x1x8x128xf32, #tpu.memory_space<hbm>> -> memref<8x128xf32, #tpu.memory_space<hbm>>
    %dma_wait3A_186 = arith.constant 32 : i32
    %dma_wait3A_187 = arith.constant 0 : i32
    %dma_wait3A_188 = tpu.memref_slice %arg8[%dma_wait3A_186, %dma_wait3A_187] : memref<64x128xf32, #tpu.memory_space<vmem>> -> memref<8x128xf32, #tpu.memory_space<vmem>>
    tpu.wait_dma2 semaphore(%arg12 : memref<!tpu.dma_semaphore, #tpu.memory_space<semaphore_mem>>) src(%dma_wait3A_188 : memref<8x128xf32, #tpu.memory_space<vmem>>) dst(%dma_wait3A_185 : memref<8x128xf32, #tpu.memory_space<hbm>>)
    %dma_wait3A_189 = arith.constant 5 : i32
    %dma_wait3A_190 = arith.constant 40 : i32
    %dma_wait3A_191 = arith.constant 0 : i32
    %dma_wait3A_192 = tpu.memref_slice %arg8[%dma_wait3A_190, %dma_wait3A_191] : memref<64x128xf32, #tpu.memory_space<vmem>> -> memref<8x128xf32, #tpu.memory_space<vmem>>
    %dma_wait3A_193 = arith.constant 0 : i32
    %dma_wait3A_194 = arith.constant 0 : i32
    %dma_wait3A_195 = tpu.memref_slice %arg4[%dma_wait3A_189, %add3A, %dma_wait3A_193, %dma_wait3A_194] : memref<400x32x8x128xf32, #tpu.memory_space<hbm>> -> memref<1x1x8x128xf32, #tpu.memory_space<hbm>>
    %dma_wait3A_196 = tpu.memref_squeeze %dma_wait3A_195 : memref<1x1x8x128xf32, #tpu.memory_space<hbm>> -> memref<8x128xf32, #tpu.memory_space<hbm>>
    %dma_wait3A_197 = arith.constant 0 : i32
    %dma_wait3A_198 = arith.constant 0 : i32
    %dma_wait3A_199 = tpu.memref_slice %arg4[%dma_wait3A_189, %add3A, %dma_wait3A_197, %dma_wait3A_198] : memref<400x32x8x128xf32, #tpu.memory_space<hbm>> -> memref<1x1x8x128xf32, #tpu.memory_space<hbm>>
    %dma_wait3A_200 = tpu.memref_squeeze %dma_wait3A_199 : memref<1x1x8x128xf32, #tpu.memory_space<hbm>> -> memref<8x128xf32, #tpu.memory_space<hbm>>
    %dma_wait3A_201 = arith.constant 40 : i32
    %dma_wait3A_202 = arith.constant 0 : i32
    %dma_wait3A_203 = tpu.memref_slice %arg8[%dma_wait3A_201, %dma_wait3A_202] : memref<64x128xf32, #tpu.memory_space<vmem>> -> memref<8x128xf32, #tpu.memory_space<vmem>>
    tpu.wait_dma2 semaphore(%arg12 : memref<!tpu.dma_semaphore, #tpu.memory_space<semaphore_mem>>) src(%dma_wait3A_203 : memref<8x128xf32, #tpu.memory_space<vmem>>) dst(%dma_wait3A_200 : memref<8x128xf32, #tpu.memory_space<hbm>>)
    %dma_wait3A_204 = arith.constant 6 : i32
    %dma_wait3A_205 = arith.constant 48 : i32
    %dma_wait3A_206 = arith.constant 0 : i32
    %dma_wait3A_207 = tpu.memref_slice %arg8[%dma_wait3A_205, %dma_wait3A_206] : memref<64x128xf32, #tpu.memory_space<vmem>> -> memref<8x128xf32, #tpu.memory_space<vmem>>
    %dma_wait3A_208 = arith.constant 0 : i32
    %dma_wait3A_209 = arith.constant 0 : i32
    %dma_wait3A_210 = tpu.memref_slice %arg4[%dma_wait3A_204, %add3A, %dma_wait3A_208, %dma_wait3A_209] : memref<400x32x8x128xf32, #tpu.memory_space<hbm>> -> memref<1x1x8x128xf32, #tpu.memory_space<hbm>>
    %dma_wait3A_211 = tpu.memref_squeeze %dma_wait3A_210 : memref<1x1x8x128xf32, #tpu.memory_space<hbm>> -> memref<8x128xf32, #tpu.memory_space<hbm>>
    %dma_wait3A_212 = arith.constant 0 : i32
    %dma_wait3A_213 = arith.constant 0 : i32
    %dma_wait3A_214 = tpu.memref_slice %arg4[%dma_wait3A_204, %add3A, %dma_wait3A_212, %dma_wait3A_213] : memref<400x32x8x128xf32, #tpu.memory_space<hbm>> -> memref<1x1x8x128xf32, #tpu.memory_space<hbm>>
    %dma_wait3A_215 = tpu.memref_squeeze %dma_wait3A_214 : memref<1x1x8x128xf32, #tpu.memory_space<hbm>> -> memref<8x128xf32, #tpu.memory_space<hbm>>
    %dma_wait3A_216 = arith.constant 48 : i32
    %dma_wait3A_217 = arith.constant 0 : i32
    %dma_wait3A_218 = tpu.memref_slice %arg8[%dma_wait3A_216, %dma_wait3A_217] : memref<64x128xf32, #tpu.memory_space<vmem>> -> memref<8x128xf32, #tpu.memory_space<vmem>>
    tpu.wait_dma2 semaphore(%arg12 : memref<!tpu.dma_semaphore, #tpu.memory_space<semaphore_mem>>) src(%dma_wait3A_218 : memref<8x128xf32, #tpu.memory_space<vmem>>) dst(%dma_wait3A_215 : memref<8x128xf32, #tpu.memory_space<hbm>>)
    %dma_wait3A_219 = arith.constant 7 : i32
    %dma_wait3A_220 = arith.constant 56 : i32
    %dma_wait3A_221 = arith.constant 0 : i32
    %dma_wait3A_222 = tpu.memref_slice %arg8[%dma_wait3A_220, %dma_wait3A_221] : memref<64x128xf32, #tpu.memory_space<vmem>> -> memref<8x128xf32, #tpu.memory_space<vmem>>
    %dma_wait3A_223 = arith.constant 0 : i32
    %dma_wait3A_224 = arith.constant 0 : i32
    %dma_wait3A_225 = tpu.memref_slice %arg4[%dma_wait3A_219, %add3A, %dma_wait3A_223, %dma_wait3A_224] : memref<400x32x8x128xf32, #tpu.memory_space<hbm>> -> memref<1x1x8x128xf32, #tpu.memory_space<hbm>>
    %dma_wait3A_226 = tpu.memref_squeeze %dma_wait3A_225 : memref<1x1x8x128xf32, #tpu.memory_space<hbm>> -> memref<8x128xf32, #tpu.memory_space<hbm>>
    %dma_wait3A_227 = arith.constant 0 : i32
    %dma_wait3A_228 = arith.constant 0 : i32
    %dma_wait3A_229 = tpu.memref_slice %arg4[%dma_wait3A_219, %add3A, %dma_wait3A_227, %dma_wait3A_228] : memref<400x32x8x128xf32, #tpu.memory_space<hbm>> -> memref<1x1x8x128xf32, #tpu.memory_space<hbm>>
    %dma_wait3A_230 = tpu.memref_squeeze %dma_wait3A_229 : memref<1x1x8x128xf32, #tpu.memory_space<hbm>> -> memref<8x128xf32, #tpu.memory_space<hbm>>
    %dma_wait3A_231 = arith.constant 56 : i32
    %dma_wait3A_232 = arith.constant 0 : i32
    %dma_wait3A_233 = tpu.memref_slice %arg8[%dma_wait3A_231, %dma_wait3A_232] : memref<64x128xf32, #tpu.memory_space<vmem>> -> memref<8x128xf32, #tpu.memory_space<vmem>>
    tpu.wait_dma2 semaphore(%arg12 : memref<!tpu.dma_semaphore, #tpu.memory_space<semaphore_mem>>) src(%dma_wait3A_233 : memref<8x128xf32, #tpu.memory_space<vmem>>) dst(%dma_wait3A_230 : memref<8x128xf32, #tpu.memory_space<hbm>>)
    %dma_wait3A_234 = arith.constant 0 : i32
    %dma_wait3A_235 = arith.constant 0 : i32
    %dma_wait3A_236 = arith.constant 0 : i32
    %dma_wait3A_237 = tpu.memref_slice %arg9[%dma_wait3A_235, %dma_wait3A_236] : memref<64x128xf32, #tpu.memory_space<vmem>> -> memref<8x128xf32, #tpu.memory_space<vmem>>
    %dma_wait3A_238 = arith.constant 0 : i32
    %dma_wait3A_239 = arith.constant 0 : i32
    %dma_wait3A_240 = tpu.memref_slice %arg4[%dma_wait3A_234, %add3A, %dma_wait3A_238, %dma_wait3A_239] : memref<400x32x8x128xf32, #tpu.memory_space<hbm>> -> memref<1x1x8x128xf32, #tpu.memory_space<hbm>>
    %dma_wait3A_241 = tpu.memref_squeeze %dma_wait3A_240 : memref<1x1x8x128xf32, #tpu.memory_space<hbm>> -> memref<8x128xf32, #tpu.memory_space<hbm>>
    %dma_wait3A_242 = arith.constant 0 : i32
    %dma_wait3A_243 = arith.constant 0 : i32
    %dma_wait3A_244 = tpu.memref_slice %arg4[%dma_wait3A_234, %add3A, %dma_wait3A_242, %dma_wait3A_243] : memref<400x32x8x128xf32, #tpu.memory_space<hbm>> -> memref<1x1x8x128xf32, #tpu.memory_space<hbm>>
    %dma_wait3A_245 = tpu.memref_squeeze %dma_wait3A_244 : memref<1x1x8x128xf32, #tpu.memory_space<hbm>> -> memref<8x128xf32, #tpu.memory_space<hbm>>
    %dma_wait3A_246 = arith.constant 0 : i32
    %dma_wait3A_247 = arith.constant 0 : i32
    %dma_wait3A_248 = tpu.memref_slice %arg9[%dma_wait3A_246, %dma_wait3A_247] : memref<64x128xf32, #tpu.memory_space<vmem>> -> memref<8x128xf32, #tpu.memory_space<vmem>>
    tpu.wait_dma2 semaphore(%arg13 : memref<!tpu.dma_semaphore, #tpu.memory_space<semaphore_mem>>) src(%dma_wait3A_248 : memref<8x128xf32, #tpu.memory_space<vmem>>) dst(%dma_wait3A_245 : memref<8x128xf32, #tpu.memory_space<hbm>>)
    %dma_wait3A_249 = arith.constant 1 : i32
    %dma_wait3A_250 = arith.constant 8 : i32
    %dma_wait3A_251 = arith.constant 0 : i32
    %dma_wait3A_252 = tpu.memref_slice %arg9[%dma_wait3A_250, %dma_wait3A_251] : memref<64x128xf32, #tpu.memory_space<vmem>> -> memref<8x128xf32, #tpu.memory_space<vmem>>
    %dma_wait3A_253 = arith.constant 0 : i32
    %dma_wait3A_254 = arith.constant 0 : i32
    %dma_wait3A_255 = tpu.memref_slice %arg4[%dma_wait3A_249, %add3A, %dma_wait3A_253, %dma_wait3A_254] : memref<400x32x8x128xf32, #tpu.memory_space<hbm>> -> memref<1x1x8x128xf32, #tpu.memory_space<hbm>>
    %dma_wait3A_256 = tpu.memref_squeeze %dma_wait3A_255 : memref<1x1x8x128xf32, #tpu.memory_space<hbm>> -> memref<8x128xf32, #tpu.memory_space<hbm>>
    %dma_wait3A_257 = arith.constant 0 : i32
    %dma_wait3A_258 = arith.constant 0 : i32
    %dma_wait3A_259 = tpu.memref_slice %arg4[%dma_wait3A_249, %add3A, %dma_wait3A_257, %dma_wait3A_258] : memref<400x32x8x128xf32, #tpu.memory_space<hbm>> -> memref<1x1x8x128xf32, #tpu.memory_space<hbm>>
    %dma_wait3A_260 = tpu.memref_squeeze %dma_wait3A_259 : memref<1x1x8x128xf32, #tpu.memory_space<hbm>> -> memref<8x128xf32, #tpu.memory_space<hbm>>
    %dma_wait3A_261 = arith.constant 8 : i32
    %dma_wait3A_262 = arith.constant 0 : i32
    %dma_wait3A_263 = tpu.memref_slice %arg9[%dma_wait3A_261, %dma_wait3A_262] : memref<64x128xf32, #tpu.memory_space<vmem>> -> memref<8x128xf32, #tpu.memory_space<vmem>>
    tpu.wait_dma2 semaphore(%arg13 : memref<!tpu.dma_semaphore, #tpu.memory_space<semaphore_mem>>) src(%dma_wait3A_263 : memref<8x128xf32, #tpu.memory_space<vmem>>) dst(%dma_wait3A_260 : memref<8x128xf32, #tpu.memory_space<hbm>>)
    %dma_wait3A_264 = arith.constant 2 : i32
    %dma_wait3A_265 = arith.constant 16 : i32
    %dma_wait3A_266 = arith.constant 0 : i32
    %dma_wait3A_267 = tpu.memref_slice %arg9[%dma_wait3A_265, %dma_wait3A_266] : memref<64x128xf32, #tpu.memory_space<vmem>> -> memref<8x128xf32, #tpu.memory_space<vmem>>
    %dma_wait3A_268 = arith.constant 0 : i32
    %dma_wait3A_269 = arith.constant 0 : i32
    %dma_wait3A_270 = tpu.memref_slice %arg4[%dma_wait3A_264, %add3A, %dma_wait3A_268, %dma_wait3A_269] : memref<400x32x8x128xf32, #tpu.memory_space<hbm>> -> memref<1x1x8x128xf32, #tpu.memory_space<hbm>>
    %dma_wait3A_271 = tpu.memref_squeeze %dma_wait3A_270 : memref<1x1x8x128xf32, #tpu.memory_space<hbm>> -> memref<8x128xf32, #tpu.memory_space<hbm>>
    %dma_wait3A_272 = arith.constant 0 : i32
    %dma_wait3A_273 = arith.constant 0 : i32
    %dma_wait3A_274 = tpu.memref_slice %arg4[%dma_wait3A_264, %add3A, %dma_wait3A_272, %dma_wait3A_273] : memref<400x32x8x128xf32, #tpu.memory_space<hbm>> -> memref<1x1x8x128xf32, #tpu.memory_space<hbm>>
    %dma_wait3A_275 = tpu.memref_squeeze %dma_wait3A_274 : memref<1x1x8x128xf32, #tpu.memory_space<hbm>> -> memref<8x128xf32, #tpu.memory_space<hbm>>
    %dma_wait3A_276 = arith.constant 16 : i32
    %dma_wait3A_277 = arith.constant 0 : i32
    %dma_wait3A_278 = tpu.memref_slice %arg9[%dma_wait3A_276, %dma_wait3A_277] : memref<64x128xf32, #tpu.memory_space<vmem>> -> memref<8x128xf32, #tpu.memory_space<vmem>>
    tpu.wait_dma2 semaphore(%arg13 : memref<!tpu.dma_semaphore, #tpu.memory_space<semaphore_mem>>) src(%dma_wait3A_278 : memref<8x128xf32, #tpu.memory_space<vmem>>) dst(%dma_wait3A_275 : memref<8x128xf32, #tpu.memory_space<hbm>>)
    %dma_wait3A_279 = arith.constant 3 : i32
    %dma_wait3A_280 = arith.constant 24 : i32
    %dma_wait3A_281 = arith.constant 0 : i32
    %dma_wait3A_282 = tpu.memref_slice %arg9[%dma_wait3A_280, %dma_wait3A_281] : memref<64x128xf32, #tpu.memory_space<vmem>> -> memref<8x128xf32, #tpu.memory_space<vmem>>
    %dma_wait3A_283 = arith.constant 0 : i32
    %dma_wait3A_284 = arith.constant 0 : i32
    %dma_wait3A_285 = tpu.memref_slice %arg4[%dma_wait3A_279, %add3A, %dma_wait3A_283, %dma_wait3A_284] : memref<400x32x8x128xf32, #tpu.memory_space<hbm>> -> memref<1x1x8x128xf32, #tpu.memory_space<hbm>>
    %dma_wait3A_286 = tpu.memref_squeeze %dma_wait3A_285 : memref<1x1x8x128xf32, #tpu.memory_space<hbm>> -> memref<8x128xf32, #tpu.memory_space<hbm>>
    %dma_wait3A_287 = arith.constant 0 : i32
    %dma_wait3A_288 = arith.constant 0 : i32
    %dma_wait3A_289 = tpu.memref_slice %arg4[%dma_wait3A_279, %add3A, %dma_wait3A_287, %dma_wait3A_288] : memref<400x32x8x128xf32, #tpu.memory_space<hbm>> -> memref<1x1x8x128xf32, #tpu.memory_space<hbm>>
    %dma_wait3A_290 = tpu.memref_squeeze %dma_wait3A_289 : memref<1x1x8x128xf32, #tpu.memory_space<hbm>> -> memref<8x128xf32, #tpu.memory_space<hbm>>
    %dma_wait3A_291 = arith.constant 24 : i32
    %dma_wait3A_292 = arith.constant 0 : i32
    %dma_wait3A_293 = tpu.memref_slice %arg9[%dma_wait3A_291, %dma_wait3A_292] : memref<64x128xf32, #tpu.memory_space<vmem>> -> memref<8x128xf32, #tpu.memory_space<vmem>>
    tpu.wait_dma2 semaphore(%arg13 : memref<!tpu.dma_semaphore, #tpu.memory_space<semaphore_mem>>) src(%dma_wait3A_293 : memref<8x128xf32, #tpu.memory_space<vmem>>) dst(%dma_wait3A_290 : memref<8x128xf32, #tpu.memory_space<hbm>>)
    %dma_wait3A_294 = arith.constant 4 : i32
    %dma_wait3A_295 = arith.constant 32 : i32
    %dma_wait3A_296 = arith.constant 0 : i32
    %dma_wait3A_297 = tpu.memref_slice %arg9[%dma_wait3A_295, %dma_wait3A_296] : memref<64x128xf32, #tpu.memory_space<vmem>> -> memref<8x128xf32, #tpu.memory_space<vmem>>
    %dma_wait3A_298 = arith.constant 0 : i32
    %dma_wait3A_299 = arith.constant 0 : i32
    %dma_wait3A_300 = tpu.memref_slice %arg4[%dma_wait3A_294, %add3A, %dma_wait3A_298, %dma_wait3A_299] : memref<400x32x8x128xf32, #tpu.memory_space<hbm>> -> memref<1x1x8x128xf32, #tpu.memory_space<hbm>>
    %dma_wait3A_301 = tpu.memref_squeeze %dma_wait3A_300 : memref<1x1x8x128xf32, #tpu.memory_space<hbm>> -> memref<8x128xf32, #tpu.memory_space<hbm>>
    %dma_wait3A_302 = arith.constant 0 : i32
    %dma_wait3A_303 = arith.constant 0 : i32
    %dma_wait3A_304 = tpu.memref_slice %arg4[%dma_wait3A_294, %add3A, %dma_wait3A_302, %dma_wait3A_303] : memref<400x32x8x128xf32, #tpu.memory_space<hbm>> -> memref<1x1x8x128xf32, #tpu.memory_space<hbm>>
    %dma_wait3A_305 = tpu.memref_squeeze %dma_wait3A_304 : memref<1x1x8x128xf32, #tpu.memory_space<hbm>> -> memref<8x128xf32, #tpu.memory_space<hbm>>
    %dma_wait3A_306 = arith.constant 32 : i32
    %dma_wait3A_307 = arith.constant 0 : i32
    %dma_wait3A_308 = tpu.memref_slice %arg9[%dma_wait3A_306, %dma_wait3A_307] : memref<64x128xf32, #tpu.memory_space<vmem>> -> memref<8x128xf32, #tpu.memory_space<vmem>>
    tpu.wait_dma2 semaphore(%arg13 : memref<!tpu.dma_semaphore, #tpu.memory_space<semaphore_mem>>) src(%dma_wait3A_308 : memref<8x128xf32, #tpu.memory_space<vmem>>) dst(%dma_wait3A_305 : memref<8x128xf32, #tpu.memory_space<hbm>>)
    %dma_wait3A_309 = arith.constant 5 : i32
    %dma_wait3A_310 = arith.constant 40 : i32
    %dma_wait3A_311 = arith.constant 0 : i32
    %dma_wait3A_312 = tpu.memref_slice %arg9[%dma_wait3A_310, %dma_wait3A_311] : memref<64x128xf32, #tpu.memory_space<vmem>> -> memref<8x128xf32, #tpu.memory_space<vmem>>
    %dma_wait3A_313 = arith.constant 0 : i32
    %dma_wait3A_314 = arith.constant 0 : i32
    %dma_wait3A_315 = tpu.memref_slice %arg4[%dma_wait3A_309, %add3A, %dma_wait3A_313, %dma_wait3A_314] : memref<400x32x8x128xf32, #tpu.memory_space<hbm>> -> memref<1x1x8x128xf32, #tpu.memory_space<hbm>>
    %dma_wait3A_316 = tpu.memref_squeeze %dma_wait3A_315 : memref<1x1x8x128xf32, #tpu.memory_space<hbm>> -> memref<8x128xf32, #tpu.memory_space<hbm>>
    %dma_wait3A_317 = arith.constant 0 : i32
    %dma_wait3A_318 = arith.constant 0 : i32
    %dma_wait3A_319 = tpu.memref_slice %arg4[%dma_wait3A_309, %add3A, %dma_wait3A_317, %dma_wait3A_318] : memref<400x32x8x128xf32, #tpu.memory_space<hbm>> -> memref<1x1x8x128xf32, #tpu.memory_space<hbm>>
    %dma_wait3A_320 = tpu.memref_squeeze %dma_wait3A_319 : memref<1x1x8x128xf32, #tpu.memory_space<hbm>> -> memref<8x128xf32, #tpu.memory_space<hbm>>
    %dma_wait3A_321 = arith.constant 40 : i32
    %dma_wait3A_322 = arith.constant 0 : i32
    %dma_wait3A_323 = tpu.memref_slice %arg9[%dma_wait3A_321, %dma_wait3A_322] : memref<64x128xf32, #tpu.memory_space<vmem>> -> memref<8x128xf32, #tpu.memory_space<vmem>>
    tpu.wait_dma2 semaphore(%arg13 : memref<!tpu.dma_semaphore, #tpu.memory_space<semaphore_mem>>) src(%dma_wait3A_323 : memref<8x128xf32, #tpu.memory_space<vmem>>) dst(%dma_wait3A_320 : memref<8x128xf32, #tpu.memory_space<hbm>>)
    %dma_wait3A_324 = arith.constant 6 : i32
    %dma_wait3A_325 = arith.constant 48 : i32
    %dma_wait3A_326 = arith.constant 0 : i32
    %dma_wait3A_327 = tpu.memref_slice %arg9[%dma_wait3A_325, %dma_wait3A_326] : memref<64x128xf32, #tpu.memory_space<vmem>> -> memref<8x128xf32, #tpu.memory_space<vmem>>
    %dma_wait3A_328 = arith.constant 0 : i32
    %dma_wait3A_329 = arith.constant 0 : i32
    %dma_wait3A_330 = tpu.memref_slice %arg4[%dma_wait3A_324, %add3A, %dma_wait3A_328, %dma_wait3A_329] : memref<400x32x8x128xf32, #tpu.memory_space<hbm>> -> memref<1x1x8x128xf32, #tpu.memory_space<hbm>>
    %dma_wait3A_331 = tpu.memref_squeeze %dma_wait3A_330 : memref<1x1x8x128xf32, #tpu.memory_space<hbm>> -> memref<8x128xf32, #tpu.memory_space<hbm>>
    %dma_wait3A_332 = arith.constant 0 : i32
    %dma_wait3A_333 = arith.constant 0 : i32
    %dma_wait3A_334 = tpu.memref_slice %arg4[%dma_wait3A_324, %add3A, %dma_wait3A_332, %dma_wait3A_333] : memref<400x32x8x128xf32, #tpu.memory_space<hbm>> -> memref<1x1x8x128xf32, #tpu.memory_space<hbm>>
    %dma_wait3A_335 = tpu.memref_squeeze %dma_wait3A_334 : memref<1x1x8x128xf32, #tpu.memory_space<hbm>> -> memref<8x128xf32, #tpu.memory_space<hbm>>
    %dma_wait3A_336 = arith.constant 48 : i32
    %dma_wait3A_337 = arith.constant 0 : i32
    %dma_wait3A_338 = tpu.memref_slice %arg9[%dma_wait3A_336, %dma_wait3A_337] : memref<64x128xf32, #tpu.memory_space<vmem>> -> memref<8x128xf32, #tpu.memory_space<vmem>>
    tpu.wait_dma2 semaphore(%arg13 : memref<!tpu.dma_semaphore, #tpu.memory_space<semaphore_mem>>) src(%dma_wait3A_338 : memref<8x128xf32, #tpu.memory_space<vmem>>) dst(%dma_wait3A_335 : memref<8x128xf32, #tpu.memory_space<hbm>>)
    %dma_wait3A_339 = arith.constant 7 : i32
    %dma_wait3A_340 = arith.constant 56 : i32
    %dma_wait3A_341 = arith.constant 0 : i32
    %dma_wait3A_342 = tpu.memref_slice %arg9[%dma_wait3A_340, %dma_wait3A_341] : memref<64x128xf32, #tpu.memory_space<vmem>> -> memref<8x128xf32, #tpu.memory_space<vmem>>
    %dma_wait3A_343 = arith.constant 0 : i32
    %dma_wait3A_344 = arith.constant 0 : i32
    %dma_wait3A_345 = tpu.memref_slice %arg4[%dma_wait3A_339, %add3A, %dma_wait3A_343, %dma_wait3A_344] : memref<400x32x8x128xf32, #tpu.memory_space<hbm>> -> memref<1x1x8x128xf32, #tpu.memory_space<hbm>>
    %dma_wait3A_346 = tpu.memref_squeeze %dma_wait3A_345 : memref<1x1x8x128xf32, #tpu.memory_space<hbm>> -> memref<8x128xf32, #tpu.memory_space<hbm>>
    %dma_wait3A_347 = arith.constant 0 : i32
    %dma_wait3A_348 = arith.constant 0 : i32
    %dma_wait3A_349 = tpu.memref_slice %arg4[%dma_wait3A_339, %add3A, %dma_wait3A_347, %dma_wait3A_348] : memref<400x32x8x128xf32, #tpu.memory_space<hbm>> -> memref<1x1x8x128xf32, #tpu.memory_space<hbm>>
    %dma_wait3A_350 = tpu.memref_squeeze %dma_wait3A_349 : memref<1x1x8x128xf32, #tpu.memory_space<hbm>> -> memref<8x128xf32, #tpu.memory_space<hbm>>
    %dma_wait3A_351 = arith.constant 56 : i32
    %dma_wait3A_352 = arith.constant 0 : i32
    %dma_wait3A_353 = tpu.memref_slice %arg9[%dma_wait3A_351, %dma_wait3A_352] : memref<64x128xf32, #tpu.memory_space<vmem>> -> memref<8x128xf32, #tpu.memory_space<vmem>>
    tpu.wait_dma2 semaphore(%arg13 : memref<!tpu.dma_semaphore, #tpu.memory_space<semaphore_mem>>) src(%dma_wait3A_353 : memref<8x128xf32, #tpu.memory_space<vmem>>) dst(%dma_wait3A_350 : memref<8x128xf32, #tpu.memory_space<hbm>>)
    return
  }
}

</mosaic_0001>

<sc_bundles>
// kernel: kernel.3.cloned.1.call-start
scs
__scs_entry_jumppad:
0x0: {  	(pc) =	sbr.rel $0x88, $3  }
0x1: {  	(tag) =	ssettag $0x0;
	lr =	simm.s32 $0x1  }
0x2: {  	[smem:$0x3F9F] =	sst lr;
	_ =	strace $0xD0000000  }
0x3: {  	_ = 	snop  }
0x4: {  	_ = 	snop  }
0x5: {  	_ = 	snop  }
0x6: {  	_ = 	snop  }
0x7: {  	_ = 	snop  }
__scs_overlays_trampoline_lowered:
0x8: {  	[smem:$0x3FAE] =	sst s0  }
0x9: {  	[smem:$0x3FAF] =	sst s1  }
0xa: {  	[smem:$0x3FB0] =	sst s2  }
0xb: {  	[smem:$0x3FB1] =	sst s3  }
0xc: {  	[smem:$0x3FB2] =	sst s4  }
0xd: {  	[smem:$0x3FB3] =	sst s5  }
0xe: {  	[smem:$0x3FB4] =	sst s6  }
0xf: {  	[smem:$0x3FB5] =	sst s7  }
0x10: {  	[smem:$0x3FB6] =	sst s8  }
0x11: {  	[smem:$0x3FB7] =	sst s9;
	s0 =	simm.s32 @!p0 $0x0  }
0x12: {  	s1 =	sld [smem:$0x3F9D];
	s0 =	simm.s32 @p0 $0x1  }
0x13: {  	[smem:$0x3FB8] =	sst s0;
	s0 =	simm.s32 @!p1 $0x0  }
0x14: {  	s2 =	sld [smem:$0x3F9C];
	s0 =	simm.s32 @p1 $0x1  }
0x15: {  	[smem:$0x3FB9] =	sst s0;
	s0 =	simm.s32 @!p2 $0x0  }
0x16: {  	s3 =	sld [smem:$0x3FDB];
	s0 =	simm.s32 @p2 $0x1  }
0x17: {  	s4 =	simm.s32 $0x1BF5;
	[smem:$0x3FBB] =	sst s0  }
0x18: {  	s0 =	sld [smem:$0x3F9E];
	_ =	swait.ge [sflag:s4], $0x0  }
0x19: {  	s7 =	sld [smem:$0x3F9F]  }
0x1a: {  	s8 =	sadd.s32 $0xFFFFE003, lr  }
0x1b: {  	s9 =	sadd.s32 $0xFFFFFEF7, lr;
	s5 =	simm.s32 $0xFFFFFFFF;
	p2 =	slt.u32 s8, $0xFFFFF086  }
0x1c: {  	p1 =	slt.u32 s9, $0xF7A;
	s5 =	simm.s32 @!p2 $0x0  }
0x1d: {  	s5 =	simm.s32 @p1 $0x1;
	p0 =	seq.s32 s7, s2  }
0x1e: {  	s7 =	smul.u32 @!p0 $0xF7A, s2;
	p2 =	seq.s32 @!p0 s5, $0x0  }
0x1f: {  	s9 =	smul.u32 $0xF7A, s1;
	s8 =	simm.s32 @!p0 $0x1BF5;
	p2 =	por !p2, p0  }
0x20: {  	[sflag:s8] =	ssyncset.s32 @!p0 $0xFFFFF086;
	s6 =	sadd.s32 @!p0 s3, s7;
	s7 =	simm.s32 @!p0 $0x108  }
0x21: {  	s3 =	sadd.s32 s3, s9;
	s6 =	sadd.s32 @!p0 $0x88, s6;
	s7 =	simm.s32 @p2 $0x1082  }
0x22: {  	[simem:s7], [sflag:s8] =	dma.local @!p0 [hbm:s6], $0xF7A  }
0x23: {  	s9 =	sor.u32 $0xD0000000, s2;
	s6 =	simm.s32 $0x108;
	_ =	swait.ge @!p0 [sflag:s8], $0x0  }
0x24: {  	s3 =	sadd.s32 $0x88, s3;
	s6 =	simm.s32 @!p1 $0x1082;
	[sflag:s4] =	ssyncset.s32 $0xFFFFF086  }
0x25: {  	[simem:s6], [sflag:s4] =	dma.local [hbm:s3], $0xF7A  }
0x26: {  	[smem:$0x3F9F] =	sst s1;
	(tag) =	ssettag s2;
	_ =	strace s9  }
0x27: {  	s1 =	sld [smem:$0x3FAF]  }
0x28: {  	s2 =	sld [smem:$0x3FB0]  }
0x29: {  	s4 =	sld [smem:$0x3FB2]  }
0x2a: {  	p0 =	seq.s32 s5, $0x0;
	s5 =	sld [smem:$0x3FB3]  }
0x2b: {  	s6 =	sld [smem:$0x3FB4]  }
0x2c: {  	s7 =	sld [smem:$0x3FB5]  }
0x2d: {  	s3 =	simm.s32 $0x108;
	s8 =	sld [smem:$0x3FB6]  }
0x2e: {  	s3 =	simm.s32 @!p0 $0x1082;
	s9 =	sld [smem:$0x3FB7]  }
0x2f: {  	lr =	sadd.s32 s0, s3;
	s0 =	sld [smem:$0x3FAE]  }
0x30: {  	s3 =	sld [smem:$0x3FB1]  }
0x31: {  	[smem:$0x3FBA] =	sst s10  }
0x32: {  	s10 =	sld [smem:$0x3FB8];
	_ =	sdelay $0x3  }
0x33: {  	p0 =	seq.s32 s10, $0x1;
	s10 =	sld [smem:$0x3FBA];
	_ =	sdelay $0x3  }
0x34: {  	[smem:$0x3FBA] =	sst s10  }
0x35: {  	s10 =	sld [smem:$0x3FB9];
	_ =	sdelay $0x3  }
0x36: {  	p1 =	seq.s32 s10, $0x1;
	s10 =	sld [smem:$0x3FBA];
	_ =	sdelay $0x3  }
0x37: {  	[smem:$0x3FBA] =	sst s10  }
0x38: {  	s10 =	sld [smem:$0x3FBB]  }
0x39: {  	_ = 	snop;
	(pc) =	sbr.ind lr, $3  }
0x3a: {  	_ = 	snop  }
0x3b: {  	_ = 	snop  }
0x3c: {  	p2 =	seq.s32 s10, $0x1;
	s10 =	sld [smem:$0x3FBA]  }
0x3d: {  	_ =	shalt  }
0x3e: {  	_ =	shalt  }
0x3f: {  	_ =	shalt  }
0x40: {  	_ =	shalt  }
0x41: {  	_ =	shalt  }
0x42: {  	_ =	shalt  }
0x43: {  	_ =	shalt  }
0x44: {  	_ =	shalt  }
0x45: {  	_ =	shalt  }
0x46: {  	_ =	shalt  }
0x47: {  	_ =	shalt  }
0x48: {  	_ =	shalt  }
0x49: {  	_ =	shalt  }
0x4a: {  	_ =	shalt  }
0x4b: {  	_ =	shalt  }
0x4c: {  	_ =	shalt  }
0x4d: {  	_ =	shalt  }
0x4e: {  	_ =	shalt  }
0x4f: {  	_ =	shalt  }
0x50: {  	_ =	shalt  }
0x51: {  	_ =	shalt  }
0x52: {  	_ =	shalt  }
0x53: {  	_ =	shalt  }
0x54: {  	_ =	shalt  }
0x55: {  	_ =	shalt  }
0x56: {  	_ =	shalt  }
0x57: {  	_ =	shalt  }
0x58: {  	_ =	shalt  }
0x59: {  	_ =	shalt  }
0x5a: {  	_ =	shalt  }
0x5b: {  	_ =	shalt  }
0x5c: {  	_ =	shalt  }
0x5d: {  	_ =	shalt  }
0x5e: {  	_ =	shalt  }
0x5f: {  	_ =	shalt  }
0x60: {  	_ =	shalt  }
0x61: {  	_ =	shalt  }
0x62: {  	_ =	shalt  }
0x63: {  	_ =	shalt  }
0x64: {  	_ =	shalt  }
0x65: {  	_ =	shalt  }
0x66: {  	_ =	shalt  }
0x67: {  	_ =	shalt  }
0x68: {  	_ =	shalt  }
0x69: {  	_ =	shalt  }
0x6a: {  	_ =	shalt  }
0x6b: {  	_ =	shalt  }
0x6c: {  	_ =	shalt  }
0x6d: {  	_ =	shalt  }
0x6e: {  	_ =	shalt  }
0x6f: {  	_ =	shalt  }
0x70: {  	_ =	shalt  }
0x71: {  	_ =	shalt  }
0x72: {  	_ =	shalt  }
0x73: {  	_ =	shalt  }
0x74: {  	_ =	shalt  }
0x75: {  	_ =	shalt  }
0x76: {  	_ =	shalt  }
0x77: {  	_ =	shalt  }
0x78: {  	_ =	shalt  }
0x79: {  	_ =	shalt  }
0x7a: {  	_ =	shalt  }
0x7b: {  	_ =	shalt  }
0x7c: {  	_ =	shalt  }
0x7d: {  	_ =	shalt  }
0x7e: {  	_ =	shalt  }
0x7f: {  	_ =	shalt  }
0x80: {  	_ =	shalt  }
0x81: {  	_ =	shalt  }
0x82: {  	_ =	shalt  }
0x83: {  	_ =	shalt  }
0x84: {  	_ =	shalt  }
0x85: {  	_ =	shalt  }
0x86: {  	_ =	shalt  }
0x87: {  	_ =	shalt  }
.Lfunc_end0:
.L_simem_size_0:
called_computation_lowered:
.L_overlay_start_0:
0x88: {  	s2 =	sld [smem:$0x3FD9]  }
0x89: {  	s3 =	sld [smem:$0x3FFE];
	_ =	sdelay $0x1  }
0x8a: {  	s1 =	srdreg.scid  }
0x8b: {  	s0 =	sand.u32 $0x1, s1  }
0x8c: {  	s17 =	sshll.u32 s0, $0xA;
	s2 =	sadd.s32 s3, s2  }
0x8d: {  	s2 =	sadd.s32 s2, s17  }
0x8e: {  	[smem:$0x3FC6] =	sst s2  }
0x8f: {  	_ = 	snop  }
0x90: {  	s2 =	sld [smem:$0x3FD0];
	(tm) =	ssettm $0x1  }
0x91: {  	s18 =	sld [smem:$0x3FFB];
	_ =	sdelay $0x3  }
0x92: {  	_ =	strace s18  }
0x93: {  	s3 =	sld [smem:$0x3FFC];
	_ =	sdelay $0x3  }
0x94: {  	_ =	strace s3  }
0x95: {  	s3 =	sld [smem:$0x3FFD];
	_ =	sdelay $0x3  }
0x96: {  	_ =	strace s3  }
0x97: {  	_ =	strace $0x8FFFFFFF  }
0x98: {  	s19 =	sld [smem:$0x3FDB];
	_ =	sdelay $0x1  }
0x99: {  	s4 =	simm.s32 $_scs_section_size  }
0x9a: {  	s5 =	simm.s32 $_size__tile_overlayer_lowered;
	s6 =	simm.s32 $_tile_overlayer_lowered  }
0x9b: {  	s22 =	simm.s32 $0x1BFF;
	s21 =	sshll.u32 s6, $0x1;
	s3 =	sadd.s32 s4, s19  }
0x9c: {  	s7 =	simm.s32 $0x0;
	s20 =	sshll.u32 s5, $0x1;
	s5 =	sadd.s32 s21, s3  }
0x9d: {  	[timem:s7], [sflag:s22] =	dma.local [hbm:s5], s20  }
0x9e: {  	_ =	swait.ge [sflag:s22], s20  }
0x9f: {  	s4 =	ssub.s32 $0x0, s20;
	[sflag:s22] =	ssyncset.done $0x0  }
0xa0: {  	[sflag:s22] =	ssyncadd.s32 s4;
	_ =	sdelay $0x1  }
0xa1: {  	s23 =	simm.s32 $0x1B8B  }
0xa2: {  	_ =	swait.ge [sflag:s23], $0x1  }
0xa3: {  	[sflag:s23] =	ssyncset.done $0x0  }
0xa4: {  	s25 =	simm.s32 $0x1B8E;
	s24 =	sld [smem:$0x3FFE];
	[sflag:s23] =	ssyncadd.s32 $0xFFFFFFFF  }
0xa5: {  	s26 =	simm.s32 $execute0_lowered;
	[smem:$0x3FD2] =	sst s25  }
0xa6: {  	s5 =	sshll.u32 s26, $0x1;
	_ =	strace $0x80000046;
	[dreg:$0x1] =	wrdreg $0xFFFFFFFF  }
0xa7: {  	s28 =	simm.s32 $_size_execute0_lowered;
	s3 =	sadd.s32 s3, s5;
	[dreg:$0x0] =	wrdreg $0x0  }
0xa8: {  	s5 =	sshll.u32 s28, $0x1;
	[dreg:$0x2] =	wrdreg s3  }
0xa9: {  	[dreg:$0x3] =	wrdreg s5  }
0xaa: {  	[dreg:$0x4] =	wrdreg $0xC0  }
0xab: {  	_ =	task [dreg:s7], $0x5FFFF  }
0xac: {  	[dreg:$0x1] =	wrdreg $0xFFFFFFFF  }
0xad: {  	[dreg:$0x0] =	wrdreg $0x60  }
0xae: {  	[dreg:$0x2] =	wrdreg s24  }
0xaf: {  	[dreg:$0x3] =	wrdreg s2  }
0xb0: {  	[dreg:$0x4] =	wrdreg $0x9  }
0xb1: {  	_ =	task.clear_ibuf [dreg:s7], $0x5FFFF;
	_ =	strace $0x90000046  }
0xb2: {  	s29 =	simm.s32 $0x9;
	_ =	strace $0x80000048  }
0xb3: {  	_ =	swait.ge [sflag:s29], $0x1  }
0xb4: {  	[sflag:s29] =	ssyncadd.s32 $0xFFFFFFFF  }
0xb5: {  	_ =	strace $0x90000048  }
0xb6: {  	_ =	sfence  }
0xb7: {  	s30 =	sld [smem:$0x0];
	_ =	sdelay $0x2  }
0xb8: {  	s31 =	sshll.u32 s1, $0xD;
	s1 =	sshrl.u32 s1, $0x2  }
0xb9: {  	s3 =	sand.u32 $0x4000, s31;
	s1 =	sadd.s32 s1, s30  }
0xba: {  	s0 =	sor.u32 s3, s0;
	s1 =	sshll.u32 s1, $0x11  }
0xbb: {  	s0 =	sor.u32 s1, s0  }
0xbc: {  	s0 =	sadd.s32 $0x8F2B, s0  }
0xbd: {  	[sflag:s0] =	ssyncadd.remote.s32 $0x1  }
0xbe: {  	_ =	sfence.sel $0xFFFF  }
0xbf: {  	[dreg:$0x0] =	wrdreg $0xFFFFFFFF;
	(pc) =	sbr.abs _section_cstart, $3  }
0xc0: {  	[dreg:$0x1] =	wrdreg $0xFFFFFFFF  }
0xc1: {  	_ =	task.clear_ibuf [dreg:s7], $0x2FFFF;
	_ =	strace $0x9FFFFFFF  }
0xc2: {  	(tm) =	ssettm $0x7FFFFFFF  }
0xc3: {  	_ =	shalt  }
tec
execute0_lowered:
.L_overlay_start_1:
0x0: {  	(tag) =	ssettag $0x1  }
0x1: {  	v0 =	vimm.s32 $0xFEDCBA9;
	v1 =	vimm.s32 $0x87654321  }
0x2: {  	v2 =	vimm.s32 $0x10FEDCBA;
	v3 =	vimm.s32 $0x98765432;
	v31 =	vimm.s32 $0x210FEDCB  }
0x3: {  	v32 =	vimm.s32 $0xA9876543;
	v38 =	vimm.s32 $0x3210FEDC;
	vm14 =	vcmask $0x300  }
0x4: {  	v39 =	vimm.s32 $0x787;
	vm13 =	vcmask $0x704;
	v40 =	vimm.s32 $0xBA987654  }
0x5: {  	vm11 =	vcmask $0xB08;
	vm12 =	vcmask $0xF0C;
	vm10 =	vcmask $0x1310  }
0x6: {  	vm8 =	vcmask $0x1714;
	vm9 =	vcmask $0x1B18;
	vm7 =	vcmask $0x1F1C  }
0x7: {  	vm5 =	vcmask $0x2320;
	v44 =	vimm.s32 $0x7;
	vm6 =	vcmask $0x2724  }
0x8: {  	vm4 =	vcmask $0x2B28;
	vm2 =	vcmask $0x2F2C;
	vm3 =	vcmask $0x3330  }
0x9: {  	vm1 =	vcmask $0x3734;
	v46 =	vimm.s32 $0x43210FED;
	v11 =	vimm.s32 $0xCBA98765  }
0xa: {  	v12 =	vimm.s32 $0x87;
	vm0 =	vcmask $0x3B38;
	v14 =	vimm.s32 $0x6543210F  }
0xb: {  	v15 =	vimm.s32 $0xEDCBA987;
	v27 =	vimm.s32 $0x487;
	v51 =	vimm.s32 $0xC87  }
0xc: {  	v53 =	vimm.s32 $0xD07;
	v0 =	vunpack.c.l.s4.s8 v0;
	v1 =	vunpack.c.l.s4.s8 v1  }
0xd: {  	v2 =	vunpack.c.l.s4.s8 v2;
	v29 =	vunpack.c.l.s4.s8 v3;
	v33 =	vunpack.c.l.s4.s8 v31  }
0xe: {  	v34 =	vunpack.c.l.s4.s8 v32;
	v11 =	vunpack.c.l.s4.s8 v11;
	v12 =	vsel vm14, $0x100, v12  }
0xf: {  	v14 =	vunpack.c.l.s4.s8 v14;
	v15 =	vunpack.c.l.s4.s8 v15;
	v32 =	vimm.s32 $0x507  }
0x10: {  	v12 =	vsel vm13, $0x181, v12;
	v6 =	vunpack.c.0.s8.s32 v0;
	v7 =	vunpack.c.0.s8.s32 v1  }
0x11: {  	v30 =	vunpack.c.0.s8.s32 v2;
	v5 =	vunpack.c.0.s8.s32 v29;
	v35 =	vunpack.c.0.s8.s32 v33  }
0x12: {  	v4 =	vunpack.c.0.s8.s32 v34;
	v0 =	vunpack.c.l.s4.s8 v38;
	v1 =	vsel vm14, $0x0, v39  }
0x13: {  	v11 =	vunpack.c.0.s8.s32 v11;
	v12 =	vsel vm11, $0x202, v12;
	v49 =	vunpack.c.0.s8.s32 v15  }
0x14: {  	v29 =	vsel vm14, $0x500, v27;
	v33 =	vimm.s32 $0x587;
	v38 =	vimm.s32 $0x607  }
0x15: {  	v39 =	vimm.s32 $0x687;
	v27 =	vimm.s32 $0x1507;
	v1 =	vsel vm13, $0x81, v1  }
0x16: {  	v47 =	vsel vm12, $0x283, v12;
	v12 =	vimm.s32 $0x543210FE;
	v31 =	vsel vm13, $0x581, v29  }
0x17: {  	v27 =	vsel vm14, $0x1580, v27;
	v29 =	vimm.s32 $0x1607;
	v8 =	vcombine.low v7, v6  }
0x18: {  	v9 =	vcombine.low v5, v30;
	v1 =	vsel vm11, $0x102, v1;
	v0 =	vunpack.c.0.s8.s32 v0  }
0x19: {  	v12 =	vunpack.c.l.s4.s8 v12;
	v6 =	vcombine.low v6, v7;
	v3 =	vcombine.low v30, v5  }
0x1a: {  	v2 =	vcombine.low v35, v4;
	v29 =	vsel vm14, $0x1680, v29;
	v27 =	vsel vm13, $0x1601, v27  }
0x1b: {  	v10 =	vsel vm12, $0x183, v1;
	v29 =	vsel vm13, $0x1701, v29;
	v27 =	vsel vm11, $0x1682, v27  }
0x1c: {  	v36 =	vand.u32 $0xF, v8;
	v37 =	vand.u32 $0xF, v9;
	v8 =	vcombine.low v4, v35  }
0x1d: {  	v9 =	vunpack.c.l.s4.s8 v40;
	v42 =	vsel vm10, $0x204, v10;
	v10 =	vsel vm14, $0x80, v44  }
0x1e: {  	v12 =	vunpack.c.0.s8.s32 v12;
	v6 =	vand.u32 $0xF, v6;
	v3 =	vand.u32 $0xF, v3  }
0x1f: {  	v2 =	vand.u32 $0xF, v2;
	v40 =	vimm.s32 $0x707;
	v44 =	vimm.s32 $0x1C1B1A19  }
0x20: {  	v27 =	vsel vm12, $0x1703, v27;
	v29 =	vsel vm11, $0x1782, v29;
	v10 =	vsel vm13, $0x101, v10  }
0x21: {  	v29 =	vsel vm12, $0x1003, v29;
	v27 =	vsel vm10, $0x1784, v27;
	v41 =	vunpack.c.0.s8.s32 v9  }
0x22: {  	v60 =	vand.u32 $0xF, v8;
	v8 =	vsel vm8, $0x285, v42;
	v10 =	vsel vm11, $0x182, v10  }
0x23: {  	v29 =	vsel vm10, $0x1084, v29;
	v27 =	vsel vm8, $0x1005, v27;
	v8 =	vsel vm9, $0x306, v8  }
0x24: {  	v10 =	vsel vm12, $0x203, v10;
	v27 =	vsel vm9, $0x1086, v27;
	v29 =	vsel vm8, $0x1105, v29  }
0x25: {  	v43 =	vcombine.low v41, v0;
	v8 =	vsel vm7, $0x387, v8;
	v45 =	vsel vm10, $0x284, v10  }
0x26: {  	v10 =	vunpack.c.l.s4.s8 v46;
	v0 =	vcombine.low v0, v41;
	v46 =	vimm.s32 $0x807  }
0x27: {  	v29 =	vsel vm9, $0x1186, v29;
	v27 =	vsel vm7, $0x1107, v27;
	v8 =	vsel vm5, $0x400, v8  }
0x28: {  	v29 =	vsel vm7, $0x1207, v29;
	v27 =	vsel vm5, $0x1180, v27;
	v8 =	vsel vm6, $0x481, v8  }
0x29: {  	v9 =	vand.u32 $0xF, v43;
	v10 =	vunpack.c.0.s8.s32 v10;
	v0 =	vand.u32 $0xF, v0  }
0x2a: {  	v27 =	vsel vm6, $0x1201, v27;
	v29 =	vsel vm5, $0x1280, v29;
	v8 =	vsel vm4, $0x502, v8  }
0x2b: {  	[tilespmem:$0x1FA70] =	vst v9;
	v9 =	vsel vm8, $0x305, v45;
	v45 =	vimm.s32 $0xF87;
	v29 =	vsel vm6, $0x1301, v29  }
0x2c: {  	v27 =	vsel vm4, $0x1282, v27;
	v8 =	vsel vm2, $0x583, v8;
	v9 =	vsel vm9, $0x386, v9  }
0x2d: {  	v13 =	vcombine.low v11, v10;
	v25 =	vcombine.low v10, v11;
	v10 =	vsel vm14, $0xD00, v51  }
0x2e: {  	v11 =	vsel vm14, $0xD80, v53;
	v53 =	vimm.s32 $0x18171615;
	v29 =	vsel vm4, $0x1382, v29  }
0x2f: {  	v27 =	vsel vm2, $0x1303, v27;
	v8 =	vsel vm3, $0x604, v8;
	v9 =	vsel vm7, $0x407, v9  }
0x30: {  	v10 =	vsel vm13, $0xD81, v10;
	v11 =	vsel vm13, $0xE01, v11;
	v27 =	vsel vm3, $0x1384, v27  }
0x31: {  	v29 =	vsel vm2, $0x1403, v29;
	v8 =	vsel vm1, $0x685, v8;
	v9 =	vsel vm5, $0x480, v9  }
0x32: {  	v50 =	vand.u32 $0xF, v13;
	v13 =	vimm.s32 $0x107;
	v10 =	vsel vm11, $0xE02, v10  }
0x33: {  	v11 =	vsel vm11, $0xE82, v11;
	v29 =	vsel vm3, $0x1484, v29;
	v27 =	vsel vm1, $0x1405, v27  }
0x34: {  	v9 =	vsel vm6, $0x501, v9;
	v61 =	vsel vm0, $0x706, v8;
	v13 =	vsel vm14, $0x180, v13  }
0x35: {  	v10 =	vsel vm12, $0xE83, v10;
	v11 =	vsel vm12, $0xF03, v11;
	v29 =	vsel vm1, $0x1505, v29  }
0x36: {  	v9 =	vsel vm4, $0x582, v9;
	v48 =	vsel vm13, $0x201, v13;
	v13 =	vimm.s32 $0xDCBA9876  }
0x37: {  	v10 =	vsel vm10, $0xF04, v10;
	v11 =	vsel vm10, $0xF84, v11;
	v9 =	vsel vm2, $0x603, v9  }
0x38: {  	v13 =	vunpack.c.l.s4.s8 v13;
	v10 =	vsel vm8, $0xF85, v10;
	v11 =	vsel vm8, $0x805, v11  }
0x39: {  	v8 =	vsel vm3, $0x684, v9;
	v9 =	vsel vm10, $0x304, v47;
	v47 =	vimm.s32 $0x887  }
0x3a: {  	v10 =	vsel vm9, $0x806, v10;
	v11 =	vsel vm9, $0x886, v11;
	v8 =	vsel vm1, $0x705, v8  }
0x3b: {  	v9 =	vsel vm8, $0x385, v9;
	v13 =	vunpack.c.0.s8.s32 v13;
	v10 =	vsel vm7, $0x887, v10  }
0x3c: {  	v11 =	vsel vm7, $0x907, v11;
	v9 =	vsel vm9, $0x406, v9;
	v55 =	vsel vm0, $0x786, v8  }
0x3d: {  	v10 =	vsel vm5, $0x900, v10;
	v11 =	vsel vm5, $0x980, v11;
	v8 =	vsel vm7, $0x487, v9  }
0x3e: {  	v9 =	vsel vm11, $0x282, v48;
	v15 =	vcombine.low v13, v12;
	v26 =	vcombine.low v12, v13  }
0x3f: {  	v48 =	vimm.s32 $0x907;
	v12 =	vimm.s32 $0xD87;
	v13 =	vimm.s32 $0xE07  }
0x40: {  	v10 =	vsel vm6, $0x981, v10;
	v11 =	vsel vm6, $0xA01, v11;
	v8 =	vsel vm5, $0x500, v8  }
0x41: {  	v9 =	vsel vm12, $0x303, v9;
	v12 =	vsel vm14, $0xE00, v12;
	v13 =	vsel vm14, $0xE80, v13  }
0x42: {  	v10 =	vsel vm4, $0xA02, v10;
	v11 =	vsel vm4, $0xA82, v11;
	v8 =	vsel vm6, $0x581, v8  }
0x43: {  	v9 =	vsel vm10, $0x384, v9;
	v52 =	vand.u32 $0xF, v15;
	v15 =	vimm.s32 $0xFEDCBA98  }
0x44: {  	v30 =	vand.u32 $0xF, v26;
	v26 =	vimm.s32 $0x1487;
	v12 =	vsel vm13, $0xE81, v12  }
0x45: {  	v13 =	vsel vm13, $0xF01, v13;
	v10 =	vsel vm2, $0xA83, v10;
	v11 =	vsel vm2, $0xB03, v11  }
0x46: {  	v8 =	vsel vm4, $0x602, v8;
	v9 =	vsel vm8, $0x405, v9;
	v15 =	vunpack.c.l.s4.s8 v15  }
0x47: {  	[tilespmem:$0x1F870] =	vst v30;
	v26 =	vsel vm14, $0x1500, v26;
	v30 =	vimm.s32 $0x1687;
	v12 =	vsel vm11, $0xF02, v12  }
0x48: {  	v13 =	vsel vm11, $0xF82, v13;
	v10 =	vsel vm3, $0xB04, v10;
	v11 =	vsel vm3, $0xB84, v11  }
0x49: {  	v9 =	vsel vm9, $0x486, v9;
	v16 =	vsel vm2, $0x683, v8;
	v8 =	vunpack.c.0.s8.s32 v14  }
0x4a: {  	v30 =	vsel vm14, $0x1700, v30;
	v26 =	vsel vm13, $0x1581, v26;
	v12 =	vsel vm12, $0xF83, v12  }
0x4b: {  	v13 =	vsel vm12, $0x803, v13;
	v10 =	vsel vm1, $0xB85, v10;
	v11 =	vsel vm1, $0xC05, v11  }
0x4c: {  	v17 =	vsel vm7, $0x507, v9;
	v16 =	vsel vm3, $0x704, v16;
	v30 =	vsel vm13, $0x1781, v30  }
0x4d: {  	v26 =	vsel vm11, $0x1602, v26;
	v12 =	vsel vm10, $0x804, v12;
	v13 =	vsel vm10, $0x884, v13  }
0x4e: {  	v10 =	vsel vm0, $0xC06, v10;
	v14 =	vsel vm5, $0x580, v17;
	v16 =	vsel vm1, $0x785, v16  }
0x4f: {  	v17 =	vcombine.low v49, v8;
	v34 =	vcombine.low v8, v49;
	v8 =	vimm.s32 $0xB87  }
0x50: {  	v49 =	vimm.s32 $0xC07;
	v26 =	vsel vm12, $0x1683, v26;
	v30 =	vsel vm11, $0x1002, v30  }
0x51: {  	v12 =	vsel vm8, $0x885, v12;
	v13 =	vsel vm8, $0x905, v13;
	v14 =	vsel vm6, $0x601, v14  }
0x52: {  	v58 =	vsel vm0, $0x6, v16;
	v16 =	vimm.s32 $0x76543210;
	v8 =	vsel vm14, $0xC00, v8  }
0x53: {  	v9 =	vsel vm14, $0xC80, v49;
	v49 =	vimm.s32 $0x14131211;
	v30 =	vsel vm12, $0x1083, v30  }
0x54: {  	v26 =	vsel vm10, $0x1704, v26;
	v12 =	vsel vm9, $0x906, v12;
	v13 =	vsel vm9, $0x986, v13  }
0x55: {  	v14 =	vsel vm4, $0x682, v14;
	v59 =	vand.u32 $0xF, v17;
	v17 =	vimm.s32 $0x187  }
0x56: {  	v16 =	vunpack.c.l.s4.s8 v16;
	v54 =	vunpack.c.0.s8.s32 v49;
	v8 =	vsel vm13, $0xC81, v8  }
0x57: {  	v9 =	vsel vm13, $0xD01, v9;
	v49 =	vimm.s32 $0x11101F1E;
	v30 =	vsel vm10, $0x1104, v30  }
0x58: {  	v26 =	vsel vm8, $0x1785, v26;
	v12 =	vsel vm7, $0x987, v12;
	v13 =	vsel vm7, $0xA07, v13  }
0x59: {  	v14 =	vsel vm2, $0x703, v14;
	v17 =	vsel vm14, $0x200, v17;
	v8 =	vsel vm11, $0xD02, v8  }
0x5a: {  	v9 =	vsel vm11, $0xD82, v9;
	v51 =	vunpack.c.0.s8.s32 v49;
	v26 =	vsel vm9, $0x1006, v26  }
0x5b: {  	v30 =	vsel vm8, $0x1185, v30;
	v12 =	vsel vm5, $0xA00, v12;
	v13 =	vsel vm5, $0xA80, v13  }
0x5c: {  	v14 =	vsel vm3, $0x784, v14;
	v16 =	vunpack.c.0.s8.s32 v16;
	v8 =	vsel vm12, $0xD83, v8  }
0x5d: {  	v9 =	vsel vm12, $0xE03, v9;
	v30 =	vsel vm9, $0x1206, v30;
	v26 =	vsel vm7, $0x1087, v26  }
0x5e: {  	v12 =	vsel vm6, $0xA81, v12;
	v13 =	vsel vm6, $0xB01, v13;
	v14 =	vsel vm1, $0x5, v14  }
0x5f: {  	v8 =	vsel vm10, $0xE04, v8;
	v9 =	vsel vm10, $0xE84, v9;
	v30 =	vsel vm7, $0x1287, v30  }
0x60: {  	v26 =	vsel vm5, $0x1100, v26;
	v12 =	vsel vm4, $0xB02, v12;
	v13 =	vsel vm4, $0xB82, v13  }
0x61: {  	v63 =	vsel vm0, $0x86, v14;
	v14 =	vunpack.c.0.s8.s32 v15;
	v15 =	vsel vm13, $0x281, v17  }
0x62: {  	v17 =	vimm.s32 $0x207;
	v8 =	vsel vm8, $0xE85, v8;
	v9 =	vsel vm8, $0xF05, v9  }
0x63: {  	v26 =	vsel vm6, $0x1181, v26;
	v30 =	vsel vm5, $0x1300, v30;
	v12 =	vsel vm2, $0xB83, v12  }
0x64: {  	v13 =	vsel vm2, $0xC03, v13;
	v15 =	vsel vm11, $0x302, v15;
	v17 =	vsel vm14, $0x280, v17  }
0x65: {  	v8 =	vsel vm9, $0xF06, v8;
	v9 =	vsel vm9, $0xF86, v9;
	v30 =	vsel vm6, $0x1381, v30  }
0x66: {  	v26 =	vsel vm4, $0x1202, v26;
	v12 =	vsel vm3, $0xC04, v12;
	v13 =	vsel vm3, $0xC84, v13  }
0x67: {  	v14 =	vand.u32 $0xF, v14;
	v15 =	vsel vm12, $0x383, v15;
	v8 =	vsel vm7, $0xF87, v8  }
0x68: {  	v9 =	vsel vm7, $0x807, v9;
	v30 =	vsel vm4, $0x1402, v30;
	v26 =	vsel vm2, $0x1283, v26  }
0x69: {  	v12 =	vsel vm1, $0xC85, v12;
	v13 =	vsel vm1, $0xD05, v13;
	v62 =	vcombine.low v14, v16  }
0x6a: {  	v14 =	vsel vm10, $0x404, v15;
	v15 =	vsel vm13, $0x301, v17;
	v16 =	vimm.s32 $0x287  }
0x6b: {  	v17 =	vimm.s32 $0x1007;
	v8 =	vsel vm5, $0x800, v8;
	v9 =	vsel vm5, $0x880, v9  }
0x6c: {  	v26 =	vsel vm3, $0x1304, v26;
	v30 =	vsel vm2, $0x1483, v30;
	v14 =	vsel vm8, $0x485, v14  }
0x6d: {  	v15 =	vsel vm11, $0x382, v15;
	v16 =	vsel vm14, $0x300, v16;
	v17 =	vsel vm14, $0x1080, v17  }
0x6e: {  	v8 =	vsel vm6, $0x881, v8;
	v9 =	vsel vm6, $0x901, v9;
	v30 =	vsel vm3, $0x1504, v30  }
0x6f: {  	v26 =	vsel vm1, $0x1385, v26;
	v14 =	vsel vm9, $0x506, v14;
	v15 =	vsel vm12, $0x403, v15  }
0x70: {  	v16 =	vsel vm13, $0x381, v16;
	v17 =	vsel vm13, $0x1101, v17;
	v8 =	vsel vm4, $0x902, v8  }
0x71: {  	v9 =	vsel vm4, $0x982, v9;
	v30 =	vsel vm1, $0x1585, v30;
	v14 =	vsel vm7, $0x587, v14  }
0x72: {  	v15 =	vsel vm10, $0x484, v15;
	v16 =	vsel vm11, $0x402, v16;
	v17 =	vsel vm11, $0x1182, v17  }
0x73: {  	v8 =	vsel vm2, $0x983, v8;
	v9 =	vsel vm2, $0xA03, v9;
	v14 =	vsel vm5, $0x600, v14  }
0x74: {  	v15 =	vsel vm8, $0x505, v15;
	v16 =	vsel vm12, $0x483, v16;
	v17 =	vsel vm12, $0x1203, v17  }
0x75: {  	v8 =	vsel vm3, $0xA04, v8;
	v9 =	vsel vm3, $0xA84, v9;
	v14 =	vsel vm6, $0x681, v14  }
0x76: {  	v15 =	vsel vm9, $0x586, v15;
	v16 =	vsel vm10, $0x504, v16;
	v17 =	vsel vm10, $0x1284, v17  }
0x77: {  	v8 =	vsel vm1, $0xA85, v8;
	v9 =	vsel vm1, $0xB05, v9;
	v14 =	vsel vm4, $0x702, v14  }
0x78: {  	v15 =	vsel vm7, $0x607, v15;
	v16 =	vsel vm8, $0x585, v16;
	v17 =	vsel vm8, $0x1305, v17  }
0x79: {  	v9 =	vsel vm0, $0xB86, v9;
	v14 =	vsel vm2, $0x783, v14;
	v15 =	vsel vm5, $0x680, v15  }
0x7a: {  	v16 =	vsel vm9, $0x606, v16;
	v17 =	vsel vm9, $0x1386, v17;
	v14 =	vsel vm3, $0x4, v14  }
0x7b: {  	v15 =	vsel vm6, $0x701, v15;
	v16 =	vsel vm7, $0x687, v16;
	v17 =	vsel vm7, $0x1407, v17  }
0x7c: {  	v14 =	vsel vm1, $0x85, v14;
	v15 =	vsel vm4, $0x782, v15;
	v17 =	vsel vm5, $0x1480, v17  }
0x7d: {  	v7 =	vsel vm2, $0x3, v15;
	v15 =	vsel vm5, $0x700, v16;
	v14 =	vsel vm0, $0x106, v14  }
0x7e: {  	v17 =	vsel vm6, $0x1501, v17;
	[tilespmem:$0x1F7C0] =	vst v14;
	v7 =	vsel vm3, $0x84, v7;
	v14 =	vsel vm6, $0x781, v15  }
0x7f: {  	[tilespmem:$0x1F7D0] =	vst v6;
	v15 =	vimm.s32 $0xF07;
	v17 =	vsel vm4, $0x1582, v17;
	v6 =	vsel vm1, $0x105, v7  }
0x80: {  	v7 =	vsel vm4, $0x2, v14;
	v14 =	vimm.s32 $0xE87;
	v15 =	vsel vm14, $0xF80, v15  }
0x81: {  	v17 =	vsel vm2, $0x1603, v17;
	v5 =	vsel vm2, $0x83, v7;
	v7 =	vimm.s32 $0x307  }
0x82: {  	v6 =	vsel vm0, $0x186, v6;
	v14 =	vsel vm14, $0xF00, v14;
	v15 =	vsel vm13, $0x801, v15  }
0x83: {  	v17 =	vsel vm3, $0x1684, v17;
	[tilespmem:$0x1F7E0] =	vst v6;
	v5 =	vsel vm3, $0x104, v5;
	v6 =	vsel vm14, $0x380, v7  }
0x84: {  	v7 =	vimm.s32 $0xB07;
	v14 =	vsel vm13, $0xF81, v14;
	v15 =	vsel vm11, $0x882, v15  }
0x85: {  	v17 =	vsel vm1, $0x1705, v17;
	v56 =	vsel vm1, $0x185, v5;
	v5 =	vsel vm13, $0x401, v6  }
0x86: {  	v6 =	vimm.s32 $0xA87;
	v7 =	vsel vm14, $0xB80, v7;
	v14 =	vsel vm11, $0x802, v14  }
0x87: {  	v15 =	vsel vm12, $0x903, v15;
	v4 =	vsel vm11, $0x482, v5;
	v5 =	vimm.s32 $0x387  }
0x88: {  	[tilespmem:$0x1F7F0] =	vst v3;
	v3 =	vsel vm0, $0x206, v56;
	v6 =	vsel vm14, $0xB00, v6;
	v7 =	vsel vm13, $0xC01, v7  }
0x89: {  	v14 =	vsel vm12, $0x883, v14;
	v15 =	vsel vm10, $0x984, v15;
	v57 =	vsel vm12, $0x503, v4  }
0x8a: {  	v4 =	vsel vm14, $0x400, v5;
	v5 =	vimm.s32 $0xA07;
	v6 =	vsel vm13, $0xB81, v6  }
0x8b: {  	v7 =	vsel vm11, $0xC82, v7;
	v14 =	vsel vm10, $0x904, v14;
	v15 =	vsel vm8, $0xA05, v15  }
0x8c: {  	v18 =	vsel vm10, $0x584, v57;
	v19 =	vsel vm13, $0x481, v4;
	v4 =	vimm.s32 $0x407  }
0x8d: {  	v57 =	vand.u32 $0xF, v34;
	v5 =	vsel vm14, $0xA80, v5;
	v34 =	vimm.s32 $0x1887  }
0x8e: {  	[tilespmem:$0x1F810] =	vst v2;
	v6 =	vsel vm11, $0xC02, v6;
	v7 =	vsel vm12, $0xD03, v7;
	v14 =	vsel vm8, $0x985, v14  }
0x8f: {  	[tilespmem:$0x1F800] =	vst v3;
	v15 =	vsel vm9, $0xA86, v15;
	v2 =	vsel vm8, $0x605, v18;
	v3 =	vsel vm11, $0x502, v19  }
0x90: {  	v4 =	vsel vm14, $0x480, v4;
	v18 =	vimm.s32 $0x1087;
	v19 =	vimm.s32 $0x1107  }
0x91: {  	v34 =	vsel vm14, $0x1900, v34;
	v5 =	vsel vm13, $0xB01, v5;
	v6 =	vsel vm12, $0xC83, v6  }
0x92: {  	v7 =	vsel vm10, $0xD84, v7;
	v14 =	vsel vm9, $0xA06, v14;
	v15 =	vsel vm7, $0xB07, v15  }
0x93: {  	v2 =	vsel vm9, $0x686, v2;
	v3 =	vsel vm12, $0x583, v3;
	v4 =	vsel vm13, $0x501, v4  }
0x94: {  	v18 =	vsel vm14, $0x1100, v18;
	v19 =	vsel vm14, $0x1180, v19;
	v34 =	vsel vm13, $0x1981, v34  }
0x95: {  	v5 =	vsel vm11, $0xB82, v5;
	v6 =	vsel vm10, $0xD04, v6;
	v7 =	vsel vm8, $0xE05, v7  }
0x96: {  	v14 =	vsel vm7, $0xA87, v14;
	v15 =	vsel vm5, $0xB80, v15;
	v2 =	vsel vm7, $0x707, v2  }
0x97: {  	v3 =	vsel vm10, $0x604, v3;
	v4 =	vsel vm11, $0x582, v4;
	v18 =	vsel vm13, $0x1181, v18  }
0x98: {  	v19 =	vsel vm13, $0x1201, v19;
	v5 =	vsel vm12, $0xC03, v5;
	v34 =	vsel vm11, $0x1A02, v34  }
0x99: {  	v6 =	vsel vm8, $0xD85, v6;
	v7 =	vsel vm9, $0xE86, v7;
	v14 =	vsel vm5, $0xB00, v14  }
0x9a: {  	v15 =	vsel vm6, $0xC01, v15;
	v2 =	vsel vm5, $0x780, v2;
	v3 =	vsel vm8, $0x685, v3  }
0x9b: {  	v4 =	vsel vm12, $0x603, v4;
	v18 =	vsel vm11, $0x1202, v18;
	v19 =	vsel vm11, $0x1282, v19  }
0x9c: {  	v34 =	vsel vm12, $0x1A83, v34;
	v5 =	vsel vm10, $0xC84, v5;
	v6 =	vsel vm9, $0xE06, v6  }
0x9d: {  	v7 =	vsel vm7, $0xF07, v7;
	v14 =	vsel vm6, $0xB81, v14;
	v15 =	vsel vm4, $0xC82, v15  }
0x9e: {  	v2 =	vsel vm6, $0x1, v2;
	v3 =	vsel vm9, $0x706, v3;
	v4 =	vsel vm10, $0x684, v4  }
0x9f: {  	v18 =	vsel vm12, $0x1283, v18;
	v19 =	vsel vm12, $0x1303, v19;
	v34 =	vsel vm10, $0x1B04, v34  }
0xa0: {  	v5 =	vsel vm8, $0xD05, v5;
	v6 =	vsel vm7, $0xE87, v6;
	v7 =	vsel vm5, $0xF80, v7  }
0xa1: {  	v14 =	vsel vm4, $0xC02, v14;
	v15 =	vsel vm2, $0xD03, v15;
	v2 =	vsel vm4, $0x82, v2  }
0xa2: {  	v3 =	vsel vm7, $0x787, v3;
	v4 =	vsel vm8, $0x705, v4;
	v18 =	vsel vm10, $0x1304, v18  }
0xa3: {  	v19 =	vsel vm10, $0x1384, v19;
	v5 =	vsel vm9, $0xD86, v5;
	v34 =	vsel vm8, $0x1B85, v34  }
0xa4: {  	v6 =	vsel vm5, $0xF00, v6;
	v7 =	vsel vm6, $0x801, v7;
	v14 =	vsel vm2, $0xC83, v14  }
0xa5: {  	v15 =	vsel vm3, $0xD84, v15;
	v2 =	vsel vm2, $0x103, v2;
	v3 =	vsel vm5, $0x0, v3  }
0xa6: {  	v4 =	vsel vm9, $0x786, v4;
	v18 =	vsel vm8, $0x1385, v18;
	v19 =	vsel vm8, $0x1405, v19  }
0xa7: {  	v34 =	vsel vm9, $0x1C06, v34;
	v5 =	vsel vm7, $0xE07, v5;
	v6 =	vsel vm6, $0xF81, v6  }
0xa8: {  	v7 =	vsel vm4, $0x882, v7;
	v14 =	vsel vm3, $0xD04, v14;
	v15 =	vsel vm1, $0xE05, v15  }
0xa9: {  	v2 =	vsel vm3, $0x184, v2;
	v3 =	vsel vm6, $0x81, v3;
	v4 =	vsel vm7, $0x7, v4  }
0xaa: {  	v18 =	vsel vm9, $0x1406, v18;
	v19 =	vsel vm9, $0x1486, v19;
	v34 =	vsel vm7, $0x1C87, v34  }
0xab: {  	v5 =	vsel vm5, $0xE80, v5;
	v6 =	vsel vm4, $0x802, v6;
	v7 =	vsel vm2, $0x903, v7  }
0xac: {  	[tilespmem:$0x1FA10] =	vst v10;
	v14 =	vsel vm1, $0xD85, v14;
	v10 =	vsel vm0, $0xE86, v15;
	v2 =	vsel vm1, $0x205, v2  }
0xad: {  	v3 =	vsel vm4, $0x102, v3;
	v21 =	vsel vm5, $0x80, v4;
	v4 =	vimm.s32 $0x987  }
0xae: {  	v18 =	vsel vm7, $0x1487, v18;
	v19 =	vsel vm7, $0x1507, v19;
	v5 =	vsel vm6, $0xF01, v5  }
0xaf: {  	v34 =	vsel vm5, $0x1D00, v34;
	v6 =	vsel vm2, $0x883, v6;
	v7 =	vsel vm3, $0x984, v7  }
0xb0: {  	[tilespmem:$0x1FA00] =	vst v9;
	v9 =	vsel vm0, $0xE06, v14;
	v20 =	vsel vm2, $0x183, v3;
	v2 =	vsel vm0, $0x286, v2  }
0xb1: {  	v22 =	vsel vm6, $0x101, v21;
	v3 =	vsel vm14, $0x980, v48;
	v4 =	vsel vm14, $0xA00, v4  }
0xb2: {  	v21 =	vimm.s32 $0x1207;
	v48 =	vimm.s32 $0x101F1E1D;
	v18 =	vsel vm5, $0x1500, v18  }
0xb3: {  	v19 =	vsel vm5, $0x1580, v19;
	v34 =	vsel vm6, $0x1D81, v34;
	v5 =	vsel vm4, $0xF82, v5  }
0xb4: {  	v6 =	vsel vm3, $0x904, v6;
	v7 =	vsel vm1, $0xA05, v7;
	v1 =	vsel vm3, $0x204, v20  }
0xb5: {  	[tilespmem:$0x1F820] =	vst v2;
	v24 =	vsel vm4, $0x182, v22;
	v2 =	vsel vm14, $0x600, v33;
	v20 =	vimm.s32 $0x1187  }
0xb6: {  	v22 =	vimm.s32 $0x1287;
	v21 =	vsel vm14, $0x1280, v21;
	v33 =	vimm.s32 $0x1807  }
0xb7: {  	v48 =	vunpack.c.0.s8.s32 v48;
	v3 =	vsel vm13, $0xA01, v3;
	v4 =	vsel vm13, $0xA81, v4  }
0xb8: {  	v18 =	vsel vm6, $0x1581, v18;
	v19 =	vsel vm6, $0x1601, v19;
	v34 =	vsel vm4, $0x1E02, v34  }
0xb9: {  	v5 =	vsel vm2, $0x803, v5;
	v6 =	vsel vm1, $0x985, v6;
	v23 =	vsel vm1, $0x285, v1  }
0xba: {  	v1 =	vsel vm2, $0x203, v24;
	v2 =	vsel vm13, $0x681, v2;
	v20 =	vsel vm14, $0x1200, v20  }
0xbb: {  	v22 =	vsel vm14, $0x1300, v22;
	v24 =	vimm.s32 $0x1387;
	v33 =	vsel vm14, $0x1880, v33  }
0xbc: {  	v21 =	vsel vm13, $0x1301, v21;
	v3 =	vsel vm11, $0xA82, v3;
	v4 =	vsel vm11, $0xB02, v4  }
0xbd: {  	v18 =	vsel vm4, $0x1602, v18;
	v19 =	vsel vm4, $0x1682, v19;
	v5 =	vsel vm3, $0x884, v5  }
0xbe: {  	[tilespmem:$0x1F830] =	vst v0;
	v34 =	vsel vm2, $0x1E83, v34;
	v0 =	vsel vm0, $0x306, v23;
	v1 =	vsel vm3, $0x284, v1  }
0xbf: {  	v2 =	vsel vm11, $0x702, v2;
	v23 =	vimm.s32 $0x1307;
	v24 =	vsel vm14, $0x1400, v24  }
0xc0: {  	v20 =	vsel vm13, $0x1281, v20;
	v22 =	vsel vm13, $0x1381, v22;
	v33 =	vsel vm13, $0x1901, v33  }
0xc1: {  	[tilespmem:$0x1FE70] =	vst v48;
	v48 =	vunpack.c.0.s8.s32 v53;
	v3 =	vsel vm12, $0xB03, v3;
	v4 =	vsel vm12, $0xB83, v4  }
0xc2: {  	v21 =	vsel vm11, $0x1382, v21;
	v53 =	vimm.s32 $0x15141312;
	v18 =	vsel vm2, $0x1683, v18  }
0xc3: {  	v19 =	vsel vm2, $0x1703, v19;
	v34 =	vsel vm3, $0x1F04, v34;
	v5 =	vsel vm1, $0x905, v5  }
0xc4: {  	[tilespmem:$0x1F840] =	vst v0;
	v0 =	vand.u32 $0xF, v25;
	v28 =	vsel vm1, $0x305, v1;
	v1 =	vsel vm14, $0x580, v32  }
0xc5: {  	v2 =	vsel vm12, $0x783, v2;
	v23 =	vsel vm14, $0x1380, v23;
	v25 =	vimm.s32 $0x1407  }
0xc6: {  	v32 =	vimm.s32 $0x1F87;
	v24 =	vsel vm13, $0x1481, v24;
	v20 =	vsel vm11, $0x1302, v20  }
0xc7: {  	v22 =	vsel vm11, $0x1402, v22;
	v21 =	vsel vm12, $0x1403, v21;
	v33 =	vsel vm11, $0x1982, v33  }
0xc8: {  	v3 =	vsel vm10, $0xB84, v3;
	v4 =	vsel vm10, $0xC04, v4;
	v18 =	vsel vm3, $0x1704, v18  }
0xc9: {  	v19 =	vsel vm3, $0x1784, v19;
	v34 =	vsel vm1, $0x1F85, v34;
	[tilespmem:$0x1F850] =	vst v0;
	v0 =	vsel vm0, $0x386, v28  }
0xca: {  	v1 =	vsel vm13, $0x601, v1;
	v2 =	vsel vm10, $0x4, v2;
	v25 =	vsel vm14, $0x1480, v25  }
0xcb: {  	v28 =	vimm.s32 $0x1587;
	v32 =	vsel vm14, $0x1800, v32;
	v23 =	vsel vm13, $0x1401, v23  }
0xcc: {  	v20 =	vsel vm12, $0x1383, v20;
	v22 =	vsel vm12, $0x1483, v22;
	v24 =	vsel vm11, $0x1502, v24  }
0xcd: {  	[tilespmem:$0x1FE90] =	vst v48;
	v33 =	vsel vm12, $0x1A03, v33;
	v21 =	vsel vm10, $0x1484, v21;
	v48 =	vunpack.c.0.s8.s32 v53  }
0xce: {  	v3 =	vsel vm8, $0xC05, v3;
	v4 =	vsel vm8, $0xC85, v4;
	v53 =	vimm.s32 $0x1E1D1C1B  }
0xcf: {  	v18 =	vsel vm1, $0x1785, v18;
	v19 =	vsel vm1, $0x1005, v19;
	[tilespmem:$0x1F860] =	vst v0;
	v0 =	vsel vm11, $0x602, v31  }
0xd0: {  	v1 =	vsel vm11, $0x682, v1;
	v2 =	vsel vm8, $0x85, v2;
	v28 =	vsel vm14, $0x1600, v28  }
0xd1: {  	v31 =	vimm.s32 $0x1707;
	v25 =	vsel vm13, $0x1501, v25;
	v32 =	vsel vm13, $0x1881, v32  }
0xd2: {  	v23 =	vsel vm11, $0x1482, v23;
	v24 =	vsel vm12, $0x1583, v24;
	v20 =	vsel vm10, $0x1404, v20  }
0xd3: {  	v22 =	vsel vm10, $0x1504, v22;
	v33 =	vsel vm10, $0x1A84, v33;
	v3 =	vsel vm9, $0xC86, v3  }
0xd4: {  	v4 =	vsel vm9, $0xD06, v4;
	v21 =	vsel vm8, $0x1505, v21;
	v53 =	vunpack.c.0.s8.s32 v53  }
0xd5: {  	v18 =	vsel vm0, $0x1006, v18;
	v0 =	vsel vm12, $0x683, v0;
	v1 =	vsel vm12, $0x703, v1  }
0xd6: {  	v2 =	vsel vm9, $0x106, v2;
	v31 =	vsel vm14, $0x1780, v31;
	v28 =	vsel vm13, $0x1681, v28  }
0xd7: {  	v23 =	vsel vm12, $0x1503, v23;
	v25 =	vsel vm11, $0x1582, v25;
	v32 =	vsel vm11, $0x1902, v32  }
0xd8: {  	v24 =	vsel vm10, $0x1604, v24;
	v20 =	vsel vm8, $0x1485, v20;
	v22 =	vsel vm8, $0x1585, v22  }
0xd9: {  	[tilespmem:$0x1F8D0] =	vst v48;
	v21 =	vsel vm9, $0x1586, v21;
	v33 =	vsel vm8, $0x1B05, v33;
	v48 =	vimm.s32 $0x19181716  }
0xda: {  	v3 =	vsel vm7, $0xD07, v3;
	v4 =	vsel vm7, $0xD87, v4;
	[tilespmem:$0x1FA90] =	vst v18;
	v18 =	vsel vm0, $0x1406, v26  }
0xdb: {  	v26 =	vsel vm0, $0x1806, v34;
	v0 =	vsel vm10, $0x704, v0;
	v1 =	vsel vm10, $0x784, v1  }
0xdc: {  	v2 =	vsel vm7, $0x187, v2;
	v31 =	vsel vm13, $0x1001, v31;
	v25 =	vsel vm12, $0x1603, v25  }
0xdd: {  	v28 =	vsel vm11, $0x1702, v28;
	v32 =	vsel vm12, $0x1983, v32;
	v23 =	vsel vm10, $0x1584, v23  }
0xde: {  	v20 =	vsel vm9, $0x1506, v20;
	v22 =	vsel vm9, $0x1606, v22;
	v24 =	vsel vm8, $0x1685, v24  }
0xdf: {  	v33 =	vsel vm9, $0x1B86, v33;
	v48 =	vunpack.c.0.s8.s32 v48;
	v21 =	vsel vm7, $0x1607, v21  }
0xe0: {  	[tilespmem:$0x1F8F0] =	vst v53;
	v53 =	vimm.s32 $0x1211101F;
	v3 =	vsel vm5, $0xD80, v3;
	v4 =	vsel vm5, $0xE00, v4  }
0xe1: {  	v0 =	vsel vm8, $0x785, v0;
	v1 =	vsel vm8, $0x5, v1;
	v2 =	vsel vm5, $0x200, v2  }
0xe2: {  	v28 =	vsel vm12, $0x1783, v28;
	v31 =	vsel vm11, $0x1082, v31;
	v25 =	vsel vm10, $0x1684, v25  }
0xe3: {  	v32 =	vsel vm10, $0x1A04, v32;
	v23 =	vsel vm8, $0x1605, v23;
	v24 =	vsel vm9, $0x1706, v24  }
0xe4: {  	v20 =	vsel vm7, $0x1587, v20;
	v22 =	vsel vm7, $0x1687, v22;
	v33 =	vsel vm7, $0x1C07, v33  }
0xe5: {  	v3 =	vsel vm6, $0xE01, v3;
	v4 =	vsel vm6, $0xE81, v4;
	v21 =	vsel vm5, $0x1680, v21  }
0xe6: {  	v0 =	vsel vm9, $0x6, v0;
	v1 =	vsel vm9, $0x86, v1;
	v2 =	vsel vm6, $0x281, v2  }
0xe7: {  	v31 =	vsel vm12, $0x1103, v31;
	v28 =	vsel vm10, $0x1004, v28;
	v23 =	vsel vm9, $0x1686, v23  }
0xe8: {  	v25 =	vsel vm8, $0x1705, v25;
	v32 =	vsel vm8, $0x1A85, v32;
	v24 =	vsel vm7, $0x1787, v24  }
0xe9: {  	[tilespmem:$0x1F8E0] =	vst v48;
	v48 =	vunpack.c.0.s8.s32 v53;
	v20 =	vsel vm5, $0x1600, v20;
	v22 =	vsel vm5, $0x1700, v22  }
0xea: {  	v21 =	vsel vm6, $0x1701, v21;
	v33 =	vsel vm5, $0x1C80, v33;
	v53 =	vimm.s32 $0x1A191817  }
0xeb: {  	v3 =	vsel vm4, $0xE82, v3;
	v4 =	vsel vm4, $0xF02, v4;
	v0 =	vsel vm7, $0x87, v0  }
0xec: {  	v1 =	vsel vm7, $0x107, v1;
	v2 =	vsel vm4, $0x302, v2;
	v31 =	vsel vm10, $0x1184, v31  }
0xed: {  	v25 =	vsel vm9, $0x1786, v25;
	v28 =	vsel vm8, $0x1085, v28;
	v32 =	vsel vm9, $0x1B06, v32  }
0xee: {  	v23 =	vsel vm7, $0x1707, v23;
	v20 =	vsel vm6, $0x1681, v20;
	v22 =	vsel vm6, $0x1781, v22  }
0xef: {  	v24 =	vsel vm5, $0x1000, v24;
	v33 =	vsel vm6, $0x1D01, v33;
	v53 =	vunpack.c.0.s8.s32 v53  }
0xf0: {  	v21 =	vsel vm4, $0x1782, v21;
	v3 =	vsel vm2, $0xF03, v3;
	v4 =	vsel vm2, $0xF83, v4  }
0xf1: {  	v0 =	vsel vm5, $0x100, v0;
	v1 =	vsel vm5, $0x180, v1;
	v2 =	vsel vm2, $0x383, v2  }
0xf2: {  	v28 =	vsel vm9, $0x1106, v28;
	v31 =	vsel vm8, $0x1205, v31;
	v25 =	vsel vm7, $0x1007, v25  }
0xf3: {  	v32 =	vsel vm7, $0x1B87, v32;
	v23 =	vsel vm5, $0x1780, v23;
	v24 =	vsel vm6, $0x1081, v24  }
0xf4: {  	[tilespmem:$0x1F900] =	vst v48;
	v48 =	vimm.s32 $0x16151413;
	v20 =	vsel vm4, $0x1702, v20;
	v22 =	vsel vm4, $0x1002, v22  }
0xf5: {  	v33 =	vsel vm4, $0x1D82, v33;
	v3 =	vsel vm3, $0xF84, v3;
	v4 =	vsel vm3, $0x804, v4  }
0xf6: {  	v21 =	vsel vm2, $0x1003, v21;
	v0 =	vsel vm6, $0x181, v0;
	v1 =	vsel vm6, $0x201, v1  }
0xf7: {  	[tilespmem:$0x1FEE0] =	vst v36;
	v36 =	vsel vm3, $0x404, v2;
	v2 =	vsel vm14, $0x780, v40;
	v40 =	vimm.s32 $0x1B87  }
0xf8: {  	v31 =	vsel vm9, $0x1286, v31;
	v28 =	vsel vm7, $0x1187, v28;
	v23 =	vsel vm6, $0x1001, v23  }
0xf9: {  	v25 =	vsel vm5, $0x1080, v25;
	v32 =	vsel vm5, $0x1C00, v32;
	v48 =	vunpack.c.0.s8.s32 v48  }
0xfa: {  	[tilespmem:$0x1F920] =	vst v53;
	v24 =	vsel vm4, $0x1102, v24;
	v53 =	vimm.s32 $0x1F1E1D1C;
	v20 =	vsel vm2, $0x1783, v20  }
0xfb: {  	v22 =	vsel vm2, $0x1083, v22;
	v21 =	vsel vm3, $0x1084, v21;
	v33 =	vsel vm2, $0x1E03, v33  }
0xfc: {  	v3 =	vsel vm1, $0x805, v3;
	v4 =	vsel vm1, $0x885, v4;
	v0 =	vsel vm4, $0x202, v0  }
0xfd: {  	v1 =	vsel vm4, $0x282, v1;
	v2 =	vsel vm13, $0x1, v2;
	v40 =	vsel vm14, $0x1C00, v40  }
0xfe: {  	v31 =	vsel vm7, $0x1307, v31;
	v25 =	vsel vm6, $0x1101, v25;
	v28 =	vsel vm5, $0x1200, v28  }
0xff: {  	v32 =	vsel vm6, $0x1C81, v32;
	v23 =	vsel vm4, $0x1082, v23;
	v20 =	vsel vm3, $0x1004, v20  }
0x100: {  	v22 =	vsel vm3, $0x1104, v22;
	v24 =	vsel vm2, $0x1183, v24;
	v33 =	vsel vm3, $0x1E84, v33  }
0x101: {  	v21 =	vsel vm1, $0x1105, v21;
	v0 =	vsel vm2, $0x283, v0;
	v1 =	vsel vm2, $0x303, v1  }
0x102: {  	v2 =	vsel vm11, $0x82, v2;
	v40 =	vsel vm13, $0x1C81, v40;
	v28 =	vsel vm6, $0x1281, v28  }
0x103: {  	v31 =	vsel vm5, $0x1380, v31;
	v25 =	vsel vm4, $0x1182, v25;
	v32 =	vsel vm4, $0x1D02, v32  }
0x104: {  	[tilespmem:$0x1F910] =	vst v48;
	v48 =	vunpack.c.0.s8.s32 v53;
	v23 =	vsel vm2, $0x1103, v23;
	v24 =	vsel vm3, $0x1204, v24  }
0x105: {  	v53 =	vimm.s32 $0x17161514;
	v20 =	vsel vm1, $0x1085, v20;
	v22 =	vsel vm1, $0x1185, v22  }
0x106: {  	v33 =	vsel vm1, $0x1F05, v33;
	v0 =	vsel vm3, $0x304, v0;
	v35 =	vsel vm3, $0x384, v1  }
0x107: {  	v1 =	vsel vm1, $0x485, v36;
	v2 =	vsel vm12, $0x103, v2;
	v36 =	vimm.s32 $0x1987  }
0x108: {  	v40 =	vsel vm11, $0x1D02, v40;
	v31 =	vsel vm6, $0x1401, v31;
	v28 =	vsel vm4, $0x1302, v28  }
0x109: {  	v23 =	vsel vm3, $0x1184, v23;
	v25 =	vsel vm2, $0x1203, v25;
	v32 =	vsel vm2, $0x1D83, v32  }
0x10a: {  	[tilespmem:$0x1FA50] =	vst v9;
	v53 =	vunpack.c.0.s8.s32 v53;
	v24 =	vsel vm1, $0x1285, v24;
	v9 =	vsel vm0, $0x1206, v22  }
0x10b: {  	[tilespmem:$0x1FED0] =	vst v37;
	v22 =	vsel vm0, $0x1606, v30;
	v0 =	vsel vm1, $0x385, v0;
	v37 =	vsel vm0, $0x506, v1  }
0x10c: {  	v1 =	vsel vm14, $0x700, v39;
	v2 =	vsel vm10, $0x184, v2;
	v36 =	vsel vm14, $0x1A00, v36  }
0x10d: {  	v39 =	vimm.s32 $0x1B07;
	v40 =	vsel vm12, $0x1D83, v40;
	v31 =	vsel vm4, $0x1482, v31  }
0x10e: {  	v25 =	vsel vm3, $0x1284, v25;
	v28 =	vsel vm2, $0x1383, v28;
	v32 =	vsel vm3, $0x1E04, v32  }
0x10f: {  	[tilespmem:$0x1F930] =	vst v48;
	v48 =	vimm.s32 $0x13121110;
	v23 =	vsel vm1, $0x1205, v23;
	v0 =	vsel vm0, $0x406, v0  }
0x110: {  	[tilespmem:$0x1F890] =	vst v37;
	v1 =	vsel vm13, $0x781, v1;
	v2 =	vsel vm8, $0x205, v2;
	v37 =	vimm.s32 $0x1A07  }
0x111: {  	v39 =	vsel vm14, $0x1B80, v39;
	v36 =	vsel vm13, $0x1A81, v36;
	v40 =	vsel vm10, $0x1E04, v40  }
0x112: {  	[tilespmem:$0x1FA60] =	vst v10;
	v28 =	vsel vm3, $0x1404, v28;
	v31 =	vsel vm2, $0x1503, v31;
	v48 =	vunpack.c.0.s8.s32 v48  }
0x113: {  	[tilespmem:$0x1F950] =	vst v53;
	v25 =	vsel vm1, $0x1305, v25;
	v32 =	vsel vm1, $0x1E85, v32;
	v53 =	vimm.s32 $0x1B1A1918  }
0x114: {  	v10 =	vsel vm0, $0x1286, v23;
	[tilespmem:$0x1F880] =	vst v0;
	v0 =	vsel vm1, $0x405, v35;
	v1 =	vsel vm11, $0x2, v1  }
0x115: {  	v2 =	vsel vm9, $0x286, v2;
	v35 =	vimm.s32 $0x1907;
	v37 =	vsel vm14, $0x1A80, v37  }
0x116: {  	v39 =	vsel vm13, $0x1C01, v39;
	v36 =	vsel vm11, $0x1B02, v36;
	v40 =	vsel vm8, $0x1E85, v40  }
0x117: {  	v31 =	vsel vm3, $0x1584, v31;
	v28 =	vsel vm1, $0x1485, v28;
	v56 =	vsel vm0, $0x486, v0  }
0x118: {  	v0 =	vsel vm14, $0x680, v38;
	v1 =	vsel vm12, $0x83, v1;
	v2 =	vsel vm7, $0x307, v2  }
0x119: {  	v35 =	vsel vm14, $0x1980, v35;
	v38 =	vimm.s32 $0x1A87;
	v37 =	vsel vm13, $0x1B01, v37  }
0x11a: {  	v36 =	vsel vm12, $0x1B83, v36;
	v39 =	vsel vm11, $0x1C82, v39;
	v40 =	vsel vm9, $0x1F06, v40  }
0x11b: {  	[tilespmem:$0x1F940] =	vst v48;
	v31 =	vsel vm1, $0x1605, v31;
	v48 =	vunpack.c.0.s8.s32 v53;
	v0 =	vsel vm13, $0x701, v0  }
0x11c: {  	v1 =	vsel vm10, $0x104, v1;
	v2 =	vsel vm5, $0x380, v2;
	v38 =	vsel vm14, $0x1B00, v38  }
0x11d: {  	v35 =	vsel vm13, $0x1A01, v35;
	v37 =	vsel vm11, $0x1B82, v37;
	v39 =	vsel vm12, $0x1D03, v39  }
0x11e: {  	v36 =	vsel vm10, $0x1C04, v36;
	v40 =	vsel vm7, $0x1F87, v40;
	v23 =	vsel vm0, $0x1686, v31  }
0x11f: {  	v0 =	vsel vm11, $0x782, v0;
	v1 =	vsel vm8, $0x185, v1;
	v2 =	vsel vm6, $0x401, v2  }
0x120: {  	v38 =	vsel vm13, $0x1B81, v38;
	v35 =	vsel vm11, $0x1A82, v35;
	v37 =	vsel vm12, $0x1C03, v37  }
0x121: {  	v39 =	vsel vm10, $0x1D84, v39;
	v36 =	vsel vm8, $0x1C85, v36;
	v40 =	vsel vm5, $0x1800, v40  }
0x122: {  	[tilespmem:$0x1F960] =	vst v48;
	v48 =	vsel vm0, $0x886, v3;
	v0 =	vsel vm12, $0x3, v0;
	v1 =	vsel vm9, $0x206, v1  }
0x123: {  	v2 =	vsel vm4, $0x482, v2;
	v35 =	vsel vm12, $0x1B03, v35;
	v38 =	vsel vm11, $0x1C02, v38  }
0x124: {  	v37 =	vsel vm10, $0x1C84, v37;
	v36 =	vsel vm9, $0x1D06, v36;
	v39 =	vsel vm8, $0x1E05, v39  }
0x125: {  	v40 =	vsel vm6, $0x1881, v40;
	[tilespmem:$0x1F9A0] =	vst v48;
	v48 =	vsel vm0, $0xA06, v6;
	v0 =	vsel vm10, $0x84, v0  }
0x126: {  	v1 =	vsel vm7, $0x287, v1;
	v2 =	vsel vm2, $0x503, v2;
	v38 =	vsel vm12, $0x1C83, v38  }
0x127: {  	v35 =	vsel vm10, $0x1B84, v35;
	v37 =	vsel vm8, $0x1D05, v37;
	v39 =	vsel vm9, $0x1E86, v39  }
0x128: {  	v36 =	vsel vm7, $0x1D87, v36;
	v40 =	vsel vm4, $0x1902, v40;
	[tilespmem:$0x1F9D0] =	vst v48;
	v48 =	vsel vm0, $0xC86, v11  }
0x129: {  	v11 =	vsel vm0, $0x1786, v17;
	v0 =	vsel vm8, $0x105, v0;
	v1 =	vsel vm5, $0x300, v1  }
0x12a: {  	v2 =	vsel vm3, $0x584, v2;
	v38 =	vsel vm10, $0x1D04, v38;
	v35 =	vsel vm8, $0x1C05, v35  }
0x12b: {  	v37 =	vsel vm9, $0x1D86, v37;
	v39 =	vsel vm7, $0x1F07, v39;
	v36 =	vsel vm5, $0x1E00, v36;
	[tilespmem:$0x1FA20] =	vst v48  }
0x12c: {  	v40 =	vsel vm2, $0x1983, v40;
	[tilespmem:$0x1FA80] =	vst v11;
	v48 =	vsel vm0, $0x1086, v19;
	v11 =	vsel vm0, $0x1386, v25  }
0x12d: {  	v19 =	vsel vm0, $0x1486, v27;
	v25 =	vsel vm0, $0x1F86, v33;
	v0 =	vsel vm9, $0x186, v0  }
0x12e: {  	v1 =	vsel vm6, $0x381, v1;
	v42 =	vsel vm1, $0x605, v2;
	v2 =	vsel vm14, $0x900, v47  }
0x12f: {  	v47 =	vimm.s32 $0x1F07;
	v35 =	vsel vm9, $0x1C86, v35;
	v38 =	vsel vm8, $0x1D85, v38  }
0x130: {  	v37 =	vsel vm7, $0x1E07, v37;
	v36 =	vsel vm6, $0x1E81, v36;
	v39 =	vsel vm5, $0x1F80, v39  }
0x131: {  	v40 =	vsel vm3, $0x1A04, v40;
	v0 =	vsel vm7, $0x207, v0;
	v1 =	vsel vm4, $0x402, v1  }
0x132: {  	v43 =	vsel vm0, $0x686, v42;
	v42 =	vimm.s32 $0x1C87;
	v47 =	vsel vm14, $0x1F80, v47  }
0x133: {  	v2 =	vsel vm13, $0x981, v2;
	v38 =	vsel vm9, $0x1E06, v38;
	v35 =	vsel vm7, $0x1D07, v35  }
0x134: {  	v37 =	vsel vm5, $0x1E80, v37;
	v39 =	vsel vm6, $0x1801, v39;
	v36 =	vsel vm4, $0x1F02, v36  }
0x135: {  	v40 =	vsel vm1, $0x1A85, v40;
	v0 =	vsel vm5, $0x280, v0;
	v1 =	vsel vm2, $0x483, v1  }
0x136: {  	[tilespmem:$0x1F8C0] =	vst v43;
	v43 =	vimm.s32 $0x1D07;
	v42 =	vsel vm14, $0x1D00, v42;
	v47 =	vsel vm13, $0x1801, v47  }
0x137: {  	v2 =	vsel vm11, $0xA02, v2;
	v38 =	vsel vm7, $0x1E87, v38;
	v35 =	vsel vm5, $0x1D80, v35  }
0x138: {  	v37 =	vsel vm6, $0x1F01, v37;
	v39 =	vsel vm4, $0x1882, v39;
	v36 =	vsel vm2, $0x1F83, v36  }
0x139: {  	v0 =	vsel vm6, $0x301, v0;
	v1 =	vsel vm3, $0x504, v1;
	v43 =	vsel vm14, $0x1D80, v43  }
0x13a: {  	v42 =	vsel vm13, $0x1D81, v42;
	v2 =	vsel vm12, $0xA83, v2;
	v47 =	vsel vm11, $0x1882, v47  }
0x13b: {  	v35 =	vsel vm6, $0x1E01, v35;
	v38 =	vsel vm5, $0x1F00, v38;
	v37 =	vsel vm4, $0x1F82, v37  }
0x13c: {  	v36 =	vsel vm3, $0x1804, v36;
	v39 =	vsel vm2, $0x1903, v39;
	v0 =	vsel vm4, $0x382, v0  }
0x13d: {  	v41 =	vsel vm1, $0x585, v1;
	v1 =	vsel vm14, $0x880, v46;
	v46 =	vimm.s32 $0x1E87  }
0x13e: {  	v43 =	vsel vm13, $0x1E01, v43;
	v42 =	vsel vm11, $0x1E02, v42;
	v47 =	vsel vm12, $0x1903, v47  }
0x13f: {  	v2 =	vsel vm10, $0xB04, v2;
	v38 =	vsel vm6, $0x1F81, v38;
	v35 =	vsel vm4, $0x1E82, v35  }
0x140: {  	v37 =	vsel vm2, $0x1803, v37;
	v39 =	vsel vm3, $0x1984, v39;
	v36 =	vsel vm1, $0x1885, v36  }
0x141: {  	v0 =	vsel vm2, $0x403, v0;
	v46 =	vsel vm14, $0x1F00, v46;
	v1 =	vsel vm13, $0x901, v1  }
0x142: {  	v43 =	vsel vm11, $0x1E82, v43;
	v42 =	vsel vm12, $0x1E83, v42;
	v47 =	vsel vm10, $0x1984, v47  }
0x143: {  	v2 =	vsel vm8, $0xB85, v2;
	v38 =	vsel vm4, $0x1802, v38;
	v35 =	vsel vm2, $0x1F03, v35  }
0x144: {  	v37 =	vsel vm3, $0x1884, v37;
	v39 =	vsel vm1, $0x1A05, v39;
	v0 =	vsel vm3, $0x484, v0  }
0x145: {  	v46 =	vsel vm13, $0x1F81, v46;
	v1 =	vsel vm11, $0x982, v1;
	v43 =	vsel vm12, $0x1F03, v43  }
0x146: {  	v42 =	vsel vm10, $0x1F04, v42;
	v2 =	vsel vm9, $0xC06, v2;
	v47 =	vsel vm8, $0x1A05, v47  }
0x147: {  	v35 =	vsel vm3, $0x1F84, v35;
	v38 =	vsel vm2, $0x1883, v38;
	v37 =	vsel vm1, $0x1905, v37  }
0x148: {  	v31 =	vsel vm0, $0x1A86, v39;
	v0 =	vsel vm1, $0x505, v0;
	v1 =	vsel vm12, $0xA03, v1  }
0x149: {  	v46 =	vsel vm11, $0x1802, v46;
	v43 =	vsel vm10, $0x1F84, v43;
	v42 =	vsel vm8, $0x1F85, v42  }
0x14a: {  	v47 =	vsel vm9, $0x1A86, v47;
	v2 =	vsel vm7, $0xC87, v2;
	v38 =	vsel vm3, $0x1904, v38  }
0x14b: {  	v35 =	vsel vm1, $0x1805, v35;
	v0 =	vsel vm0, $0x586, v0;
	v46 =	vsel vm12, $0x1883, v46  }
0x14c: {  	v1 =	vsel vm10, $0xA84, v1;
	v43 =	vsel vm8, $0x1805, v43;
	v42 =	vsel vm9, $0x1806, v42  }
0x14d: {  	v47 =	vsel vm7, $0x1B07, v47;
	v2 =	vsel vm5, $0xD00, v2;
	v38 =	vsel vm1, $0x1985, v38  }
0x14e: {  	v27 =	vsel vm0, $0x1886, v35;
	[tilespmem:$0x1F8A0] =	vst v0;
	v0 =	vsel vm0, $0x606, v41;
	v41 =	vimm.s32 $0x1C07  }
0x14f: {  	v46 =	vsel vm10, $0x1904, v46;
	v1 =	vsel vm8, $0xB05, v1;
	v43 =	vsel vm9, $0x1886, v43  }
0x150: {  	v42 =	vsel vm7, $0x1887, v42;
	v2 =	vsel vm6, $0xD81, v2;
	v47 =	vsel vm5, $0x1B80, v47  }
0x151: {  	v30 =	vsel vm0, $0x1A06, v38;
	[tilespmem:$0x1F8B0] =	vst v0;
	v0 =	vunpack.c.0.s8.s32 v44;
	v41 =	vsel vm14, $0x1C80, v41  }
0x152: {  	v44 =	vimm.s32 $0x1D87;
	v1 =	vsel vm9, $0xB86, v1;
	v46 =	vsel vm8, $0x1985, v46  }
0x153: {  	v43 =	vsel vm7, $0x1907, v43;
	v42 =	vsel vm5, $0x1900, v42;
	v47 =	vsel vm6, $0x1C01, v47  }
0x154: {  	[tilespmem:$0x1FE80] =	vst v54;
	v2 =	vsel vm4, $0xE02, v2;
	v44 =	vsel vm14, $0x1E00, v44;
	v41 =	vsel vm13, $0x1D01, v41  }
0x155: {  	[tilespmem:$0x1FB00] =	vst v18;
	v46 =	vsel vm9, $0x1A06, v46;
	v1 =	vsel vm7, $0xC07, v1;
	v43 =	vsel vm5, $0x1980, v43  }
0x156: {  	[tilespmem:$0x1FB80] =	vst v26;
	v42 =	vsel vm6, $0x1981, v42;
	v47 =	vsel vm4, $0x1C82, v47;
	v2 =	vsel vm2, $0xE83, v2  }
0x157: {  	[tilespmem:$0x1FE60] =	vst v0;
	v0 =	vsel vm14, $0x800, v45;
	v45 =	vimm.s32 $0x1E07;
	v44 =	vsel vm13, $0x1E81, v44  }
0x158: {  	[tilespmem:$0x1FAD0] =	vst v9;
	v41 =	vsel vm11, $0x1D82, v41;
	v46 =	vsel vm7, $0x1A87, v46;
	v1 =	vsel vm5, $0xC80, v1  }
0x159: {  	[tilespmem:$0x1FB40] =	vst v22;
	v43 =	vsel vm6, $0x1A01, v43;
	v42 =	vsel vm4, $0x1A02, v42;
	v2 =	vsel vm3, $0xF04, v2  }
0x15a: {  	[tilespmem:$0x1FAE0] =	vst v10;
	v47 =	vsel vm2, $0x1D03, v47;
	v45 =	vsel vm14, $0x1E80, v45;
	v0 =	vsel vm13, $0x881, v0  }
0x15b: {  	[tilespmem:$0x1FB50] =	vst v23;
	v41 =	vsel vm12, $0x1E03, v41;
	v44 =	vsel vm11, $0x1F02, v44;
	v1 =	vsel vm6, $0xD01, v1  }
0x15c: {  	[tilespmem:$0x1FAA0] =	vst v48;
	v46 =	vsel vm5, $0x1B00, v46;
	v43 =	vsel vm4, $0x1A82, v43;
	v42 =	vsel vm2, $0x1A83, v42  }
0x15d: {  	[tilespmem:$0x1FAF0] =	vst v11;
	v47 =	vsel vm3, $0x1D84, v47;
	v2 =	vsel vm1, $0xF85, v2;
	v45 =	vsel vm13, $0x1F01, v45  }
0x15e: {  	[tilespmem:$0x1FB10] =	vst v19;
	v0 =	vsel vm11, $0x902, v0;
	v44 =	vsel vm12, $0x1F83, v44;
	v41 =	vsel vm10, $0x1E84, v41  }
0x15f: {  	[tilespmem:$0x1FB70] =	vst v25;
	v46 =	vsel vm6, $0x1B81, v46;
	v1 =	vsel vm4, $0xD82, v1;
	v43 =	vsel vm2, $0x1B03, v43  }
0x160: {  	[tilespmem:$0x1FBD0] =	vst v31;
	v42 =	vsel vm3, $0x1B04, v42;
	v47 =	vsel vm1, $0x1E05, v47;
	v53 =	vsel vm0, $0x806, v2  }
0x161: {  	[tilespmem:$0x1FB90] =	vst v27;
	v0 =	vsel vm12, $0x983, v0;
	v45 =	vsel vm11, $0x1F82, v45;
	v44 =	vsel vm10, $0x1804, v44  }
0x162: {  	[tilespmem:$0x1FBC0] =	vst v30;
	v41 =	vsel vm8, $0x1F05, v41;
	v46 =	vsel vm4, $0x1C02, v46;
	v1 =	vsel vm2, $0xE03, v1  }
0x163: {  	v43 =	vsel vm3, $0x1B84, v43;
	v42 =	vsel vm1, $0x1B85, v42;
	[tilespmem:$0x1F990] =	vst v53;
	v53 =	vsel vm0, $0x986, v5  }
0x164: {  	v5 =	vsel vm0, $0x1306, v24;
	v24 =	vsel vm0, $0x1F06, v32;
	v32 =	vsel vm0, $0x1B06, v40;
	[tilespmem:$0x1F9C0] =	vst v53  }
0x165: {  	v39 =	vsel vm0, $0x1E86, v47;
	v40 =	vimm.s32 $0x2C2B2A29;
	v45 =	vsel vm12, $0x1803, v45;
	[tilespmem:$0x1FB60] =	vst v24  }
0x166: {  	v0 =	vsel vm10, $0xA04, v0;
	v41 =	vsel vm9, $0x1F86, v41;
	v44 =	vsel vm8, $0x1885, v44;
	[tilespmem:$0x1FBE0] =	vst v32  }
0x167: {  	v1 =	vsel vm3, $0xE84, v1;
	v46 =	vsel vm2, $0x1C83, v46;
	v53 =	vsel vm0, $0xB06, v8;
	[tilespmem:$0x1FC50] =	vst v39  }
0x168: {  	v43 =	vsel vm1, $0x1C05, v43;
	v34 =	vsel vm0, $0x1C06, v42;
	v45 =	vsel vm10, $0x1884, v45;
	[tilespmem:$0x1F9F0] =	vst v53  }
0x169: {  	v0 =	vsel vm8, $0xA85, v0;
	v44 =	vsel vm9, $0x1906, v44;
	v53 =	vsel vm0, $0xD86, v13;
	[tilespmem:$0x1FC00] =	vst v34  }
0x16a: {  	v41 =	vsel vm7, $0x1807, v41;
	v1 =	vsel vm1, $0xF05, v1;
	v35 =	vsel vm0, $0x1C86, v43;
	[tilespmem:$0x1FA40] =	vst v53  }
0x16b: {  	v46 =	vsel vm3, $0x1D04, v46;
	v0 =	vsel vm9, $0xB06, v0;
	v49 =	vsel vm0, $0xF86, v1;
	[tilespmem:$0x1FC10] =	vst v35  }
0x16c: {  	v45 =	vsel vm8, $0x1905, v45;
	v44 =	vsel vm7, $0x1987, v44;
	v53 =	vsel vm0, $0x1186, v21;
	[tilespmem:$0x1F980] =	vst v49  }
0x16d: {  	v41 =	vsel vm5, $0x1880, v41;
	v46 =	vsel vm1, $0x1D85, v46;
	v21 =	vsel vm0, $0x1586, v29;
	[tilespmem:$0x1FAC0] =	vst v53  }
0x16e: {  	v29 =	vsel vm0, $0x1986, v37;
	v45 =	vsel vm9, $0x1986, v45;
	v0 =	vsel vm7, $0xB87, v0;
	[tilespmem:$0x1FB30] =	vst v21  }
0x16f: {  	v41 =	vsel vm6, $0x1901, v41;
	v44 =	vsel vm5, $0x1A00, v44;
	v49 =	vsel vm0, $0x906, v4;
	[tilespmem:$0x1FBB0] =	vst v29  }
0x170: {  	v38 =	vsel vm0, $0x1E06, v46;
	v45 =	vsel vm7, $0x1A07, v45;
	v0 =	vsel vm5, $0xC00, v0;
	[tilespmem:$0x1F9B0] =	vst v49  }
0x171: {  	v44 =	vsel vm6, $0x1A81, v44;
	v49 =	vsel vm0, $0xA86, v7;
	[tilespmem:$0x1FC40] =	vst v38;
	v0 =	vsel vm6, $0xC81, v0  }
0x172: {  	v41 =	vsel vm4, $0x1982, v41;
	[tilespmem:$0x1F9E0] =	vst v49;
	v49 =	vsel vm0, $0xD06, v12;
	v0 =	vsel vm4, $0xD02, v0  }
0x173: {  	v44 =	vsel vm4, $0x1B02, v44;
	[tilespmem:$0x1FA30] =	vst v49;
	v49 =	vsel vm0, $0x1106, v20;
	v0 =	vsel vm2, $0xD83, v0  }
0x174: {  	v41 =	vsel vm2, $0x1A03, v41;
	v20 =	vsel vm0, $0x1506, v28;
	[tilespmem:$0x1FAB0] =	vst v49;
	v0 =	vsel vm3, $0xE04, v0  }
0x175: {  	v41 =	vsel vm3, $0x1A84, v41;
	v28 =	vsel vm0, $0x1906, v36;
	[tilespmem:$0x1FB20] =	vst v20;
	v0 =	vsel vm1, $0xE85, v0  }
0x176: {  	v44 =	vsel vm2, $0x1B83, v44;
	v41 =	vsel vm1, $0x1B05, v41;
	[tilespmem:$0x1FBA0] =	vst v28;
	v0 =	vsel vm0, $0xF06, v0  }
0x177: {  	v44 =	vsel vm3, $0x1C04, v44;
	v33 =	vsel vm0, $0x1B86, v41;
	[tilespmem:$0x1F970] =	vst v0;
	v0 =	vunpack.c.0.s8.s32 v40  }
0x178: {  	v43 =	vimm.s32 $0x24232221;
	v45 =	vsel vm5, $0x1A80, v45;
	v44 =	vsel vm1, $0x1C85, v44;
	[tilespmem:$0x1FBF0] =	vst v33  }
0x179: {  	v49 =	vimm.s32 $0x29282726;
	v36 =	vsel vm0, $0x1D06, v44;
	[tilespmem:$0x1FC60] =	vst v0;
	v0 =	vunpack.c.0.s8.s32 v43  }
0x17a: {  	v45 =	vsel vm6, $0x1B01, v45;
	v53 =	vunpack.c.0.s8.s32 v49;
	v44 =	vimm.s32 $0x28272625;
	[tilespmem:$0x1FC20] =	vst v36  }
0x17b: {  	v45 =	vsel vm4, $0x1B82, v45;
	v41 =	vimm.s32 $0x202F2E2D;
	[tilespmem:$0x1FC80] =	vst v0;
	v0 =	vunpack.c.0.s8.s32 v44  }
0x17c: {  	v47 =	vimm.s32 $0x21202F2E;
	v45 =	vsel vm2, $0x1C03, v45;
	v42 =	vunpack.c.0.s8.s32 v41;
	[tilespmem:$0x1FCD0] =	vst v53  }
0x17d: {  	v45 =	vsel vm3, $0x1C84, v45;
	[tilespmem:$0x1FC90] =	vst v0;
	v0 =	vunpack.c.0.s8.s32 v47  }
0x17e: {  	v48 =	vimm.s32 $0x25242322;
	v45 =	vsel vm1, $0x1D05, v45;
	[tilespmem:$0x1FC70] =	vst v42  }
0x17f: {  	v37 =	vsel vm0, $0x1D86, v45;
	v45 =	vimm.s32 $0x2D2C2B2A;
	[tilespmem:$0x1FCB0] =	vst v0;
	v0 =	vunpack.c.0.s8.s32 v48  }
0x180: {  	v9 =	vimm.s32 $0x2E2D2C2B;
	[tilespmem:$0x1FC30] =	vst v37;
	v46 =	vunpack.c.0.s8.s32 v45  }
0x181: {  	v11 =	vimm.s32 $0x26252423;
	[tilespmem:$0x1FCC0] =	vst v0;
	v0 =	vunpack.c.0.s8.s32 v9  }
0x182: {  	s0 =	rddreg [dreg:$0x0];
	s3 =	simm.s32 $0x0;
	v18 =	vunpack.c.0.s8.s32 v11;
	v21 =	vimm.s32 $0x23222120;
	[tilespmem:$0x1FCA0] =	vst v46  }
0x183: {  	[smem:$0x7FF] =	sst s3;
	v25 =	vimm.s32 $0x3C3B3A39;
	v22 =	vunpack.c.0.s8.s32 v21;
	[tilespmem:$0x1FCE0] =	vst v0  }
0x184: {  	s21 =	rddreg [dreg:$0x1];
	v26 =	vunpack.c.0.s8.s32 v25;
	v29 =	vimm.s32 $0x38373635;
	v7 =	vld [tilespmem:$0x1FA70];
	_ =	strace $0x80000047;
	[tilespmem:$0x1FD00] =	vst v18  }
0x185: {  	v30 =	vunpack.c.0.s8.s32 v29;
	v33 =	vimm.s32 $0x35343332;
	[tilespmem:$0x1FD30] =	vst v22  }
0x186: {  	v34 =	vunpack.c.0.s8.s32 v33;
	v37 =	vimm.s32 $0x3231303F;
	[tilespmem:$0x1FD60] =	vst v26  }
0x187: {  	v39 =	vimm.s32 $0x3A393837;
	v1 =	vunpack.c.0.s8.s32 v37;
	[tilespmem:$0x1FD90] =	vst v30  }
0x188: {  	v41 =	vunpack.c.0.s8.s32 v39;
	v44 =	vimm.s32 $0x3B3A3938;
	[tilespmem:$0x1FDC0] =	vst v34  }
0x189: {  	v54 =	vimm.s32 $0x1D1C1B1A;
	v45 =	vunpack.c.0.s8.s32 v44;
	[tilespmem:$0x1FDF0] =	vst v1  }
0x18a: {  	v54 =	vunpack.c.0.s8.s32 v54;
	[tilespmem:$0x1FE10] =	vst v41  }
0x18b: {  	[tilespmem:$0x1FE50] =	vst v45  }
0x18c: {  	[tilespmem:$0x1FF00] =	vst v54  }
0x18d: {  	[tilespmem:$0x1FF10] =	vst v51  }
0x18e: {  	v10 =	vimm.s32 $0x2221202F;
	[tilespmem:$0x1FF30] =	vst v60  }
0x18f: {  	v0 =	vunpack.c.0.s8.s32 v10;
	[tilespmem:$0x1FF40] =	vst v61  }
0x190: {  	v19 =	vimm.s32 $0x2A292827;
	[tilespmem:$0x1FF50] =	vst v50  }
0x191: {  	[tilespmem:$0x1FCF0] =	vst v0;
	v0 =	vunpack.c.0.s8.s32 v19  }
0x192: {  	v16 =	vimm.s32 $0x1787;
	v20 =	vimm.s32 $0x2F2E2D2C;
	[tilespmem:$0x1FF60] =	vst v55  }
0x193: {  	v16 =	vsel vm14, $0x1000, v16;
	[tilespmem:$0x1FD10] =	vst v0;
	v0 =	vunpack.c.0.s8.s32 v20  }
0x194: {  	v16 =	vsel vm13, $0x1081, v16;
	v23 =	vimm.s32 $0x27262524;
	[tilespmem:$0x1FF70] =	vst v52  }
0x195: {  	v16 =	vsel vm11, $0x1102, v16;
	[tilespmem:$0x1FD20] =	vst v0;
	v0 =	vunpack.c.0.s8.s32 v23  }
0x196: {  	v16 =	vsel vm12, $0x1183, v16;
	v24 =	vimm.s32 $0x2B2A2928;
	[tilespmem:$0x1FF80] =	vst v58  }
0x197: {  	v16 =	vsel vm10, $0x1204, v16;
	[tilespmem:$0x1FD40] =	vst v0;
	v0 =	vunpack.c.0.s8.s32 v24  }
0x198: {  	v16 =	vsel vm8, $0x1285, v16;
	v27 =	vimm.s32 $0x303F3E3D;
	[tilespmem:$0x1FF90] =	vst v59  }
0x199: {  	v16 =	vsel vm9, $0x1306, v16;
	[tilespmem:$0x1FD50] =	vst v0;
	v0 =	vunpack.c.0.s8.s32 v27  }
0x19a: {  	v16 =	vsel vm7, $0x1387, v16;
	v28 =	vimm.s32 $0x34333231;
	[tilespmem:$0x1FFA0] =	vst v63  }
0x19b: {  	v16 =	vsel vm5, $0x1400, v16;
	[tilespmem:$0x1FD70] =	vst v0;
	v0 =	vunpack.c.0.s8.s32 v28  }
0x19c: {  	v16 =	vsel vm6, $0x1481, v16;
	v31 =	vimm.s32 $0x3D3C3B3A;
	[tilespmem:$0x1FFB0] =	vst v62  }
0x19d: {  	v16 =	vsel vm4, $0x1502, v16;
	[tilespmem:$0x1FD80] =	vst v0;
	v0 =	vunpack.c.0.s8.s32 v31  }
0x19e: {  	v16 =	vsel vm2, $0x1583, v16;
	v32 =	vimm.s32 $0x31303F3E;
	[tilespmem:$0x1FFC0] =	vst v57  }
0x19f: {  	v16 =	vsel vm3, $0x1604, v16;
	[tilespmem:$0x1FDA0] =	vst v0;
	v0 =	vunpack.c.0.s8.s32 v32  }
0x1a0: {  	v16 =	vsel vm1, $0x1685, v16;
	v35 =	vimm.s32 $0x39383736;
	[tilespmem:$0x1FFD0] =	vst v56  }
0x1a1: {  	v3 =	vsel vm0, $0x1706, v16;
	v47 =	vld [tilespmem:$0x1FE60];
	[tilespmem:$0x1FDB0] =	vst v0;
	v0 =	vunpack.c.0.s8.s32 v35  }
0x1a2: {  	s1 =	srdreg.scid;
	s2 =	stileid.u32;
	v36 =	vimm.s32 $0x3E3D3C3B;
	[tilespmem:$0x1FFE0] =	vst v3;
	v48 =	vld [tilespmem:$0x1FE70]  }
0x1a3: {  	s25 =	simm.s32 $0x1900;
	s28 =	simm.s32 $0x1;
	s29 =	simm.s32 $0x5900;
	v49 =	vld [tilespmem:$0x1FE80];
	[tilespmem:$0x1FDD0] =	vst v0;
	v0 =	vunpack.c.0.s8.s32 v36  }
0x1a4: {  	s23 =	simm.s32 $0x2;
	s1 =	sand.u32 $0x1, s1;
	s6 =	sadd.s32 $0x1000, s21;
	v38 =	vimm.s32 $0x36353433;
	vm0 =	vcmask $0x1F10;
	[tilespmem:$0x1FFF0] =	vst v5;
	v4 =	vld [tilespmem:$0x1FE90]  }
0x1a5: {  	s7 =	sadd.s32 $0x2000, s21;
	s8 =	sadd.s32 $0x3000, s21;
	s9 =	sadd.s32 $0x4000, s21;
	v54 =	vsel vm0, v51, v54;
	[tilespmem:$0x1FDE0] =	vst v0;
	v0 =	vunpack.c.0.s8.s32 v38  }
0x1a6: {  	s2 =	sshll.u32 s2, $0x1;
	s10 =	sadd.s32 $0x5000, s21;
	s11 =	sadd.s32 $0x6000, s21;
	v40 =	vimm.s32 $0x3F3E3D3C;
	[tilespmem:$0x1FF20] =	vst v54  }
0x1a7: {  	s12 =	sadd.s32 $0x7000, s21;
	s13 =	sadd.s32 $0x8000, s21;
	s14 =	sadd.s32 $0x9000, s21;
	v1 =	vsel vm0, v48, v47;
	[tilespmem:$0x1FE00] =	vst v0;
	v0 =	vunpack.c.0.s8.s32 v40  }
0x1a8: {  	s15 =	sadd.s32 $0xA000, s21;
	s16 =	sadd.s32 $0xB000, s21;
	s2 =	sor.u32 s1, s2;
	v42 =	vimm.s32 $0x33323130;
	[tilespmem:$0x1FEB0] =	vst v1  }
0x1a9: {  	s17 =	sadd.s32 $0xC000, s21;
	s19 =	sadd.s32 $0xD000, s21;
	s4 =	smul.u32 $0x320, s2;
	v2 =	vsel vm0, v4, v49;
	[tilespmem:$0x1FE20] =	vst v0;
	v0 =	vunpack.c.0.s8.s32 v42  }
0x1aa: {  	s20 =	sadd.s32 $0xE000, s21;
	s21 =	sadd.s32 $0xF000, s21;
	s26 =	ssub.s32 $0x2, s1;
	v43 =	vimm.s32 $0x37363534;
	[tilespmem:$0x1FEC0] =	vst v2;
	v53 =	vcombine.low v2, v1  }
0x1ab: {  	s31 =	sshrl.u32 s26, $0x1;
	s18 =	sshll.u32 s2, $0x7;
	s5 =	sadd.s32 s4, s0;
	[tilespmem:$0x1FE30] =	vst v0;
	v0 =	vunpack.c.0.s8.s32 v43  }
0x1ac: {  	s4 =	sadd.s32 $0x6800, s0;
	s0 =	ssub.s32 s26, s31;
	s30 =	sadd.s32 $0x400, s5;
	v46 =	vlaneseq.u32;
	[tilespmem:$0x1FEF0] =	vst v53  }
0x1ad: {  	s2 =	simm.s32 $0x7900;
	s0 =	smax.u32 s0, $0x1;
	[dreg:$0x3] =	wrdreg s30;
	v39 =	vld [tilespmem:$0x1FEE0];
	[tilespmem:$0x1FE40] =	vst v0;
	v0 =	vor.u32 $0x10, v46  }
0x1ae: {  	s26 =	simm.s32 $0x3900;
	s5 =	simm.s32 $0x0;
	v15 =	vmov v58;
	v13 =	vmov v52;
	[dreg:$0x4] =	wrdreg s0;
	v48 =	vmov v55;
	v40 =	vld [tilespmem:$0x1FED0];
	[tilespmem:$0x1FEA0] =	vst v0  }
.LBB2_1:
0x1af: {  	[dreg:$0x5] =	wrdreg s5  }
0x1b0: {  	s0 =	rddreg [dreg:$0x3];
	s24 =	simm.s32 $0x5  }
0x1b1: {  	[tilespmem:s3], [sflag:$0x5] =	stream.linear.gather [hbm4b:s0+s3], $0x1900, $0x38;
	[tilespmem:$0x9900] =	vst v63  }
0x1b2: {  	_ =	swait.ge [sflag:s24], $0x1900  }
0x1b3: {  	[sflag:s24] =	ssyncset.done $0x0  }
0x1b4: {  	s31 =	simm.s32 $0x80;
	[sflag:s24] =	ssyncadd.s32 $0xFFFFE700  }
0x1b5: {  	[tilespmem:s25], [sflag:$0x1] =	stream.indirect.gather [hbm4b:s4+s31], $0x40, s3, s31, $0xb8;
	[tilespmem:$0x9900] =	vst v63  }
0x1b6: {  	s30 =	simm.s32 $0x0  }
0x1b7: {  	[tilespmem:s26], [sflag:$0x2] =	stream.indirect.gather [hbm4b:s4+s31], $0x40, s31, s31, $0xb8;
	[tilespmem:$0x9900] =	vst v63  }
.LBB2_2:
0x1b8: {  	_ =	swait.ge [sflag:s28], $0x2000  }
0x1b9: {  	p1 =	seq.s32 s30, $0x0;
	[sflag:s28] =	ssyncset.done $0x0  }
0x1ba: {  	s0 =	simm.s32 @!p1 $0x3;
	[sflag:s28] =	ssyncadd.s32 $0xFFFFE000  }
0x1bb: {  	_ =	swait.ge @!p1 [sflag:s0], $0x400  }
0x1bc: {  	[sflag:s0] =	ssyncset.done @!p1 $0x0  }
0x1bd: {  	[sflag:s0] =	ssyncadd.s32 @!p1 $0xFFFFFC00  }
0x1be: {  	_ =	swait.ge @!p1 [sflag:s0], $0x400  }
0x1bf: {  	[sflag:s0] =	ssyncset.done @!p1 $0x0  }
0x1c0: {  	[sflag:s0] =	ssyncadd.s32 @!p1 $0xFFFFFC00  }
0x1c1: {  	_ =	swait.ge @!p1 [sflag:s0], $0x400  }
0x1c2: {  	[sflag:s0] =	ssyncset.done @!p1 $0x0  }
0x1c3: {  	[sflag:s0] =	ssyncadd.s32 @!p1 $0xFFFFFC00  }
0x1c4: {  	_ =	swait.ge @!p1 [sflag:s0], $0x400  }
0x1c5: {  	[sflag:s0] =	ssyncset.done @!p1 $0x0  }
0x1c6: {  	[sflag:s0] =	ssyncadd.s32 @!p1 $0xFFFFFC00  }
0x1c7: {  	_ =	swait.ge @!p1 [sflag:s0], $0x400  }
0x1c8: {  	[sflag:s0] =	ssyncset.done @!p1 $0x0  }
0x1c9: {  	[sflag:s0] =	ssyncadd.s32 @!p1 $0xFFFFFC00  }
0x1ca: {  	_ =	swait.ge @!p1 [sflag:s0], $0x400  }
0x1cb: {  	s1 =	simm.s32 $0x10;
	v34 =	vlaneseq.u32;
	[sflag:s0] =	ssyncset.done @!p1 $0x0  }
0x1cc: {  	v0 =	vor.u32 s1, v34;
	[sflag:s0] =	ssyncadd.s32 @!p1 $0xFFFFFC00  }
0x1cd: {  	v19 =	vshll.u32 v0, $0x6;
	_ =	swait.ge @!p1 [sflag:s0], $0x400  }
0x1ce: {  	v2 =	vor.u32 v34, v19;
	[sflag:s0] =	ssyncset.done @!p1 $0x0  }
0x1cf: {  	v4 =	vor.u32 v39, v19;
	[sflag:s0] =	ssyncadd.s32 @!p1 $0xFFFFFC00  }
0x1d0: {  	_ =	swait.ge @!p1 [sflag:s0], $0x400  }
0x1d1: {  	v3 =	vor.u32 v40, v19;
	[sflag:s0] =	ssyncset.done @!p1 $0x0  }
0x1d2: {  	v12 =	vand.u32 $0x78, v0;
	v6 =	vor.u32 v60, v19;
	[sflag:s0] =	ssyncadd.s32 @!p1 $0xFFFFFC00  }
0x1d3: {  	v37 =	vmov v7;
	v7 =	vor.u32 v7, v19;
	v9 =	vor.u32 v61, v12;
	v2 =	vld.idx.msk [tilespmem:v2+s25+$0x0], $0xffff  }
0x1d4: {  	v10 =	vor.u32 v50, v19;
	v1 =	vor.u32 v48, v12;
	v4 =	vld.idx.msk [tilespmem:v4+s25+$0x0], $0xffff;
	_ =	sdelay $0x1  }
0x1d5: {  	v44 =	vmov v13;
	v13 =	vor.u32 v13, v19;
	v3 =	vld.idx.msk [tilespmem:v3+s25+$0x0], $0xffff  }
0x1d6: {  	s5 =	simm.s32 $0x0;
	v16 =	vor.u32 v15, v12;
	v6 =	vld.idx.msk [tilespmem:v6+s25+$0x0], $0xffff  }
0x1d7: {  	v5 =	vor.u32 s5, v34;
	v7 =	vld.idx.msk [tilespmem:v7+s25+$0x0], $0xffff;
	[tilespmem:v9+s29+$0x0] =	vst.idx.msk $0xffff, v2  }
0x1d8: {  	v0 =	vshll.u32 v5, $0x6;
	v10 =	vld.idx.msk [tilespmem:v10+s25+$0x0], $0xffff;
	[tilespmem:v1+s29+$0x0] =	vst.idx.msk $0xffff, v4  }
0x1d9: {  	v8 =	vor.u32 v60, v0;
	v31 =	vld [tilespmem:$0x1F840]  }
0x1da: {  	v11 =	vor.u32 v34, v0;
	v13 =	vld.idx.msk [tilespmem:v13+s25+$0x0], $0xffff  }
0x1db: {  	v36 =	vld [tilespmem:$0x1F7C0];
	[tilespmem:v16+s29+$0x0] =	vst.idx.msk $0xffff, v3  }
0x1dc: {  	v52 =	vmov v56;
	v14 =	vor.u32 v39, v0;
	v56 =	vld [tilespmem:$0x1F870];
	_ =	sdelay $0x1  }
0x1dd: {  	v17 =	vor.u32 v59, v19;
	v8 =	vld.idx.msk [tilespmem:v8+s25+$0x0], $0xffff  }
0x1de: {  	v11 =	vld.idx.msk [tilespmem:v11+s25+$0x0], $0xffff;
	v2 =	vor.u32 v40, v0  }
0x1df: {  	v20 =	vor.u32 v37, v0;
	v9 =	vor.u32 v63, v12;
	v49 =	vld [tilespmem:$0x1F7D0]  }
0x1e0: {  	v25 =	vand.u32 $0x68, v5;
	v14 =	vld.idx.msk [tilespmem:v14+s25+$0x0], $0xffff;
	v5 =	vor.u32 v56, v0  }
0x1e1: {  	v4 =	vor.u32 v62, v19;
	v43 =	vld [tilespmem:$0x1F7E0];
	[tilespmem:$0x1F6B0] =	vst v5  }
0x1e2: {  	v21 =	vor.u32 v36, v12;
	v17 =	vld.idx.msk [tilespmem:v17+s25+$0x0], $0xffff  }
0x1e3: {  	v2 =	vld.idx.msk [tilespmem:v2+s25+$0x0], $0xffff  }
0x1e4: {  	v22 =	vor.u32 v61, v25;
	v3 =	vor.u32 v49, v19;
	[tilespmem:v9+s29+$0x0] =	vst.idx.msk $0xffff, v6;
	v29 =	vld.idx.msk [tilespmem:v20+s25+$0x0], $0xffff  }
0x1e5: {  	v35 =	vld [tilespmem:$0x1F7F0]  }
0x1e6: {  	v16 =	vor.u32 v50, v0;
	v23 =	vor.u32 v43, v12;
	v26 =	vld.idx.msk [tilespmem:v4+s25+$0x0], $0xffff  }
0x1e7: {  	v24 =	vor.u32 v48, v25;
	v18 =	vld [tilespmem:$0x1F800];
	[tilespmem:v21+s29+$0x0] =	vst.idx.msk $0xffff, v7  }
0x1e8: {  	v47 =	vmov v50;
	v9 =	vor.u32 v44, v0;
	v50 =	vld [tilespmem:$0x1F810]  }
0x1e9: {  	[tilespmem:v22+s29+$0x0] =	vst.idx.msk $0xffff, v11;
	v30 =	vld.idx.msk [tilespmem:v3+s25+$0x0], $0xffff  }
0x1ea: {  	v38 =	vld [tilespmem:$0x1F820]  }
0x1eb: {  	v16 =	vld.idx.msk [tilespmem:v16+s25+$0x0], $0xffff;
	[tilespmem:v23+s29+$0x0] =	vst.idx.msk $0xffff, v10  }
0x1ec: {  	v53 =	vld [tilespmem:$0x1F830];
	[tilespmem:v24+s29+$0x0] =	vst.idx.msk $0xffff, v14  }
0x1ed: {  	v6 =	vor.u32 v35, v19;
	v4 =	vld.idx.msk [tilespmem:v9+s25+$0x0], $0xffff  }
0x1ee: {  	v27 =	vor.u32 v18, v12  }
0x1ef: {  	v32 =	vor.u32 v15, v25;
	v7 =	vor.u32 v50, v19;
	_ =	sdelay $0x1  }
0x1f0: {  	v33 =	vld [tilespmem:$0x1F8C0]  }
0x1f1: {  	v58 =	vld.idx.msk [tilespmem:v6+s25+$0x0], $0xffff;
	[tilespmem:$0x1F6E0] =	vst v4  }
0x1f2: {  	v54 =	vld [tilespmem:$0x1F850];
	[tilespmem:v27+s29+$0x0] =	vst.idx.msk $0xffff, v13  }
0x1f3: {  	[tilespmem:v32+s29+$0x0] =	vst.idx.msk $0xffff, v2;
	v2 =	vld.idx.msk [tilespmem:v7+s25+$0x0], $0xffff  }
0x1f4: {  	v28 =	vor.u32 v59, v0;
	_ =	sdelay $0x3  }
0x1f5: {  	[tilespmem:$0x1F710] =	vst v2  }
0x1f6: {  	v2 =	vld.idx.msk [tilespmem:v28+s25+$0x0], $0xffff  }
0x1f7: {  	v3 =	vor.u32 v38, v12  }
0x1f8: {  	s22 =	simm.s32 $0x30;
	v20 =	vor.u32 v63, v25  }
0x1f9: {  	v1 =	vor.u32 v31, v12;
	v14 =	vor.u32 s22, v34;
	v10 =	vor.u32 v53, v19  }
0x1fa: {  	v11 =	vor.u32 v62, v0;
	v4 =	vshll.u32 v14, $0x6  }
0x1fb: {  	v21 =	vor.u32 v60, v4;
	[tilespmem:$0x1F720] =	vst v2  }
0x1fc: {  	v6 =	vor.u32 v54, v19;
	[tilespmem:v3+s29+$0x0] =	vst.idx.msk $0xffff, v17  }
0x1fd: {  	[tilespmem:v20+s29+$0x0] =	vst.idx.msk $0xffff, v8  }
0x1fe: {  	s24 =	simm.s32 $0x20;
	v10 =	vld.idx.msk [tilespmem:v10+s25+$0x0], $0xffff;
	[tilespmem:v1+s29+$0x0] =	vst.idx.msk $0xffff, v26;
	v1 =	vor.u32 v38, v25  }
0x1ff: {  	v8 =	vor.u32 s24, v34;
	v7 =	vld.idx.msk [tilespmem:v11+s25+$0x0], $0xffff;
	[tilespmem:$0x1F730] =	vst v1  }
0x200: {  	v13 =	vor.u32 v40, v4;
	v2 =	vshll.u32 v8, $0x6;
	v1 =	vld.idx.msk [tilespmem:v21+s25+$0x0], $0xffff  }
0x201: {  	v11 =	vld.idx.msk [tilespmem:v6+s25+$0x0], $0xffff;
	v6 =	vor.u32 v60, v2;
	_ =	sdelay $0x2  }
0x202: {  	v23 =	vor.u32 v36, v25;
	v17 =	vor.u32 v34, v4  }
0x203: {  	v27 =	vld.idx.msk [tilespmem:v13+s25+$0x0], $0xffff;
	[tilespmem:$0x1F700] =	vst v1  }
0x204: {  	v24 =	vor.u32 v39, v4;
	v1 =	vld.idx.msk [tilespmem:v6+s25+$0x0], $0xffff;
	_ =	sdelay $0x1  }
0x205: {  	v3 =	vand.u32 $0x78, v14;
	v14 =	vor.u32 v34, v2  }
0x206: {  	v21 =	vand.u32 $0x68, v8;
	v8 =	vld.idx.msk [tilespmem:v17+s25+$0x0], $0xffff;
	[tilespmem:v23+s29+$0x0] =	vst.idx.msk $0xffff, v29  }
0x207: {  	v46 =	vmov v62;
	v28 =	vor.u32 v39, v2;
	v62 =	vld [tilespmem:$0x1F860]  }
0x208: {  	v13 =	vor.u32 v37, v4;
	v5 =	vld.idx.msk [tilespmem:v24+s25+$0x0], $0xffff;
	[tilespmem:$0x1F790] =	vst v1;
	v1 =	vor.u32 v44, v2  }
0x209: {  	[tilespmem:$0x1F740] =	vst v1;
	v1 =	vor.u32 v15, v21  }
0x20a: {  	v14 =	vld.idx.msk [tilespmem:v14+s25+$0x0], $0xffff;
	[tilespmem:$0x1F760] =	vst v1;
	v1 =	vor.u32 v59, v2  }
0x20b: {  	v55 =	vor.u32 v47, v4;
	v34 =	vor.u32 v40, v2;
	[tilespmem:$0x1F780] =	vst v1;
	v1 =	vor.u32 v63, v21  }
0x20c: {  	v40 =	vor.u32 v47, v2;
	v29 =	vor.u32 v62, v12;
	v47 =	vld.idx.msk [tilespmem:v28+s25+$0x0], $0xffff;
	[tilespmem:$0x1F7A0] =	vst v1  }
0x20d: {  	v17 =	vor.u32 v49, v0;
	v1 =	vld.idx.msk [tilespmem:v13+s25+$0x0], $0xffff  }
0x20e: {  	v26 =	vor.u32 v37, v2;
	v37 =	vor.u32 v61, v3;
	_ =	sdelay $0x1  }
0x20f: {  	v9 =	vor.u32 v43, v25  }
0x210: {  	v39 =	vor.u32 v61, v21;
	[tilespmem:v29+s29+$0x0] =	vst.idx.msk $0xffff, v30  }
0x211: {  	v41 =	vor.u32 v48, v21;
	v48 =	vor.u32 v48, v3;
	v23 =	vld.idx.msk [tilespmem:v17+s25+$0x0], $0xffff;
	[tilespmem:$0x1F750] =	vst v1  }
0x212: {  	v1 =	vor.u32 v43, v21;
	v51 =	vld.idx.msk [tilespmem:v34+s25+$0x0], $0xffff;
	[tilespmem:v37+s29+$0x0] =	vst.idx.msk $0xffff, v8  }
0x213: {  	v17 =	vld.idx.msk [tilespmem:v26+s25+$0x0], $0xffff;
	[tilespmem:$0x1F6C0] =	vst v1  }
0x214: {  	[tilespmem:v9+s29+$0x0] =	vst.idx.msk $0xffff, v16  }
0x215: {  	[tilespmem:v39+s29+$0x0] =	vst.idx.msk $0xffff, v14  }
0x216: {  	v39 =	vld.idx.msk [tilespmem:v55+s25+$0x0], $0xffff;
	[tilespmem:v48+s29+$0x0] =	vst.idx.msk $0xffff, v5  }
0x217: {  	v29 =	vor.u32 v35, v0;
	v1 =	vld [tilespmem:$0x1F880]  }
0x218: {  	v42 =	vor.u32 v44, v4  }
0x219: {  	v45 =	vor.u32 v15, v3  }
0x21a: {  	v32 =	vor.u32 v18, v25;
	v15 =	vor.u32 v59, v4;
	v6 =	vld [tilespmem:$0x1F6E0]  }
0x21b: {  	v30 =	vor.u32 v63, v3  }
0x21c: {  	v16 =	vor.u32 v56, v19;
	v26 =	vld.idx.msk [tilespmem:v29+s25+$0x0], $0xffff;
	[tilespmem:$0x1F6D0] =	vst v19;
	v63 =	vor.u32 v1, v12  }
0x21d: {  	v44 =	vld.idx.msk [tilespmem:v42+s25+$0x0], $0xffff  }
0x21e: {  	v9 =	vld.idx.msk [tilespmem:v40+s25+$0x0], $0xffff;
	[tilespmem:v45+s29+$0x0] =	vst.idx.msk $0xffff, v27  }
0x21f: {  	v45 =	vld.idx.msk [tilespmem:v15+s25+$0x0], $0xffff;
	[tilespmem:v32+s29+$0x0] =	vst.idx.msk $0xffff, v6  }
0x220: {  	v29 =	vor.u32 v57, v19;
	v19 =	vld [tilespmem:$0x1F8B0];
	[tilespmem:v41+s29+$0x0] =	vst.idx.msk $0xffff, v47  }
0x221: {  	v55 =	vor.u32 v50, v0;
	v32 =	vld.idx.msk [tilespmem:v16+s25+$0x0], $0xffff;
	[tilespmem:v63+s29+$0x0] =	vst.idx.msk $0xffff, v58  }
0x222: {  	v48 =	vor.u32 v54, v0;
	v27 =	vor.u32 v57, v0;
	v58 =	vor.u32 v53, v0;
	[tilespmem:$0x1F6F0] =	vst v0;
	v0 =	vld [tilespmem:$0x1F700];
	_ =	sdelay $0x4  }
0x223: {  	[tilespmem:v30+s29+$0x0] =	vst.idx.msk $0xffff, v0  }
0x224: {  	v5 =	vor.u32 v52, v12;
	v6 =	vld [tilespmem:$0x1F710];
	_ =	sdelay $0x3  }
0x225: {  	v37 =	vld.idx.msk [tilespmem:v29+s25+$0x0], $0xffff  }
0x226: {  	v0 =	vld [tilespmem:$0x1F8A0];
	[tilespmem:v5+s29+$0x0] =	vst.idx.msk $0xffff, v6  }
0x227: {  	v6 =	vld [tilespmem:$0x1F730];
	_ =	sdelay $0x2  }
0x228: {  	v5 =	vld [tilespmem:$0x1F720];
	_ =	sdelay $0x4  }
0x229: {  	v22 =	vor.u32 v31, v3;
	v30 =	vld.idx.msk [tilespmem:v55+s25+$0x0], $0xffff;
	[tilespmem:v6+s29+$0x0] =	vst.idx.msk $0xffff, v5  }
0x22a: {  	v42 =	vor.u32 v31, v25;
	v31 =	vor.u32 v0, v25;
	v47 =	vor.u32 v0, v12;
	v0 =	vld [tilespmem:$0x1F740];
	_ =	sdelay $0x7  }
0x22b: {  	v16 =	vld.idx.msk [tilespmem:v0+s25+$0x0], $0xffff  }
0x22c: {  	v20 =	vor.u32 v56, v2;
	v56 =	vor.u32 v46, v4;
	v52 =	vor.u32 v36, v3;
	v0 =	vld [tilespmem:$0x1F750];
	_ =	sdelay $0x4  }
0x22d: {  	v54 =	vor.u32 v49, v4;
	v49 =	vld.idx.msk [tilespmem:v56+s25+$0x0], $0xffff;
	[tilespmem:v52+s29+$0x0] =	vst.idx.msk $0xffff, v0  }
0x22e: {  	v5 =	vld [tilespmem:$0x1F760];
	_ =	sdelay $0x3  }
0x22f: {  	v0 =	vld [tilespmem:$0x1F890];
	_ =	sdelay $0x3  }
0x230: {  	[tilespmem:v5+s29+$0x0] =	vst.idx.msk $0xffff, v51  }
0x231: {  	v63 =	vor.u32 v43, v3;
	v41 =	vor.u32 v0, v25;
	v51 =	vor.u32 v0, v12;
	v0 =	vld [tilespmem:$0x1F780];
	_ =	sdelay $0x3  }
0x232: {  	v13 =	vor.u32 v36, v21;
	v36 =	vld.idx.msk [tilespmem:v54+s25+$0x0], $0xffff;
	[tilespmem:$0x1F770] =	vst v12  }
0x233: {  	[tilespmem:v63+s29+$0x0] =	vst.idx.msk $0xffff, v39  }
0x234: {  	v52 =	vor.u32 v50, v4;
	v50 =	vor.u32 v1, v25;
	v1 =	vld [tilespmem:$0x1F7A0];
	_ =	sdelay $0x1  }
0x235: {  	v8 =	vor.u32 v33, v25;
	v14 =	vor.u32 v33, v12;
	v33 =	vor.u32 v19, v12;
	v12 =	vld.idx.msk [tilespmem:v0+s25+$0x0], $0xffff  }
0x236: {  	v0 =	vld [tilespmem:$0x1F790];
	_ =	sdelay $0x2  }
0x237: {  	v24 =	vor.u32 v46, v2;
	v40 =	vor.u32 v35, v4  }
0x238: {  	v28 =	vor.u32 v18, v21;
	v34 =	vor.u32 v38, v21;
	v43 =	vor.u32 v18, v3  }
0x239: {  	s31 =	sshll.u32 s30, $0x10;
	v29 =	vor.u32 v19, v25;
	v55 =	vor.u32 v62, v25;
	v63 =	vmov v53;
	[tilespmem:v1+s29+$0x0] =	vst.idx.msk $0xffff, v0  }
0x23a: {  	s5 =	simm.s32 $0x50;
	s0 =	simm.s32 $0x2;
	s24 =	simm.s32 $0x0;
	v53 =	vor.u32 v38, v3;
	v46 =	vld.idx.msk [tilespmem:v58+s25+$0x0], $0xffff;
	v54 =	vor.u32 v63, v4;
	[tilespmem:$0x1F7B0] =	vst v25  }
.LBB2_3:
0x23b: {  	_ = 	snop  }
0x23c: {  	v40 =	vld.idx.msk [tilespmem:v40+s25+$0x0], $0xffff  }
0x23d: {  	v19 =	vld [tilespmem:$0x1F850]  }
0x23e: {  	v38 =	vld [tilespmem:$0x1FED0]  }
0x23f: {  	v18 =	vld [tilespmem:$0x1FA70]  }
0x240: {  	[tilespmem:v42+s29+$0x0] =	vst.idx.msk $0xffff, v7;
	v15 =	vld [tilespmem:$0x1F870]  }
0x241: {  	s22 =	sadd.s32 $0xFFFFFFF0, s5;
	v0 =	vlaneseq.u32;
	v59 =	vmov v28;
	v1 =	vmov v34;
	v28 =	vld.idx.msk [tilespmem:v48+s25+$0x0], $0xffff  }
0x242: {  	v58 =	vmovc v25;
	v25 =	vmov v21;
	v56 =	vor.u32 s5, v0;
	[tilespmem:$0x1F690] =	vst v1;
	v21 =	vor.u32 s22, v0;
	v1 =	vld [tilespmem:$0x1FEE0]  }
0x243: {  	v42 =	vmov v2;
	v7 =	vld.idx.msk [tilespmem:v24+s25+$0x0], $0xffff;
	v39 =	vshll.u32 v56, $0x6;
	v2 =	vshll.u32 v21, $0x6  }
0x244: {  	v48 =	vor.u32 v0, v2;
	v24 =	vor.u32 v0, v39;
	v0 =	vld [tilespmem:$0x1F840]  }
0x245: {  	[tilespmem:v43+s29+$0x0] =	vst.idx.msk $0xffff, v44;
	v62 =	vld [tilespmem:$0x1FFD0]  }
0x246: {  	v43 =	vld.idx.msk [tilespmem:v52+s25+$0x0], $0xffff;
	[tilespmem:v53+s29+$0x0] =	vst.idx.msk $0xffff, v45  }
0x247: {  	v6 =	vld [tilespmem:$0x1FFB0];
	[tilespmem:v55+s29+$0x0] =	vst.idx.msk $0xffff, v23;
	v57 =	vor.u32 v19, v4  }
0x248: {  	v35 =	vmov v3;
	v3 =	vand.u32 $0x78, v56;
	v53 =	vld.idx.msk [tilespmem:v54+s25+$0x0], $0xffff;
	[tilespmem:v22+s29+$0x0] =	vst.idx.msk $0xffff, v49;
	v63 =	vor.u32 v38, v39  }
0x249: {  	v22 =	vld [tilespmem:$0x1FF50];
	v52 =	vor.u32 v1, v39;
	v23 =	vor.u32 v1, v2;
	v1 =	vor.u32 v0, v3  }
0x24a: {  	[tilespmem:$0x1F6A0] =	vst v1;
	v1 =	vld [tilespmem:$0x1F6B0]  }
0x24b: {  	v44 =	vor.u32 v60, v39;
	v45 =	vor.u32 v18, v2;
	v54 =	vor.u32 v18, v39;
	v18 =	vld [tilespmem:$0x1FF70]  }
0x24c: {  	v55 =	vld.idx.msk [tilespmem:v57+s25+$0x0], $0xffff  }
0x24d: {  	[tilespmem:v51+s29+$0x0] =	vst.idx.msk $0xffff, v10;
	v10 =	vor.u32 v38, v2;
	v38 =	vld [tilespmem:$0x1F800]  }
0x24e: {  	v51 =	vld.idx.msk [tilespmem:v63+s25+$0x0], $0xffff  }
0x24f: {  	[tilespmem:v47+s29+$0x0] =	vst.idx.msk $0xffff, v11;
	v63 =	vld [tilespmem:$0x1F860]  }
0x250: {  	v57 =	vld.idx.msk [tilespmem:v44+s25+$0x0], $0xffff  }
0x251: {  	v34 =	vor.u32 v62, v58;
	v58 =	vor.u32 v18, v2;
	v44 =	vor.u32 v18, v39;
	v18 =	vld [tilespmem:$0x1FF90]  }
0x252: {  	[tilespmem:v33+s29+$0x0] =	vst.idx.msk $0xffff, v32;
	v5 =	vld.idx.msk [tilespmem:v1+s25+$0x0], $0xffff  }
0x253: {  	[tilespmem:v13+s29+$0x0] =	vst.idx.msk $0xffff, v17;
	v17 =	vld.idx.msk [tilespmem:v24+s25+$0x0], $0xffff  }
0x254: {  	v11 =	vor.u32 v60, v2;
	v1 =	vld [tilespmem:$0x1F7D0]  }
0x255: {  	v24 =	vld [tilespmem:$0x1FF60];
	[tilespmem:v14+s29+$0x0] =	vst.idx.msk $0xffff, v37  }
0x256: {  	v14 =	vld [tilespmem:$0x1FF80];
	[tilespmem:v50+s29+$0x0] =	vst.idx.msk $0xffff, v26  }
0x257: {  	v26 =	vld.idx.msk [tilespmem:v27+s25+$0x0], $0xffff  }
0x258: {  	v27 =	vld.idx.msk [tilespmem:v52+s25+$0x0], $0xffff;
	[tilespmem:v34+s29+$0x0] =	vst.idx.msk $0xffff, v30  }
0x259: {  	v60 =	vld.idx.msk [tilespmem:v11+s25+$0x0], $0xffff  }
0x25a: {  	v13 =	vor.u32 v63, v35;
	v11 =	vld [tilespmem:$0x1FFA0]  }
0x25b: {  	[tilespmem:v41+s29+$0x0] =	vst.idx.msk $0xffff, v46;
	v46 =	vor.u32 v18, v2;
	v41 =	vor.u32 v18, v39;
	v18 =	vld [tilespmem:$0x1F7F0]  }
0x25c: {  	v30 =	vld.idx.msk [tilespmem:v48+s25+$0x0], $0xffff;
	v33 =	vor.u32 v1, v42  }
0x25d: {  	[tilespmem:v31+s29+$0x0] =	vst.idx.msk $0xffff, v28;
	v48 =	vld [tilespmem:$0x1F7C0]  }
0x25e: {  	v21 =	vand.u32 $0x68, v21;
	v32 =	vor.u32 v22, v2;
	v37 =	vor.u32 v14, v3;
	v31 =	vld.idx.msk [tilespmem:v23+s25+$0x0], $0xffff  }
0x25f: {  	v52 =	vor.u32 v14, v21;
	v14 =	vor.u32 v22, v39;
	[tilespmem:v13+s29+$0x0] =	vst.idx.msk $0xffff, v36;
	v22 =	vld [tilespmem:$0x1F880]  }
0x260: {  	[tilespmem:v29+s29+$0x0] =	vst.idx.msk $0xffff, v5;
	v36 =	vld.idx.msk [tilespmem:v54+s25+$0x0], $0xffff  }
0x261: {  	v47 =	vor.u32 v61, v3;
	v23 =	vld.idx.msk [tilespmem:v33+s25+$0x0], $0xffff;
	[tilespmem:v8+s29+$0x0] =	vst.idx.msk $0xffff, v26;
	v8 =	vmov v20  }
0x262: {  	v56 =	vor.u32 v61, v21;
	v34 =	vor.u32 v24, v3;
	[tilespmem:$0x1F6B0] =	vst v8;
	v8 =	vld [tilespmem:$0x1F6C0]  }
0x263: {  	v61 =	vor.u32 v11, v21;
	v29 =	vor.u32 v11, v3;
	v11 =	vmovc v55;
	v55 =	vor.u32 v62, v35;
	v62 =	vld [tilespmem:$0x1F820]  }
0x264: {  	v20 =	vld [tilespmem:$0x1F7E0]  }
0x265: {  	v54 =	vld.idx.msk [tilespmem:v10+s25+$0x0], $0xffff  }
0x266: {  	[tilespmem:v47+s29+$0x0] =	vst.idx.msk $0xffff, v17;
	v17 =	vld.idx.msk [tilespmem:v45+s25+$0x0], $0xffff  }
0x267: {  	v10 =	vmov v53;
	v53 =	vld.idx.msk [tilespmem:v14+s25+$0x0], $0xffff  }
0x268: {  	[tilespmem:v34+s29+$0x0] =	vst.idx.msk $0xffff, v27;
	v27 =	vld [tilespmem:$0x1FFC0]  }
0x269: {  	v49 =	vor.u32 v15, v2;
	v33 =	vor.u32 v18, v42;
	v44 =	vld.idx.msk [tilespmem:v44+s25+$0x0], $0xffff;
	[tilespmem:v37+s29+$0x0] =	vst.idx.msk $0xffff, v51  }
0x26a: {  	v45 =	vor.u32 v15, v4;
	v15 =	vld [tilespmem:$0x1F810];
	[tilespmem:v8+s29+$0x0] =	vst.idx.msk $0xffff, v9;
	v8 =	vor.u32 v20, v21  }
0x26b: {  	v51 =	vor.u32 v1, v39;
	v1 =	vld [tilespmem:$0x1F690];
	[tilespmem:$0x1F6C0] =	vst v8  }
0x26c: {  	v47 =	vor.u32 v22, v35;
	[tilespmem:v56+s29+$0x0] =	vst.idx.msk $0xffff, v30;
	v8 =	vld [tilespmem:$0x1F8C0]  }
0x26d: {  	v9 =	vld.idx.msk [tilespmem:v32+s25+$0x0], $0xffff  }
0x26e: {  	v50 =	vor.u32 v24, v21;
	v4 =	vor.u32 v27, v4;
	v26 =	vld.idx.msk [tilespmem:v33+s25+$0x0], $0xffff  }
0x26f: {  	[tilespmem:v59+s29+$0x0] =	vst.idx.msk $0xffff, v16;
	v59 =	vld [tilespmem:$0x1F830]  }
0x270: {  	v5 =	vmov v49;
	v49 =	vor.u32 v6, v39;
	v32 =	vld.idx.msk [tilespmem:v45+s25+$0x0], $0xffff  }
0x271: {  	v30 =	vor.u32 v15, v42;
	v45 =	vld.idx.msk [tilespmem:v41+s25+$0x0], $0xffff;
	[tilespmem:v47+s29+$0x0] =	vst.idx.msk $0xffff, v40  }
0x272: {  	v13 =	vor.u32 v48, v21;
	v16 =	vld [tilespmem:$0x1F8B0];
	[tilespmem:v29+s29+$0x0] =	vst.idx.msk $0xffff, v57  }
0x273: {  	v27 =	vor.u32 v27, v42;
	[tilespmem:v50+s29+$0x0] =	vst.idx.msk $0xffff, v31;
	v50 =	vor.u32 v48, v3;
	v37 =	vld.idx.msk [tilespmem:v4+s25+$0x0], $0xffff  }
0x274: {  	v48 =	vor.u32 v19, v42;
	v56 =	vor.u32 v59, v42;
	v42 =	vor.u32 v0, v25;
	v0 =	vld [tilespmem:$0x1F8A0]  }
0x275: {  	v49 =	vld.idx.msk [tilespmem:v49+s25+$0x0], $0xffff  }
0x276: {  	v30 =	vld.idx.msk [tilespmem:v30+s25+$0x0], $0xffff;
	[tilespmem:v1+s29+$0x0] =	vst.idx.msk $0xffff, v12  }
0x277: {  	v33 =	vor.u32 v16, v35;
	v29 =	vor.u32 v16, v25;
	v16 =	vld.idx.msk [tilespmem:v58+s25+$0x0], $0xffff;
	[tilespmem:v52+s29+$0x0] =	vst.idx.msk $0xffff, v54  }
0x278: {  	s0 =	sadd.s32 $0x2, s0;
	v28 =	vor.u32 v38, v21;
	v24 =	vor.u32 v6, v2;
	v57 =	vor.u32 v20, v3;
	v12 =	vld.idx.msk [tilespmem:v46+s25+$0x0], $0xffff  }
0x279: {  	p0 =	slt.u32 s0, $0x6;
	[tilespmem:v55+s29+$0x0] =	vst.idx.msk $0xffff, v43;
	v31 =	vor.u32 v0, v25;
	v47 =	vor.u32 v0, v35;
	v0 =	vld [tilespmem:$0x1F890]  }
.Ltmp0:
0x27a: {  	v34 =	vor.u32 v62, v21;
	[tilespmem:v50+s29+$0x0] =	vst.idx.msk $0xffff, v36;
	v50 =	vor.u32 v22, v25;
	v22 =	vld [tilespmem:$0x1F6A0];
	(pc) =	sbr.rel @p0 .LBB2_3-.Ltmp0, $4  }
0x27b: {  	v40 =	vor.u32 v18, v39;
	v20 =	vmov v5;
	v43 =	vor.u32 v38, v3;
	[tilespmem:v61+s29+$0x0] =	vst.idx.msk $0xffff, v60;
	v61 =	vld [tilespmem:$0x1FF40]  }
0x27c: {  	v4 =	vmovc v39;
	v55 =	vor.u32 v63, v25;
	v14 =	vor.u32 v8, v35;
	v8 =	vor.u32 v8, v25;
	v60 =	vld [tilespmem:$0x1FF30]  }
0x27d: {  	v52 =	vor.u32 v15, v4;
	v54 =	vor.u32 v59, v4;
	v36 =	vld.idx.msk [tilespmem:v51+s25+$0x0], $0xffff;
	[tilespmem:v57+s29+$0x0] =	vst.idx.msk $0xffff, v53  }
0x27e: {  	s5 =	sadd.s32 $0x20, s5;
	v53 =	vor.u32 v62, v3;
	v46 =	vld.idx.msk [tilespmem:v56+s25+$0x0], $0xffff;
	v41 =	vor.u32 v0, v25;
	v51 =	vor.u32 v0, v35  }
0x27f: {  	_ =	sdelay $0x3  }
0x280: {  	v35 =	vld.idx.msk [tilespmem:v40+s25+$0x0], $0xffff;
	[tilespmem:v43+s29+$0x0] =	vst.idx.msk $0xffff, v44  }
0x281: {  	[tilespmem:v42+s29+$0x0] =	vst.idx.msk $0xffff, v7  }
0x282: {  	[tilespmem:v51+s29+$0x0] =	vst.idx.msk $0xffff, v10  }
0x283: {  	v7 =	vld.idx.msk [tilespmem:v52+s25+$0x0], $0xffff;
	[tilespmem:v53+s29+$0x0] =	vst.idx.msk $0xffff, v45  }
0x284: {  	v0 =	vld.idx.msk [tilespmem:v48+s25+$0x0], $0xffff;
	[tilespmem:v55+s29+$0x0] =	vst.idx.msk $0xffff, v23  }
0x285: {  	v63 =	vld.idx.msk [tilespmem:v54+s25+$0x0], $0xffff;
	[tilespmem:v22+s29+$0x0] =	vst.idx.msk $0xffff, v49  }
0x286: {  	v15 =	vld [tilespmem:$0x1FFD0];
	[tilespmem:v47+s29+$0x0] =	vst.idx.msk $0xffff, v11  }
0x287: {  	v10 =	vld.idx.msk [tilespmem:v24+s25+$0x0], $0xffff;
	[tilespmem:v13+s29+$0x0] =	vst.idx.msk $0xffff, v17  }
0x288: {  	v1 =	vld [tilespmem:$0x1F6B0];
	_ =	sdelay $0x7  }
0x289: {  	[tilespmem:v33+s29+$0x0] =	vst.idx.msk $0xffff, v32;
	v5 =	vld.idx.msk [tilespmem:v1+s25+$0x0], $0xffff  }
0x28a: {  	v1 =	vld [tilespmem:$0x1F7D0]  }
0x28b: {  	v25 =	vor.u32 v15, v25;
	_ =	sdelay $0x1  }
0x28c: {  	[tilespmem:v50+s29+$0x0] =	vst.idx.msk $0xffff, v26  }
0x28d: {  	v17 =	vld.idx.msk [tilespmem:v27+s25+$0x0], $0xffff  }
0x28e: {  	v11 =	vor.u32 v1, v2;
	v1 =	vld [tilespmem:$0x1F850];
	[tilespmem:v14+s29+$0x0] =	vst.idx.msk $0xffff, v37  }
0x28f: {  	v18 =	vld [tilespmem:$0x1F860];
	[tilespmem:v25+s29+$0x0] =	vst.idx.msk $0xffff, v30  }
0x290: {  	v6 =	vld [tilespmem:$0x1F7F0];
	[tilespmem:v41+s29+$0x0] =	vst.idx.msk $0xffff, v46  }
0x291: {  	[tilespmem:v31+s29+$0x0] =	vst.idx.msk $0xffff, v0  }
0x292: {  	v0 =	vld [tilespmem:$0x1F810];
	_ =	sdelay $0x3  }
0x293: {  	[tilespmem:v29+s29+$0x0] =	vst.idx.msk $0xffff, v5  }
0x294: {  	v33 =	vor.u32 v0, v2;
	v0 =	vld [tilespmem:$0x1F870];
	_ =	sdelay $0x3  }
0x295: {  	v5 =	vld.idx.msk [tilespmem:v11+s25+$0x0], $0xffff  }
0x296: {  	v11 =	vor.u32 v0, v4;
	v0 =	vld [tilespmem:$0x1F6C0];
	_ =	sdelay $0x5  }
0x297: {  	v13 =	vor.u32 v1, v4;
	v14 =	vor.u32 v18, v3;
	_ =	sdelay $0x1  }
0x298: {  	[tilespmem:v0+s29+$0x0] =	vst.idx.msk $0xffff, v9  }
0x299: {  	v0 =	vld [tilespmem:$0x1F880];
	_ =	sdelay $0x1  }
0x29a: {  	v32 =	vor.u32 v6, v2;
	v13 =	vld.idx.msk [tilespmem:v13+s25+$0x0], $0xffff;
	[tilespmem:v14+s29+$0x0] =	vst.idx.msk $0xffff, v36  }
0x29b: {  	v19 =	vld [tilespmem:$0x1F840]  }
0x29c: {  	v26 =	vld [tilespmem:$0x1FFC0]  }
0x29d: {  	v6 =	vor.u32 v0, v3;
	_ =	sdelay $0x1  }
0x29e: {  	v9 =	vor.u32 v59, v2;
	v14 =	vld.idx.msk [tilespmem:v32+s25+$0x0], $0xffff;
	[tilespmem:v28+s29+$0x0] =	vst.idx.msk $0xffff, v16  }
0x29f: {  	[tilespmem:v8+s29+$0x0] =	vst.idx.msk $0xffff, v17;
	v11 =	vld.idx.msk [tilespmem:v11+s25+$0x0], $0xffff;
	v37 =	vor.u32 v19, v21  }
0x2a0: {  	v38 =	vor.u32 v15, v3;
	v8 =	vld.idx.msk [tilespmem:v33+s25+$0x0], $0xffff;
	[tilespmem:v34+s29+$0x0] =	vst.idx.msk $0xffff, v12;
	v4 =	vor.u32 v26, v4  }
0x2a1: {  	v17 =	vor.u32 v18, v21;
	v18 =	vld [tilespmem:$0x1F890];
	[tilespmem:v6+s29+$0x0] =	vst.idx.msk $0xffff, v35  }
0x2a2: {  	v19 =	vmov v15;
	v15 =	vld [tilespmem:$0x1F8A0]  }
0x2a3: {  	v9 =	vld.idx.msk [tilespmem:v9+s25+$0x0], $0xffff  }
0x2a4: {  	v16 =	vor.u32 v1, v2;
	v1 =	vld [tilespmem:$0x1F8B0];
	[tilespmem:v37+s29+$0x0] =	vst.idx.msk $0xffff, v10  }
0x2a5: {  	v4 =	vld.idx.msk [tilespmem:v4+s25+$0x0], $0xffff;
	[tilespmem:v38+s29+$0x0] =	vst.idx.msk $0xffff, v7  }
0x2a6: {  	v12 =	vor.u32 v18, v3;
	v7 =	vor.u32 v0, v21;
	v0 =	vld [tilespmem:$0x1F8C0]  }
0x2a7: {  	v6 =	vor.u32 v15, v3;
	_ =	sdelay $0x1  }
0x2a8: {  	v39 =	vor.u32 v1, v3  }
0x2a9: {  	v2 =	vor.u32 v26, v2;
	v10 =	vld.idx.msk [tilespmem:v16+s25+$0x0], $0xffff;
	[tilespmem:v17+s29+$0x0] =	vst.idx.msk $0xffff, v5;
	v5 =	vor.u32 v19, v21  }
0x2aa: {  	[tilespmem:v12+s29+$0x0] =	vst.idx.msk $0xffff, v63;
	v3 =	vor.u32 v0, v3  }
0x2ab: {  	[tilespmem:v6+s29+$0x0] =	vst.idx.msk $0xffff, v13  }
0x2ac: {  	v12 =	vor.u32 v18, v21;
	v13 =	vld.idx.msk [tilespmem:v20+s25+$0x0], $0xffff;
	[tilespmem:v7+s29+$0x0] =	vst.idx.msk $0xffff, v14  }
0x2ad: {  	v6 =	vor.u32 v15, v21;
	[tilespmem:v39+s29+$0x0] =	vst.idx.msk $0xffff, v11  }
0x2ae: {  	v2 =	vld.idx.msk [tilespmem:v2+s25+$0x0], $0xffff;
	[tilespmem:v5+s29+$0x0] =	vst.idx.msk $0xffff, v8  }
0x2af: {  	v11 =	vor.u32 v1, v21;
	[tilespmem:v3+s29+$0x0] =	vst.idx.msk $0xffff, v4  }
0x2b0: {  	v15 =	vld [tilespmem:$0x1F8D0]  }
0x2b1: {  	v1 =	vld [tilespmem:$0x1F8E0];
	[tilespmem:v12+s29+$0x0] =	vst.idx.msk $0xffff, v9  }
0x2b2: {  	v41 =	vld [tilespmem:$0x1FF20];
	[tilespmem:v6+s29+$0x0] =	vst.idx.msk $0xffff, v10  }
0x2b3: {  	v36 =	vld [tilespmem:$0x1FEF0]  }
0x2b4: {  	v46 =	vld [tilespmem:$0x1F6F0];
	[tilespmem:v11+s29+$0x0] =	vst.idx.msk $0xffff, v13  }
0x2b5: {  	v31 =	vld [tilespmem:$0x1F950]  }
0x2b6: {  	v16 =	vld [tilespmem:$0x1F960]  }
0x2b7: {  	v4 =	vor.u32 v0, v21;
	v0 =	vld [tilespmem:$0x1F8F0]  }
0x2b8: {  	v18 =	vld [tilespmem:$0x1F900]  }
0x2b9: {  	v19 =	vld [tilespmem:$0x1F910]  }
0x2ba: {  	v13 =	vld [tilespmem:$0x1F920]  }
0x2bb: {  	v44 =	vld [tilespmem:$0x1F6D0]  }
0x2bc: {  	v14 =	vld [tilespmem:$0x1F930]  }
0x2bd: {  	v30 =	vld [tilespmem:$0x1F940]  }
0x2be: {  	v35 =	vld [tilespmem:$0x1FEA0];
	[tilespmem:v4+s29+$0x0] =	vst.idx.msk $0xffff, v2  }
0x2bf: {  	v8 =	vsel vm0, v18, v0;
	v4 =	vsel vm0, v0, v13;
	v0 =	vld [tilespmem:$0x1FF00];
	_ =	sdelay $0x3  }
0x2c0: {  	v6 =	vsel vm0, v16, v31  }
0x2c1: {  	v11 =	vsel vm0, v30, v14;
	v14 =	vsel vm0, v14, v16;
	v16 =	vsel vm0, v0, v1;
	v0 =	vld [tilespmem:$0x1FE70]  }
0x2c2: {  	v3 =	vsel vm0, v1, v15;
	v1 =	vld [tilespmem:$0x1FE80];
	_ =	sdelay $0x3  }
0x2c3: {  	v37 =	vld [tilespmem:$0x1F970]  }
0x2c4: {  	v45 =	vcombine.low v3, v41;
	v5 =	vor.u32 v36, v46;
	v21 =	vsel vm0, v1, v0;
	v0 =	vld [tilespmem:$0x1FE60]  }
0x2c5: {  	v1 =	vld [tilespmem:$0x1FE90]  }
0x2c6: {  	v27 =	vld [tilespmem:$0x1F7B0];
	v7 =	vor.u32 v45, v46  }
0x2c7: {  	v38 =	vld [tilespmem:$0x1F990];
	v10 =	vor.u32 v36, v44  }
0x2c8: {  	v9 =	vsel vm0, v13, v19;
	v12 =	vor.u32 v35, v46;
	v26 =	vsel vm0, v19, v18;
	v19 =	vld [tilespmem:$0x1F770]  }
0x2c9: {  	v2 =	vor.u32 v35, v44;
	v5 =	vld.idx.msk [tilespmem:v5+s25+$0x0], $0xffff  }
0x2ca: {  	v49 =	vcombine.low v9, v8;
	v22 =	vsel vm0, v0, v1;
	v0 =	vld [tilespmem:$0x1FF10]  }
0x2cb: {  	v42 =	vor.u32 v45, v44;
	v51 =	vcombine.low v6, v11;
	v7 =	vld.idx.msk [tilespmem:v7+s25+$0x0], $0xffff  }
0x2cc: {  	v13 =	vor.u32 v49, v46;
	v10 =	vld.idx.msk [tilespmem:v10+s25+$0x0], $0xffff  }
0x2cd: {  	v17 =	vor.u32 v51, v46;
	v12 =	vld.idx.msk [tilespmem:v12+s25+$0x0], $0xffff  }
0x2ce: {  	v47 =	vor.u32 v37, v27;
	v40 =	vor.u32 v49, v44;
	v2 =	vld.idx.msk [tilespmem:v2+s25+$0x0], $0xffff  }
0x2cf: {  	v43 =	vor.u32 v51, v44;
	v29 =	vor.u32 v37, v19;
	v18 =	vsel vm0, v15, v0;
	v15 =	vld [tilespmem:$0x1F980]  }
0x2d0: {  	v23 =	vld.idx.msk [tilespmem:v42+s25+$0x0], $0xffff  }
0x2d1: {  	v13 =	vld.idx.msk [tilespmem:v13+s25+$0x0], $0xffff;
	v53 =	vcombine.low v22, v21  }
0x2d2: {  	v30 =	vsel vm0, v31, v30;
	v17 =	vld.idx.msk [tilespmem:v17+s25+$0x0], $0xffff  }
0x2d3: {  	v20 =	vld.idx.msk [tilespmem:v40+s25+$0x0], $0xffff;
	v28 =	vor.u32 v53, v46;
	[tilespmem:v47+s29+$0x0] =	vst.idx.msk $0xffff, v12;
	v54 =	vcombine.low v16, v18  }
0x2d4: {  	v24 =	vld.idx.msk [tilespmem:v43+s25+$0x0], $0xffff;
	v48 =	vor.u32 v53, v44;
	[tilespmem:v29+s29+$0x0] =	vst.idx.msk $0xffff, v2;
	v31 =	vor.u32 v15, v27  }
0x2d5: {  	v39 =	vld [tilespmem:$0x1F9A0];
	v50 =	vor.u32 v54, v46;
	v52 =	vor.u32 v15, v19;
	_ =	sdelay $0x1  }
0x2d6: {  	v58 =	vcombine.low v14, v30;
	v14 =	vor.u32 v38, v27;
	v30 =	vor.u32 v54, v44  }
0x2d7: {  	v55 =	vcombine.low v4, v26;
	v28 =	vld.idx.msk [tilespmem:v28+s25+$0x0], $0xffff  }
0x2d8: {  	v57 =	vor.u32 v38, v19;
	[tilespmem:v31+s29+$0x0] =	vst.idx.msk $0xffff, v5;
	v31 =	vld.idx.msk [tilespmem:v48+s25+$0x0], $0xffff  }
0x2d9: {  	v12 =	vor.u32 v55, v46;
	v2 =	vor.u32 v39, v27;
	[tilespmem:v52+s29+$0x0] =	vst.idx.msk $0xffff, v10;
	v10 =	vld.idx.msk [tilespmem:v50+s25+$0x0], $0xffff  }
0x2da: {  	v29 =	vor.u32 v55, v44;
	v47 =	vor.u32 v39, v19;
	v40 =	vld [tilespmem:$0x1F9B0]  }
0x2db: {  	[tilespmem:v14+s29+$0x0] =	vst.idx.msk $0xffff, v7;
	v7 =	vld.idx.msk [tilespmem:v30+s25+$0x0], $0xffff  }
0x2dc: {  	v0 =	vld [tilespmem:$0x1FEB0]  }
0x2dd: {  	v1 =	vld [tilespmem:$0x1FEC0];
	[tilespmem:v57+s29+$0x0] =	vst.idx.msk $0xffff, v23  }
0x2de: {  	v12 =	vld.idx.msk [tilespmem:v12+s25+$0x0], $0xffff;
	[tilespmem:v2+s29+$0x0] =	vst.idx.msk $0xffff, v13  }
0x2df: {  	v14 =	vld.idx.msk [tilespmem:v29+s25+$0x0], $0xffff;
	[tilespmem:v47+s29+$0x0] =	vst.idx.msk $0xffff, v20  }
0x2e0: {  	v32 =	vld [tilespmem:$0x1F9C0];
	_ =	sdelay $0x1  }
0x2e1: {  	v5 =	vor.u32 v58, v46;
	v57 =	vcombine.low v41, v3  }
0x2e2: {  	v3 =	vor.u32 v58, v44;
	v48 =	vor.u32 v40, v27;
	v62 =	vcombine.low v0, v1  }
0x2e3: {  	v13 =	vor.u32 v40, v19  }
0x2e4: {  	v2 =	vor.u32 v62, v46;
	v43 =	vor.u32 v32, v27;
	_ =	sdelay $0x1  }
0x2e5: {  	v5 =	vld.idx.msk [tilespmem:v5+s25+$0x0], $0xffff  }
0x2e6: {  	v3 =	vld.idx.msk [tilespmem:v3+s25+$0x0], $0xffff;
	[tilespmem:v48+s29+$0x0] =	vst.idx.msk $0xffff, v17  }
0x2e7: {  	v50 =	vor.u32 v62, v44;
	v47 =	vor.u32 v32, v19;
	v33 =	vld [tilespmem:$0x1F9D0];
	[tilespmem:v13+s29+$0x0] =	vst.idx.msk $0xffff, v24  }
0x2e8: {  	v63 =	vcombine.low v11, v6;
	v11 =	vld.idx.msk [tilespmem:v2+s25+$0x0], $0xffff;
	[tilespmem:v43+s29+$0x0] =	vst.idx.msk $0xffff, v28  }
0x2e9: {  	v41 =	vld [tilespmem:$0x1F9E0];
	_ =	sdelay $0x1  }
0x2ea: {  	v60 =	vcombine.low v8, v9;
	v52 =	vcombine.low v26, v4;
	v17 =	vor.u32 v57, v46  }
0x2eb: {  	v4 =	vor.u32 v57, v44;
	v20 =	vld.idx.msk [tilespmem:v50+s25+$0x0], $0xffff;
	[tilespmem:v47+s29+$0x0] =	vst.idx.msk $0xffff, v31;
	v8 =	vor.u32 v33, v27  }
0x2ec: {  	v6 =	vor.u32 v60, v46;
	v31 =	vld [tilespmem:$0x1F9F0];
	v9 =	vor.u32 v33, v19  }
0x2ed: {  	v13 =	vor.u32 v41, v27  }
0x2ee: {  	v2 =	vor.u32 v60, v44;
	v48 =	vor.u32 v41, v19  }
0x2ef: {  	v17 =	vld.idx.msk [tilespmem:v17+s25+$0x0], $0xffff  }
0x2f0: {  	v56 =	vcombine.low v21, v22;
	v21 =	vor.u32 v63, v46;
	v4 =	vld.idx.msk [tilespmem:v4+s25+$0x0], $0xffff;
	[tilespmem:v8+s29+$0x0] =	vst.idx.msk $0xffff, v10  }
0x2f1: {  	v61 =	vcombine.low v18, v16;
	v50 =	vor.u32 v31, v27;
	[tilespmem:v9+s29+$0x0] =	vst.idx.msk $0xffff, v7;
	v6 =	vld.idx.msk [tilespmem:v6+s25+$0x0], $0xffff  }
0x2f2: {  	v16 =	vor.u32 v31, v19;
	v10 =	vor.u32 v63, v44;
	v42 =	vld [tilespmem:$0x1FA00];
	[tilespmem:v13+s29+$0x0] =	vst.idx.msk $0xffff, v12  }
0x2f3: {  	v34 =	vld.idx.msk [tilespmem:v2+s25+$0x0], $0xffff;
	[tilespmem:v48+s29+$0x0] =	vst.idx.msk $0xffff, v14  }
0x2f4: {  	v43 =	vld [tilespmem:$0x1FA10];
	_ =	sdelay $0x1  }
0x2f5: {  	v1 =	vor.u32 v52, v44;
	v8 =	vld.idx.msk [tilespmem:v21+s25+$0x0], $0xffff;
	[tilespmem:v50+s29+$0x0] =	vst.idx.msk $0xffff, v5  }
0x2f6: {  	v47 =	vor.u32 v56, v46;
	v9 =	vld.idx.msk [tilespmem:v10+s25+$0x0], $0xffff;
	[tilespmem:v16+s29+$0x0] =	vst.idx.msk $0xffff, v3;
	v25 =	vor.u32 v42, v27  }
0x2f7: {  	v7 =	vor.u32 v56, v44;
	v14 =	vor.u32 v61, v44;
	v13 =	vor.u32 v42, v19;
	v44 =	vld [tilespmem:$0x1FA20]  }
0x2f8: {  	v12 =	vor.u32 v61, v46;
	v48 =	vor.u32 v43, v27  }
0x2f9: {  	v50 =	vor.u32 v43, v19;
	_ =	sdelay $0x1  }
0x2fa: {  	v2 =	vld.idx.msk [tilespmem:v47+s25+$0x0], $0xffff;
	[tilespmem:v25+s29+$0x0] =	vst.idx.msk $0xffff, v11  }
0x2fb: {  	v18 =	vor.u32 v52, v46;
	v10 =	vld.idx.msk [tilespmem:v7+s25+$0x0], $0xffff;
	v16 =	vor.u32 v44, v27;
	[tilespmem:v13+s29+$0x0] =	vst.idx.msk $0xffff, v20  }
0x2fc: {  	v5 =	vld.idx.msk [tilespmem:v12+s25+$0x0], $0xffff;
	[tilespmem:v48+s29+$0x0] =	vst.idx.msk $0xffff, v17  }
0x2fd: {  	v11 =	vor.u32 v44, v19;
	v12 =	vld.idx.msk [tilespmem:v14+s25+$0x0], $0xffff;
	[tilespmem:v50+s29+$0x0] =	vst.idx.msk $0xffff, v4  }
0x2fe: {  	v48 =	vld [tilespmem:$0x1FA50]  }
0x2ff: {  	v46 =	vld [tilespmem:$0x1FA30]  }
0x300: {  	v7 =	vld.idx.msk [tilespmem:v18+s25+$0x0], $0xffff;
	[tilespmem:v16+s29+$0x0] =	vst.idx.msk $0xffff, v6  }
0x301: {  	v47 =	vld [tilespmem:$0x1FA40]  }
0x302: {  	v4 =	vld.idx.msk [tilespmem:v1+s25+$0x0], $0xffff;
	[tilespmem:v11+s29+$0x0] =	vst.idx.msk $0xffff, v34  }
0x303: {  	v50 =	vld [tilespmem:$0x1FA60]  }
0x304: {  	v13 =	vor.u32 v46, v27  }
0x305: {  	v14 =	vor.u32 v46, v19  }
0x306: {  	v17 =	vor.u32 v47, v19  }
0x307: {  	v34 =	vlaneseq.u32;
	v3 =	vor.u32 v48, v27;
	v16 =	vor.u32 v48, v19  }
0x308: {  	v0 =	vor.u32 v47, v27;
	v6 =	vor.u32 v50, v19;
	v11 =	vor.u32 v50, v27  }
.LBB2_5:
0x309: {  	s24 =	sadd.s32 $0x2, s24;
	[tilespmem:v13+s29+$0x0] =	vst.idx.msk $0xffff, v8;
	s1 =	sadd.s32 $0x20, s1  }
0x30a: {  	p0 =	slt.u32 s24, $0x6;
	[tilespmem:v14+s29+$0x0] =	vst.idx.msk $0xffff, v9  }
0x30b: {  	[tilespmem:v17+s29+$0x0] =	vst.idx.msk $0xffff, v10  }
0x30c: {  	s0 =	sadd.s32 $0xFFFFFFF0, s1;
	[tilespmem:v16+s29+$0x0] =	vst.idx.msk $0xffff, v12  }
0x30d: {  	v8 =	vor.u32 s1, v34;
	v1 =	vor.u32 s0, v34;
	[tilespmem:v0+s29+$0x0] =	vst.idx.msk $0xffff, v2  }
0x30e: {  	v9 =	vshll.u32 v8, $0x6;
	v2 =	vshll.u32 v1, $0x6;
	[tilespmem:v3+s29+$0x0] =	vst.idx.msk $0xffff, v5  }
0x30f: {  	v0 =	vand.u32 $0x78, v8;
	v3 =	vor.u32 v35, v2;
	v5 =	vor.u32 v36, v2;
	[tilespmem:v11+s29+$0x0] =	vst.idx.msk $0xffff, v7  }
0x310: {  	v8 =	vor.u32 v36, v9;
	v7 =	vor.u32 v45, v2  }
0x311: {  	v10 =	vor.u32 v57, v2;
	v11 =	vor.u32 v45, v9  }
0x312: {  	v13 =	vor.u32 v35, v9;
	v12 =	vor.u32 v60, v2  }
0x313: {  	v14 =	vor.u32 v51, v9;
	v1 =	vand.u32 $0x68, v1;
	[tilespmem:v6+s29+$0x0] =	vst.idx.msk $0xffff, v4  }
0x314: {  	v16 =	vor.u32 v49, v9;
	v6 =	vor.u32 v51, v2;
	v4 =	vld.idx.msk [tilespmem:v5+s25+$0x0], $0xffff;
	v5 =	vor.u32 v49, v2  }
0x315: {  	v17 =	vor.u32 v60, v9;
	v7 =	vld.idx.msk [tilespmem:v7+s25+$0x0], $0xffff  }
0x316: {  	v18 =	vor.u32 v57, v9;
	v8 =	vld.idx.msk [tilespmem:v8+s25+$0x0], $0xffff  }
0x317: {  	v19 =	vor.u32 v37, v1;
	v3 =	vld.idx.msk [tilespmem:v3+s25+$0x0], $0xffff  }
0x318: {  	v20 =	vor.u32 v53, v2;
	v13 =	vld.idx.msk [tilespmem:v13+s25+$0x0], $0xffff  }
0x319: {  	v21 =	vor.u32 v37, v0;
	v5 =	vld.idx.msk [tilespmem:v5+s25+$0x0], $0xffff  }
0x31a: {  	v23 =	vor.u32 v53, v9;
	v22 =	vor.u32 v15, v1;
	v6 =	vld.idx.msk [tilespmem:v6+s25+$0x0], $0xffff  }
0x31b: {  	v26 =	vor.u32 v62, v9;
	v24 =	vor.u32 v54, v2;
	v25 =	vor.u32 v15, v0;
	v16 =	vld.idx.msk [tilespmem:v16+s25+$0x0], $0xffff  }
0x31c: {  	v29 =	vor.u32 v54, v9;
	v27 =	vor.u32 v38, v1;
	v28 =	vor.u32 v33, v1;
	v11 =	vld.idx.msk [tilespmem:v11+s25+$0x0], $0xffff  }
0x31d: {  	[tilespmem:v19+s29+$0x0] =	vst.idx.msk $0xffff, v3;
	v3 =	vor.u32 v55, v2;
	v14 =	vld.idx.msk [tilespmem:v14+s25+$0x0], $0xffff;
	v19 =	vor.u32 v38, v0  }
0x31e: {  	v30 =	vor.u32 v39, v1;
	v20 =	vld.idx.msk [tilespmem:v20+s25+$0x0], $0xffff;
	[tilespmem:v21+s29+$0x0] =	vst.idx.msk $0xffff, v13;
	v13 =	vor.u32 v55, v9  }
0x31f: {  	[tilespmem:v22+s29+$0x0] =	vst.idx.msk $0xffff, v4;
	v4 =	vor.u32 v58, v2;
	v21 =	vld.idx.msk [tilespmem:v23+s25+$0x0], $0xffff;
	v22 =	vor.u32 v39, v0  }
0x320: {  	v23 =	vld.idx.msk [tilespmem:v24+s25+$0x0], $0xffff;
	v24 =	vor.u32 v40, v1;
	[tilespmem:v25+s29+$0x0] =	vst.idx.msk $0xffff, v8;
	v8 =	vor.u32 v58, v9  }
0x321: {  	[tilespmem:v27+s29+$0x0] =	vst.idx.msk $0xffff, v7;
	v7 =	vor.u32 v62, v2;
	v25 =	vld.idx.msk [tilespmem:v29+s25+$0x0], $0xffff;
	v27 =	vor.u32 v40, v0  }
0x322: {  	v29 =	vld.idx.msk [tilespmem:v3+s25+$0x0], $0xffff;
	v3 =	vor.u32 v32, v1;
	[tilespmem:v19+s29+$0x0] =	vst.idx.msk $0xffff, v11;
	v11 =	vor.u32 v56, v9  }
0x323: {  	v19 =	vor.u32 v52, v9;
	[tilespmem:v30+s29+$0x0] =	vst.idx.msk $0xffff, v5;
	v5 =	vld.idx.msk [tilespmem:v13+s25+$0x0], $0xffff;
	v13 =	vor.u32 v32, v0  }
0x324: {  	v30 =	vor.u32 v56, v2;
	v4 =	vld.idx.msk [tilespmem:v4+s25+$0x0], $0xffff;
	[tilespmem:v22+s29+$0x0] =	vst.idx.msk $0xffff, v16  }
0x325: {  	[tilespmem:v24+s29+$0x0] =	vst.idx.msk $0xffff, v6;
	v6 =	vld.idx.msk [tilespmem:v8+s25+$0x0], $0xffff;
	v8 =	vor.u32 v33, v0  }
0x326: {  	v16 =	vor.u32 v41, v1;
	v7 =	vld.idx.msk [tilespmem:v7+s25+$0x0], $0xffff;
	[tilespmem:v27+s29+$0x0] =	vst.idx.msk $0xffff, v14;
	v14 =	vor.u32 v61, v9  }
0x327: {  	v24 =	vor.u32 v41, v0;
	[tilespmem:v3+s29+$0x0] =	vst.idx.msk $0xffff, v20;
	v20 =	vor.u32 v63, v2;
	v22 =	vld.idx.msk [tilespmem:v26+s25+$0x0], $0xffff  }
0x328: {  	v9 =	vor.u32 v63, v9;
	v26 =	vld.idx.msk [tilespmem:v10+s25+$0x0], $0xffff;
	v10 =	vor.u32 v31, v1;
	[tilespmem:v13+s29+$0x0] =	vst.idx.msk $0xffff, v21  }
0x329: {  	v3 =	vor.u32 v48, v1;
	v13 =	vor.u32 v31, v0;
	[tilespmem:v28+s29+$0x0] =	vst.idx.msk $0xffff, v23;
	v18 =	vld.idx.msk [tilespmem:v18+s25+$0x0], $0xffff  }
0x32a: {  	v21 =	vld.idx.msk [tilespmem:v12+s25+$0x0], $0xffff;
	v12 =	vor.u32 v42, v1;
	[tilespmem:v8+s29+$0x0] =	vst.idx.msk $0xffff, v25  }
0x32b: {  	[tilespmem:v16+s29+$0x0] =	vst.idx.msk $0xffff, v29;
	v16 =	vor.u32 v61, v2;
	v23 =	vld.idx.msk [tilespmem:v17+s25+$0x0], $0xffff;
	v17 =	vor.u32 v42, v0  }
0x32c: {  	v8 =	vld.idx.msk [tilespmem:v20+s25+$0x0], $0xffff;
	v20 =	vor.u32 v43, v1;
	[tilespmem:v24+s29+$0x0] =	vst.idx.msk $0xffff, v5  }
0x32d: {  	v24 =	vor.u32 v43, v0;
	[tilespmem:v10+s29+$0x0] =	vst.idx.msk $0xffff, v4;
	v4 =	vor.u32 v52, v2;
	v9 =	vld.idx.msk [tilespmem:v9+s25+$0x0], $0xffff  }
0x32e: {  	v25 =	vor.u32 v44, v1;
	v2 =	vld.idx.msk [tilespmem:v30+s25+$0x0], $0xffff;
	[tilespmem:v13+s29+$0x0] =	vst.idx.msk $0xffff, v6  }
0x32f: {  	v27 =	vor.u32 v44, v0;
	[tilespmem:v12+s29+$0x0] =	vst.idx.msk $0xffff, v7;
	v10 =	vld.idx.msk [tilespmem:v11+s25+$0x0], $0xffff  }
.Ltmp1:
0x330: {  	v13 =	vor.u32 v46, v1;
	v5 =	vld.idx.msk [tilespmem:v16+s25+$0x0], $0xffff;
	[tilespmem:v17+s29+$0x0] =	vst.idx.msk $0xffff, v22;
	(pc) =	sbr.rel @p0 .LBB2_5-.Ltmp1, $4  }
0x331: {  	[tilespmem:v20+s29+$0x0] =	vst.idx.msk $0xffff, v26;
	v12 =	vld.idx.msk [tilespmem:v14+s25+$0x0], $0xffff;
	v14 =	vor.u32 v46, v0  }
0x332: {  	v17 =	vor.u32 v47, v0;
	v7 =	vld.idx.msk [tilespmem:v4+s25+$0x0], $0xffff;
	[tilespmem:v24+s29+$0x0] =	vst.idx.msk $0xffff, v18  }
0x333: {  	v6 =	vor.u32 v50, v0;
	v16 =	vor.u32 v48, v0;
	[tilespmem:v25+s29+$0x0] =	vst.idx.msk $0xffff, v21;
	v4 =	vld.idx.msk [tilespmem:v19+s25+$0x0], $0xffff  }
0x334: {  	s0 =	simm.s32 $0x10;
	v11 =	vor.u32 v50, v1;
	v0 =	vor.u32 v47, v1;
	[tilespmem:v27+s29+$0x0] =	vst.idx.msk $0xffff, v23  }
0x335: {  	[tilespmem:$0x1F580] =	vst v61  }
0x336: {  	[tilespmem:$0x1F590] =	vst v60  }
0x337: {  	[tilespmem:$0x1F5A0] =	vst v63  }
0x338: {  	[tilespmem:$0x1F5B0] =	vst v62  }
0x339: {  	[tilespmem:$0x1F5C0] =	vst v58  }
0x33a: {  	[tilespmem:$0x1F5D0] =	vst v57  }
0x33b: {  	[tilespmem:$0x1F5E0] =	vst v56  }
0x33c: {  	[tilespmem:$0x1F5F0] =	vst v55  }
0x33d: {  	[tilespmem:$0x1F600] =	vst v54  }
0x33e: {  	[tilespmem:$0x1F610] =	vst v53  }
0x33f: {  	[tilespmem:$0x1F620] =	vst v52  }
0x340: {  	[tilespmem:$0x1F630] =	vst v51  }
0x341: {  	[tilespmem:$0x1F640] =	vst v49  }
0x342: {  	[tilespmem:$0x1F650] =	vst v45  }
0x343: {  	[tilespmem:v13+s29+$0x0] =	vst.idx.msk $0xffff, v8  }
0x344: {  	[tilespmem:v14+s29+$0x0] =	vst.idx.msk $0xffff, v9  }
0x345: {  	v35 =	vld [tilespmem:$0x1FD00]  }
0x346: {  	v36 =	vld [tilespmem:$0x1FD10];
	[tilespmem:v17+s29+$0x0] =	vst.idx.msk $0xffff, v10  }
0x347: {  	v15 =	vld [tilespmem:$0x1FC60]  }
0x348: {  	v21 =	vld [tilespmem:$0x1FC70]  }
0x349: {  	v22 =	vld [tilespmem:$0x1FC80]  }
0x34a: {  	v24 =	vld [tilespmem:$0x1FC90];
	[tilespmem:v16+s29+$0x0] =	vst.idx.msk $0xffff, v12  }
0x34b: {  	[tilespmem:v0+s29+$0x0] =	vst.idx.msk $0xffff, v2  }
0x34c: {  	v29 =	vld [tilespmem:$0x1FCA0]  }
0x34d: {  	v28 =	vld [tilespmem:$0x1FCB0];
	[tilespmem:v3+s29+$0x0] =	vst.idx.msk $0xffff, v5  }
0x34e: {  	v30 =	vld [tilespmem:$0x1FCC0]  }
0x34f: {  	v31 =	vld [tilespmem:$0x1FCD0]  }
0x350: {  	v33 =	vld [tilespmem:$0x1FCE0]  }
0x351: {  	v56 =	vld [tilespmem:$0x1FCF0];
	[tilespmem:v11+s29+$0x0] =	vst.idx.msk $0xffff, v7  }
0x352: {  	[tilespmem:v6+s29+$0x0] =	vst.idx.msk $0xffff, v4  }
0x353: {  	s1 =	simm.s32 $0x0;
	v38 =	vld [tilespmem:$0x1FD40]  }
0x354: {  	v1 =	vor.u32 s1, v34;
	v17 =	vld [tilespmem:$0x1FD50]  }
0x355: {  	v39 =	vor.u32 $0x20, v34;
	v45 =	vshll.u32 v1, $0x6;
	v0 =	vor.u32 s0, v34;
	v16 =	vld [tilespmem:$0x1FD20]  }
0x356: {  	v54 =	vshll.u32 v0, $0x6;
	v37 =	vld [tilespmem:$0x1FD30];
	v9 =	vsel vm0, v21, v15;
	v10 =	vsel vm0, v24, v22  }
0x357: {  	v2 =	vor.u32 v39, v45;
	v14 =	vor.u32 v39, v54;
	v40 =	vcombine.low v10, v9  }
0x358: {  	v8 =	vsel vm0, v36, v35;
	v12 =	vsel vm0, v28, v29;
	v3 =	vsel vm0, v31, v30  }
0x359: {  	v47 =	vld [tilespmem:$0x1FFE0];
	v13 =	vsel vm0, v56, v33;
	v5 =	vor.u32 v40, v45;
	v41 =	vcombine.low v3, v12  }
0x35a: {  	v7 =	vor.u32 v40, v54;
	v42 =	vcombine.low v8, v13;
	v4 =	vsel vm0, v17, v38  }
0x35b: {  	v48 =	vld [tilespmem:$0x1FA80];
	v11 =	vsel vm0, v37, v16;
	v16 =	vsel vm0, v16, v17;
	v6 =	vor.u32 v41, v45  }
0x35c: {  	v17 =	vld.idx.msk [tilespmem:v2+s25+$0x0], $0xffff;
	[tilespmem:$0x1F660] =	vst v1;
	v43 =	vcombine.low v4, v11;
	v19 =	vor.u32 v41, v54  }
0x35d: {  	v0 =	vand.u32 $0x78, v0;
	v21 =	vsel vm0, v22, v21;
	v14 =	vld.idx.msk [tilespmem:v14+s25+$0x0], $0xffff;
	v20 =	vor.u32 v42, v54  }
0x35e: {  	v22 =	vsel vm0, v15, v24;
	v27 =	vor.u32 v47, v0;
	v24 =	vor.u32 v43, v54;
	v5 =	vld.idx.msk [tilespmem:v5+s25+$0x0], $0xffff  }
0x35f: {  	v7 =	vld.idx.msk [tilespmem:v7+s25+$0x0], $0xffff  }
0x360: {  	v46 =	vcombine.low v22, v21;
	v2 =	vand.u32 $0x68, v1;
	v18 =	vor.u32 v42, v45;
	v6 =	vld.idx.msk [tilespmem:v6+s25+$0x0], $0xffff  }
0x361: {  	v44 =	vcombine.low v9, v10;
	v26 =	vor.u32 v47, v2;
	v25 =	vor.u32 v43, v45;
	v19 =	vld.idx.msk [tilespmem:v19+s25+$0x0], $0xffff  }
0x362: {  	v57 =	vor.u32 v46, v54;
	v58 =	vor.u32 v46, v45;
	v32 =	vor.u32 v48, v0;
	v9 =	vld.idx.msk [tilespmem:v20+s25+$0x0], $0xffff  }
0x363: {  	v15 =	vcombine.low v12, v3;
	v3 =	vor.u32 v48, v2;
	v24 =	vld.idx.msk [tilespmem:v24+s25+$0x0], $0xffff;
	[tilespmem:v27+s29+$0x0] =	vst.idx.msk $0xffff, v14  }
0x364: {  	v50 =	vld [tilespmem:$0x1FA90]  }
0x365: {  	v18 =	vld.idx.msk [tilespmem:v18+s25+$0x0], $0xffff  }
0x366: {  	v28 =	vsel vm0, v30, v28;
	v29 =	vsel vm0, v29, v31;
	v25 =	vld.idx.msk [tilespmem:v25+s25+$0x0], $0xffff;
	[tilespmem:v26+s29+$0x0] =	vst.idx.msk $0xffff, v17  }
0x367: {  	v51 =	vcombine.low v29, v28;
	v27 =	vld.idx.msk [tilespmem:v57+s25+$0x0], $0xffff;
	[tilespmem:v32+s29+$0x0] =	vst.idx.msk $0xffff, v7  }
0x368: {  	v10 =	vsel vm0, v33, v36;
	v31 =	vld.idx.msk [tilespmem:v58+s25+$0x0], $0xffff;
	[tilespmem:v3+s29+$0x0] =	vst.idx.msk $0xffff, v5  }
0x369: {  	v12 =	vsel vm0, v35, v56;
	v20 =	vor.u32 v51, v54;
	v53 =	vld [tilespmem:$0x1FAA0];
	v14 =	vor.u32 v50, v0  }
0x36a: {  	v60 =	vcombine.low v10, v12;
	_ =	sdelay $0x1  }
0x36b: {  	v35 =	vor.u32 v60, v54  }
0x36c: {  	v26 =	vor.u32 v51, v45;
	v3 =	vsel vm0, v38, v37;
	v7 =	vor.u32 v50, v2  }
0x36d: {  	v1 =	vcombine.low v16, v3;
	v3 =	vld.idx.msk [tilespmem:v20+s25+$0x0], $0xffff;
	v5 =	vor.u32 v53, v0;
	[tilespmem:v14+s29+$0x0] =	vst.idx.msk $0xffff, v19  }
0x36e: {  	v56 =	vld [tilespmem:$0x1FAB0]  }
0x36f: {  	v37 =	vcombine.low v21, v22;
	v21 =	vor.u32 v60, v45;
	v14 =	vor.u32 v53, v2;
	_ =	sdelay $0x1  }
0x370: {  	v20 =	vld.idx.msk [tilespmem:v26+s25+$0x0], $0xffff;
	[tilespmem:v7+s29+$0x0] =	vst.idx.msk $0xffff, v6  }
0x371: {  	v7 =	vld.idx.msk [tilespmem:v35+s25+$0x0], $0xffff;
	[tilespmem:v5+s29+$0x0] =	vst.idx.msk $0xffff, v9  }
0x372: {  	v22 =	vor.u32 v1, v45;
	v57 =	vld [tilespmem:$0x1FAC0];
	v19 =	vor.u32 v56, v2  }
0x373: {  	v26 =	vor.u32 v1, v54;
	v21 =	vld.idx.msk [tilespmem:v21+s25+$0x0], $0xffff;
	[tilespmem:v14+s29+$0x0] =	vst.idx.msk $0xffff, v18;
	v5 =	vor.u32 v56, v0  }
0x374: {  	v63 =	vld [tilespmem:$0x1FAD0];
	_ =	sdelay $0x1  }
0x375: {  	v23 =	vcombine.low v13, v8;
	v8 =	vor.u32 v15, v45;
	v17 =	vor.u32 v44, v45  }
0x376: {  	v16 =	vor.u32 v44, v54;
	v13 =	vld.idx.msk [tilespmem:v22+s25+$0x0], $0xffff;
	v9 =	vor.u32 v57, v2;
	[tilespmem:v19+s29+$0x0] =	vst.idx.msk $0xffff, v25  }
0x377: {  	v38 =	vcombine.low v12, v10;
	v18 =	vld.idx.msk [tilespmem:v26+s25+$0x0], $0xffff;
	v10 =	vor.u32 v57, v0;
	[tilespmem:v5+s29+$0x0] =	vst.idx.msk $0xffff, v24  }
0x378: {  	v61 =	vcombine.low v11, v4;
	v11 =	vor.u32 v63, v2;
	v62 =	vld [tilespmem:$0x1FAE0];
	_ =	sdelay $0x1  }
0x379: {  	v4 =	vor.u32 v15, v54;
	v17 =	vld.idx.msk [tilespmem:v17+s25+$0x0], $0xffff  }
0x37a: {  	v14 =	vor.u32 v23, v45;
	v19 =	vor.u32 v63, v0;
	v26 =	vld.idx.msk [tilespmem:v16+s25+$0x0], $0xffff;
	[tilespmem:v9+s29+$0x0] =	vst.idx.msk $0xffff, v31  }
0x37b: {  	[tilespmem:v10+s29+$0x0] =	vst.idx.msk $0xffff, v27;
	v27 =	vld.idx.msk [tilespmem:v8+s25+$0x0], $0xffff  }
0x37c: {  	v24 =	vor.u32 v23, v54;
	v55 =	vld [tilespmem:$0x1FFF0];
	[tilespmem:v11+s29+$0x0] =	vst.idx.msk $0xffff, v20;
	v22 =	vor.u32 v62, v2  }
0x37d: {  	v58 =	vcombine.low v28, v29;
	v29 =	vor.u32 v62, v0;
	[tilespmem:$0x1F670] =	vst v45  }
0x37e: {  	v12 =	vld.idx.msk [tilespmem:v4+s25+$0x0], $0xffff  }
0x37f: {  	[tilespmem:v19+s29+$0x0] =	vst.idx.msk $0xffff, v3;
	v8 =	vld.idx.msk [tilespmem:v14+s25+$0x0], $0xffff  }
0x380: {  	v49 =	vld [tilespmem:$0x1FAF0]  }
0x381: {  	v25 =	vor.u32 v61, v45;
	v30 =	vor.u32 v55, v2;
	v16 =	vld.idx.msk [tilespmem:v24+s25+$0x0], $0xffff;
	[tilespmem:v22+s29+$0x0] =	vst.idx.msk $0xffff, v21  }
0x382: {  	v28 =	vor.u32 v58, v45;
	v34 =	vld [tilespmem:$0x1FB20];
	[tilespmem:v29+s29+$0x0] =	vst.idx.msk $0xffff, v7  }
0x383: {  	v6 =	vor.u32 v37, v45;
	v5 =	vor.u32 v38, v45;
	v10 =	vor.u32 v61, v54;
	v45 =	vld [tilespmem:$0x1FB00]  }
0x384: {  	v36 =	vor.u32 v55, v0;
	_ =	sdelay $0x1  }
0x385: {  	v3 =	vor.u32 v37, v54;
	v11 =	vld.idx.msk [tilespmem:v25+s25+$0x0], $0xffff;
	v19 =	vor.u32 v49, v2;
	[tilespmem:v30+s29+$0x0] =	vst.idx.msk $0xffff, v13  }
0x386: {  	v4 =	vor.u32 v38, v54;
	v29 =	vor.u32 v58, v54;
	v21 =	vor.u32 v49, v0;
	[tilespmem:$0x1F680] =	vst v54;
	v54 =	vld [tilespmem:$0x1FB50]  }
0x387: {  	v20 =	vld.idx.msk [tilespmem:v10+s25+$0x0], $0xffff;
	v24 =	vor.u32 v45, v2  }
0x388: {  	v14 =	vld.idx.msk [tilespmem:v6+s25+$0x0], $0xffff;
	[tilespmem:v36+s29+$0x0] =	vst.idx.msk $0xffff, v18  }
0x389: {  	v36 =	vld [tilespmem:$0x1FB40]  }
0x38a: {  	v18 =	vld.idx.msk [tilespmem:v3+s25+$0x0], $0xffff;
	[tilespmem:v19+s29+$0x0] =	vst.idx.msk $0xffff, v17  }
0x38b: {  	[tilespmem:v21+s29+$0x0] =	vst.idx.msk $0xffff, v26;
	v17 =	vld.idx.msk [tilespmem:v28+s25+$0x0], $0xffff  }
0x38c: {  	v35 =	vld [tilespmem:$0x1FB30];
	[tilespmem:v24+s29+$0x0] =	vst.idx.msk $0xffff, v27  }
0x38d: {  	v3 =	vld [tilespmem:$0x1FB10];
	_ =	sdelay $0x1  }
0x38e: {  	v52 =	vlaneseq.u32;
	v9 =	vor.u32 v34, v0  }
0x38f: {  	v25 =	vor.u32 v45, v0;
	v7 =	vor.u32 v54, v2;
	v6 =	vor.u32 v54, v0  }
0x390: {  	v10 =	vor.u32 v36, v0;
	v13 =	vor.u32 v36, v2;
	v24 =	vor.u32 v34, v2  }
0x391: {  	s5 =	simm.s32 $0x10;
	s1 =	simm.s32 $0x0;
	v19 =	vld.idx.msk [tilespmem:v29+s25+$0x0], $0xffff;
	v22 =	vor.u32 v35, v2;
	v21 =	vor.u32 v35, v0;
	v3 =	vor.u32 v3, v0  }
.LBB2_7:
0x392: {  	v26 =	vld [tilespmem:$0x1FB10];
	_ =	sdelay $0x4  }
0x393: {  	s5 =	sadd.s32 $0x20, s5;
	v26 =	vor.u32 v26, v2  }
0x394: {  	s22 =	sadd.s32 $0xFFFFFFF0, s5  }
0x395: {  	[tilespmem:v25+s29+$0x0] =	vst.idx.msk $0xffff, v12;
	v2 =	vor.u32 s22, v52  }
0x396: {  	v12 =	vld.idx.msk [tilespmem:v4+s25+$0x0], $0xffff;
	[tilespmem:v3+s29+$0x0] =	vst.idx.msk $0xffff, v16;
	v16 =	vshll.u32 v2, $0x6  }
0x397: {  	v25 =	vor.u32 s5, v52;
	[tilespmem:v9+s29+$0x0] =	vst.idx.msk $0xffff, v20;
	v9 =	vor.u32 v39, v16  }
0x398: {  	v5 =	vld.idx.msk [tilespmem:v5+s25+$0x0], $0xffff;
	v4 =	vshll.u32 v25, $0x6;
	[tilespmem:v26+s29+$0x0] =	vst.idx.msk $0xffff, v8;
	v8 =	vor.u32 v40, v16  }
0x399: {  	v20 =	vor.u32 v40, v4;
	[tilespmem:v21+s29+$0x0] =	vst.idx.msk $0xffff, v18  }
0x39a: {  	[tilespmem:v24+s29+$0x0] =	vst.idx.msk $0xffff, v11;
	v24 =	vor.u32 v39, v4  }
0x39b: {  	v18 =	vor.u32 v41, v16;
	[tilespmem:v22+s29+$0x0] =	vst.idx.msk $0xffff, v14  }
0x39c: {  	v11 =	vor.u32 v43, v16;
	v9 =	vld.idx.msk [tilespmem:v9+s25+$0x0], $0xffff;
	[tilespmem:v13+s29+$0x0] =	vst.idx.msk $0xffff, v17  }
0x39d: {  	[tilespmem:v10+s29+$0x0] =	vst.idx.msk $0xffff, v19;
	v22 =	vor.u32 v42, v16;
	v8 =	vld.idx.msk [tilespmem:v8+s25+$0x0], $0xffff  }
0x39e: {  	v21 =	vor.u32 v41, v4;
	v2 =	vand.u32 $0x68, v2;
	[tilespmem:v7+s29+$0x0] =	vst.idx.msk $0xffff, v5;
	v7 =	vld.idx.msk [tilespmem:v20+s25+$0x0], $0xffff  }
0x39f: {  	v3 =	vand.u32 $0x78, v25;
	v25 =	vor.u32 v42, v4;
	v5 =	vor.u32 v47, v2;
	v10 =	vld.idx.msk [tilespmem:v24+s25+$0x0], $0xffff  }
0x3a0: {  	v19 =	vor.u32 v47, v3;
	v14 =	vor.u32 v43, v4;
	[tilespmem:v6+s29+$0x0] =	vst.idx.msk $0xffff, v12;
	v6 =	vld.idx.msk [tilespmem:v18+s25+$0x0], $0xffff  }
0x3a1: {  	v20 =	vor.u32 v48, v2;
	v18 =	vor.u32 v46, v16;
	v11 =	vld.idx.msk [tilespmem:v11+s25+$0x0], $0xffff  }
0x3a2: {  	v28 =	vor.u32 v51, v4;
	v26 =	vor.u32 v48, v3;
	v12 =	vld.idx.msk [tilespmem:v22+s25+$0x0], $0xffff;
	v22 =	vor.u32 v46, v4  }
0x3a3: {  	v29 =	vor.u32 v50, v3;
	v30 =	vor.u32 v60, v4;
	v27 =	vor.u32 v50, v2;
	v21 =	vld.idx.msk [tilespmem:v21+s25+$0x0], $0xffff  }
0x3a4: {  	v31 =	vor.u32 v60, v16;
	v24 =	vor.u32 v51, v16;
	v25 =	vld.idx.msk [tilespmem:v25+s25+$0x0], $0xffff;
	[tilespmem:v5+s29+$0x0] =	vst.idx.msk $0xffff, v9  }
0x3a5: {  	v32 =	vor.u32 v53, v2;
	v14 =	vld.idx.msk [tilespmem:v14+s25+$0x0], $0xffff;
	v5 =	vor.u32 v53, v3;
	[tilespmem:v19+s29+$0x0] =	vst.idx.msk $0xffff, v10  }
0x3a6: {  	v13 =	vor.u32 v44, v16;
	v17 =	vor.u32 v44, v4;
	v10 =	vld.idx.msk [tilespmem:v18+s25+$0x0], $0xffff;
	[tilespmem:v20+s29+$0x0] =	vst.idx.msk $0xffff, v8  }
0x3a7: {  	v18 =	vor.u32 v56, v2;
	v9 =	vld.idx.msk [tilespmem:v22+s25+$0x0], $0xffff;
	[tilespmem:v26+s29+$0x0] =	vst.idx.msk $0xffff, v7;
	v22 =	vor.u32 v1, v16  }
0x3a8: {  	v19 =	vor.u32 v37, v16;
	v7 =	vld.idx.msk [tilespmem:v28+s25+$0x0], $0xffff;
	[tilespmem:v29+s29+$0x0] =	vst.idx.msk $0xffff, v21;
	v21 =	vor.u32 v1, v4  }
0x3a9: {  	v8 =	vor.u32 v56, v3;
	v20 =	vld.idx.msk [tilespmem:v24+s25+$0x0], $0xffff;
	v24 =	vor.u32 v57, v2;
	[tilespmem:v27+s29+$0x0] =	vst.idx.msk $0xffff, v6  }
0x3aa: {  	v26 =	vor.u32 v57, v3;
	v27 =	vor.u32 v58, v16;
	v6 =	vld.idx.msk [tilespmem:v30+s25+$0x0], $0xffff;
	[tilespmem:v5+s29+$0x0] =	vst.idx.msk $0xffff, v25  }
0x3ab: {  	v28 =	vor.u32 v15, v4;
	v25 =	vld.idx.msk [tilespmem:v31+s25+$0x0], $0xffff;
	[tilespmem:v32+s29+$0x0] =	vst.idx.msk $0xffff, v12;
	v12 =	vor.u32 v15, v16  }
0x3ac: {  	v29 =	vor.u32 v63, v2;
	v30 =	vor.u32 v61, v16;
	v5 =	vor.u32 v38, v16;
	v22 =	vld.idx.msk [tilespmem:v22+s25+$0x0], $0xffff  }
0x3ad: {  	[tilespmem:v18+s29+$0x0] =	vst.idx.msk $0xffff, v11;
	v11 =	vor.u32 v23, v16;
	v16 =	vor.u32 v63, v3;
	v18 =	vld.idx.msk [tilespmem:v21+s25+$0x0], $0xffff  }
0x3ae: {  	v13 =	vld.idx.msk [tilespmem:v13+s25+$0x0], $0xffff;
	v21 =	vor.u32 v62, v2;
	[tilespmem:v8+s29+$0x0] =	vst.idx.msk $0xffff, v14;
	v14 =	vor.u32 v23, v4  }
0x3af: {  	[tilespmem:v24+s29+$0x0] =	vst.idx.msk $0xffff, v10;
	v10 =	vor.u32 v62, v3;
	v24 =	vld.idx.msk [tilespmem:v17+s25+$0x0], $0xffff  }
0x3b0: {  	v31 =	vor.u32 v61, v4;
	[tilespmem:v26+s29+$0x0] =	vst.idx.msk $0xffff, v9;
	v32 =	vld.idx.msk [tilespmem:v12+s25+$0x0], $0xffff  }
0x3b1: {  	v26 =	vor.u32 v55, v3;
	[tilespmem:v29+s29+$0x0] =	vst.idx.msk $0xffff, v20;
	v12 =	vld.idx.msk [tilespmem:v28+s25+$0x0], $0xffff  }
0x3b2: {  	v33 =	vor.u32 v55, v2;
	v8 =	vld.idx.msk [tilespmem:v11+s25+$0x0], $0xffff;
	[tilespmem:v16+s29+$0x0] =	vst.idx.msk $0xffff, v7  }
0x3b3: {  	[tilespmem:v21+s29+$0x0] =	vst.idx.msk $0xffff, v25;
	v16 =	vld.idx.msk [tilespmem:v14+s25+$0x0], $0xffff  }
0x3b4: {  	v17 =	vor.u32 v37, v4;
	v29 =	vor.u32 v49, v2;
	[tilespmem:v10+s29+$0x0] =	vst.idx.msk $0xffff, v6;
	v11 =	vld.idx.msk [tilespmem:v30+s25+$0x0], $0xffff  }
0x3b5: {  	s1 =	sadd.s32 $0x2, s1;
	v21 =	vor.u32 v49, v3;
	v20 =	vld.idx.msk [tilespmem:v31+s25+$0x0], $0xffff  }
0x3b6: {  	p0 =	slt.u32 s1, $0x6;
	v28 =	vor.u32 v58, v4;
	v30 =	vor.u32 v45, v2;
	[tilespmem:v26+s29+$0x0] =	vst.idx.msk $0xffff, v18;
	v26 =	vld [tilespmem:$0x1FB10]  }
.Ltmp2:
0x3b7: {  	v9 =	vor.u32 v34, v3;
	v4 =	vor.u32 v38, v4;
	[tilespmem:v33+s29+$0x0] =	vst.idx.msk $0xffff, v22;
	(pc) =	sbr.rel @p0 .LBB2_7-.Ltmp2, $4  }
0x3b8: {  	v7 =	vor.u32 v54, v2;
	v10 =	vor.u32 v36, v3;
	v6 =	vor.u32 v54, v3;
	v14 =	vld.idx.msk [tilespmem:v19+s25+$0x0], $0xffff  }
0x3b9: {  	v25 =	vor.u32 v45, v3;
	v22 =	vor.u32 v35, v2;
	[tilespmem:v29+s29+$0x0] =	vst.idx.msk $0xffff, v13;
	v18 =	vld.idx.msk [tilespmem:v17+s25+$0x0], $0xffff  }
0x3ba: {  	v13 =	vor.u32 v36, v2;
	v17 =	vld.idx.msk [tilespmem:v27+s25+$0x0], $0xffff;
	[tilespmem:v21+s29+$0x0] =	vst.idx.msk $0xffff, v24;
	v21 =	vor.u32 v35, v3  }
0x3bb: {  	v24 =	vor.u32 v34, v2;
	[tilespmem:v30+s29+$0x0] =	vst.idx.msk $0xffff, v32;
	v19 =	vld.idx.msk [tilespmem:v28+s25+$0x0], $0xffff;
	v3 =	vor.u32 v26, v3  }
0x3bc: {  	[tilespmem:$0x1F480] =	vst v1  }
0x3bd: {  	[tilespmem:$0x1F490] =	vst v23  }
0x3be: {  	[tilespmem:$0x1F4A0] =	vst v61  }
0x3bf: {  	[tilespmem:$0x1F4B0] =	vst v60  }
0x3c0: {  	[tilespmem:$0x1F4C0] =	vst v58  }
0x3c1: {  	[tilespmem:$0x1F4D0] =	vst v51  }
0x3c2: {  	[tilespmem:$0x1F4E0] =	vst v46  }
0x3c3: {  	[tilespmem:$0x1F4F0] =	vst v44  }
0x3c4: {  	[tilespmem:$0x1F500] =	vst v38  }
0x3c5: {  	[tilespmem:$0x1F510] =	vst v37  }
0x3c6: {  	[tilespmem:$0x1F520] =	vst v43  }
0x3c7: {  	[tilespmem:$0x1F530] =	vst v15  }
0x3c8: {  	[tilespmem:$0x1F540] =	vst v42  }
0x3c9: {  	[tilespmem:$0x1F550] =	vst v41  }
0x3ca: {  	[tilespmem:$0x1F560] =	vst v40  }
0x3cb: {  	[tilespmem:$0x1F570] =	vst v39;
	v2 =	vor.u32 v26, v2  }
0x3cc: {  	[tilespmem:v25+s29+$0x0] =	vst.idx.msk $0xffff, v12  }
0x3cd: {  	v4 =	vld.idx.msk [tilespmem:v4+s25+$0x0], $0xffff;
	[tilespmem:v3+s29+$0x0] =	vst.idx.msk $0xffff, v16  }
0x3ce: {  	[tilespmem:v9+s29+$0x0] =	vst.idx.msk $0xffff, v20  }
0x3cf: {  	[tilespmem:v21+s29+$0x0] =	vst.idx.msk $0xffff, v18  }
0x3d0: {  	v3 =	vld.idx.msk [tilespmem:v5+s25+$0x0], $0xffff;
	[tilespmem:v2+s29+$0x0] =	vst.idx.msk $0xffff, v8  }
0x3d1: {  	[tilespmem:v24+s29+$0x0] =	vst.idx.msk $0xffff, v11  }
0x3d2: {  	[tilespmem:v22+s29+$0x0] =	vst.idx.msk $0xffff, v14  }
0x3d3: {  	[tilespmem:v13+s29+$0x0] =	vst.idx.msk $0xffff, v17  }
0x3d4: {  	v24 =	vld [tilespmem:$0x1FD60]  }
0x3d5: {  	v25 =	vld [tilespmem:$0x1FD70]  }
0x3d6: {  	v43 =	vld [tilespmem:$0x1FD80]  }
0x3d7: {  	v27 =	vld [tilespmem:$0x1FD90];
	[tilespmem:v10+s29+$0x0] =	vst.idx.msk $0xffff, v19  }
0x3d8: {  	[tilespmem:v7+s29+$0x0] =	vst.idx.msk $0xffff, v3  }
0x3d9: {  	v34 =	vld [tilespmem:$0x1FE00]  }
0x3da: {  	v35 =	vld [tilespmem:$0x1FE10]  }
0x3db: {  	v1 =	vld [tilespmem:$0x1F670]  }
0x3dc: {  	v28 =	vld [tilespmem:$0x1FDA0]  }
0x3dd: {  	v29 =	vld [tilespmem:$0x1FDB0]  }
0x3de: {  	v30 =	vld [tilespmem:$0x1FDC0]  }
0x3df: {  	v31 =	vld [tilespmem:$0x1FDD0]  }
0x3e0: {  	v32 =	vld [tilespmem:$0x1FDE0]  }
0x3e1: {  	v33 =	vld [tilespmem:$0x1FDF0]  }
0x3e2: {  	v54 =	vld [tilespmem:$0x1F680];
	[tilespmem:v6+s29+$0x0] =	vst.idx.msk $0xffff, v4  }
0x3e3: {  	v52 =	vor.u32 $0x30, v52;
	v53 =	vld [tilespmem:$0x1FE40]  }
0x3e4: {  	v19 =	vld [tilespmem:$0x1FE50];
	v2 =	vor.u32 v52, v1  }
0x3e5: {  	v18 =	vld [tilespmem:$0x1FE20];
	v5 =	vsel vm0, v25, v24;
	v8 =	vsel vm0, v27, v43  }
0x3e6: {  	v50 =	vld [tilespmem:$0x1FE30];
	v58 =	vcombine.low v8, v5;
	v3 =	vsel vm0, v35, v34  }
0x3e7: {  	v45 =	vld [tilespmem:$0x1FB60];
	v7 =	vsel vm0, v29, v28;
	v9 =	vsel vm0, v31, v30;
	v12 =	vor.u32 v52, v54  }
0x3e8: {  	v48 =	vld [tilespmem:$0x1FB70];
	v11 =	vsel vm0, v33, v32;
	v51 =	vcombine.low v9, v7;
	v10 =	vor.u32 v58, v1  }
0x3e9: {  	v46 =	vcombine.low v3, v11;
	v4 =	vor.u32 v58, v54;
	v16 =	vld.idx.msk [tilespmem:v2+s25+$0x0], $0xffff  }
0x3ea: {  	v14 =	vor.u32 v51, v1;
	v2 =	vld [tilespmem:$0x1F660]  }
0x3eb: {  	v49 =	vld [tilespmem:$0x1FB80];
	v6 =	vsel vm0, v19, v53;
	v13 =	vsel vm0, v50, v18;
	v17 =	vor.u32 v46, v1  }
0x3ec: {  	v18 =	vsel vm0, v18, v19;
	v15 =	vcombine.low v6, v13;
	v19 =	vor.u32 v51, v54;
	v12 =	vld.idx.msk [tilespmem:v12+s25+$0x0], $0xffff  }
0x3ed: {  	v23 =	vsel vm0, v43, v25;
	v24 =	vsel vm0, v24, v27;
	v21 =	vor.u32 v46, v54;
	v10 =	vld.idx.msk [tilespmem:v10+s25+$0x0], $0xffff  }
0x3ee: {  	v37 =	vcombine.low v24, v23;
	v56 =	vor.u32 v45, v0;
	v22 =	vor.u32 v15, v54;
	v4 =	vld.idx.msk [tilespmem:v4+s25+$0x0], $0xffff  }
0x3ef: {  	v27 =	vsel vm0, v30, v29;
	v20 =	vor.u32 v15, v1;
	v14 =	vld.idx.msk [tilespmem:v14+s25+$0x0], $0xffff;
	v2 =	vand.u32 $0x68, v2  }
0x3f0: {  	v28 =	vsel vm0, v28, v31;
	v60 =	vor.u32 v37, v54;
	v17 =	vld.idx.msk [tilespmem:v17+s25+$0x0], $0xffff;
	v55 =	vor.u32 v45, v2  }
0x3f1: {  	v44 =	vcombine.low v28, v27;
	v62 =	vor.u32 v48, v0;
	v19 =	vld.idx.msk [tilespmem:v19+s25+$0x0], $0xffff  }
0x3f2: {  	v57 =	vor.u32 v37, v1;
	v21 =	vld.idx.msk [tilespmem:v21+s25+$0x0], $0xffff;
	v61 =	vor.u32 v48, v2  }
0x3f3: {  	v36 =	vor.u32 v44, v54;
	v22 =	vld.idx.msk [tilespmem:v22+s25+$0x0], $0xffff;
	[tilespmem:v56+s29+$0x0] =	vst.idx.msk $0xffff, v12;
	v12 =	vor.u32 v49, v0  }
0x3f4: {  	v53 =	vsel vm0, v53, v50;
	v20 =	vld.idx.msk [tilespmem:v20+s25+$0x0], $0xffff  }
0x3f5: {  	v39 =	vcombine.low v18, v53;
	v18 =	vld.idx.msk [tilespmem:v60+s25+$0x0], $0xffff;
	[tilespmem:v55+s29+$0x0] =	vst.idx.msk $0xffff, v16  }
0x3f6: {  	v50 =	vld [tilespmem:$0x1FB90];
	[tilespmem:v62+s29+$0x0] =	vst.idx.msk $0xffff, v4  }
0x3f7: {  	v29 =	vsel vm0, v32, v35;
	v30 =	vld.idx.msk [tilespmem:v57+s25+$0x0], $0xffff;
	[tilespmem:v61+s29+$0x0] =	vst.idx.msk $0xffff, v10  }
0x3f8: {  	v33 =	vsel vm0, v34, v33;
	v43 =	vcombine.low v5, v8;
	v5 =	vld.idx.msk [tilespmem:v36+s25+$0x0], $0xffff;
	[tilespmem:v12+s29+$0x0] =	vst.idx.msk $0xffff, v19  }
0x3f9: {  	v42 =	vcombine.low v29, v33;
	v32 =	vld [tilespmem:$0x1FBA0]  }
0x3fa: {  	v63 =	vor.u32 v44, v1;
	v47 =	vor.u32 v49, v2  }
0x3fb: {  	v16 =	vor.u32 v42, v54;
	v56 =	vor.u32 v50, v0  }
0x3fc: {  	v55 =	vor.u32 v42, v1;
	v4 =	vor.u32 v50, v2;
	_ =	sdelay $0x1  }
0x3fd: {  	v8 =	vor.u32 v39, v1;
	v10 =	vor.u32 v32, v2  }
0x3fe: {  	v12 =	vld.idx.msk [tilespmem:v63+s25+$0x0], $0xffff;
	[tilespmem:v47+s29+$0x0] =	vst.idx.msk $0xffff, v14  }
0x3ff: {  	v16 =	vld.idx.msk [tilespmem:v16+s25+$0x0], $0xffff;
	[tilespmem:v56+s29+$0x0] =	vst.idx.msk $0xffff, v21  }
0x400: {  	v21 =	vld.idx.msk [tilespmem:v55+s25+$0x0], $0xffff;
	[tilespmem:v4+s29+$0x0] =	vst.idx.msk $0xffff, v17  }
0x401: {  	v34 =	vld [tilespmem:$0x1FBB0]  }
0x402: {  	v19 =	vor.u32 v39, v54;
	v14 =	vor.u32 v32, v0;
	v57 =	vld.idx.msk [tilespmem:v8+s25+$0x0], $0xffff;
	[tilespmem:v10+s29+$0x0] =	vst.idx.msk $0xffff, v20  }
0x403: {  	v35 =	vld [tilespmem:$0x1FBC0];
	_ =	sdelay $0x2  }
0x404: {  	v41 =	vcombine.low v7, v9;
	v7 =	vor.u32 v43, v1;
	v4 =	vor.u32 v34, v2  }
0x405: {  	v9 =	vor.u32 v43, v54;
	v19 =	vld.idx.msk [tilespmem:v19+s25+$0x0], $0xffff;
	[tilespmem:v14+s29+$0x0] =	vst.idx.msk $0xffff, v22;
	v17 =	vor.u32 v34, v0  }
0x406: {  	v40 =	vcombine.low v11, v3;
	v3 =	vor.u32 v41, v1;
	v36 =	vld [tilespmem:$0x1FBD0];
	v10 =	vor.u32 v35, v2;
	_ =	sdelay $0x2  }
0x407: {  	v61 =	vcombine.low v13, v6;
	v6 =	vld.idx.msk [tilespmem:v7+s25+$0x0], $0xffff;
	[tilespmem:v4+s29+$0x0] =	vst.idx.msk $0xffff, v30  }
0x408: {  	v8 =	vor.u32 v41, v54;
	v20 =	vld.idx.msk [tilespmem:v9+s25+$0x0], $0xffff;
	v14 =	vor.u32 v35, v0;
	[tilespmem:v17+s29+$0x0] =	vst.idx.msk $0xffff, v18  }
0x409: {  	v11 =	vor.u32 v40, v1;
	v7 =	vor.u32 v36, v2;
	v18 =	vld.idx.msk [tilespmem:v3+s25+$0x0], $0xffff;
	[tilespmem:v10+s29+$0x0] =	vst.idx.msk $0xffff, v12  }
0x40a: {  	v47 =	vld [tilespmem:$0x1FBE0]  }
0x40b: {  	v4 =	vor.u32 v40, v54;
	v17 =	vor.u32 v36, v0;
	_ =	sdelay $0x1  }
0x40c: {  	v9 =	vld.idx.msk [tilespmem:v8+s25+$0x0], $0xffff;
	[tilespmem:v14+s29+$0x0] =	vst.idx.msk $0xffff, v5  }
0x40d: {  	v13 =	vor.u32 v61, v1;
	v5 =	vld.idx.msk [tilespmem:v11+s25+$0x0], $0xffff;
	[tilespmem:v7+s29+$0x0] =	vst.idx.msk $0xffff, v21  }
0x40e: {  	v38 =	vcombine.low v23, v24;
	v22 =	vor.u32 v61, v54;
	v53 =	vld [tilespmem:$0x1FBF0];
	v10 =	vor.u32 v47, v2  }
0x40f: {  	v11 =	vld.idx.msk [tilespmem:v4+s25+$0x0], $0xffff;
	[tilespmem:v17+s29+$0x0] =	vst.idx.msk $0xffff, v16  }
0x410: {  	v60 =	vcombine.low v33, v29;
	v12 =	vor.u32 v38, v1;
	v33 =	vld [tilespmem:$0x1FC00];
	v14 =	vor.u32 v47, v0;
	_ =	sdelay $0x1  }
0x411: {  	v63 =	vcombine.low v27, v28;
	v8 =	vld.idx.msk [tilespmem:v13+s25+$0x0], $0xffff  }
0x412: {  	v23 =	vor.u32 v38, v54;
	v17 =	vld.idx.msk [tilespmem:v22+s25+$0x0], $0xffff;
	v21 =	vor.u32 v53, v2;
	[tilespmem:v10+s29+$0x0] =	vst.idx.msk $0xffff, v57  }
0x413: {  	v24 =	vor.u32 v63, v1;
	v26 =	vor.u32 v53, v0;
	v55 =	vld [tilespmem:$0x1FC20]  }
0x414: {  	v30 =	vor.u32 v33, v2;
	v12 =	vld.idx.msk [tilespmem:v12+s25+$0x0], $0xffff;
	[tilespmem:v14+s29+$0x0] =	vst.idx.msk $0xffff, v19  }
0x415: {  	v62 =	vld [tilespmem:$0x1FC50]  }
0x416: {  	v57 =	vld [tilespmem:$0x1FC40]  }
0x417: {  	[tilespmem:v21+s29+$0x0] =	vst.idx.msk $0xffff, v6;
	v16 =	vld.idx.msk [tilespmem:v23+s25+$0x0], $0xffff  }
0x418: {  	[tilespmem:v26+s29+$0x0] =	vst.idx.msk $0xffff, v20;
	v14 =	vld.idx.msk [tilespmem:v24+s25+$0x0], $0xffff  }
0x419: {  	v56 =	vld [tilespmem:$0x1FC30];
	[tilespmem:v30+s29+$0x0] =	vst.idx.msk $0xffff, v18  }
0x41a: {  	v31 =	vor.u32 v63, v54;
	v3 =	vor.u32 v60, v1;
	v1 =	vor.u32 v60, v54;
	v54 =	vld [tilespmem:$0x1FC10];
	_ =	sdelay $0x1  }
0x41b: {  	v22 =	vor.u32 v33, v0  }
0x41c: {  	v10 =	vor.u32 v55, v0;
	v21 =	vor.u32 v55, v2;
	v4 =	vor.u32 v62, v2  }
0x41d: {  	v7 =	vor.u32 v57, v0;
	v6 =	vor.u32 v62, v0;
	v13 =	vor.u32 v57, v2  }
0x41e: {  	s1 =	simm.s32 $0x0;
	v18 =	vld.idx.msk [tilespmem:v31+s25+$0x0], $0xffff;
	v19 =	vor.u32 v56, v2;
	v20 =	vor.u32 v56, v0;
	v0 =	vor.u32 v54, v0  }
.LBB2_9:
0x41f: {  	s1 =	sadd.s32 $0x2, s1;
	v23 =	vor.u32 v54, v2;
	s0 =	sadd.s32 $0x20, s0  }
0x420: {  	p0 =	slt.u32 s1, $0x6  }
0x421: {  	[tilespmem:v22+s29+$0x0] =	vst.idx.msk $0xffff, v9  }
0x422: {  	s5 =	sadd.s32 $0xFFFFFFF0, s0;
	v9 =	vld.idx.msk [tilespmem:v1+s25+$0x0], $0xffff;
	v1 =	vlaneseq.u32  }
0x423: {  	v2 =	vor.u32 s5, v1;
	v22 =	vor.u32 s0, v1;
	[tilespmem:v0+s29+$0x0] =	vst.idx.msk $0xffff, v11  }
0x424: {  	v11 =	vshll.u32 v2, $0x6;
	v1 =	vshll.u32 v22, $0x6;
	v3 =	vld.idx.msk [tilespmem:v3+s25+$0x0], $0xffff;
	[tilespmem:v10+s29+$0x0] =	vst.idx.msk $0xffff, v17  }
0x425: {  	v2 =	vand.u32 $0x68, v2;
	v10 =	vor.u32 v52, v11;
	[tilespmem:v23+s29+$0x0] =	vst.idx.msk $0xffff, v5  }
0x426: {  	v0 =	vand.u32 $0x78, v22;
	v5 =	vor.u32 v58, v11;
	v17 =	vor.u32 v58, v1;
	[tilespmem:v21+s29+$0x0] =	vst.idx.msk $0xffff, v8  }
0x427: {  	v8 =	vor.u32 v15, v11;
	v21 =	vor.u32 v52, v1;
	[tilespmem:v19+s29+$0x0] =	vst.idx.msk $0xffff, v12  }
0x428: {  	v12 =	vor.u32 v15, v1;
	[tilespmem:v20+s29+$0x0] =	vst.idx.msk $0xffff, v16  }
0x429: {  	v19 =	vor.u32 v51, v1;
	v16 =	vor.u32 v51, v11  }
0x42a: {  	v22 =	vor.u32 v46, v1;
	v20 =	vor.u32 v46, v11;
	v10 =	vld.idx.msk [tilespmem:v10+s25+$0x0], $0xffff;
	[tilespmem:v13+s29+$0x0] =	vst.idx.msk $0xffff, v14  }
0x42b: {  	v13 =	vor.u32 v43, v11;
	v14 =	vor.u32 v43, v1;
	v5 =	vld.idx.msk [tilespmem:v5+s25+$0x0], $0xffff;
	[tilespmem:v7+s29+$0x0] =	vst.idx.msk $0xffff, v18  }
0x42c: {  	v7 =	vld.idx.msk [tilespmem:v21+s25+$0x0], $0xffff;
	[tilespmem:v4+s29+$0x0] =	vst.idx.msk $0xffff, v3  }
0x42d: {  	v3 =	vor.u32 v45, v2;
	v4 =	vld.idx.msk [tilespmem:v17+s25+$0x0], $0xffff;
	[tilespmem:v6+s29+$0x0] =	vst.idx.msk $0xffff, v9  }
0x42e: {  	v6 =	vld.idx.msk [tilespmem:v16+s25+$0x0], $0xffff  }
0x42f: {  	v17 =	vor.u32 v45, v0;
	v16 =	vor.u32 v37, v11;
	v9 =	vld.idx.msk [tilespmem:v20+s25+$0x0], $0xffff  }
0x430: {  	v18 =	vor.u32 v48, v2;
	v20 =	vor.u32 v37, v1;
	v19 =	vld.idx.msk [tilespmem:v19+s25+$0x0], $0xffff  }
0x431: {  	v23 =	vor.u32 v48, v0;
	v21 =	vor.u32 v44, v11;
	v8 =	vld.idx.msk [tilespmem:v8+s25+$0x0], $0xffff  }
0x432: {  	v24 =	vor.u32 v49, v2;
	v25 =	vor.u32 v44, v1;
	v22 =	vld.idx.msk [tilespmem:v22+s25+$0x0], $0xffff  }
0x433: {  	v26 =	vor.u32 v49, v0;
	v27 =	vor.u32 v42, v1;
	v12 =	vld.idx.msk [tilespmem:v12+s25+$0x0], $0xffff  }
0x434: {  	v28 =	vor.u32 v42, v11;
	v29 =	vor.u32 v50, v2;
	[tilespmem:v17+s29+$0x0] =	vst.idx.msk $0xffff, v7  }
0x435: {  	[tilespmem:v3+s29+$0x0] =	vst.idx.msk $0xffff, v10;
	v7 =	vld.idx.msk [tilespmem:v20+s25+$0x0], $0xffff;
	v3 =	vor.u32 v50, v0  }
0x436: {  	v10 =	vld.idx.msk [tilespmem:v16+s25+$0x0], $0xffff;
	v16 =	vor.u32 v32, v2;
	[tilespmem:v23+s29+$0x0] =	vst.idx.msk $0xffff, v4  }
0x437: {  	[tilespmem:v18+s29+$0x0] =	vst.idx.msk $0xffff, v5;
	v18 =	vor.u32 v38, v11;
	v4 =	vld.idx.msk [tilespmem:v25+s25+$0x0], $0xffff;
	v5 =	vor.u32 v32, v0  }
0x438: {  	v20 =	vor.u32 v39, v11;
	v17 =	vld.idx.msk [tilespmem:v21+s25+$0x0], $0xffff;
	v21 =	vor.u32 v34, v2;
	[tilespmem:v26+s29+$0x0] =	vst.idx.msk $0xffff, v19  }
0x439: {  	v23 =	vor.u32 v34, v0;
	v19 =	vor.u32 v39, v1;
	[tilespmem:v24+s29+$0x0] =	vst.idx.msk $0xffff, v6;
	v6 =	vld.idx.msk [tilespmem:v27+s25+$0x0], $0xffff  }
0x43a: {  	v24 =	vor.u32 v63, v11;
	[tilespmem:v3+s29+$0x0] =	vst.idx.msk $0xffff, v22  }
0x43b: {  	v25 =	vor.u32 v41, v1;
	v22 =	vld.idx.msk [tilespmem:v28+s25+$0x0], $0xffff  }
0x43c: {  	v3 =	vor.u32 v60, v11;
	[tilespmem:v29+s29+$0x0] =	vst.idx.msk $0xffff, v9;
	v9 =	vor.u32 v41, v11  }
0x43d: {  	v26 =	vor.u32 v35, v2;
	v27 =	vor.u32 v61, v11;
	v28 =	vor.u32 v61, v1;
	v20 =	vld.idx.msk [tilespmem:v20+s25+$0x0], $0xffff  }
0x43e: {  	[tilespmem:v16+s29+$0x0] =	vst.idx.msk $0xffff, v8;
	v8 =	vor.u32 v40, v11;
	v16 =	vld.idx.msk [tilespmem:v19+s25+$0x0], $0xffff;
	v11 =	vor.u32 v35, v0  }
0x43f: {  	v19 =	vor.u32 v36, v2;
	v13 =	vld.idx.msk [tilespmem:v13+s25+$0x0], $0xffff;
	[tilespmem:v5+s29+$0x0] =	vst.idx.msk $0xffff, v12;
	v12 =	vor.u32 v40, v1  }
0x440: {  	v29 =	vor.u32 v38, v1;
	[tilespmem:v21+s29+$0x0] =	vst.idx.msk $0xffff, v10;
	v21 =	vld.idx.msk [tilespmem:v14+s25+$0x0], $0xffff;
	v14 =	vor.u32 v36, v0  }
0x441: {  	v31 =	vor.u32 v47, v2;
	v10 =	vor.u32 v55, v0;
	v30 =	vld.idx.msk [tilespmem:v9+s25+$0x0], $0xffff;
	[tilespmem:v23+s29+$0x0] =	vst.idx.msk $0xffff, v7  }
0x442: {  	v7 =	vor.u32 v47, v0;
	v23 =	vor.u32 v63, v1;
	[tilespmem:v26+s29+$0x0] =	vst.idx.msk $0xffff, v17;
	v9 =	vld.idx.msk [tilespmem:v25+s25+$0x0], $0xffff  }
0x443: {  	v25 =	vor.u32 v53, v2;
	v5 =	vld.idx.msk [tilespmem:v8+s25+$0x0], $0xffff;
	[tilespmem:v11+s29+$0x0] =	vst.idx.msk $0xffff, v4  }
0x444: {  	v1 =	vor.u32 v60, v1;
	v26 =	vor.u32 v53, v0;
	[tilespmem:v19+s29+$0x0] =	vst.idx.msk $0xffff, v22;
	v11 =	vld.idx.msk [tilespmem:v12+s25+$0x0], $0xffff  }
0x445: {  	v8 =	vld.idx.msk [tilespmem:v27+s25+$0x0], $0xffff;
	v27 =	vor.u32 v33, v2;
	[tilespmem:v14+s29+$0x0] =	vst.idx.msk $0xffff, v6  }
.Ltmp3:
0x446: {  	v4 =	vor.u32 v62, v2;
	[tilespmem:v31+s29+$0x0] =	vst.idx.msk $0xffff, v20;
	v17 =	vld.idx.msk [tilespmem:v28+s25+$0x0], $0xffff;
	(pc) =	sbr.rel @p0 .LBB2_9-.Ltmp3, $4  }
0x447: {  	v6 =	vor.u32 v62, v0;
	v12 =	vld.idx.msk [tilespmem:v18+s25+$0x0], $0xffff;
	[tilespmem:v7+s29+$0x0] =	vst.idx.msk $0xffff, v16;
	v7 =	vor.u32 v57, v0  }
0x448: {  	v22 =	vor.u32 v33, v0;
	[tilespmem:v25+s29+$0x0] =	vst.idx.msk $0xffff, v13;
	v13 =	vor.u32 v57, v2;
	v16 =	vld.idx.msk [tilespmem:v29+s25+$0x0], $0xffff  }
0x449: {  	v19 =	vor.u32 v56, v2;
	v20 =	vor.u32 v56, v0;
	v14 =	vld.idx.msk [tilespmem:v24+s25+$0x0], $0xffff;
	[tilespmem:v26+s29+$0x0] =	vst.idx.msk $0xffff, v21  }
0x44a: {  	v0 =	vor.u32 v54, v0;
	v21 =	vor.u32 v55, v2;
	[tilespmem:v27+s29+$0x0] =	vst.idx.msk $0xffff, v30;
	v18 =	vld.idx.msk [tilespmem:v23+s25+$0x0], $0xffff  }
0x44b: {  	[tilespmem:$0x1F260] =	vst v63  }
0x44c: {  	[tilespmem:$0x1F270] =	vst v61  }
0x44d: {  	[tilespmem:$0x1F280] =	vst v60  }
0x44e: {  	[tilespmem:$0x1F290] =	vst v39  }
0x44f: {  	[tilespmem:$0x1F2A0] =	vst v40  }
0x450: {  	[tilespmem:$0x1F2B0] =	vst v38  }
0x451: {  	[tilespmem:$0x1F2C0] =	vst v41  }
0x452: {  	[tilespmem:$0x1F2D0] =	vst v43  }
0x453: {  	[tilespmem:$0x1F2E0] =	vst v42  }
0x454: {  	[tilespmem:$0x1F2F0] =	vst v44  }
0x455: {  	[tilespmem:$0x1F300] =	vst v37  }
0x456: {  	[tilespmem:$0x1F310] =	vst v15  }
0x457: {  	[tilespmem:$0x1F320] =	vst v46  }
0x458: {  	[tilespmem:$0x1F330] =	vst v51  }
0x459: {  	[tilespmem:$0x1F340] =	vst v58  }
0x45a: {  	[tilespmem:$0x1F350] =	vst v52;
	v2 =	vor.u32 v54, v2  }
0x45b: {  	[tilespmem:v22+s29+$0x0] =	vst.idx.msk $0xffff, v9  }
0x45c: {  	v1 =	vld.idx.msk [tilespmem:v1+s25+$0x0], $0xffff;
	[tilespmem:v0+s29+$0x0] =	vst.idx.msk $0xffff, v11  }
0x45d: {  	[tilespmem:v10+s29+$0x0] =	vst.idx.msk $0xffff, v17  }
0x45e: {  	[tilespmem:v20+s29+$0x0] =	vst.idx.msk $0xffff, v16  }
0x45f: {  	v0 =	vld.idx.msk [tilespmem:v3+s25+$0x0], $0xffff;
	[tilespmem:v2+s29+$0x0] =	vst.idx.msk $0xffff, v5  }
0x460: {  	[tilespmem:v7+s29+$0x0] =	vst.idx.msk $0xffff, v18  }
0x461: {  	[tilespmem:v21+s29+$0x0] =	vst.idx.msk $0xffff, v8  }
0x462: {  	p0 =	seq.s32 s30, $0x18;
	[tilespmem:v19+s29+$0x0] =	vst.idx.msk $0xffff, v12  }
0x463: {  	s0 =	sshll.u32 @!p0 s30, $0x8;
	[tilespmem:v6+s29+$0x0] =	vst.idx.msk $0xffff, v1  }
0x464: {  	s1 =	sand.u32 @!p0 $0x3FFFFF00, s0;
	[tilespmem:v13+s29+$0x0] =	vst.idx.msk $0xffff, v14  }
0x465: {  	s5 =	simm.s32 @!p0 $0x80;
	s22 =	simm.s32 @!p0 $0x1900;
	s0 =	sadd.s32 @!p0 $0x100, s1;
	[tilespmem:v4+s29+$0x0] =	vst.idx.msk $0xffff, v0  }
0x466: {  	[tilespmem:s22], [sflag:$0x1] =	stream.indirect.gather @!p0 [hbm4b:s4+s5], $0x40, s0, s5, $0xb8;
	[tilespmem:$0x9900] =	vst v63  }
0x467: {  	s31 =	sor.u32 s18, s31;
	s5 =	rddreg [dreg:$0x1]  }
0x468: {  	s0 =	sadd.s32 s5, s31  }
0x469: {  	[hbm4b:s0+s3] =	stream.linear.scatter [tilespmem:s29], [sflag:$0x3], $0x400, $0x38;
	[tilespmem:$0x9900] =	vst v63  }
0x46a: {  	s24 =	simm.s32 $0x5D00;
	s22 =	sadd.s32 s31, s6  }
0x46b: {  	[hbm4b:s22+s3] =	stream.linear.scatter [tilespmem:s24], [sflag:$0x3], $0x400, $0x38;
	[tilespmem:$0x9900] =	vst v63  }
0x46c: {  	s22 =	sadd.s32 s31, s7;
	s24 =	simm.s32 $0x6100  }
0x46d: {  	[hbm4b:s22+s3] =	stream.linear.scatter [tilespmem:s24], [sflag:$0x3], $0x400, $0x38;
	[tilespmem:$0x9900] =	vst v63  }
0x46e: {  	s22 =	sadd.s32 s31, s8;
	s24 =	simm.s32 $0x6500  }
0x46f: {  	[hbm4b:s22+s3] =	stream.linear.scatter [tilespmem:s24], [sflag:$0x3], $0x400, $0x38;
	[tilespmem:$0x9900] =	vst v63  }
0x470: {  	s22 =	sadd.s32 s31, s9;
	s24 =	simm.s32 $0x6900  }
0x471: {  	[hbm4b:s22+s3] =	stream.linear.scatter [tilespmem:s24], [sflag:$0x3], $0x400, $0x38;
	[tilespmem:$0x9900] =	vst v63  }
0x472: {  	s22 =	sadd.s32 s31, s10;
	s24 =	simm.s32 $0x6D00  }
0x473: {  	[hbm4b:s22+s3] =	stream.linear.scatter [tilespmem:s24], [sflag:$0x3], $0x400, $0x38;
	[tilespmem:$0x9900] =	vst v63  }
0x474: {  	s22 =	sadd.s32 s31, s11;
	s24 =	simm.s32 $0x7100  }
0x475: {  	[hbm4b:s22+s3] =	stream.linear.scatter [tilespmem:s24], [sflag:$0x3], $0x400, $0x38;
	[tilespmem:$0x9900] =	vst v63  }
0x476: {  	s22 =	sadd.s32 s31, s12;
	s24 =	simm.s32 $0x7500  }
0x477: {  	[hbm4b:s22+s3] =	stream.linear.scatter [tilespmem:s24], [sflag:$0x3], $0x400, $0x38;
	[tilespmem:$0x9900] =	vst v63  }
0x478: {  	_ =	swait.ge [sflag:s23], $0x2000  }
0x479: {  	[sflag:s23] =	ssyncset.done $0x0  }
0x47a: {  	s0 =	simm.s32 @!p1 $0x4;
	[sflag:s23] =	ssyncadd.s32 $0xFFFFE000  }
0x47b: {  	_ =	swait.ge @!p1 [sflag:s0], $0x400  }
0x47c: {  	[sflag:s0] =	ssyncset.done @!p1 $0x0  }
0x47d: {  	[sflag:s0] =	ssyncadd.s32 @!p1 $0xFFFFFC00  }
0x47e: {  	_ =	swait.ge @!p1 [sflag:s0], $0x400  }
0x47f: {  	[sflag:s0] =	ssyncset.done @!p1 $0x0  }
0x480: {  	[sflag:s0] =	ssyncadd.s32 @!p1 $0xFFFFFC00  }
0x481: {  	_ =	swait.ge @!p1 [sflag:s0], $0x400  }
0x482: {  	[sflag:s0] =	ssyncset.done @!p1 $0x0  }
0x483: {  	[sflag:s0] =	ssyncadd.s32 @!p1 $0xFFFFFC00  }
0x484: {  	_ =	swait.ge @!p1 [sflag:s0], $0x400  }
0x485: {  	[sflag:s0] =	ssyncset.done @!p1 $0x0  }
0x486: {  	[sflag:s0] =	ssyncadd.s32 @!p1 $0xFFFFFC00  }
0x487: {  	_ =	swait.ge @!p1 [sflag:s0], $0x400  }
0x488: {  	[sflag:s0] =	ssyncset.done @!p1 $0x0  }
0x489: {  	[sflag:s0] =	ssyncadd.s32 @!p1 $0xFFFFFC00  }
0x48a: {  	_ =	swait.ge @!p1 [sflag:s0], $0x400  }
0x48b: {  	[sflag:s0] =	ssyncset.done @!p1 $0x0  }
0x48c: {  	[sflag:s0] =	ssyncadd.s32 @!p1 $0xFFFFFC00  }
0x48d: {  	_ =	swait.ge @!p1 [sflag:s0], $0x400  }
0x48e: {  	[sflag:s0] =	ssyncset.done @!p1 $0x0  }
0x48f: {  	[sflag:s0] =	ssyncadd.s32 @!p1 $0xFFFFFC00  }
0x490: {  	v47 =	vld [tilespmem:$0x1FED0];
	_ =	swait.ge @!p1 [sflag:s0], $0x400  }
0x491: {  	v35 =	vlaneseq.u32;
	s22 =	simm.s32 $0x10;
	v28 =	vld [tilespmem:$0x1FEE0]  }
0x492: {  	v1 =	vor.u32 s22, v35;
	v15 =	vld [tilespmem:$0x1FF30]  }
0x493: {  	v0 =	vshll.u32 v1, $0x6;
	v22 =	vld [tilespmem:$0x1FA70]  }
0x494: {  	v8 =	vor.u32 v35, v0;
	v36 =	vld [tilespmem:$0x1FF40]  }
0x495: {  	v42 =	vld [tilespmem:$0x1FF50]  }
0x496: {  	v55 =	vld [tilespmem:$0x1FF60];
	v2 =	vor.u32 v47, v0  }
0x497: {  	[sflag:s0] =	ssyncset.done @!p1 $0x0;
	v45 =	vld [tilespmem:$0x1FF70];
	v3 =	vor.u32 v28, v0  }
0x498: {  	s24 =	simm.s32 $0x0;
	v43 =	vand.u32 $0x78, v1;
	v31 =	vld [tilespmem:$0x1FF80];
	[sflag:s0] =	ssyncadd.s32 @!p1 $0xFFFFFC00;
	v5 =	vor.u32 v15, v0  }
0x499: {  	v4 =	vor.u32 s24, v35;
	v17 =	vld.idx.msk [tilespmem:v8+s26+$0x0], $0xffff;
	v14 =	vor.u32 v22, v0;
	v7 =	vor.u32 v36, v43  }
0x49a: {  	v1 =	vshll.u32 v4, $0x6;
	v58 =	vld [tilespmem:$0x1FF90]  }
0x49b: {  	v9 =	vor.u32 v35, v1;
	v2 =	vld.idx.msk [tilespmem:v2+s26+$0x0], $0xffff  }
0x49c: {  	v8 =	vor.u32 v42, v0;
	v10 =	vor.u32 v55, v43;
	v3 =	vld.idx.msk [tilespmem:v3+s26+$0x0], $0xffff  }
0x49d: {  	v5 =	vld.idx.msk [tilespmem:v5+s26+$0x0], $0xffff  }
0x49e: {  	v24 =	vld.idx.msk [tilespmem:v14+s26+$0x0], $0xffff;
	[tilespmem:v7+s2+$0x0] =	vst.idx.msk $0xffff, v17  }
0x49f: {  	v11 =	vor.u32 v45, v0;
	v44 =	vld [tilespmem:$0x1FFA0]  }
0x4a0: {  	v9 =	vld.idx.msk [tilespmem:v9+s26+$0x0], $0xffff;
	v13 =	vor.u32 v31, v43  }
0x4a1: {  	v8 =	vld.idx.msk [tilespmem:v8+s26+$0x0], $0xffff;
	[tilespmem:v10+s2+$0x0] =	vst.idx.msk $0xffff, v3  }
0x4a2: {  	v62 =	vld [tilespmem:$0x1FFB0]  }
0x4a3: {  	v16 =	vor.u32 v58, v0;
	v38 =	vld [tilespmem:$0x1F840]  }
0x4a4: {  	v40 =	vand.u32 $0x68, v4;
	v7 =	vor.u32 v44, v43;
	v4 =	vld.idx.msk [tilespmem:v11+s26+$0x0], $0xffff  }
0x4a5: {  	v46 =	vld [tilespmem:$0x1F7C0];
	[tilespmem:v13+s2+$0x0] =	vst.idx.msk $0xffff, v2  }
0x4a6: {  	v21 =	vor.u32 v47, v1;
	v37 =	vld [tilespmem:$0x1F7D0]  }
0x4a7: {  	v6 =	vor.u32 v15, v1;
	v39 =	vld [tilespmem:$0x1F870]  }
0x4a8: {  	v12 =	vor.u32 v28, v1;
	v16 =	vld.idx.msk [tilespmem:v16+s26+$0x0], $0xffff  }
0x4a9: {  	v17 =	vor.u32 v22, v1;
	v60 =	vld [tilespmem:$0x1F7E0];
	[tilespmem:v7+s2+$0x0] =	vst.idx.msk $0xffff, v5  }
0x4aa: {  	v63 =	vld [tilespmem:$0x1F7F0]  }
0x4ab: {  	v33 =	vld.idx.msk [tilespmem:v21+s26+$0x0], $0xffff;
	v3 =	vor.u32 v62, v0;
	v11 =	vor.u32 v46, v43  }
0x4ac: {  	v34 =	vld.idx.msk [tilespmem:v6+s26+$0x0], $0xffff  }
0x4ad: {  	v18 =	vor.u32 v36, v40;
	v12 =	vld.idx.msk [tilespmem:v12+s26+$0x0], $0xffff;
	v2 =	vor.u32 v37, v0  }
0x4ae: {  	v17 =	vld.idx.msk [tilespmem:v17+s26+$0x0], $0xffff;
	v19 =	vor.u32 v60, v43  }
0x4af: {  	v14 =	vld [tilespmem:$0x1F800];
	v5 =	vor.u32 v63, v0  }
0x4b0: {  	v23 =	vld.idx.msk [tilespmem:v3+s26+$0x0], $0xffff;
	[tilespmem:v11+s2+$0x0] =	vst.idx.msk $0xffff, v24  }
0x4b1: {  	v41 =	vld [tilespmem:$0x1F810]  }
0x4b2: {  	[tilespmem:v18+s2+$0x0] =	vst.idx.msk $0xffff, v9;
	v18 =	vld.idx.msk [tilespmem:v2+s26+$0x0], $0xffff  }
0x4b3: {  	v20 =	vor.u32 v55, v40;
	v13 =	vor.u32 v42, v1;
	v51 =	vld [tilespmem:$0x1F820];
	[tilespmem:v19+s2+$0x0] =	vst.idx.msk $0xffff, v8  }
0x4b4: {  	v5 =	vld.idx.msk [tilespmem:v5+s26+$0x0], $0xffff  }
0x4b5: {  	v7 =	vor.u32 v45, v1;
	_ =	sdelay $0x2  }
0x4b6: {  	v61 =	vld.idx.msk [tilespmem:v13+s26+$0x0], $0xffff;
	[tilespmem:v20+s2+$0x0] =	vst.idx.msk $0xffff, v12  }
0x4b7: {  	[tilespmem:$0x1F3E0] =	vst v5  }
0x4b8: {  	v5 =	vld.idx.msk [tilespmem:v7+s26+$0x0], $0xffff  }
0x4b9: {  	v3 =	vor.u32 v14, v43  }
0x4ba: {  	v30 =	vor.u32 v41, v0;
	_ =	sdelay $0x2  }
0x4bb: {  	[tilespmem:$0x1F3B0] =	vst v5  }
0x4bc: {  	v21 =	vor.u32 v31, v40;
	v29 =	vld [tilespmem:$0x1F850];
	[tilespmem:v3+s2+$0x0] =	vst.idx.msk $0xffff, v4  }
0x4bd: {  	v3 =	vld.idx.msk [tilespmem:v30+s26+$0x0], $0xffff  }
0x4be: {  	v25 =	vor.u32 v58, v1;
	_ =	sdelay $0x2  }
0x4bf: {  	[tilespmem:v21+s2+$0x0] =	vst.idx.msk $0xffff, v33  }
0x4c0: {  	[tilespmem:$0x1F3F0] =	vst v3  }
0x4c1: {  	v3 =	vld.idx.msk [tilespmem:v25+s26+$0x0], $0xffff  }
0x4c2: {  	v2 =	vor.u32 v51, v43  }
0x4c3: {  	v11 =	vor.u32 v44, v40  }
0x4c4: {  	v10 =	vor.u32 v38, v43;
	v8 =	vor.u32 v59, v0  }
0x4c5: {  	s22 =	simm.s32 $0x30;
	v9 =	vor.u32 v62, v1  }
0x4c6: {  	v13 =	vor.u32 s22, v35;
	[tilespmem:$0x1F400] =	vst v3  }
0x4c7: {  	v24 =	vshll.u32 v13, $0x6;
	v5 =	vor.u32 v29, v0;
	[tilespmem:v2+s2+$0x0] =	vst.idx.msk $0xffff, v16  }
0x4c8: {  	v7 =	vor.u32 v47, v24;
	[tilespmem:v11+s2+$0x0] =	vst.idx.msk $0xffff, v34  }
0x4c9: {  	s24 =	simm.s32 $0x20;
	v20 =	vor.u32 v15, v24;
	v2 =	vor.u32 v51, v40;
	v12 =	vld.idx.msk [tilespmem:v8+s26+$0x0], $0xffff;
	[tilespmem:v10+s2+$0x0] =	vst.idx.msk $0xffff, v23  }
0x4ca: {  	v56 =	vor.u32 s24, v35;
	v19 =	vor.u32 v46, v40;
	v9 =	vld.idx.msk [tilespmem:v9+s26+$0x0], $0xffff;
	[tilespmem:$0x1F410] =	vst v2  }
0x4cb: {  	v3 =	vshll.u32 v56, $0x6;
	[tilespmem:$0x1F360] =	vst v13  }
0x4cc: {  	v4 =	vand.u32 $0x78, v13;
	v10 =	vor.u32 v15, v3;
	v13 =	vld.idx.msk [tilespmem:v5+s26+$0x0], $0xffff  }
0x4cd: {  	v30 =	vld.idx.msk [tilespmem:v7+s26+$0x0], $0xffff  }
0x4ce: {  	v32 =	vld.idx.msk [tilespmem:v20+s26+$0x0], $0xffff;
	[tilespmem:$0x1F370] =	vst v56  }
0x4cf: {  	[tilespmem:v19+s2+$0x0] =	vst.idx.msk $0xffff, v17  }
0x4d0: {  	v11 =	vor.u32 v35, v24;
	v19 =	vld [tilespmem:$0x1F860]  }
0x4d1: {  	v8 =	vor.u32 v28, v24;
	v6 =	vld.idx.msk [tilespmem:v10+s26+$0x0], $0xffff  }
0x4d2: {  	v16 =	vor.u32 v35, v3  }
0x4d3: {  	v21 =	vor.u32 v28, v3  }
0x4d4: {  	v20 =	vor.u32 v37, v1  }
0x4d5: {  	v25 =	vor.u32 v22, v24;
	v33 =	vor.u32 v47, v3;
	v34 =	vor.u32 v36, v4;
	v23 =	vld.idx.msk [tilespmem:v11+s26+$0x0], $0xffff  }
0x4d6: {  	v5 =	vand.u32 $0x68, v56;
	v35 =	vld.idx.msk [tilespmem:v8+s26+$0x0], $0xffff;
	v8 =	vor.u32 v58, v3;
	v17 =	vor.u32 v19, v43;
	[tilespmem:$0x1F440] =	vst v6  }
0x4d7: {  	v26 =	vor.u32 v22, v3;
	v10 =	vld.idx.msk [tilespmem:v16+s26+$0x0], $0xffff;
	[tilespmem:$0x1F430] =	vst v8;
	v8 =	vor.u32 v44, v5  }
0x4d8: {  	v27 =	vor.u32 v60, v40;
	v54 =	vld.idx.msk [tilespmem:v21+s26+$0x0], $0xffff;
	[tilespmem:$0x1F450] =	vst v8  }
0x4d9: {  	v49 =	vor.u32 v42, v24;
	v47 =	vor.u32 v42, v3;
	v22 =	vor.u32 v36, v5;
	v42 =	vld.idx.msk [tilespmem:v20+s26+$0x0], $0xffff  }
0x4da: {  	v56 =	vor.u32 v55, v4;
	v48 =	vor.u32 v55, v5;
	v55 =	vld.idx.msk [tilespmem:v25+s26+$0x0], $0xffff;
	[tilespmem:v34+s2+$0x0] =	vst.idx.msk $0xffff, v23  }
0x4db: {  	v8 =	vor.u32 v60, v5;
	v33 =	vld.idx.msk [tilespmem:v33+s26+$0x0], $0xffff;
	[tilespmem:v17+s2+$0x0] =	vst.idx.msk $0xffff, v18  }
0x4dc: {  	v50 =	vor.u32 v45, v24;
	v53 =	vor.u32 v45, v3;
	v45 =	vmov v19;
	v19 =	vld.idx.msk [tilespmem:v26+s26+$0x0], $0xffff;
	[tilespmem:$0x1F380] =	vst v8  }
0x4dd: {  	[tilespmem:v27+s2+$0x0] =	vst.idx.msk $0xffff, v61  }
0x4de: {  	[tilespmem:v22+s2+$0x0] =	vst.idx.msk $0xffff, v10;
	v34 =	vld.idx.msk [tilespmem:v49+s26+$0x0], $0xffff  }
0x4df: {  	v18 =	vor.u32 v63, v1;
	v10 =	vld [tilespmem:$0x1F8C0];
	[tilespmem:v56+s2+$0x0] =	vst.idx.msk $0xffff, v35  }
0x4e0: {  	v25 =	vld [tilespmem:$0x1FFC0];
	_ =	sdelay $0x3  }
0x4e1: {  	v23 =	vld.idx.msk [tilespmem:v18+s26+$0x0], $0xffff  }
0x4e2: {  	v26 =	vor.u32 v39, v0;
	[tilespmem:$0x1F3A0] =	vst v0;
	v18 =	vor.u32 v25, v0;
	v0 =	vld [tilespmem:$0x1FFD0];
	_ =	sdelay $0x4  }
0x4e3: {  	v57 =	vor.u32 v14, v40;
	v61 =	vor.u32 v0, v43;
	v0 =	vld [tilespmem:$0x1F3B0];
	_ =	sdelay $0x2  }
0x4e4: {  	v17 =	vor.u32 v10, v43;
	v10 =	vor.u32 v10, v40  }
0x4e5: {  	v15 =	vld [tilespmem:$0x1F880];
	[tilespmem:$0x1F390] =	vst v10  }
0x4e6: {  	[tilespmem:v57+s2+$0x0] =	vst.idx.msk $0xffff, v0;
	v0 =	vld.idx.msk [tilespmem:v47+s26+$0x0], $0xffff  }
0x4e7: {  	v11 =	vmov v51;
	v51 =	vor.u32 v31, v4;
	_ =	sdelay $0x3  }
0x4e8: {  	v36 =	vmov v59;
	v59 =	vor.u32 v58, v24;
	v58 =	vld.idx.msk [tilespmem:v50+s26+$0x0], $0xffff;
	[tilespmem:$0x1F3C0] =	vst v0  }
0x4e9: {  	v52 =	vor.u32 v39, v1;
	[tilespmem:v51+s2+$0x0] =	vst.idx.msk $0xffff, v30  }
0x4ea: {  	v2 =	vor.u32 v39, v3;
	v6 =	vmov v63;
	v63 =	vor.u32 v44, v4;
	v39 =	vld [tilespmem:$0x1F8B0];
	[tilespmem:v48+s2+$0x0] =	vst.idx.msk $0xffff, v54  }
0x4eb: {  	v8 =	vor.u32 v41, v1;
	v35 =	vor.u32 v15, v43;
	v10 =	vld [tilespmem:$0x1F3E0];
	_ =	sdelay $0x1  }
0x4ec: {  	v30 =	vld.idx.msk [tilespmem:v26+s26+$0x0], $0xffff  }
0x4ed: {  	v59 =	vld.idx.msk [tilespmem:v59+s26+$0x0], $0xffff;
	[tilespmem:$0x1F3D0] =	vst v1  }
0x4ee: {  	[tilespmem:v63+s2+$0x0] =	vst.idx.msk $0xffff, v32  }
0x4ef: {  	v28 =	vld.idx.msk [tilespmem:v8+s26+$0x0], $0xffff;
	[tilespmem:v35+s2+$0x0] =	vst.idx.msk $0xffff, v10  }
0x4f0: {  	v8 =	vld [tilespmem:$0x1F3F0];
	_ =	sdelay $0x3  }
0x4f1: {  	v51 =	vld.idx.msk [tilespmem:v18+s26+$0x0], $0xffff  }
0x4f2: {  	v18 =	vld [tilespmem:$0x1F8A0];
	[tilespmem:v61+s2+$0x0] =	vst.idx.msk $0xffff, v8  }
0x4f3: {  	v8 =	vld [tilespmem:$0x1F410];
	_ =	sdelay $0x1  }
0x4f4: {  	v50 =	vor.u32 v62, v24;
	v0 =	vor.u32 v46, v4  }
0x4f5: {  	v54 =	vor.u32 v6, v24;
	v6 =	vld [tilespmem:$0x1F400];
	_ =	sdelay $0x3  }
0x4f6: {  	v63 =	vld.idx.msk [tilespmem:v50+s26+$0x0], $0xffff;
	[tilespmem:v0+s2+$0x0] =	vst.idx.msk $0xffff, v55  }
0x4f7: {  	v31 =	vor.u32 v31, v5;
	[tilespmem:v8+s2+$0x0] =	vst.idx.msk $0xffff, v6  }
0x4f8: {  	v0 =	vld [tilespmem:$0x1F890];
	_ =	sdelay $0x1  }
0x4f9: {  	v16 =	vor.u32 v46, v5  }
0x4fa: {  	v21 =	vor.u32 v62, v3;
	v44 =	vor.u32 v37, v24;
	v62 =	vor.u32 v29, v1  }
0x4fb: {  	v29 =	vor.u32 v18, v40;
	v61 =	vor.u32 v18, v43;
	v18 =	vld.idx.msk [tilespmem:v53+s26+$0x0], $0xffff;
	[tilespmem:v31+s2+$0x0] =	vst.idx.msk $0xffff, v33  }
0x4fc: {  	v46 =	vor.u32 v60, v4;
	v55 =	vor.u32 v0, v40;
	v32 =	vor.u32 v0, v43;
	v0 =	vld [tilespmem:$0x1F430];
	_ =	sdelay $0x3  }
0x4fd: {  	v50 =	vld.idx.msk [tilespmem:v44+s26+$0x0], $0xffff;
	[tilespmem:$0x1F420] =	vst v43  }
0x4fe: {  	[tilespmem:v46+s2+$0x0] =	vst.idx.msk $0xffff, v34  }
0x4ff: {  	v6 =	vld [tilespmem:$0x1F450];
	_ =	sdelay $0x1  }
0x500: {  	v27 =	vor.u32 v14, v5;
	v57 =	vor.u32 v14, v4;
	v14 =	vld.idx.msk [tilespmem:v0+s26+$0x0], $0xffff  }
0x501: {  	v0 =	vld [tilespmem:$0x1F440]  }
0x502: {  	v25 =	vor.u32 v25, v1;
	v1 =	vor.u32 v36, v1;
	_ =	sdelay $0x1  }
0x503: {  	v7 =	vor.u32 v38, v4  }
0x504: {  	v49 =	vor.u32 v11, v5;
	v56 =	vor.u32 v38, v40;
	v47 =	vor.u32 v39, v43  }
0x505: {  	v26 =	vor.u32 v39, v40;
	v35 =	vor.u32 v36, v24;
	[tilespmem:v6+s2+$0x0] =	vst.idx.msk $0xffff, v0  }
0x506: {  	v36 =	vor.u32 v45, v40;
	v33 =	vor.u32 v41, v24;
	v60 =	vld.idx.msk [tilespmem:v1+s26+$0x0], $0xffff;
	[tilespmem:$0x1F460] =	vst v24  }
0x507: {  	s24 =	simm.s32 $0x50;
	s0 =	simm.s32 $0x2;
	v31 =	vor.u32 v15, v40;
	v1 =	vmovc v24;
	v34 =	vor.u32 v11, v4;
	v0 =	vmov v40;
	[tilespmem:$0x1F470] =	vst v40  }
.LBB2_11:
0x508: {  	v6 =	vld.idx.msk [tilespmem:v54+s26+$0x0], $0xffff  }
0x509: {  	v8 =	vld [tilespmem:$0x1F850]  }
0x50a: {  	v15 =	vld [tilespmem:$0x1FED0]  }
0x50b: {  	v10 =	vld [tilespmem:$0x1FF30]  }
0x50c: {  	[tilespmem:v56+s2+$0x0] =	vst.idx.msk $0xffff, v9;
	v9 =	vld [tilespmem:$0x1FA70]  }
0x50d: {  	v11 =	vld [tilespmem:$0x1F870]  }
0x50e: {  	v46 =	vld [tilespmem:$0x1FFD0]  }
0x50f: {  	v22 =	vld [tilespmem:$0x1F7D0]  }
0x510: {  	v24 =	vld [tilespmem:$0x1F880]  }
0x511: {  	s5 =	sadd.s32 $0xFFFFFFF0, s24;
	v41 =	vlaneseq.u32;
	v56 =	vmov v3;
	v40 =	vmov v27;
	[tilespmem:v57+s2+$0x0] =	vst.idx.msk $0xffff, v58;
	v27 =	vld.idx.msk [tilespmem:v62+s26+$0x0], $0xffff  }
0x512: {  	v39 =	vmovc v0;
	v0 =	vmovc v5;
	v3 =	vmov v49;
	v37 =	vor.u32 s24, v41;
	v5 =	vor.u32 s5, v41;
	[tilespmem:$0x1F220] =	vst v6;
	v6 =	vld.idx.msk [tilespmem:v33+s26+$0x0], $0xffff  }
0x513: {  	[tilespmem:$0x1F240] =	vst v3;
	v54 =	vld.idx.msk [tilespmem:v21+s26+$0x0], $0xffff;
	v53 =	vshll.u32 v37, $0x6;
	v3 =	vshll.u32 v5, $0x6;
	v38 =	vor.u32 v8, v1  }
0x514: {  	[tilespmem:v34+s2+$0x0] =	vst.idx.msk $0xffff, v59;
	v34 =	vor.u32 v9, v3;
	v59 =	vor.u32 v9, v53;
	v9 =	vld [tilespmem:$0x1FF60]  }
0x515: {  	v43 =	vor.u32 v15, v53;
	v35 =	vld.idx.msk [tilespmem:v35+s26+$0x0], $0xffff  }
0x516: {  	[tilespmem:v7+s2+$0x0] =	vst.idx.msk $0xffff, v63;
	v7 =	vld [tilespmem:$0x1FF70]  }
0x517: {  	[tilespmem:$0x1F230] =	vst v6;
	v6 =	vld [tilespmem:$0x1FEE0]  }
0x518: {  	v49 =	vor.u32 v10, v53;
	v38 =	vld.idx.msk [tilespmem:v38+s26+$0x0], $0xffff  }
0x519: {  	[tilespmem:v32+s2+$0x0] =	vst.idx.msk $0xffff, v12;
	v12 =	vor.u32 v15, v3;
	v15 =	vld [tilespmem:$0x1F860]  }
0x51a: {  	v32 =	vld.idx.msk [tilespmem:v43+s26+$0x0], $0xffff  }
0x51b: {  	v21 =	vor.u32 v41, v53;
	[tilespmem:v61+s2+$0x0] =	vst.idx.msk $0xffff, v13;
	v13 =	vor.u32 v10, v3;
	v10 =	vld [tilespmem:$0x1FF50]  }
0x51c: {  	v33 =	vor.u32 v41, v3;
	v62 =	vor.u32 v7, v53;
	v41 =	vor.u32 v7, v3;
	v7 =	vld [tilespmem:$0x1FF80]  }
0x51d: {  	v48 =	vmov v4;
	[tilespmem:v36+s2+$0x0] =	vst.idx.msk $0xffff, v42;
	v4 =	vand.u32 $0x78, v37;
	v37 =	vor.u32 v46, v39;
	v63 =	vld.idx.msk [tilespmem:v49+s26+$0x0], $0xffff  }
0x51e: {  	[tilespmem:v47+s2+$0x0] =	vst.idx.msk $0xffff, v30;
	v58 =	vor.u32 v6, v53;
	v20 =	vor.u32 v6, v3;
	v6 =	vld.idx.msk [tilespmem:v52+s26+$0x0], $0xffff  }
0x51f: {  	v52 =	vld [tilespmem:$0x1FF40];
	[tilespmem:v16+s2+$0x0] =	vst.idx.msk $0xffff, v19  }
0x520: {  	v19 =	vld.idx.msk [tilespmem:v21+s26+$0x0], $0xffff;
	[tilespmem:v31+s2+$0x0] =	vst.idx.msk $0xffff, v23  }
0x521: {  	v5 =	vand.u32 $0x68, v5;
	[tilespmem:v17+s2+$0x0] =	vst.idx.msk $0xffff, v51;
	v23 =	vld.idx.msk [tilespmem:v25+s26+$0x0], $0xffff  }
0x522: {  	v51 =	vor.u32 v7, v4;
	[tilespmem:v37+s2+$0x0] =	vst.idx.msk $0xffff, v28;
	v37 =	vor.u32 v7, v5;
	v7 =	vld [tilespmem:$0x1FF90]  }
0x523: {  	v13 =	vld.idx.msk [tilespmem:v13+s26+$0x0], $0xffff;
	[tilespmem:v55+s2+$0x0] =	vst.idx.msk $0xffff, v60  }
0x524: {  	v28 =	vld.idx.msk [tilespmem:v33+s26+$0x0], $0xffff;
	[tilespmem:v29+s2+$0x0] =	vst.idx.msk $0xffff, v27  }
0x525: {  	v47 =	vor.u32 v22, v56;
	v16 =	vor.u32 v15, v48;
	v29 =	vld.idx.msk [tilespmem:v20+s26+$0x0], $0xffff  }
0x526: {  	[tilespmem:v26+s2+$0x0] =	vst.idx.msk $0xffff, v6;
	v6 =	vld [tilespmem:$0x1F390]  }
0x527: {  	v25 =	vld.idx.msk [tilespmem:v58+s26+$0x0], $0xffff  }
0x528: {  	v31 =	vor.u32 v9, v5;
	v58 =	vor.u32 v9, v4;
	v9 =	vld [tilespmem:$0x1FFA0]  }
0x529: {  	v39 =	vor.u32 v52, v4;
	v61 =	vor.u32 v52, v5;
	v52 =	vld [tilespmem:$0x1F7F0]  }
0x52a: {  	[tilespmem:v16+s2+$0x0] =	vst.idx.msk $0xffff, v50;
	v42 =	vld.idx.msk [tilespmem:v47+s26+$0x0], $0xffff  }
0x52b: {  	v17 =	vor.u32 v10, v53;
	v50 =	vld.idx.msk [tilespmem:v59+s26+$0x0], $0xffff  }
0x52c: {  	v60 =	vor.u32 v7, v3;
	v55 =	vor.u32 v7, v53;
	v7 =	vmov v2;
	v2 =	vld [tilespmem:$0x1F380]  }
0x52d: {  	[tilespmem:$0x1F250] =	vst v13;
	v13 =	vld [tilespmem:$0x1FFB0]  }
0x52e: {  	v43 =	vor.u32 v9, v5;
	v26 =	vor.u32 v9, v4;
	v9 =	vld [tilespmem:$0x1F3C0];
	[tilespmem:v6+s2+$0x0] =	vst.idx.msk $0xffff, v23  }
0x52f: {  	[tilespmem:v39+s2+$0x0] =	vst.idx.msk $0xffff, v19;
	v44 =	vld.idx.msk [tilespmem:v12+s26+$0x0], $0xffff  }
0x530: {  	v12 =	vmov v35;
	v35 =	vld.idx.msk [tilespmem:v17+s26+$0x0], $0xffff  }
0x531: {  	v30 =	vor.u32 v10, v3;
	[tilespmem:v58+s2+$0x0] =	vst.idx.msk $0xffff, v25;
	v25 =	vld [tilespmem:$0x1FFC0]  }
0x532: {  	v59 =	vor.u32 v52, v56;
	v19 =	vld.idx.msk [tilespmem:v34+s26+$0x0], $0xffff  }
0x533: {  	v33 =	vor.u32 v24, v48;
	v58 =	vld.idx.msk [tilespmem:v62+s26+$0x0], $0xffff  }
0x534: {  	v34 =	vor.u32 v11, v1;
	[tilespmem:v2+s2+$0x0] =	vst.idx.msk $0xffff, v9;
	v62 =	vor.u32 v8, v56;
	v8 =	vld [tilespmem:$0x1F220]  }
0x535: {  	v9 =	vld [tilespmem:$0x1F7E0];
	[tilespmem:v61+s2+$0x0] =	vst.idx.msk $0xffff, v28  }
0x536: {  	v36 =	vor.u32 v11, v3;
	v11 =	vld.idx.msk [tilespmem:v30+s26+$0x0], $0xffff;
	v1 =	vor.u32 v25, v1  }
0x537: {  	[tilespmem:v51+s2+$0x0] =	vst.idx.msk $0xffff, v32;
	v23 =	vld.idx.msk [tilespmem:v59+s26+$0x0], $0xffff  }
0x538: {  	v59 =	vld.idx.msk [tilespmem:v55+s26+$0x0], $0xffff  }
0x539: {  	v30 =	vld.idx.msk [tilespmem:v34+s26+$0x0], $0xffff;
	[tilespmem:v33+s2+$0x0] =	vst.idx.msk $0xffff, v8  }
0x53a: {  	[tilespmem:v26+s2+$0x0] =	vst.idx.msk $0xffff, v63  }
0x53b: {  	v39 =	vmov v38;
	v38 =	vor.u32 v13, v53;
	v51 =	vld.idx.msk [tilespmem:v1+s26+$0x0], $0xffff  }
0x53c: {  	v6 =	vmov v36;
	v36 =	vor.u32 v46, v48;
	v1 =	vld [tilespmem:$0x1F230]  }
0x53d: {  	v45 =	vld [tilespmem:$0x1F840]  }
0x53e: {  	v10 =	vld [tilespmem:$0x1F8C0];
	v2 =	vor.u32 v9, v5  }
0x53f: {  	[tilespmem:$0x1F380] =	vst v2;
	v2 =	vld [tilespmem:$0x1F810]  }
0x540: {  	v63 =	vld.idx.msk [tilespmem:v38+s26+$0x0], $0xffff  }
0x541: {  	[tilespmem:v36+s2+$0x0] =	vst.idx.msk $0xffff, v1;
	v1 =	vld [tilespmem:$0x1F240]  }
0x542: {  	v20 =	vmov v14;
	v14 =	vld [tilespmem:$0x1F7C0]  }
0x543: {  	v46 =	vld [tilespmem:$0x1F830];
	v17 =	vor.u32 v10, v48;
	v10 =	vor.u32 v10, v0  }
0x544: {  	[tilespmem:$0x1F390] =	vst v10;
	v10 =	vld [tilespmem:$0x1F820];
	v28 =	vor.u32 v2, v56  }
0x545: {  	[tilespmem:v40+s2+$0x0] =	vst.idx.msk $0xffff, v18;
	v40 =	vld [tilespmem:$0x1F8A0]  }
0x546: {  	v57 =	vor.u32 v45, v4;
	v18 =	vld [tilespmem:$0x1F8B0];
	[tilespmem:v31+s2+$0x0] =	vst.idx.msk $0xffff, v29  }
0x547: {  	v16 =	vor.u32 v14, v5;
	v21 =	vor.u32 v13, v3;
	v31 =	vor.u32 v14, v4;
	[tilespmem:$0x1F3C0] =	vst v11;
	v11 =	vld [tilespmem:$0x1F800]  }
0x548: {  	v13 =	vmovc v39;
	v32 =	vor.u32 v22, v53;
	v39 =	vor.u32 v46, v56;
	v25 =	vor.u32 v25, v56;
	v38 =	vld [tilespmem:$0x1F890]  }
0x549: {  	v49 =	vor.u32 v10, v5;
	v28 =	vld.idx.msk [tilespmem:v28+s26+$0x0], $0xffff;
	[tilespmem:v1+s2+$0x0] =	vst.idx.msk $0xffff, v20;
	v1 =	vmov v53  }
0x54a: {  	s0 =	sadd.s32 $0x2, s0;
	v34 =	vor.u32 v9, v4;
	v9 =	vmovc v54;
	v33 =	vor.u32 v2, v1;
	v2 =	vmov v6;
	v6 =	vld [tilespmem:$0x1F250]  }
0x54b: {  	p1 =	slt.u32 s0, $0x6;
	v54 =	vor.u32 v52, v53;
	v52 =	vmovc v7;
	v47 =	vor.u32 v18, v48;
	v29 =	vor.u32 v40, v0  }
.Ltmp4:
0x54c: {  	v7 =	vmov v57;
	v26 =	vor.u32 v18, v0;
	v61 =	vor.u32 v40, v48;
	[tilespmem:v31+s2+$0x0] =	vst.idx.msk $0xffff, v50;
	(pc) =	sbr.rel @p1 .LBB2_11-.Ltmp4, $4  }
0x54d: {  	v56 =	vor.u32 v45, v0;
	v27 =	vor.u32 v11, v5;
	v57 =	vor.u32 v11, v4;
	v50 =	vld.idx.msk [tilespmem:v32+s26+$0x0], $0xffff  }
0x54e: {  	v55 =	vor.u32 v38, v0;
	v36 =	vor.u32 v15, v0;
	v18 =	vld.idx.msk [tilespmem:v41+s26+$0x0], $0xffff;
	[tilespmem:v37+s2+$0x0] =	vst.idx.msk $0xffff, v44  }
0x54f: {  	v31 =	vor.u32 v24, v0;
	v32 =	vor.u32 v38, v48;
	v14 =	vld.idx.msk [tilespmem:v60+s26+$0x0], $0xffff;
	[tilespmem:v43+s2+$0x0] =	vst.idx.msk $0xffff, v6  }
0x550: {  	s24 =	sadd.s32 $0x20, s24;
	[tilespmem:v34+s2+$0x0] =	vst.idx.msk $0xffff, v35;
	v34 =	vor.u32 v10, v4;
	v35 =	vor.u32 v46, v1;
	v60 =	vld.idx.msk [tilespmem:v39+s26+$0x0], $0xffff  }
0x551: {  	_ =	sdelay $0x3  }
0x552: {  	v37 =	vld.idx.msk [tilespmem:v54+s26+$0x0], $0xffff;
	[tilespmem:v57+s2+$0x0] =	vst.idx.msk $0xffff, v58  }
0x553: {  	[tilespmem:v56+s2+$0x0] =	vst.idx.msk $0xffff, v9  }
0x554: {  	[tilespmem:v32+s2+$0x0] =	vst.idx.msk $0xffff, v12  }
0x555: {  	v9 =	vld.idx.msk [tilespmem:v33+s26+$0x0], $0xffff;
	[tilespmem:v34+s2+$0x0] =	vst.idx.msk $0xffff, v59  }
0x556: {  	v46 =	vld.idx.msk [tilespmem:v62+s26+$0x0], $0xffff;
	[tilespmem:v36+s2+$0x0] =	vst.idx.msk $0xffff, v42  }
0x557: {  	v20 =	vld.idx.msk [tilespmem:v35+s26+$0x0], $0xffff;
	[tilespmem:v7+s2+$0x0] =	vst.idx.msk $0xffff, v63  }
0x558: {  	v32 =	vld [tilespmem:$0x1FFD0];
	_ =	sdelay $0x3  }
0x559: {  	[tilespmem:v61+s2+$0x0] =	vst.idx.msk $0xffff, v13  }
0x55a: {  	v7 =	vld.idx.msk [tilespmem:v21+s26+$0x0], $0xffff;
	[tilespmem:v16+s2+$0x0] =	vst.idx.msk $0xffff, v19;
	v0 =	vor.u32 v32, v0  }
0x55b: {  	v6 =	vld.idx.msk [tilespmem:v52+s26+$0x0], $0xffff;
	[tilespmem:v47+s2+$0x0] =	vst.idx.msk $0xffff, v30  }
0x55c: {  	v8 =	vld [tilespmem:$0x1F7D0];
	[tilespmem:v31+s2+$0x0] =	vst.idx.msk $0xffff, v23  }
0x55d: {  	v10 =	vld [tilespmem:$0x1F850]  }
0x55e: {  	v16 =	vld.idx.msk [tilespmem:v25+s26+$0x0], $0xffff;
	[tilespmem:v17+s2+$0x0] =	vst.idx.msk $0xffff, v51  }
0x55f: {  	v23 =	vld [tilespmem:$0x1F860];
	[tilespmem:v0+s2+$0x0] =	vst.idx.msk $0xffff, v28  }
0x560: {  	v0 =	vld [tilespmem:$0x1F7F0];
	[tilespmem:v55+s2+$0x0] =	vst.idx.msk $0xffff, v60  }
0x561: {  	[tilespmem:v29+s2+$0x0] =	vst.idx.msk $0xffff, v46  }
0x562: {  	v12 =	vor.u32 v8, v3;
	v15 =	vld [tilespmem:$0x1F810];
	[tilespmem:v26+s2+$0x0] =	vst.idx.msk $0xffff, v6  }
0x563: {  	v8 =	vld [tilespmem:$0x1F870];
	_ =	sdelay $0x3  }
0x564: {  	v6 =	vld.idx.msk [tilespmem:v12+s26+$0x0], $0xffff  }
0x565: {  	v12 =	vor.u32 v8, v1;
	v8 =	vld [tilespmem:$0x1F380];
	_ =	sdelay $0x2  }
0x566: {  	v13 =	vor.u32 v10, v1;
	v11 =	vld [tilespmem:$0x1F3C0];
	_ =	sdelay $0x2  }
0x567: {  	v17 =	vor.u32 v23, v4;
	v0 =	vor.u32 v0, v3;
	_ =	sdelay $0x1  }
0x568: {  	v13 =	vld.idx.msk [tilespmem:v13+s26+$0x0], $0xffff;
	[tilespmem:v8+s2+$0x0] =	vst.idx.msk $0xffff, v11  }
0x569: {  	v24 =	vld [tilespmem:$0x1F880]  }
0x56a: {  	v11 =	vld [tilespmem:$0x1F830]  }
0x56b: {  	[tilespmem:v17+s2+$0x0] =	vst.idx.msk $0xffff, v50;
	v0 =	vld.idx.msk [tilespmem:v0+s26+$0x0], $0xffff  }
0x56c: {  	v25 =	vld [tilespmem:$0x1FFC0]  }
0x56d: {  	v19 =	vor.u32 v15, v3;
	v15 =	vld [tilespmem:$0x1F840];
	[tilespmem:v27+s2+$0x0] =	vst.idx.msk $0xffff, v18  }
0x56e: {  	v18 =	vor.u32 v10, v3;
	v10 =	vld [tilespmem:$0x1F390];
	_ =	sdelay $0x4  }
0x56f: {  	v8 =	vor.u32 v24, v4;
	v11 =	vor.u32 v11, v3  }
0x570: {  	v17 =	vor.u32 v15, v5  }
0x571: {  	v21 =	vor.u32 v32, v4;
	v1 =	vor.u32 v25, v1  }
0x572: {  	v12 =	vld.idx.msk [tilespmem:v12+s26+$0x0], $0xffff;
	[tilespmem:v10+s2+$0x0] =	vst.idx.msk $0xffff, v16  }
0x573: {  	v10 =	vld.idx.msk [tilespmem:v19+s26+$0x0], $0xffff;
	[tilespmem:v49+s2+$0x0] =	vst.idx.msk $0xffff, v14  }
0x574: {  	[tilespmem:v8+s2+$0x0] =	vst.idx.msk $0xffff, v37;
	v11 =	vld.idx.msk [tilespmem:v11+s26+$0x0], $0xffff  }
0x575: {  	v16 =	vor.u32 v23, v5;
	v23 =	vld [tilespmem:$0x1F8B0];
	[tilespmem:v17+s2+$0x0] =	vst.idx.msk $0xffff, v7  }
0x576: {  	v1 =	vld.idx.msk [tilespmem:v1+s26+$0x0], $0xffff;
	[tilespmem:v21+s2+$0x0] =	vst.idx.msk $0xffff, v9  }
0x577: {  	v14 =	vor.u32 v38, v4;
	v15 =	vld [tilespmem:$0x1F8C0]  }
0x578: {  	v8 =	vor.u32 v40, v4  }
0x579: {  	v7 =	vor.u32 v24, v5  }
0x57a: {  	v3 =	vor.u32 v25, v3;
	v9 =	vld.idx.msk [tilespmem:v18+s26+$0x0], $0xffff;
	[tilespmem:v16+s2+$0x0] =	vst.idx.msk $0xffff, v6;
	v6 =	vor.u32 v32, v5  }
0x57b: {  	v19 =	vor.u32 v23, v4  }
0x57c: {  	[tilespmem:v14+s2+$0x0] =	vst.idx.msk $0xffff, v20;
	v4 =	vor.u32 v15, v4  }
0x57d: {  	[tilespmem:v8+s2+$0x0] =	vst.idx.msk $0xffff, v13  }
0x57e: {  	v14 =	vor.u32 v38, v5;
	v2 =	vld.idx.msk [tilespmem:v2+s26+$0x0], $0xffff;
	[tilespmem:v7+s2+$0x0] =	vst.idx.msk $0xffff, v0  }
0x57f: {  	v8 =	vor.u32 v40, v5;
	v3 =	vld.idx.msk [tilespmem:v3+s26+$0x0], $0xffff;
	[tilespmem:v6+s2+$0x0] =	vst.idx.msk $0xffff, v10  }
0x580: {  	[tilespmem:v19+s2+$0x0] =	vst.idx.msk $0xffff, v12;
	v12 =	vor.u32 v23, v5  }
0x581: {  	v0 =	vor.u32 v15, v5;
	[tilespmem:v4+s2+$0x0] =	vst.idx.msk $0xffff, v1  }
0x582: {  	v26 =	vld [tilespmem:$0x1FEA0]  }
0x583: {  	v15 =	vld [tilespmem:$0x1F3A0];
	[tilespmem:v14+s2+$0x0] =	vst.idx.msk $0xffff, v11  }
0x584: {  	v63 =	vld [tilespmem:$0x1F650];
	[tilespmem:v8+s2+$0x0] =	vst.idx.msk $0xffff, v9  }
0x585: {  	v30 =	vld [tilespmem:$0x1FEF0];
	[tilespmem:v12+s2+$0x0] =	vst.idx.msk $0xffff, v2  }
0x586: {  	v31 =	vld [tilespmem:$0x1F640];
	[tilespmem:v0+s2+$0x0] =	vst.idx.msk $0xffff, v3  }
0x587: {  	v32 =	vld [tilespmem:$0x1F630]  }
0x588: {  	v53 =	vld [tilespmem:$0x1F3D0]  }
0x589: {  	v35 =	vld [tilespmem:$0x1F970]  }
0x58a: {  	v1 =	vor.u32 v26, v15;
	v62 =	vld [tilespmem:$0x1F420]  }
0x58b: {  	v43 =	vld [tilespmem:$0x1F610]  }
0x58c: {  	v48 =	vld [tilespmem:$0x1F980];
	v4 =	vor.u32 v63, v15  }
0x58d: {  	v40 =	vld [tilespmem:$0x1F600];
	v5 =	vor.u32 v30, v15  }
0x58e: {  	v42 =	vld [tilespmem:$0x1F990];
	v2 =	vor.u32 v31, v15  }
0x58f: {  	v0 =	vor.u32 v32, v15;
	v6 =	vor.u32 v35, v62;
	v1 =	vld.idx.msk [tilespmem:v1+s26+$0x0], $0xffff  }
0x590: {  	v51 =	vld [tilespmem:$0x1F5F0]  }
0x591: {  	v4 =	vld.idx.msk [tilespmem:v4+s26+$0x0], $0xffff  }
0x592: {  	v3 =	vor.u32 v31, v53;
	v5 =	vld.idx.msk [tilespmem:v5+s26+$0x0], $0xffff  }
0x593: {  	v7 =	vor.u32 v43, v15;
	v9 =	vor.u32 v48, v62;
	v2 =	vld.idx.msk [tilespmem:v2+s26+$0x0], $0xffff  }
0x594: {  	v0 =	vld.idx.msk [tilespmem:v0+s26+$0x0], $0xffff;
	[tilespmem:v6+s2+$0x0] =	vst.idx.msk $0xffff, v1  }
0x595: {  	v10 =	vor.u32 v40, v15;
	v56 =	vld [tilespmem:$0x1F9A0];
	_ =	sdelay $0x1  }
0x596: {  	v12 =	vor.u32 v42, v62;
	v3 =	vld.idx.msk [tilespmem:v3+s26+$0x0], $0xffff  }
0x597: {  	v7 =	vld.idx.msk [tilespmem:v7+s26+$0x0], $0xffff;
	[tilespmem:v9+s2+$0x0] =	vst.idx.msk $0xffff, v5  }
0x598: {  	v13 =	vor.u32 v51, v15;
	v57 =	vld [tilespmem:$0x1F5C0]  }
0x599: {  	v10 =	vld.idx.msk [tilespmem:v10+s26+$0x0], $0xffff;
	v6 =	vor.u32 v56, v62  }
0x59a: {  	v61 =	vld [tilespmem:$0x1F9B0]  }
0x59b: {  	v8 =	vor.u32 v26, v53;
	v22 =	vld [tilespmem:$0x1F470];
	[tilespmem:v12+s2+$0x0] =	vst.idx.msk $0xffff, v4  }
0x59c: {  	v11 =	vor.u32 v30, v53;
	v54 =	vld [tilespmem:$0x1F5B0]  }
0x59d: {  	v1 =	vor.u32 v63, v53;
	v13 =	vld.idx.msk [tilespmem:v13+s26+$0x0], $0xffff  }
0x59e: {  	v9 =	vor.u32 v32, v53;
	v25 =	vld [tilespmem:$0x1F9C0];
	[tilespmem:v6+s2+$0x0] =	vst.idx.msk $0xffff, v2  }
0x59f: {  	v55 =	vld [tilespmem:$0x1F5D0]  }
0x5a0: {  	v8 =	vld.idx.msk [tilespmem:v8+s26+$0x0], $0xffff;
	v5 =	vor.u32 v57, v15;
	v14 =	vor.u32 v61, v62  }
0x5a1: {  	v11 =	vld.idx.msk [tilespmem:v11+s26+$0x0], $0xffff  }
0x5a2: {  	v1 =	vld.idx.msk [tilespmem:v1+s26+$0x0], $0xffff;
	v16 =	vor.u32 v35, v22;
	v4 =	vor.u32 v54, v15  }
0x5a3: {  	v21 =	vld.idx.msk [tilespmem:v9+s26+$0x0], $0xffff;
	v17 =	vor.u32 v25, v62  }
0x5a4: {  	v37 =	vld [tilespmem:$0x1F9D0];
	v2 =	vor.u32 v55, v15  }
0x5a5: {  	v5 =	vld.idx.msk [tilespmem:v5+s26+$0x0], $0xffff;
	[tilespmem:v14+s2+$0x0] =	vst.idx.msk $0xffff, v0  }
0x5a6: {  	v12 =	vor.u32 v43, v53;
	v28 =	vld [tilespmem:$0x1F590]  }
0x5a7: {  	[tilespmem:v16+s2+$0x0] =	vst.idx.msk $0xffff, v8;
	v16 =	vld.idx.msk [tilespmem:v4+s26+$0x0], $0xffff  }
0x5a8: {  	v18 =	vor.u32 v48, v22;
	v38 =	vld [tilespmem:$0x1F9E0];
	[tilespmem:v17+s2+$0x0] =	vst.idx.msk $0xffff, v7  }
0x5a9: {  	v2 =	vld.idx.msk [tilespmem:v2+s26+$0x0], $0xffff  }
0x5aa: {  	v19 =	vor.u32 v37, v62  }
0x5ab: {  	v12 =	vld.idx.msk [tilespmem:v12+s26+$0x0], $0xffff;
	v0 =	vor.u32 v28, v15  }
0x5ac: {  	v46 =	vld [tilespmem:$0x1F5A0]  }
0x5ad: {  	v59 =	vld [tilespmem:$0x1F9F0];
	[tilespmem:v18+s2+$0x0] =	vst.idx.msk $0xffff, v11  }
0x5ae: {  	v50 =	vld [tilespmem:$0x1F580];
	[tilespmem:$0x1F1E0] =	vst v2  }
0x5af: {  	v20 =	vor.u32 v42, v22;
	v6 =	vor.u32 v40, v53;
	v60 =	vld [tilespmem:$0x1F5E0];
	[tilespmem:v19+s2+$0x0] =	vst.idx.msk $0xffff, v10  }
0x5b0: {  	v0 =	vld.idx.msk [tilespmem:v0+s26+$0x0], $0xffff  }
0x5b1: {  	v4 =	vor.u32 v38, v62  }
0x5b2: {  	v14 =	vor.u32 v51, v53;
	v8 =	vor.u32 v56, v22;
	_ =	sdelay $0x1  }
0x5b3: {  	v58 =	vld.idx.msk [tilespmem:v6+s26+$0x0], $0xffff;
	[tilespmem:v20+s2+$0x0] =	vst.idx.msk $0xffff, v1  }
0x5b4: {  	[tilespmem:$0x1F1F0] =	vst v0  }
0x5b5: {  	v24 =	vld [tilespmem:$0x1F460];
	[tilespmem:v4+s2+$0x0] =	vst.idx.msk $0xffff, v13  }
0x5b6: {  	v14 =	vld.idx.msk [tilespmem:v14+s26+$0x0], $0xffff;
	[tilespmem:v8+s2+$0x0] =	vst.idx.msk $0xffff, v3  }
0x5b7: {  	v7 =	vor.u32 v46, v15;
	v34 =	vld [tilespmem:$0x1F370]  }
0x5b8: {  	v23 =	vor.u32 v57, v53;
	v17 =	vor.u32 v59, v62  }
0x5b9: {  	v10 =	vor.u32 v61, v22;
	_ =	sdelay $0x2  }
0x5ba: {  	v1 =	vor.u32 v63, v24;
	v11 =	vld.idx.msk [tilespmem:v7+s26+$0x0], $0xffff;
	v3 =	vshll.u32 v34, $0x6  }
0x5bb: {  	v8 =	vld.idx.msk [tilespmem:v23+s26+$0x0], $0xffff;
	[tilespmem:v17+s2+$0x0] =	vst.idx.msk $0xffff, v5;
	v20 =	vor.u32 v31, v3  }
0x5bc: {  	v4 =	vld [tilespmem:$0x1F360];
	[tilespmem:v10+s2+$0x0] =	vst.idx.msk $0xffff, v21  }
0x5bd: {  	v0 =	vor.u32 v31, v24;
	v45 =	vld [tilespmem:$0x1FA00]  }
0x5be: {  	v19 =	vor.u32 v26, v24  }
0x5bf: {  	v2 =	vor.u32 v60, v15;
	v27 =	vld.idx.msk [tilespmem:v1+s26+$0x0], $0xffff  }
0x5c0: {  	v7 =	vor.u32 v30, v24;
	v1 =	vld.idx.msk [tilespmem:v20+s26+$0x0], $0xffff  }
0x5c1: {  	v23 =	vor.u32 v26, v3;
	v26 =	vor.u32 v32, v3  }
0x5c2: {  	v30 =	vor.u32 v30, v3;
	v31 =	vor.u32 v32, v24;
	v32 =	vld.idx.msk [tilespmem:v0+s26+$0x0], $0xffff;
	v10 =	vor.u32 v45, v62  }
0x5c3: {  	v0 =	vld.idx.msk [tilespmem:v19+s26+$0x0], $0xffff;
	v19 =	vor.u32 v54, v53  }
0x5c4: {  	v13 =	vld.idx.msk [tilespmem:v2+s26+$0x0], $0xffff;
	v4 =	vand.u32 $0x78, v4  }
0x5c5: {  	v5 =	vand.u32 $0x68, v34;
	v21 =	vld.idx.msk [tilespmem:v7+s26+$0x0], $0xffff;
	v33 =	vor.u32 v63, v3;
	v34 =	vor.u32 v35, v4;
	[tilespmem:$0x1F200] =	vst v1  }
0x5c6: {  	v18 =	vor.u32 v25, v22;
	v36 =	vor.u32 v43, v3;
	v43 =	vor.u32 v43, v24;
	v23 =	vld.idx.msk [tilespmem:v23+s26+$0x0], $0xffff  }
0x5c7: {  	v35 =	vor.u32 v35, v5;
	v1 =	vor.u32 v56, v5;
	v30 =	vld.idx.msk [tilespmem:v30+s26+$0x0], $0xffff;
	[tilespmem:v10+s2+$0x0] =	vst.idx.msk $0xffff, v16  }
0x5c8: {  	v20 =	vld.idx.msk [tilespmem:v19+s26+$0x0], $0xffff;
	[tilespmem:$0x1F210] =	vst v1  }
0x5c9: {  	v49 =	vor.u32 v55, v53;
	v6 =	vor.u32 v48, v5;
	v48 =	vor.u32 v48, v4;
	v31 =	vld.idx.msk [tilespmem:v31+s26+$0x0], $0xffff  }
0x5ca: {  	[tilespmem:v34+s2+$0x0] =	vst.idx.msk $0xffff, v0;
	v34 =	vld.idx.msk [tilespmem:v33+s26+$0x0], $0xffff  }
0x5cb: {  	v29 =	vor.u32 v37, v22;
	v19 =	vld.idx.msk [tilespmem:v26+s26+$0x0], $0xffff;
	[tilespmem:v18+s2+$0x0] =	vst.idx.msk $0xffff, v12  }
0x5cc: {  	v9 =	vor.u32 v50, v53;
	v39 =	vor.u32 v40, v24;
	v43 =	vld.idx.msk [tilespmem:v43+s26+$0x0], $0xffff;
	[tilespmem:v35+s2+$0x0] =	vst.idx.msk $0xffff, v23  }
0x5cd: {  	v2 =	vor.u32 v50, v3;
	v41 =	vor.u32 v42, v4;
	v33 =	vor.u32 v50, v15;
	v50 =	vld [tilespmem:$0x1FA10]  }
0x5ce: {  	[tilespmem:v48+s2+$0x0] =	vst.idx.msk $0xffff, v21;
	v21 =	vld.idx.msk [tilespmem:v49+s26+$0x0], $0xffff  }
0x5cf: {  	v12 =	vld [tilespmem:$0x1FA60]  }
0x5d0: {  	v1 =	vld [tilespmem:$0x1F620]  }
0x5d1: {  	v47 =	vor.u32 v56, v4;
	[tilespmem:v29+s2+$0x0] =	vst.idx.msk $0xffff, v58;
	v56 =	vld.idx.msk [tilespmem:v39+s26+$0x0], $0xffff  }
0x5d2: {  	v58 =	vld [tilespmem:$0x1FA20];
	[tilespmem:v41+s2+$0x0] =	vst.idx.msk $0xffff, v27  }
0x5d3: {  	v10 =	vld.idx.msk [tilespmem:v36+s26+$0x0], $0xffff;
	[tilespmem:v6+s2+$0x0] =	vst.idx.msk $0xffff, v30  }
0x5d4: {  	v44 =	vor.u32 v51, v3;
	v51 =	vor.u32 v51, v24;
	v6 =	vld [tilespmem:$0x1F1E0];
	v35 =	vor.u32 v50, v62;
	_ =	sdelay $0x3  }
0x5d5: {  	v27 =	vld.idx.msk [tilespmem:v33+s26+$0x0], $0xffff  }
0x5d6: {  	v0 =	vor.u32 v57, v3;
	v36 =	vor.u32 v57, v24;
	v57 =	vld.idx.msk [tilespmem:v51+s26+$0x0], $0xffff;
	[tilespmem:v35+s2+$0x0] =	vst.idx.msk $0xffff, v6  }
0x5d7: {  	v7 =	vor.u32 v25, v5;
	v23 =	vor.u32 v28, v53;
	v6 =	vld [tilespmem:$0x1FA50];
	[tilespmem:v47+s2+$0x0] =	vst.idx.msk $0xffff, v32  }
0x5d8: {  	v39 =	vor.u32 v25, v4;
	v49 =	vor.u32 v1, v15;
	v29 =	vor.u32 v58, v62;
	v25 =	vld [tilespmem:$0x1F1F0]  }
0x5d9: {  	v17 =	vor.u32 v38, v22  }
0x5da: {  	v33 =	vor.u32 v61, v4  }
0x5db: {  	v40 =	vor.u32 v40, v3;
	v42 =	vor.u32 v42, v5  }
0x5dc: {  	v23 =	vld.idx.msk [tilespmem:v23+s26+$0x0], $0xffff  }
0x5dd: {  	v47 =	vor.u32 v54, v24;
	v49 =	vld.idx.msk [tilespmem:v49+s26+$0x0], $0xffff;
	[tilespmem:v29+s2+$0x0] =	vst.idx.msk $0xffff, v25  }
0x5de: {  	v29 =	vld [tilespmem:$0x1FA40];
	[tilespmem:v17+s2+$0x0] =	vst.idx.msk $0xffff, v14  }
0x5df: {  	v16 =	vor.u32 v61, v5;
	v61 =	vor.u32 v60, v53;
	v60 =	vld.idx.msk [tilespmem:v36+s26+$0x0], $0xffff;
	[tilespmem:v33+s2+$0x0] =	vst.idx.msk $0xffff, v31  }
0x5e0: {  	v17 =	vld.idx.msk [tilespmem:v40+s26+$0x0], $0xffff;
	[tilespmem:v42+s2+$0x0] =	vst.idx.msk $0xffff, v34  }
0x5e1: {  	v14 =	vld [tilespmem:$0x1FA30]  }
0x5e2: {  	v52 =	vor.u32 v59, v4;
	v47 =	vld.idx.msk [tilespmem:v47+s26+$0x0], $0xffff;
	[tilespmem:v39+s2+$0x0] =	vst.idx.msk $0xffff, v43  }
0x5e3: {  	v41 =	vmovc v28;
	v54 =	vor.u32 v59, v22;
	v28 =	vor.u32 v29, v22;
	v59 =	vor.u32 v29, v62;
	v29 =	vld [tilespmem:$0x1F210];
	_ =	sdelay $0x1  }
0x5e4: {  	v26 =	vor.u32 v37, v5  }
0x5e5: {  	v15 =	vor.u32 v46, v53;
	v30 =	vor.u32 v6, v62;
	v25 =	vor.u32 v6, v22;
	v6 =	vld [tilespmem:$0x1F200]  }
0x5e6: {  	v48 =	vor.u32 v38, v5;
	v18 =	vor.u32 v12, v62;
	v12 =	vor.u32 v12, v22  }
0x5e7: {  	v1 =	vor.u32 v1, v53;
	v35 =	vor.u32 v55, v24;
	v55 =	vor.u32 v41, v24  }
0x5e8: {  	v36 =	vor.u32 v45, v22;
	v33 =	vor.u32 v37, v4;
	v34 =	vor.u32 v38, v4  }
0x5e9: {  	v31 =	vor.u32 v50, v22;
	v53 =	vor.u32 v14, v22;
	v32 =	vor.u32 v14, v62;
	v14 =	vld.idx.msk [tilespmem:v44+s26+$0x0], $0xffff  }
0x5ea: {  	s0 =	simm.s32 $0x2;
	s5 =	simm.s32 $0x50;
	v44 =	vmov v58;
	v62 =	vor.u32 v46, v24;
	v58 =	vld.idx.msk [tilespmem:v15+s26+$0x0], $0xffff;
	[tilespmem:v29+s2+$0x0] =	vst.idx.msk $0xffff, v6  }
.LBB2_13:
0x5eb: {  	_ =	sdelay $0x1  }
0x5ec: {  	v6 =	vld.idx.msk [tilespmem:v35+s26+$0x0], $0xffff  }
0x5ed: {  	v15 =	vld [tilespmem:$0x1F5E0]  }
0x5ee: {  	[tilespmem:v54+s2+$0x0] =	vst.idx.msk $0xffff, v8;
	v54 =	vmov v3;
	v3 =	vmov v48;
	v48 =	vld [tilespmem:$0x1F640]  }
0x5ef: {  	v42 =	vld [tilespmem:$0x1FEA0]  }
0x5f0: {  	v43 =	vld [tilespmem:$0x1FEF0]  }
0x5f1: {  	v50 =	vld [tilespmem:$0x1F630]  }
0x5f2: {  	v46 =	vld [tilespmem:$0x1F580]  }
0x5f3: {  	v39 =	vmov v26;
	[tilespmem:v33+s2+$0x0] =	vst.idx.msk $0xffff, v56;
	v26 =	vld.idx.msk [tilespmem:v61+s26+$0x0], $0xffff  }
0x5f4: {  	v55 =	vld.idx.msk [tilespmem:v55+s26+$0x0], $0xffff  }
0x5f5: {  	v8 =	vld.idx.msk [tilespmem:v0+s26+$0x0], $0xffff;
	[tilespmem:v34+s2+$0x0] =	vst.idx.msk $0xffff, v57  }
0x5f6: {  	[tilespmem:v36+s2+$0x0] =	vst.idx.msk $0xffff, v20;
	v57 =	vld [tilespmem:$0x1F980]  }
0x5f7: {  	s22 =	sadd.s32 $0xFFFFFFF0, s5;
	v40 =	vlaneseq.u32;
	v38 =	vmov v22;
	v9 =	vld.idx.msk [tilespmem:v9+s26+$0x0], $0xffff;
	[tilespmem:v16+s2+$0x0] =	vst.idx.msk $0xffff, v19  }
0x5f8: {  	v22 =	vmovc v5;
	v37 =	vor.u32 s5, v40;
	v5 =	vor.u32 s22, v40;
	v61 =	vld [tilespmem:$0x1F5C0];
	[tilespmem:v31+s2+$0x0] =	vst.idx.msk $0xffff, v21;
	v35 =	vor.u32 v15, v24  }
0x5f9: {  	[tilespmem:$0x1F1D0] =	vst v3;
	v51 =	vshll.u32 v37, $0x6;
	v3 =	vshll.u32 v5, $0x6;
	v1 =	vld.idx.msk [tilespmem:v1+s26+$0x0], $0xffff  }
0x5fa: {  	v33 =	vor.u32 v63, v51;
	v40 =	vor.u32 v42, v3;
	v0 =	vor.u32 v42, v51;
	v42 =	vld.idx.msk [tilespmem:v62+s26+$0x0], $0xffff  }
0x5fb: {  	v41 =	vor.u32 v43, v51;
	[tilespmem:v52+s2+$0x0] =	vst.idx.msk $0xffff, v60;
	v60 =	vld [tilespmem:$0x1F9F0]  }
0x5fc: {  	v34 =	vor.u32 v50, v3;
	v20 =	vor.u32 v43, v3;
	v43 =	vor.u32 v50, v51;
	v50 =	vld [tilespmem:$0x1F9E0]  }
0x5fd: {  	v29 =	vmov v4;
	v4 =	vand.u32 $0x78, v37;
	v37 =	vor.u32 v48, v51;
	v35 =	vld.idx.msk [tilespmem:v35+s26+$0x0], $0xffff  }
0x5fe: {  	[tilespmem:v32+s2+$0x0] =	vst.idx.msk $0xffff, v11;
	v11 =	vor.u32 v63, v3;
	v63 =	vld [tilespmem:$0x1F970]  }
0x5ff: {  	v32 =	vld.idx.msk [tilespmem:v33+s26+$0x0], $0xffff  }
0x600: {  	v16 =	vor.u32 v45, v29;
	[tilespmem:v59+s2+$0x0] =	vst.idx.msk $0xffff, v13;
	v13 =	vor.u32 v48, v3;
	v48 =	vld [tilespmem:$0x1F610]  }
0x601: {  	v33 =	vor.u32 v44, v38;
	v59 =	vld [tilespmem:$0x1F5B0]  }
0x602: {  	v37 =	vld.idx.msk [tilespmem:v37+s26+$0x0], $0xffff;
	[tilespmem:v30+s2+$0x0] =	vst.idx.msk $0xffff, v27  }
0x603: {  	v19 =	vld.idx.msk [tilespmem:v0+s26+$0x0], $0xffff  }
0x604: {  	v0 =	vld [tilespmem:$0x1F600];
	[tilespmem:v18+s2+$0x0] =	vst.idx.msk $0xffff, v49  }
0x605: {  	v21 =	vld.idx.msk [tilespmem:v41+s26+$0x0], $0xffff;
	[tilespmem:v16+s2+$0x0] =	vst.idx.msk $0xffff, v47  }
0x606: {  	v5 =	vand.u32 $0x68, v5;
	v43 =	vld.idx.msk [tilespmem:v43+s26+$0x0], $0xffff;
	[tilespmem:v33+s2+$0x0] =	vst.idx.msk $0xffff, v23  }
0x607: {  	v38 =	vor.u32 v63, v4;
	v44 =	vor.u32 v63, v5;
	v63 =	vld.idx.msk [tilespmem:v13+s26+$0x0], $0xffff  }
0x608: {  	v13 =	vld [tilespmem:$0x1F9A0]  }
0x609: {  	[tilespmem:v53+s2+$0x0] =	vst.idx.msk $0xffff, v58;
	v53 =	vld [tilespmem:$0x1F5D0]  }
0x60a: {  	v30 =	vor.u32 v59, v54;
	v56 =	vor.u32 v0, v51;
	v62 =	vor.u32 v0, v3;
	v0 =	vld [tilespmem:$0x1F990]  }
0x60b: {  	v18 =	vor.u32 v48, v51;
	v23 =	vld.idx.msk [tilespmem:v40+s26+$0x0], $0xffff;
	[tilespmem:v28+s2+$0x0] =	vst.idx.msk $0xffff, v26  }
0x60c: {  	v28 =	vld.idx.msk [tilespmem:v20+s26+$0x0], $0xffff  }
0x60d: {  	v31 =	vor.u32 v57, v5;
	[tilespmem:v25+s2+$0x0] =	vst.idx.msk $0xffff, v9;
	v25 =	vor.u32 v57, v4;
	v57 =	vld [tilespmem:$0x1F9B0]  }
0x60e: {  	v9 =	vmov v2;
	v2 =	vld [tilespmem:$0x1F9C0]  }
0x60f: {  	v36 =	vor.u32 v46, v3;
	[tilespmem:v38+s2+$0x0] =	vst.idx.msk $0xffff, v19;
	v20 =	vld.idx.msk [tilespmem:v30+s26+$0x0], $0xffff  }
0x610: {  	[tilespmem:$0x1F1C0] =	vst v6;
	v6 =	vmov v36;
	v36 =	vld.idx.msk [tilespmem:v18+s26+$0x0], $0xffff  }
0x611: {  	[tilespmem:v12+s2+$0x0] =	vst.idx.msk $0xffff, v1;
	v1 =	vld [tilespmem:$0x1F590]  }
0x612: {  	v27 =	vor.u32 v48, v3;
	v47 =	vld.idx.msk [tilespmem:v11+s26+$0x0], $0xffff  }
0x613: {  	v19 =	vld.idx.msk [tilespmem:v34+s26+$0x0], $0xffff  }
0x614: {  	v30 =	vor.u32 v53, v54;
	v11 =	vmov v42;
	v42 =	vld [tilespmem:$0x1FA10]  }
0x615: {  	[tilespmem:v7+s2+$0x0] =	vst.idx.msk $0xffff, v10;
	v41 =	vor.u32 v0, v4;
	v45 =	vor.u32 v0, v5;
	v0 =	vld [tilespmem:$0x1F5F0]  }
0x616: {  	[tilespmem:v44+s2+$0x0] =	vst.idx.msk $0xffff, v23;
	v44 =	vld [tilespmem:$0x1FA20]  }
0x617: {  	v10 =	vld.idx.msk [tilespmem:v27+s26+$0x0], $0xffff  }
0x618: {  	v34 =	vor.u32 v46, v24;
	v23 =	vor.u32 v1, v54;
	v1 =	vld [tilespmem:$0x1FA60]  }
0x619: {  	[tilespmem:v25+s2+$0x0] =	vst.idx.msk $0xffff, v21;
	v21 =	vld.idx.msk [tilespmem:v30+s26+$0x0], $0xffff  }
0x61a: {  	[tilespmem:v39+s2+$0x0] =	vst.idx.msk $0xffff, v17;
	v17 =	vld [tilespmem:$0x1FA50];
	v49 =	vor.u32 v0, v51  }
0x61b: {  	v25 =	vor.u32 v42, v29;
	[tilespmem:v31+s2+$0x0] =	vst.idx.msk $0xffff, v28;
	v28 =	vld [tilespmem:$0x1F1C0]  }
0x61c: {  	v56 =	vld.idx.msk [tilespmem:v56+s26+$0x0], $0xffff;
	[tilespmem:v41+s2+$0x0] =	vst.idx.msk $0xffff, v32  }
0x61d: {  	v27 =	vld.idx.msk [tilespmem:v34+s26+$0x0], $0xffff  }
0x61e: {  	v38 =	vor.u32 v61, v51;
	v18 =	vor.u32 v1, v29;
	v12 =	vor.u32 v1, v22;
	v1 =	vld [tilespmem:$0x1F620]  }
0x61f: {  	v33 =	vor.u32 v13, v4;
	v16 =	vor.u32 v57, v5;
	v31 =	vor.u32 v57, v4;
	v57 =	vld.idx.msk [tilespmem:v49+s26+$0x0], $0xffff  }
0x620: {  	v30 =	vor.u32 v17, v29;
	[tilespmem:v25+s2+$0x0] =	vst.idx.msk $0xffff, v28;
	v25 =	vor.u32 v17, v22;
	v17 =	vld [tilespmem:$0x1F1D0]  }
0x621: {  	v40 =	vor.u32 v0, v3;
	v0 =	vor.u32 v61, v3;
	v61 =	vor.u32 v15, v54;
	v15 =	vld [tilespmem:$0x1F5A0]  }
0x622: {  	v46 =	vld [tilespmem:$0x1F9D0]  }
0x623: {  	v7 =	vor.u32 v2, v5;
	v41 =	vor.u32 v2, v4;
	v2 =	vmovc v6;
	v6 =	vld [tilespmem:$0x1FA40];
	v24 =	vor.u32 v1, v24  }
0x624: {  	v58 =	vor.u32 v13, v5;
	v13 =	vmov v35;
	v35 =	vor.u32 v44, v29;
	v23 =	vld.idx.msk [tilespmem:v23+s26+$0x0], $0xffff  }
0x625: {  	v52 =	vor.u32 v60, v4;
	[tilespmem:v33+s2+$0x0] =	vst.idx.msk $0xffff, v37;
	v37 =	vld [tilespmem:$0x1FA30]  }
0x626: {  	v39 =	vor.u32 v15, v54;
	v1 =	vor.u32 v1, v54;
	v54 =	vor.u32 v60, v22;
	v60 =	vld.idx.msk [tilespmem:v38+s26+$0x0], $0xffff  }
0x627: {  	v32 =	vor.u32 v59, v51;
	v38 =	vld [tilespmem:$0x1F590]  }
0x628: {  	v49 =	vld.idx.msk [tilespmem:v24+s26+$0x0], $0xffff;
	[tilespmem:v17+s2+$0x0] =	vst.idx.msk $0xffff, v14  }
0x629: {  	s0 =	sadd.s32 $0x2, s0;
	[tilespmem:v35+s2+$0x0] =	vst.idx.msk $0xffff, v55;
	v17 =	vld.idx.msk [tilespmem:v62+s26+$0x0], $0xffff  }
0x62a: {  	p1 =	slt.u32 s0, $0x6;
	v48 =	vor.u32 v50, v5;
	v26 =	vor.u32 v46, v5;
	[tilespmem:v45+s2+$0x0] =	vst.idx.msk $0xffff, v47;
	v45 =	vld [tilespmem:$0x1FA00]  }
.Ltmp5:
0x62b: {  	v34 =	vor.u32 v50, v4;
	v28 =	vor.u32 v6, v22;
	[tilespmem:v31+s2+$0x0] =	vst.idx.msk $0xffff, v43;
	(pc) =	sbr.rel @p1 .LBB2_13-.Ltmp5, $4  }
0x62c: {  	v59 =	vor.u32 v6, v29;
	v33 =	vor.u32 v46, v4;
	v24 =	vmov v51;
	v47 =	vld.idx.msk [tilespmem:v32+s26+$0x0], $0xffff  }
0x62d: {  	v35 =	vor.u32 v53, v51;
	v53 =	vor.u32 v37, v22;
	v55 =	vor.u32 v38, v24;
	v14 =	vld.idx.msk [tilespmem:v40+s26+$0x0], $0xffff  }
0x62e: {  	v31 =	vor.u32 v42, v22;
	v62 =	vor.u32 v15, v24;
	[tilespmem:v58+s2+$0x0] =	vst.idx.msk $0xffff, v63;
	v63 =	vld [tilespmem:$0x1F650]  }
0x62f: {  	s5 =	sadd.s32 $0x20, s5;
	v32 =	vor.u32 v37, v29;
	[tilespmem:v41+s2+$0x0] =	vst.idx.msk $0xffff, v36;
	v58 =	vld.idx.msk [tilespmem:v39+s26+$0x0], $0xffff;
	v36 =	vor.u32 v45, v22  }
0x630: {  	_ =	sdelay $0x3  }
0x631: {  	v29 =	vld.idx.msk [tilespmem:v35+s26+$0x0], $0xffff;
	[tilespmem:v33+s2+$0x0] =	vst.idx.msk $0xffff, v56  }
0x632: {  	[tilespmem:v54+s2+$0x0] =	vst.idx.msk $0xffff, v8  }
0x633: {  	[tilespmem:v32+s2+$0x0] =	vst.idx.msk $0xffff, v11  }
0x634: {  	v0 =	vld.idx.msk [tilespmem:v0+s26+$0x0], $0xffff;
	[tilespmem:v16+s2+$0x0] =	vst.idx.msk $0xffff, v19  }
0x635: {  	v8 =	vld.idx.msk [tilespmem:v55+s26+$0x0], $0xffff;
	[tilespmem:v34+s2+$0x0] =	vst.idx.msk $0xffff, v57  }
0x636: {  	v41 =	vld.idx.msk [tilespmem:v61+s26+$0x0], $0xffff;
	[tilespmem:v36+s2+$0x0] =	vst.idx.msk $0xffff, v20  }
0x637: {  	[tilespmem:v59+s2+$0x0] =	vst.idx.msk $0xffff, v13  }
0x638: {  	v34 =	vld.idx.msk [tilespmem:v62+s26+$0x0], $0xffff;
	[tilespmem:v52+s2+$0x0] =	vst.idx.msk $0xffff, v60  }
0x639: {  	[tilespmem:v30+s2+$0x0] =	vst.idx.msk $0xffff, v27  }
0x63a: {  	v11 =	vld [tilespmem:$0x1F5B0]  }
0x63b: {  	v9 =	vld.idx.msk [tilespmem:v9+s26+$0x0], $0xffff;
	[tilespmem:v31+s2+$0x0] =	vst.idx.msk $0xffff, v21  }
0x63c: {  	v6 =	vor.u32 v44, v22;
	v15 =	vld [tilespmem:$0x1F5E0];
	_ =	sdelay $0x2  }
0x63d: {  	v11 =	vor.u32 v11, v3  }
0x63e: {  	[tilespmem:v18+s2+$0x0] =	vst.idx.msk $0xffff, v49  }
0x63f: {  	v1 =	vld.idx.msk [tilespmem:v1+s26+$0x0], $0xffff;
	[tilespmem:v6+s2+$0x0] =	vst.idx.msk $0xffff, v23;
	v13 =	vor.u32 v15, v24  }
0x640: {  	v16 =	vor.u32 v45, v4;
	v6 =	vld [tilespmem:$0x1F5D0];
	[tilespmem:v53+s2+$0x0] =	vst.idx.msk $0xffff, v58  }
0x641: {  	[tilespmem:v28+s2+$0x0] =	vst.idx.msk $0xffff, v41  }
0x642: {  	[tilespmem:v25+s2+$0x0] =	vst.idx.msk $0xffff, v9;
	v9 =	vld.idx.msk [tilespmem:v11+s26+$0x0], $0xffff  }
0x643: {  	v11 =	vld [tilespmem:$0x1F580]  }
0x644: {  	[tilespmem:v7+s2+$0x0] =	vst.idx.msk $0xffff, v10;
	v13 =	vld.idx.msk [tilespmem:v13+s26+$0x0], $0xffff  }
0x645: {  	v10 =	vld [tilespmem:$0x1F5A0];
	[tilespmem:v16+s2+$0x0] =	vst.idx.msk $0xffff, v47  }
0x646: {  	v6 =	vor.u32 v6, v3;
	v21 =	vld [tilespmem:$0x1F620]  }
0x647: {  	v18 =	vor.u32 v38, v3;
	v19 =	vld [tilespmem:$0x1F9F0]  }
0x648: {  	v7 =	vor.u32 v42, v4;
	v11 =	vor.u32 v11, v24;
	_ =	sdelay $0x1  }
0x649: {  	[tilespmem:v12+s2+$0x0] =	vst.idx.msk $0xffff, v1;
	v10 =	vor.u32 v10, v3  }
0x64a: {  	v6 =	vld.idx.msk [tilespmem:v6+s26+$0x0], $0xffff;
	[tilespmem:v26+s2+$0x0] =	vst.idx.msk $0xffff, v17  }
0x64b: {  	v1 =	vld.idx.msk [tilespmem:v18+s26+$0x0], $0xffff;
	[tilespmem:v48+s2+$0x0] =	vst.idx.msk $0xffff, v14;
	v16 =	vor.u32 v21, v24;
	v19 =	vor.u32 v19, v5  }
0x64c: {  	v20 =	vor.u32 v44, v4;
	v17 =	vor.u32 v15, v3;
	v11 =	vld.idx.msk [tilespmem:v11+s26+$0x0], $0xffff;
	[tilespmem:v7+s2+$0x0] =	vst.idx.msk $0xffff, v29  }
0x64d: {  	v22 =	vld [tilespmem:$0x1FA40]  }
0x64e: {  	v10 =	vld.idx.msk [tilespmem:v10+s26+$0x0], $0xffff  }
0x64f: {  	v15 =	vld [tilespmem:$0x1FA50]  }
0x650: {  	v16 =	vld.idx.msk [tilespmem:v16+s26+$0x0], $0xffff;
	[tilespmem:v19+s2+$0x0] =	vst.idx.msk $0xffff, v0  }
0x651: {  	v12 =	vor.u32 v45, v5;
	[tilespmem:v20+s2+$0x0] =	vst.idx.msk $0xffff, v8;
	v8 =	vld.idx.msk [tilespmem:v17+s26+$0x0], $0xffff  }
0x652: {  	v14 =	vor.u32 v37, v4;
	v17 =	vld [tilespmem:$0x1FA60]  }
0x653: {  	v0 =	vor.u32 v42, v5  }
0x654: {  	v7 =	vor.u32 v22, v4  }
0x655: {  	v18 =	vor.u32 v15, v4  }
0x656: {  	v3 =	vor.u32 v21, v3;
	[tilespmem:v12+s2+$0x0] =	vst.idx.msk $0xffff, v9;
	v9 =	vor.u32 v44, v5  }
0x657: {  	[tilespmem:v14+s2+$0x0] =	vst.idx.msk $0xffff, v34;
	v4 =	vor.u32 v17, v4  }
0x658: {  	v12 =	vor.u32 v37, v5;
	v2 =	vld.idx.msk [tilespmem:v2+s26+$0x0], $0xffff;
	[tilespmem:v0+s2+$0x0] =	vst.idx.msk $0xffff, v6  }
0x659: {  	[tilespmem:v7+s2+$0x0] =	vst.idx.msk $0xffff, v13;
	v7 =	vor.u32 v22, v5  }
0x65a: {  	[tilespmem:v18+s2+$0x0] =	vst.idx.msk $0xffff, v11;
	v11 =	vor.u32 v15, v5  }
0x65b: {  	v3 =	vld.idx.msk [tilespmem:v3+s26+$0x0], $0xffff;
	[tilespmem:v9+s2+$0x0] =	vst.idx.msk $0xffff, v1;
	v5 =	vor.u32 v17, v5  }
0x65c: {  	[tilespmem:v4+s2+$0x0] =	vst.idx.msk $0xffff, v16  }
0x65d: {  	v26 =	vld [tilespmem:$0x1F570];
	[tilespmem:v12+s2+$0x0] =	vst.idx.msk $0xffff, v10  }
0x65e: {  	v30 =	vld [tilespmem:$0x1F550];
	[tilespmem:v7+s2+$0x0] =	vst.idx.msk $0xffff, v8  }
0x65f: {  	s0 =	simm.s32 $0x10;
	v15 =	vlaneseq.u32;
	v28 =	vld [tilespmem:$0x1F560];
	[tilespmem:v11+s2+$0x0] =	vst.idx.msk $0xffff, v2  }
0x660: {  	v0 =	vor.u32 s0, v15;
	v29 =	vld [tilespmem:$0x1F540];
	[tilespmem:v5+s2+$0x0] =	vst.idx.msk $0xffff, v3  }
0x661: {  	v33 =	vshll.u32 v0, $0x6;
	v43 =	vld [tilespmem:$0x1F520]  }
0x662: {  	v1 =	vor.u32 v26, v33;
	v38 =	vld [tilespmem:$0x1FFE0]  }
0x663: {  	v48 =	vld [tilespmem:$0x1F4E0]  }
0x664: {  	v49 =	vld [tilespmem:$0x1FA80];
	v6 =	vor.u32 v28, v33  }
0x665: {  	v46 =	vld [tilespmem:$0x1F4D0];
	v4 =	vor.u32 v30, v33  }
0x666: {  	v62 =	vand.u32 $0x78, v0;
	v50 =	vld [tilespmem:$0x1FA90];
	v7 =	vor.u32 v29, v33  }
0x667: {  	v0 =	vor.u32 v43, v33;
	v5 =	vor.u32 v38, v62;
	v1 =	vld.idx.msk [tilespmem:v1+s26+$0x0], $0xffff  }
0x668: {  	v53 =	vld [tilespmem:$0x1F4B0]  }
0x669: {  	v8 =	vor.u32 v48, v33;
	v10 =	vor.u32 v49, v62;
	v6 =	vld.idx.msk [tilespmem:v6+s26+$0x0], $0xffff  }
0x66a: {  	v4 =	vld.idx.msk [tilespmem:v4+s26+$0x0], $0xffff  }
0x66b: {  	v7 =	vld.idx.msk [tilespmem:v7+s26+$0x0], $0xffff  }
0x66c: {  	v11 =	vor.u32 v46, v33;
	v14 =	vld.idx.msk [tilespmem:v0+s26+$0x0], $0xffff;
	[tilespmem:v5+s2+$0x0] =	vst.idx.msk $0xffff, v1  }
0x66d: {  	s5 =	simm.s32 $0x0;
	v13 =	vor.u32 v50, v62;
	v54 =	vld [tilespmem:$0x1FAA0]  }
0x66e: {  	v2 =	vor.u32 s5, v15;
	v8 =	vld.idx.msk [tilespmem:v8+s26+$0x0], $0xffff;
	[tilespmem:v10+s2+$0x0] =	vst.idx.msk $0xffff, v6  }
0x66f: {  	v37 =	vshll.u32 v2, $0x6;
	v18 =	vld [tilespmem:$0x1F480]  }
0x670: {  	v9 =	vor.u32 v26, v37;
	v34 =	vld [tilespmem:$0x1FFF0]  }
0x671: {  	v12 =	vor.u32 v28, v37;
	v0 =	vand.u32 $0x68, v2;
	v2 =	vld.idx.msk [tilespmem:v11+s26+$0x0], $0xffff  }
0x672: {  	v3 =	vor.u32 v29, v37;
	v27 =	vld [tilespmem:$0x1FAB0];
	[tilespmem:v13+s2+$0x0] =	vst.idx.msk $0xffff, v4  }
0x673: {  	v52 =	vld [tilespmem:$0x1F4C0];
	_ =	sdelay $0x1  }
0x674: {  	v16 =	vor.u32 v53, v33;
	v9 =	vld.idx.msk [tilespmem:v9+s26+$0x0], $0xffff  }
0x675: {  	v12 =	vld.idx.msk [tilespmem:v12+s26+$0x0], $0xffff;
	v1 =	vor.u32 v30, v37  }
0x676: {  	v17 =	vor.u32 v43, v37;
	v3 =	vld.idx.msk [tilespmem:v3+s26+$0x0], $0xffff;
	v5 =	vor.u32 v54, v62  }
0x677: {  	v51 =	vld [tilespmem:$0x1F4F0];
	v6 =	vor.u32 v52, v37  }
0x678: {  	v25 =	vld [tilespmem:$0x1FAC0];
	[tilespmem:$0x1F0D0] =	vst v6  }
0x679: {  	v10 =	vor.u32 v18, v33;
	v11 =	vor.u32 v27, v62;
	v16 =	vld.idx.msk [tilespmem:v16+s26+$0x0], $0xffff  }
0x67a: {  	v19 =	vor.u32 v38, v0;
	v22 =	vld.idx.msk [tilespmem:v1+s26+$0x0], $0xffff  }
0x67b: {  	v13 =	vor.u32 v48, v37;
	[tilespmem:v5+s2+$0x0] =	vst.idx.msk $0xffff, v7;
	v17 =	vld.idx.msk [tilespmem:v17+s26+$0x0], $0xffff  }
0x67c: {  	v57 =	vld [tilespmem:$0x1F530]  }
0x67d: {  	v6 =	vld [tilespmem:$0x1FAD0]  }
0x67e: {  	v10 =	vld.idx.msk [tilespmem:v10+s26+$0x0], $0xffff;
	[tilespmem:v11+s2+$0x0] =	vst.idx.msk $0xffff, v14  }
0x67f: {  	v31 =	vld [tilespmem:$0x1F490];
	[tilespmem:v19+s2+$0x0] =	vst.idx.msk $0xffff, v9  }
0x680: {  	v4 =	vor.u32 v51, v33;
	v13 =	vld.idx.msk [tilespmem:v13+s26+$0x0], $0xffff  }
0x681: {  	v20 =	vor.u32 v25, v62  }
0x682: {  	v1 =	vor.u32 v57, v33;
	_ =	sdelay $0x2  }
0x683: {  	v19 =	vld.idx.msk [tilespmem:v4+s26+$0x0], $0xffff;
	[tilespmem:$0x1F120] =	vst v13  }
0x684: {  	v21 =	vor.u32 v49, v0;
	v36 =	vld [tilespmem:$0x1FAE0];
	[tilespmem:v20+s2+$0x0] =	vst.idx.msk $0xffff, v8  }
0x685: {  	v1 =	vld.idx.msk [tilespmem:v1+s26+$0x0], $0xffff  }
0x686: {  	v5 =	vor.u32 v46, v37;
	_ =	sdelay $0x2  }
0x687: {  	v61 =	vld [tilespmem:$0x1F4A0];
	[tilespmem:v21+s2+$0x0] =	vst.idx.msk $0xffff, v12  }
0x688: {  	[tilespmem:$0x1F160] =	vst v1  }
0x689: {  	v1 =	vld.idx.msk [tilespmem:v5+s26+$0x0], $0xffff  }
0x68a: {  	v59 =	vor.u32 v6, v62  }
0x68b: {  	v11 =	vor.u32 v31, v33;
	_ =	sdelay $0x2  }
0x68c: {  	[tilespmem:$0x1F140] =	vst v1  }
0x68d: {  	v7 =	vor.u32 v50, v0;
	v21 =	vld [tilespmem:$0x1F510];
	[tilespmem:v59+s2+$0x0] =	vst.idx.msk $0xffff, v2  }
0x68e: {  	v1 =	vld.idx.msk [tilespmem:v11+s26+$0x0], $0xffff  }
0x68f: {  	v24 =	vor.u32 v53, v37;
	_ =	sdelay $0x2  }
0x690: {  	[tilespmem:v7+s2+$0x0] =	vst.idx.msk $0xffff, v22  }
0x691: {  	[tilespmem:$0x1F170] =	vst v1  }
0x692: {  	v1 =	vld.idx.msk [tilespmem:v24+s26+$0x0], $0xffff  }
0x693: {  	v4 =	vor.u32 v36, v62  }
0x694: {  	v14 =	vor.u32 v54, v0  }
0x695: {  	s22 =	simm.s32 $0x30;
	v39 =	vor.u32 v34, v62;
	v8 =	vor.u32 v61, v33  }
0x696: {  	v9 =	vor.u32 v18, v37;
	v13 =	vor.u32 s22, v15  }
0x697: {  	s24 =	simm.s32 $0x20;
	v23 =	vshll.u32 v13, $0x6;
	v5 =	vor.u32 v21, v33;
	[tilespmem:$0x1F180] =	vst v1  }
0x698: {  	v15 =	vor.u32 s24, v15;
	v2 =	vor.u32 v30, v23;
	[tilespmem:v4+s2+$0x0] =	vst.idx.msk $0xffff, v16  }
0x699: {  	v22 =	vor.u32 v29, v23;
	[tilespmem:v14+s2+$0x0] =	vst.idx.msk $0xffff, v3;
	v3 =	vshll.u32 v15, $0x6  }
0x69a: {  	v20 =	vor.u32 v27, v0;
	v12 =	vld.idx.msk [tilespmem:v8+s26+$0x0], $0xffff;
	[tilespmem:v39+s2+$0x0] =	vst.idx.msk $0xffff, v10;
	v10 =	vor.u32 v29, v3  }
0x69b: {  	v4 =	vand.u32 $0x78, v13;
	v9 =	vld.idx.msk [tilespmem:v9+s26+$0x0], $0xffff;
	[tilespmem:$0x1F0E0] =	vst v13  }
0x69c: {  	v14 =	vor.u32 v26, v23;
	v8 =	vor.u32 v28, v23;
	v1 =	vor.u32 v34, v4;
	v13 =	vld.idx.msk [tilespmem:v5+s26+$0x0], $0xffff  }
0x69d: {  	v16 =	vor.u32 v26, v3;
	v26 =	vor.u32 v28, v3;
	v28 =	vld.idx.msk [tilespmem:v2+s26+$0x0], $0xffff;
	[tilespmem:$0x1F0F0] =	vst v1  }
0x69e: {  	v39 =	vld.idx.msk [tilespmem:v22+s26+$0x0], $0xffff;
	[tilespmem:$0x1F100] =	vst v15  }
0x69f: {  	[tilespmem:v20+s2+$0x0] =	vst.idx.msk $0xffff, v17;
	v1 =	vld.idx.msk [tilespmem:v10+s26+$0x0], $0xffff  }
0x6a0: {  	v63 =	vld [tilespmem:$0x1FAF0];
	_ =	sdelay $0x1  }
0x6a1: {  	v22 =	vor.u32 v30, v3;
	v30 =	vor.u32 v51, v37  }
0x6a2: {  	v29 =	vor.u32 v43, v23;
	v14 =	vld.idx.msk [tilespmem:v14+s26+$0x0], $0xffff  }
0x6a3: {  	v40 =	vor.u32 v38, v4;
	v41 =	vld.idx.msk [tilespmem:v8+s26+$0x0], $0xffff;
	[tilespmem:$0x1F1A0] =	vst v1  }
0x6a4: {  	v24 =	vor.u32 v43, v3;
	v5 =	vand.u32 $0x68, v15;
	v17 =	vor.u32 v63, v62;
	v10 =	vld.idx.msk [tilespmem:v16+s26+$0x0], $0xffff  }
0x6a5: {  	v47 =	vor.u32 v50, v4;
	v55 =	vor.u32 v50, v5;
	v50 =	vld.idx.msk [tilespmem:v26+s26+$0x0], $0xffff  }
0x6a6: {  	v42 =	vor.u32 v38, v5;
	v38 =	vld.idx.msk [tilespmem:v30+s26+$0x0], $0xffff  }
0x6a7: {  	v58 =	vld.idx.msk [tilespmem:v29+s26+$0x0], $0xffff  }
0x6a8: {  	v59 =	vld.idx.msk [tilespmem:v22+s26+$0x0], $0xffff;
	[tilespmem:v40+s2+$0x0] =	vst.idx.msk $0xffff, v14  }
0x6a9: {  	v1 =	vor.u32 v25, v5;
	[tilespmem:v17+s2+$0x0] =	vst.idx.msk $0xffff, v19;
	v19 =	vld.idx.msk [tilespmem:v24+s26+$0x0], $0xffff  }
0x6aa: {  	v60 =	vor.u32 v25, v0;
	[tilespmem:$0x1F110] =	vst v1;
	v1 =	vld [tilespmem:$0x1F120];
	_ =	sdelay $0x3  }
0x6ab: {  	v43 =	vor.u32 v48, v3;
	v48 =	vor.u32 v48, v23;
	[tilespmem:v42+s2+$0x0] =	vst.idx.msk $0xffff, v10  }
0x6ac: {  	v44 =	vor.u32 v49, v5;
	v49 =	vor.u32 v49, v4;
	[tilespmem:v60+s2+$0x0] =	vst.idx.msk $0xffff, v1  }
0x6ad: {  	v7 =	vld [tilespmem:$0x1FB50];
	_ =	sdelay $0x3  }
0x6ae: {  	v15 =	vld.idx.msk [tilespmem:v48+s26+$0x0], $0xffff;
	[tilespmem:v49+s2+$0x0] =	vst.idx.msk $0xffff, v41  }
0x6af: {  	v17 =	vor.u32 v7, v62;
	v10 =	vor.u32 v7, v0;
	v7 =	vld [tilespmem:$0x1FB10];
	_ =	sdelay $0x2  }
0x6b0: {  	v29 =	vor.u32 v57, v37  }
0x6b1: {  	v45 =	vor.u32 v46, v23  }
0x6b2: {  	v11 =	vor.u32 v6, v0;
	v48 =	vor.u32 v7, v62;
	v7 =	vld [tilespmem:$0x1F140]  }
0x6b3: {  	v60 =	vld [tilespmem:$0x1FB00]  }
0x6b4: {  	v8 =	vld [tilespmem:$0x1F500]  }
0x6b5: {  	v22 =	vld.idx.msk [tilespmem:v29+s26+$0x0], $0xffff;
	[tilespmem:$0x1F130] =	vst v33  }
0x6b6: {  	v56 =	vor.u32 v53, v3;
	v14 =	vor.u32 v52, v33;
	v49 =	vld.idx.msk [tilespmem:v45+s26+$0x0], $0xffff;
	[tilespmem:v47+s2+$0x0] =	vst.idx.msk $0xffff, v28  }
0x6b7: {  	v53 =	vor.u32 v53, v23;
	v35 =	vor.u32 v54, v5;
	[tilespmem:v11+s2+$0x0] =	vst.idx.msk $0xffff, v7;
	v11 =	vld.idx.msk [tilespmem:v43+s26+$0x0], $0xffff  }
0x6b8: {  	v54 =	vor.u32 v54, v4;
	v1 =	vor.u32 v31, v37;
	v7 =	vld [tilespmem:$0x1FB40];
	[tilespmem:v44+s2+$0x0] =	vst.idx.msk $0xffff, v50  }
0x6b9: {  	v41 =	vor.u32 v60, v62;
	v42 =	vor.u32 v8, v33;
	v24 =	vor.u32 v8, v37;
	v8 =	vld [tilespmem:$0x1F160];
	_ =	sdelay $0x1  }
0x6ba: {  	v29 =	vld.idx.msk [tilespmem:v14+s26+$0x0], $0xffff  }
0x6bb: {  	v50 =	vld.idx.msk [tilespmem:v53+s26+$0x0], $0xffff;
	[tilespmem:$0x1F150] =	vst v37  }
0x6bc: {  	[tilespmem:v54+s2+$0x0] =	vst.idx.msk $0xffff, v39  }
0x6bd: {  	v16 =	vor.u32 v27, v5;
	v14 =	vor.u32 v27, v4;
	v27 =	vld.idx.msk [tilespmem:v1+s26+$0x0], $0xffff;
	[tilespmem:v41+s2+$0x0] =	vst.idx.msk $0xffff, v8  }
0x6be: {  	v1 =	vld [tilespmem:$0x1F170];
	_ =	sdelay $0x3  }
0x6bf: {  	v42 =	vld.idx.msk [tilespmem:v42+s26+$0x0], $0xffff  }
0x6c0: {  	v45 =	vor.u32 v18, v23;
	v39 =	vld [tilespmem:$0x1FB30];
	[tilespmem:v48+s2+$0x0] =	vst.idx.msk $0xffff, v1  }
0x6c1: {  	v32 =	vor.u32 v36, v0;
	v46 =	vor.u32 v46, v3;
	v1 =	vld [tilespmem:$0x1F180];
	_ =	sdelay $0x1  }
0x6c2: {  	v33 =	vor.u32 v51, v23  }
0x6c3: {  	v2 =	vor.u32 v52, v3;
	v52 =	vor.u32 v21, v37;
	v21 =	vor.u32 v25, v4  }
0x6c4: {  	v54 =	vld.idx.msk [tilespmem:v45+s26+$0x0], $0xffff;
	[tilespmem:v14+s2+$0x0] =	vst.idx.msk $0xffff, v58  }
0x6c5: {  	v20 =	vor.u32 v18, v3;
	v18 =	vld.idx.msk [tilespmem:v46+s26+$0x0], $0xffff;
	[tilespmem:v32+s2+$0x0] =	vst.idx.msk $0xffff, v1  }
0x6c6: {  	v14 =	vld [tilespmem:$0x1FB20];
	[tilespmem:v55+s2+$0x0] =	vst.idx.msk $0xffff, v59  }
0x6c7: {  	v41 =	vld.idx.msk [tilespmem:v33+s26+$0x0], $0xffff;
	[tilespmem:$0x1F190] =	vst v62  }
0x6c8: {  	[tilespmem:v21+s2+$0x0] =	vst.idx.msk $0xffff, v15  }
0x6c9: {  	v26 =	vor.u32 v6, v5;
	v1 =	vld [tilespmem:$0x1F1A0]  }
0x6ca: {  	v40 =	vor.u32 v36, v5;
	v47 =	vor.u32 v34, v0;
	v44 =	vor.u32 v61, v37  }
0x6cb: {  	v45 =	vor.u32 v57, v23;
	v57 =	vor.u32 v61, v23;
	v30 =	vor.u32 v7, v62  }
0x6cc: {  	v25 =	vor.u32 v7, v0;
	v28 =	vor.u32 v39, v0;
	v53 =	vor.u32 v39, v62  }
0x6cd: {  	v48 =	vor.u32 v6, v4;
	v58 =	vor.u32 v63, v0;
	v55 =	vor.u32 v31, v23  }
0x6ce: {  	v46 =	vor.u32 v14, v0;
	v32 =	vor.u32 v14, v62;
	v14 =	vld.idx.msk [tilespmem:v56+s26+$0x0], $0xffff;
	[tilespmem:v35+s2+$0x0] =	vst.idx.msk $0xffff, v1  }
0x6cf: {  	s0 =	simm.s32 $0x2;
	s24 =	simm.s32 $0x50;
	v31 =	vor.u32 v60, v0;
	v51 =	vld.idx.msk [tilespmem:v44+s26+$0x0], $0xffff;
	v21 =	vmov v0;
	v56 =	vor.u32 v36, v4;
	[tilespmem:$0x1F1B0] =	vst v23  }
.LBB2_15:
0x6d0: {  	v45 =	vld.idx.msk [tilespmem:v45+s26+$0x0], $0xffff  }
0x6d1: {  	v1 =	vld [tilespmem:$0x1F510]  }
0x6d2: {  	v35 =	vld [tilespmem:$0x1F540]  }
0x6d3: {  	v37 =	vld [tilespmem:$0x1F560]  }
0x6d4: {  	v33 =	vld [tilespmem:$0x1F520]  }
0x6d5: {  	v6 =	vld [tilespmem:$0x1F0F0]  }
0x6d6: {  	[tilespmem:v47+s2+$0x0] =	vst.idx.msk $0xffff, v9;
	v15 =	vld [tilespmem:$0x1F4C0]  }
0x6d7: {  	v62 =	vmov v26;
	[tilespmem:v48+s2+$0x0] =	vst.idx.msk $0xffff, v49;
	v26 =	vld.idx.msk [tilespmem:v52+s26+$0x0], $0xffff  }
0x6d8: {  	s5 =	sadd.s32 $0xFFFFFFF0, s24;
	v36 =	vlaneseq.u32;
	v48 =	vld.idx.msk [tilespmem:v55+s26+$0x0], $0xffff  }
0x6d9: {  	v61 =	vmovc v21;
	v21 =	vmov v5;
	v59 =	vor.u32 s24, v36;
	v5 =	vor.u32 s5, v36;
	v9 =	vld.idx.msk [tilespmem:v20+s26+$0x0], $0xffff  }
0x6da: {  	v39 =	vmovc v4;
	v47 =	vmovc v3;
	v44 =	vshll.u32 v59, $0x6;
	v4 =	vand.u32 $0x78, v59;
	v3 =	vshll.u32 v5, $0x6;
	v59 =	vld [tilespmem:$0x1F550]  }
0x6db: {  	[tilespmem:v58+s2+$0x0] =	vst.idx.msk $0xffff, v38;
	v55 =	vor.u32 v37, v44;
	v38 =	vor.u32 v37, v3;
	v37 =	vld [tilespmem:$0x1FFF0]  }
0x6dc: {  	v8 =	vld [tilespmem:$0x1FB10]  }
0x6dd: {  	v36 =	vld [tilespmem:$0x1F570]  }
0x6de: {  	v34 =	vld [tilespmem:$0x1F4F0];
	[tilespmem:v56+s2+$0x0] =	vst.idx.msk $0xffff, v50;
	v60 =	vor.u32 v1, v23  }
0x6df: {  	v56 =	vld.idx.msk [tilespmem:v57+s26+$0x0], $0xffff;
	v50 =	vor.u32 v33, v3;
	v57 =	vor.u32 v33, v44  }
0x6e0: {  	v43 =	vmov v40;
	v33 =	vld [tilespmem:$0x1F4E0];
	v40 =	vor.u32 v59, v44;
	[tilespmem:v6+s2+$0x0] =	vst.idx.msk $0xffff, v54;
	v6 =	vor.u32 v37, v4  }
0x6e1: {  	[tilespmem:$0x1F0F0] =	vst v6;
	v6 =	vld [tilespmem:$0x1F0D0]  }
0x6e2: {  	v52 =	vor.u32 v36, v3;
	v20 =	vor.u32 v36, v44;
	v36 =	vld [tilespmem:$0x1F4D0]  }
0x6e3: {  	v2 =	vmov v2;
	v49 =	vor.u32 v35, v44;
	v58 =	vld.idx.msk [tilespmem:v60+s26+$0x0], $0xffff;
	[tilespmem:v32+s2+$0x0] =	vst.idx.msk $0xffff, v12  }
0x6e4: {  	[tilespmem:$0x1F0D0] =	vst v2;
	v2 =	vld [tilespmem:$0x1F110]  }
0x6e5: {  	v32 =	vld.idx.msk [tilespmem:v40+s26+$0x0], $0xffff  }
0x6e6: {  	v40 =	vor.u32 v8, v61;
	v61 =	vld [tilespmem:$0x1FFE0]  }
0x6e7: {  	[tilespmem:v53+s2+$0x0] =	vst.idx.msk $0xffff, v13;
	v13 =	vor.u32 v35, v3;
	v35 =	vld [tilespmem:$0x1F480]  }
0x6e8: {  	v60 =	vld.idx.msk [tilespmem:v49+s26+$0x0], $0xffff  }
0x6e9: {  	[tilespmem:v30+s2+$0x0] =	vst.idx.msk $0xffff, v29;
	v6 =	vld.idx.msk [tilespmem:v6+s26+$0x0], $0xffff  }
0x6ea: {  	[tilespmem:v16+s2+$0x0] =	vst.idx.msk $0xffff, v19;
	v19 =	vld.idx.msk [tilespmem:v20+s26+$0x0], $0xffff  }
0x6eb: {  	v20 =	vld [tilespmem:$0x1FA80];
	[tilespmem:v17+s2+$0x0] =	vst.idx.msk $0xffff, v42  }
0x6ec: {  	v17 =	vld [tilespmem:$0x1FA90];
	[tilespmem:v31+s2+$0x0] =	vst.idx.msk $0xffff, v22  }
0x6ed: {  	v22 =	vld.idx.msk [tilespmem:v24+s26+$0x0], $0xffff  }
0x6ee: {  	v24 =	vld.idx.msk [tilespmem:v55+s26+$0x0], $0xffff;
	[tilespmem:v40+s2+$0x0] =	vst.idx.msk $0xffff, v27  }
0x6ef: {  	v16 =	vor.u32 v63, v39;
	v63 =	vld.idx.msk [tilespmem:v13+s26+$0x0], $0xffff  }
0x6f0: {  	[tilespmem:v46+s2+$0x0] =	vst.idx.msk $0xffff, v51;
	v13 =	vld [tilespmem:$0x1F4B0]  }
0x6f1: {  	v30 =	vor.u32 v34, v47;
	v27 =	vld.idx.msk [tilespmem:v52+s26+$0x0], $0xffff  }
0x6f2: {  	[tilespmem:v28+s2+$0x0] =	vst.idx.msk $0xffff, v26;
	v26 =	vld [tilespmem:$0x1FAA0]  }
0x6f3: {  	v5 =	vand.u32 $0x68, v5;
	v12 =	vor.u32 v59, v3;
	v52 =	vld [tilespmem:$0x1FAB0]  }
0x6f4: {  	v29 =	vor.u32 v33, v3;
	v53 =	vor.u32 v61, v4;
	v42 =	vor.u32 v17, v4;
	v28 =	vld.idx.msk [tilespmem:v38+s26+$0x0], $0xffff  }
0x6f5: {  	v55 =	vor.u32 v17, v5;
	v17 =	vor.u32 v33, v44;
	[tilespmem:v25+s2+$0x0] =	vst.idx.msk $0xffff, v6;
	v33 =	vld [tilespmem:$0x1F530]  }
0x6f6: {  	[tilespmem:v16+s2+$0x0] =	vst.idx.msk $0xffff, v41;
	v38 =	vld.idx.msk [tilespmem:v30+s26+$0x0], $0xffff  }
0x6f7: {  	v41 =	vld.idx.msk [tilespmem:v57+s26+$0x0], $0xffff  }
0x6f8: {  	[tilespmem:v10+s2+$0x0] =	vst.idx.msk $0xffff, v22;
	v10 =	vld [tilespmem:$0x1FB00]  }
0x6f9: {  	v59 =	vor.u32 v61, v5;
	v57 =	vld.idx.msk [tilespmem:v12+s26+$0x0], $0xffff  }
0x6fa: {  	[tilespmem:v53+s2+$0x0] =	vst.idx.msk $0xffff, v19;
	v19 =	vld.idx.msk [tilespmem:v50+s26+$0x0], $0xffff  }
0x6fb: {  	[tilespmem:v2+s2+$0x0] =	vst.idx.msk $0xffff, v11;
	v2 =	vld [tilespmem:$0x1FAC0]  }
0x6fc: {  	v54 =	vor.u32 v15, v3;
	v40 =	vor.u32 v20, v4;
	v50 =	vor.u32 v15, v23;
	v15 =	vld [tilespmem:$0x1F490]  }
0x6fd: {  	v51 =	vor.u32 v13, v3;
	v46 =	vor.u32 v13, v44;
	v13 =	vmovc v58;
	v58 =	vor.u32 v8, v39;
	v8 =	vld [tilespmem:$0x1FB40]  }
0x6fe: {  	v49 =	vor.u32 v36, v44;
	[tilespmem:v59+s2+$0x0] =	vst.idx.msk $0xffff, v27;
	v59 =	vld [tilespmem:$0x1FB50]  }
0x6ff: {  	v12 =	vmov v56;
	v56 =	vld.idx.msk [tilespmem:v17+s26+$0x0], $0xffff  }
0x700: {  	v30 =	vor.u32 v33, v47;
	v11 =	vld.idx.msk [tilespmem:v29+s26+$0x0], $0xffff  }
0x701: {  	v29 =	vld [tilespmem:$0x1F500]  }
0x702: {  	[tilespmem:v40+s2+$0x0] =	vst.idx.msk $0xffff, v24;
	v24 =	vld [tilespmem:$0x1FAE0]  }
0x703: {  	v31 =	vor.u32 v20, v5;
	v49 =	vld.idx.msk [tilespmem:v49+s26+$0x0], $0xffff;
	v7 =	vor.u32 v2, v5  }
0x704: {  	v53 =	vor.u32 v10, v39;
	[tilespmem:$0x1F110] =	vst v7;
	v7 =	vld [tilespmem:$0x1FAD0]  }
0x705: {  	v25 =	vor.u32 v26, v4;
	[tilespmem:v42+s2+$0x0] =	vst.idx.msk $0xffff, v32;
	v27 =	vor.u32 v15, v47;
	v22 =	vld.idx.msk [tilespmem:v30+s26+$0x0], $0xffff  }
0x706: {  	v6 =	vmov v54;
	v54 =	vor.u32 v35, v44;
	[tilespmem:v62+s2+$0x0] =	vst.idx.msk $0xffff, v18;
	v62 =	vld [tilespmem:$0x1FB30]  }
0x707: {  	v23 =	vor.u32 v29, v23;
	v40 =	vor.u32 v24, v5;
	v24 =	vor.u32 v29, v47;
	v29 =	vld.idx.msk [tilespmem:v50+s26+$0x0], $0xffff  }
0x708: {  	v50 =	vld.idx.msk [tilespmem:v46+s26+$0x0], $0xffff;
	[tilespmem:v31+s2+$0x0] =	vst.idx.msk $0xffff, v28  }
0x709: {  	v61 =	vor.u32 v36, v3;
	v18 =	vld [tilespmem:$0x1F4A0];
	[tilespmem:v53+s2+$0x0] =	vst.idx.msk $0xffff, v45  }
0x70a: {  	v27 =	vld.idx.msk [tilespmem:v27+s26+$0x0], $0xffff;
	[tilespmem:v25+s2+$0x0] =	vst.idx.msk $0xffff, v60  }
0x70b: {  	[tilespmem:v43+s2+$0x0] =	vst.idx.msk $0xffff, v14;
	v43 =	vld [tilespmem:$0x1FB00]  }
0x70c: {  	v54 =	vld.idx.msk [tilespmem:v54+s26+$0x0], $0xffff  }
0x70d: {  	v36 =	vor.u32 v26, v5;
	v31 =	vor.u32 v52, v4;
	v42 =	vld.idx.msk [tilespmem:v23+s26+$0x0], $0xffff  }
0x70e: {  	v17 =	vor.u32 v59, v39;
	v10 =	vor.u32 v59, v21;
	v59 =	vor.u32 v18, v47;
	v18 =	vld.idx.msk [tilespmem:v61+s26+$0x0], $0xffff  }
0x70f: {  	v61 =	vld [tilespmem:$0x1F4A0]  }
0x710: {  	v32 =	vor.u32 v34, v44;
	v45 =	vor.u32 v33, v44;
	v23 =	vmov v44;
	v44 =	vld [tilespmem:$0x1FB20];
	[tilespmem:v55+s2+$0x0] =	vst.idx.msk $0xffff, v57  }
0x711: {  	v60 =	vor.u32 v2, v4;
	[tilespmem:v58+s2+$0x0] =	vst.idx.msk $0xffff, v48;
	v14 =	vld.idx.msk [tilespmem:v51+s26+$0x0], $0xffff  }
0x712: {  	s0 =	sadd.s32 $0x2, s0;
	v20 =	vor.u32 v35, v3;
	[tilespmem:v31+s2+$0x0] =	vst.idx.msk $0xffff, v41;
	v31 =	vld [tilespmem:$0x1FAE0]  }
0x713: {  	p1 =	slt.u32 s0, $0x6;
	v16 =	vor.u32 v52, v5;
	v30 =	vor.u32 v8, v39;
	[tilespmem:v36+s2+$0x0] =	vst.idx.msk $0xffff, v63;
	v63 =	vld [tilespmem:$0x1FAF0]  }
.Ltmp6:
0x714: {  	v52 =	vor.u32 v1, v47;
	v25 =	vor.u32 v8, v21;
	v26 =	vor.u32 v7, v5;
	(pc) =	sbr.rel @p1 .LBB2_15-.Ltmp6, $4  }
0x715: {  	v47 =	vor.u32 v37, v21;
	v28 =	vor.u32 v62, v21;
	v53 =	vor.u32 v62, v39  }
0x716: {  	v48 =	vor.u32 v7, v4;
	v55 =	vor.u32 v15, v23;
	v41 =	vld.idx.msk [tilespmem:v32+s26+$0x0], $0xffff;
	[tilespmem:v60+s2+$0x0] =	vst.idx.msk $0xffff, v56  }
0x717: {  	v2 =	vmovc v6;
	v46 =	vor.u32 v44, v21;
	v32 =	vor.u32 v44, v39;
	v57 =	vor.u32 v61, v23  }
0x718: {  	s24 =	sadd.s32 $0x20, s24;
	v51 =	vld.idx.msk [tilespmem:v59+s26+$0x0], $0xffff;
	v56 =	vor.u32 v31, v4;
	v31 =	vor.u32 v43, v21;
	v58 =	vor.u32 v63, v21  }
0x719: {  	_ =	sdelay $0x3  }
0x71a: {  	v36 =	vld.idx.msk [tilespmem:v45+s26+$0x0], $0xffff;
	[tilespmem:v48+s2+$0x0] =	vst.idx.msk $0xffff, v49  }
0x71b: {  	[tilespmem:v47+s2+$0x0] =	vst.idx.msk $0xffff, v9  }
0x71c: {  	v9 =	vld.idx.msk [tilespmem:v55+s26+$0x0], $0xffff;
	[tilespmem:v56+s2+$0x0] =	vst.idx.msk $0xffff, v50  }
0x71d: {  	v39 =	vld.idx.msk [tilespmem:v52+s26+$0x0], $0xffff;
	[tilespmem:v58+s2+$0x0] =	vst.idx.msk $0xffff, v38  }
0x71e: {  	v1 =	vld [tilespmem:$0x1F0F0];
	_ =	sdelay $0x5  }
0x71f: {  	[tilespmem:v32+s2+$0x0] =	vst.idx.msk $0xffff, v12  }
0x720: {  	v7 =	vld.idx.msk [tilespmem:v20+s26+$0x0], $0xffff;
	[tilespmem:v53+s2+$0x0] =	vst.idx.msk $0xffff, v13  }
0x721: {  	v60 =	vld.idx.msk [tilespmem:v57+s26+$0x0], $0xffff;
	[tilespmem:v1+s2+$0x0] =	vst.idx.msk $0xffff, v54  }
0x722: {  	v32 =	vld [tilespmem:$0x1FB10];
	[tilespmem:v16+s2+$0x0] =	vst.idx.msk $0xffff, v19  }
0x723: {  	v1 =	vld [tilespmem:$0x1F0D0];
	_ =	sdelay $0x4  }
0x724: {  	v12 =	vor.u32 v32, v21  }
0x725: {  	[tilespmem:v30+s2+$0x0] =	vst.idx.msk $0xffff, v29  }
0x726: {  	v13 =	vld [tilespmem:$0x1F4F0]  }
0x727: {  	v6 =	vld.idx.msk [tilespmem:v1+s26+$0x0], $0xffff;
	[tilespmem:v31+s2+$0x0] =	vst.idx.msk $0xffff, v22  }
0x728: {  	v1 =	vld [tilespmem:$0x1F510];
	[tilespmem:v17+s2+$0x0] =	vst.idx.msk $0xffff, v42  }
0x729: {  	v19 =	vld.idx.msk [tilespmem:v24+s26+$0x0], $0xffff;
	[tilespmem:v12+s2+$0x0] =	vst.idx.msk $0xffff, v27  }
0x72a: {  	v12 =	vld [tilespmem:$0x1F530];
	[tilespmem:v46+s2+$0x0] =	vst.idx.msk $0xffff, v51  }
0x72b: {  	[tilespmem:v28+s2+$0x0] =	vst.idx.msk $0xffff, v39  }
0x72c: {  	v15 =	vld [tilespmem:$0x1F490];
	[tilespmem:v25+s2+$0x0] =	vst.idx.msk $0xffff, v6  }
0x72d: {  	v13 =	vor.u32 v13, v3;
	v8 =	vld [tilespmem:$0x1F110];
	_ =	sdelay $0x1  }
0x72e: {  	v17 =	vor.u32 v63, v4;
	v16 =	vor.u32 v1, v23;
	_ =	sdelay $0x2  }
0x72f: {  	v6 =	vld.idx.msk [tilespmem:v13+s26+$0x0], $0xffff  }
0x730: {  	v13 =	vld [tilespmem:$0x1F4C0]  }
0x731: {  	v16 =	vld.idx.msk [tilespmem:v16+s26+$0x0], $0xffff;
	[tilespmem:v17+s2+$0x0] =	vst.idx.msk $0xffff, v41  }
0x732: {  	[tilespmem:v8+s2+$0x0] =	vst.idx.msk $0xffff, v11  }
0x733: {  	v12 =	vor.u32 v12, v3;
	v20 =	vor.u32 v15, v3;
	v15 =	vld [tilespmem:$0x1FFF0]  }
0x734: {  	v24 =	vld [tilespmem:$0x1F500];
	_ =	sdelay $0x1  }
0x735: {  	v13 =	vor.u32 v13, v23;
	v8 =	vor.u32 v43, v4;
	_ =	sdelay $0x1  }
0x736: {  	v11 =	vor.u32 v61, v3;
	v12 =	vld.idx.msk [tilespmem:v12+s26+$0x0], $0xffff;
	[tilespmem:v26+s2+$0x0] =	vst.idx.msk $0xffff, v18;
	v21 =	vor.u32 v15, v5  }
0x737: {  	v22 =	vor.u32 v32, v4;
	[tilespmem:v10+s2+$0x0] =	vst.idx.msk $0xffff, v19;
	v17 =	vor.u32 v24, v23  }
0x738: {  	v10 =	vld.idx.msk [tilespmem:v20+s26+$0x0], $0xffff;
	[tilespmem:v40+s2+$0x0] =	vst.idx.msk $0xffff, v14  }
0x739: {  	v13 =	vld.idx.msk [tilespmem:v13+s26+$0x0], $0xffff;
	[tilespmem:v8+s2+$0x0] =	vst.idx.msk $0xffff, v36  }
0x73a: {  	v15 =	vld [tilespmem:$0x1FB40]  }
0x73b: {  	v11 =	vld.idx.msk [tilespmem:v11+s26+$0x0], $0xffff;
	[tilespmem:v21+s2+$0x0] =	vst.idx.msk $0xffff, v7  }
0x73c: {  	v18 =	vor.u32 v1, v3;
	v19 =	vor.u32 v63, v5;
	v17 =	vld.idx.msk [tilespmem:v17+s26+$0x0], $0xffff;
	[tilespmem:v22+s2+$0x0] =	vst.idx.msk $0xffff, v9  }
0x73d: {  	v14 =	vor.u32 v44, v4;
	v1 =	vld [tilespmem:$0x1FB50]  }
0x73e: {  	v8 =	vor.u32 v62, v4  }
0x73f: {  	v20 =	vor.u32 v15, v4  }
0x740: {  	v7 =	vor.u32 v43, v5  }
0x741: {  	v3 =	vor.u32 v24, v3;
	v9 =	vld.idx.msk [tilespmem:v18+s26+$0x0], $0xffff;
	[tilespmem:v19+s2+$0x0] =	vst.idx.msk $0xffff, v6;
	v6 =	vor.u32 v32, v5  }
0x742: {  	[tilespmem:v14+s2+$0x0] =	vst.idx.msk $0xffff, v60;
	v4 =	vor.u32 v1, v4  }
0x743: {  	[tilespmem:v8+s2+$0x0] =	vst.idx.msk $0xffff, v16  }
0x744: {  	v14 =	vor.u32 v44, v5;
	[tilespmem:v20+s2+$0x0] =	vst.idx.msk $0xffff, v13  }
0x745: {  	v8 =	vor.u32 v62, v5;
	v2 =	vld.idx.msk [tilespmem:v2+s26+$0x0], $0xffff;
	[tilespmem:v7+s2+$0x0] =	vst.idx.msk $0xffff, v12  }
0x746: {  	v13 =	vor.u32 v15, v5;
	v3 =	vld.idx.msk [tilespmem:v3+s26+$0x0], $0xffff;
	[tilespmem:v6+s2+$0x0] =	vst.idx.msk $0xffff, v10  }
0x747: {  	v5 =	vor.u32 v1, v5;
	[tilespmem:v4+s2+$0x0] =	vst.idx.msk $0xffff, v17  }
0x748: {  	v15 =	vld [tilespmem:$0x1F350]  }
0x749: {  	v35 =	vld [tilespmem:$0x1F130];
	[tilespmem:v14+s2+$0x0] =	vst.idx.msk $0xffff, v11  }
0x74a: {  	v37 =	vld [tilespmem:$0x1F330];
	[tilespmem:v8+s2+$0x0] =	vst.idx.msk $0xffff, v9  }
0x74b: {  	v57 =	vld [tilespmem:$0x1F340];
	[tilespmem:v13+s2+$0x0] =	vst.idx.msk $0xffff, v2  }
0x74c: {  	v26 =	vld [tilespmem:$0x1F320];
	[tilespmem:v5+s2+$0x0] =	vst.idx.msk $0xffff, v3  }
0x74d: {  	v36 =	vld [tilespmem:$0x1F310]  }
0x74e: {  	v34 =	vld [tilespmem:$0x1F150]  }
0x74f: {  	v39 =	vld [tilespmem:$0x1FB60]  }
0x750: {  	v55 =	vld [tilespmem:$0x1F190]  }
0x751: {  	v45 =	vld [tilespmem:$0x1F300];
	v4 =	vor.u32 v15, v35  }
0x752: {  	v47 =	vld [tilespmem:$0x1FB70];
	v6 =	vor.u32 v37, v35  }
0x753: {  	v43 =	vld [tilespmem:$0x1F2F0];
	v7 =	vor.u32 v57, v35  }
0x754: {  	v46 =	vld [tilespmem:$0x1FB80];
	v2 =	vor.u32 v26, v35  }
0x755: {  	v51 =	vld [tilespmem:$0x1F2E0];
	v3 =	vor.u32 v36, v35  }
0x756: {  	v5 =	vor.u32 v26, v34;
	v8 =	vor.u32 v39, v55;
	v4 =	vld.idx.msk [tilespmem:v4+s26+$0x0], $0xffff  }
0x757: {  	v6 =	vld.idx.msk [tilespmem:v6+s26+$0x0], $0xffff  }
0x758: {  	v9 =	vor.u32 v45, v35;
	v11 =	vor.u32 v47, v55;
	v7 =	vld.idx.msk [tilespmem:v7+s26+$0x0], $0xffff  }
0x759: {  	v2 =	vld.idx.msk [tilespmem:v2+s26+$0x0], $0xffff  }
0x75a: {  	v3 =	vld.idx.msk [tilespmem:v3+s26+$0x0], $0xffff  }
0x75b: {  	v10 =	vor.u32 v15, v34;
	v5 =	vld.idx.msk [tilespmem:v5+s26+$0x0], $0xffff;
	[tilespmem:v8+s2+$0x0] =	vst.idx.msk $0xffff, v4  }
0x75c: {  	v12 =	vor.u32 v43, v35;
	v14 =	vor.u32 v46, v55;
	v53 =	vld [tilespmem:$0x1FB90]  }
0x75d: {  	v9 =	vld.idx.msk [tilespmem:v9+s26+$0x0], $0xffff;
	[tilespmem:v11+s2+$0x0] =	vst.idx.msk $0xffff, v7  }
0x75e: {  	v13 =	vor.u32 v57, v34;
	v62 =	vld [tilespmem:$0x1F290]  }
0x75f: {  	v42 =	vld [tilespmem:$0x1FBA0]  }
0x760: {  	v16 =	vor.u32 v51, v35;
	v10 =	vld.idx.msk [tilespmem:v10+s26+$0x0], $0xffff  }
0x761: {  	v4 =	vor.u32 v37, v34;
	v12 =	vld.idx.msk [tilespmem:v12+s26+$0x0], $0xffff;
	[tilespmem:v14+s2+$0x0] =	vst.idx.msk $0xffff, v6;
	v8 =	vor.u32 v53, v55  }
0x762: {  	v58 =	vld [tilespmem:$0x1F2D0]  }
0x763: {  	v13 =	vld.idx.msk [tilespmem:v13+s26+$0x0], $0xffff  }
0x764: {  	v25 =	vld [tilespmem:$0x1FBB0];
	v7 =	vor.u32 v62, v35;
	v17 =	vor.u32 v42, v55  }
0x765: {  	v16 =	vld.idx.msk [tilespmem:v16+s26+$0x0], $0xffff  }
0x766: {  	v11 =	vor.u32 v36, v34;
	v4 =	vld.idx.msk [tilespmem:v4+s26+$0x0], $0xffff;
	[tilespmem:v8+s2+$0x0] =	vst.idx.msk $0xffff, v2  }
0x767: {  	v18 =	vor.u32 v39, v0;
	v6 =	vor.u32 v58, v35;
	v60 =	vld [tilespmem:$0x1F2C0]  }
0x768: {  	v31 =	vld [tilespmem:$0x1FBC0]  }
0x769: {  	v14 =	vor.u32 v45, v34;
	v19 =	vor.u32 v25, v55;
	v7 =	vld.idx.msk [tilespmem:v7+s26+$0x0], $0xffff;
	[tilespmem:v17+s2+$0x0] =	vst.idx.msk $0xffff, v3  }
0x76a: {  	v63 =	vld [tilespmem:$0x1F2A0]  }
0x76b: {  	v20 =	vor.u32 v47, v0;
	v23 =	vld.idx.msk [tilespmem:v11+s26+$0x0], $0xffff  }
0x76c: {  	[tilespmem:v18+s2+$0x0] =	vst.idx.msk $0xffff, v10;
	v10 =	vld.idx.msk [tilespmem:v6+s26+$0x0], $0xffff  }
0x76d: {  	v49 =	vld [tilespmem:$0x1FBD0]  }
0x76e: {  	v14 =	vld.idx.msk [tilespmem:v14+s26+$0x0], $0xffff;
	[tilespmem:v19+s2+$0x0] =	vst.idx.msk $0xffff, v9;
	v2 =	vor.u32 v60, v35;
	v21 =	vor.u32 v31, v55  }
0x76f: {  	v29 =	vld [tilespmem:$0x1F270];
	v3 =	vor.u32 v63, v35  }
0x770: {  	v61 =	vld [tilespmem:$0x1FBE0];
	[tilespmem:v20+s2+$0x0] =	vst.idx.msk $0xffff, v13  }
0x771: {  	v54 =	vld [tilespmem:$0x1F260]  }
0x772: {  	v59 =	vld [tilespmem:$0x1F2B0]  }
0x773: {  	v22 =	vor.u32 v46, v0;
	v8 =	vor.u32 v43, v34;
	v28 =	vld.idx.msk [tilespmem:v2+s26+$0x0], $0xffff;
	[tilespmem:v21+s2+$0x0] =	vst.idx.msk $0xffff, v12  }
0x774: {  	v3 =	vld.idx.msk [tilespmem:v3+s26+$0x0], $0xffff  }
0x775: {  	v11 =	vor.u32 v51, v34;
	_ =	sdelay $0x2  }
0x776: {  	v27 =	vld.idx.msk [tilespmem:v8+s26+$0x0], $0xffff;
	[tilespmem:v22+s2+$0x0] =	vst.idx.msk $0xffff, v4  }
0x777: {  	[tilespmem:$0x1F0A0] =	vst v3  }
0x778: {  	v3 =	vld.idx.msk [tilespmem:v11+s26+$0x0], $0xffff  }
0x779: {  	v6 =	vor.u32 v49, v55  }
0x77a: {  	v17 =	vor.u32 v53, v0;
	v18 =	vor.u32 v29, v35;
	_ =	sdelay $0x1  }
0x77b: {  	v24 =	vor.u32 v62, v34;
	v19 =	vor.u32 v61, v55  }
0x77c: {  	[tilespmem:$0x1F0B0] =	vst v3  }
0x77d: {  	v1 =	vld [tilespmem:$0x1F1B0];
	[tilespmem:v6+s2+$0x0] =	vst.idx.msk $0xffff, v16  }
0x77e: {  	[tilespmem:v17+s2+$0x0] =	vst.idx.msk $0xffff, v5;
	v11 =	vld.idx.msk [tilespmem:v18+s26+$0x0], $0xffff  }
0x77f: {  	v5 =	vld [tilespmem:$0x1F100]  }
0x780: {  	v4 =	vor.u32 v49, v0;
	v8 =	vld.idx.msk [tilespmem:v24+s26+$0x0], $0xffff;
	[tilespmem:v19+s2+$0x0] =	vst.idx.msk $0xffff, v7  }
0x781: {  	[tilespmem:$0x1F0C0] =	vst v4;
	v4 =	vld [tilespmem:$0x1F0E0]  }
0x782: {  	v2 =	vor.u32 v59, v35  }
0x783: {  	v20 =	vor.u32 v37, v1  }
0x784: {  	v12 =	vor.u32 v42, v0;
	_ =	sdelay $0x1  }
0x785: {  	v4 =	vand.u32 $0x78, v4  }
0x786: {  	v21 =	vor.u32 v26, v1;
	v13 =	vld.idx.msk [tilespmem:v2+s26+$0x0], $0xffff;
	v2 =	vor.u32 v61, v4  }
0x787: {  	v16 =	vor.u32 v15, v1;
	v32 =	vld.idx.msk [tilespmem:v20+s26+$0x0], $0xffff;
	[tilespmem:$0x1F080] =	vst v2  }
0x788: {  	v17 =	vor.u32 v57, v1;
	[tilespmem:v12+s2+$0x0] =	vst.idx.msk $0xffff, v23  }
0x789: {  	v20 =	vor.u32 v58, v34;
	v3 =	vshll.u32 v5, $0x6;
	v56 =	vld [tilespmem:$0x1FBF0]  }
0x78a: {  	v7 =	vor.u32 v26, v3  }
0x78b: {  	v18 =	vor.u32 v15, v3;
	v19 =	vor.u32 v36, v3;
	v26 =	vor.u32 v36, v1;
	v36 =	vld.idx.msk [tilespmem:v21+s26+$0x0], $0xffff  }
0x78c: {  	v22 =	vor.u32 v25, v0;
	v24 =	vor.u32 v57, v3;
	v16 =	vld.idx.msk [tilespmem:v16+s26+$0x0], $0xffff  }
0x78d: {  	v33 =	vor.u32 v39, v4;
	v17 =	vld.idx.msk [tilespmem:v17+s26+$0x0], $0xffff  }
0x78e: {  	v38 =	vor.u32 v37, v3;
	v20 =	vld.idx.msk [tilespmem:v20+s26+$0x0], $0xffff;
	v12 =	vor.u32 v56, v55  }
0x78f: {  	v5 =	vand.u32 $0x68, v5;
	v15 =	vld.idx.msk [tilespmem:v7+s26+$0x0], $0xffff  }
0x790: {  	v41 =	vor.u32 v47, v5;
	v23 =	vor.u32 v39, v5;
	v18 =	vld.idx.msk [tilespmem:v18+s26+$0x0], $0xffff  }
0x791: {  	v50 =	vor.u32 v53, v5;
	v47 =	vor.u32 v47, v4;
	[tilespmem:v22+s2+$0x0] =	vst.idx.msk $0xffff, v14;
	v24 =	vld.idx.msk [tilespmem:v24+s26+$0x0], $0xffff  }
0x792: {  	v39 =	vor.u32 v45, v3;
	v45 =	vor.u32 v45, v1;
	v52 =	vld.idx.msk [tilespmem:v26+s26+$0x0], $0xffff;
	[tilespmem:v33+s2+$0x0] =	vst.idx.msk $0xffff, v16  }
0x793: {  	v37 =	vor.u32 v53, v4;
	v53 =	vld.idx.msk [tilespmem:v38+s26+$0x0], $0xffff;
	v7 =	vor.u32 v25, v5;
	[tilespmem:v12+s2+$0x0] =	vst.idx.msk $0xffff, v10  }
0x794: {  	v19 =	vld.idx.msk [tilespmem:v19+s26+$0x0], $0xffff;
	[tilespmem:$0x1F090] =	vst v7  }
0x795: {  	v48 =	vor.u32 v60, v34;
	[tilespmem:v23+s2+$0x0] =	vst.idx.msk $0xffff, v18  }
0x796: {  	v30 =	vor.u32 v31, v0;
	v9 =	vor.u32 v54, v34;
	v33 =	vld [tilespmem:$0x1FC00]  }
0x797: {  	v2 =	vor.u32 v54, v3;
	v14 =	vor.u32 v54, v35;
	v54 =	vld.idx.msk [tilespmem:v45+s26+$0x0], $0xffff;
	[tilespmem:v47+s2+$0x0] =	vst.idx.msk $0xffff, v17  }
0x798: {  	v23 =	vld [tilespmem:$0x1F280]  }
0x799: {  	v40 =	vor.u32 v43, v1;
	v44 =	vor.u32 v46, v4  }
0x79a: {  	v6 =	vor.u32 v51, v3;
	v22 =	vld.idx.msk [tilespmem:v48+s26+$0x0], $0xffff  }
0x79b: {  	v51 =	vor.u32 v51, v1;
	v12 =	vld [tilespmem:$0x1FC50];
	[tilespmem:v30+s2+$0x0] =	vst.idx.msk $0xffff, v27;
	v45 =	vor.u32 v33, v55  }
0x79c: {  	v7 =	vld [tilespmem:$0x1FC10]  }
0x79d: {  	v10 =	vld.idx.msk [tilespmem:v39+s26+$0x0], $0xffff;
	v17 =	vor.u32 v23, v35  }
0x79e: {  	v40 =	vld.idx.msk [tilespmem:v40+s26+$0x0], $0xffff;
	[tilespmem:v44+s2+$0x0] =	vst.idx.msk $0xffff, v32  }
0x79f: {  	v27 =	vld.idx.msk [tilespmem:v14+s26+$0x0], $0xffff;
	[tilespmem:v41+s2+$0x0] =	vst.idx.msk $0xffff, v24  }
0x7a0: {  	v41 =	vld.idx.msk [tilespmem:v51+s26+$0x0], $0xffff;
	[tilespmem:v45+s2+$0x0] =	vst.idx.msk $0xffff, v28  }
0x7a1: {  	v47 =	vor.u32 v7, v55;
	v7 =	vld [tilespmem:$0x1FC40]  }
0x7a2: {  	[tilespmem:v37+s2+$0x0] =	vst.idx.msk $0xffff, v36;
	v35 =	vld.idx.msk [tilespmem:v17+s26+$0x0], $0xffff  }
0x7a3: {  	v17 =	vld [tilespmem:$0x1F0A0];
	_ =	sdelay $0x4  }
0x7a4: {  	[tilespmem:v47+s2+$0x0] =	vst.idx.msk $0xffff, v17  }
0x7a5: {  	v21 =	vor.u32 v62, v3;
	v39 =	vor.u32 v62, v1;
	v62 =	vor.u32 v25, v4;
	v25 =	vld [tilespmem:$0x1F0C0];
	_ =	sdelay $0x1  }
0x7a6: {  	v14 =	vor.u32 v42, v4  }
0x7a7: {  	v38 =	vor.u32 v63, v34;
	v17 =	vld [tilespmem:$0x1F0B0]  }
0x7a8: {  	v43 =	vor.u32 v43, v3;
	v46 =	vor.u32 v46, v5;
	_ =	sdelay $0x1  }
0x7a9: {  	v44 =	vld.idx.msk [tilespmem:v39+s26+$0x0], $0xffff  }
0x7aa: {  	v37 =	vld [tilespmem:$0x1FC30];
	[tilespmem:v14+s2+$0x0] =	vst.idx.msk $0xffff, v52  }
0x7ab: {  	v26 =	vor.u32 v31, v5;
	v16 =	vor.u32 v42, v5;
	v24 =	vld.idx.msk [tilespmem:v38+s26+$0x0], $0xffff;
	[tilespmem:v25+s2+$0x0] =	vst.idx.msk $0xffff, v17  }
0x7ac: {  	v45 =	vor.u32 v59, v34;
	v59 =	vor.u32 v58, v1;
	v17 =	vld.idx.msk [tilespmem:v43+s26+$0x0], $0xffff;
	[tilespmem:v46+s2+$0x0] =	vst.idx.msk $0xffff, v53  }
0x7ad: {  	v48 =	vor.u32 v63, v1;
	v23 =	vor.u32 v23, v34;
	v34 =	vor.u32 v29, v34;
	v14 =	vld [tilespmem:$0x1FC20]  }
0x7ae: {  	v32 =	vor.u32 v49, v5;
	v38 =	vor.u32 v61, v0;
	v49 =	vor.u32 v49, v4  }
0x7af: {  	v51 =	vor.u32 v56, v0;
	v18 =	vor.u32 v12, v55;
	v12 =	vor.u32 v12, v0  }
0x7b0: {  	v36 =	vor.u32 v60, v1;
	v39 =	vor.u32 v31, v4;
	v30 =	vor.u32 v7, v55  }
0x7b1: {  	v31 =	vld.idx.msk [tilespmem:v59+s26+$0x0], $0xffff;
	v28 =	vor.u32 v37, v0;
	v25 =	vor.u32 v7, v0;
	v43 =	vor.u32 v37, v55  }
0x7b2: {  	v46 =	vor.u32 v33, v0;
	[tilespmem:v62+s2+$0x0] =	vst.idx.msk $0xffff, v54;
	v42 =	vld.idx.msk [tilespmem:v34+s26+$0x0], $0xffff;
	v37 =	vor.u32 v14, v0  }
0x7b3: {  	s0 =	simm.s32 $0x2;
	s5 =	simm.s32 $0x50;
	v47 =	vor.u32 v14, v55;
	v14 =	vld.idx.msk [tilespmem:v6+s26+$0x0], $0xffff;
	[tilespmem:v50+s2+$0x0] =	vst.idx.msk $0xffff, v15;
	v50 =	vor.u32 v29, v1  }
.LBB2_17:
0x7b4: {  	_ =	sdelay $0x3  }
0x7b5: {  	v6 =	vld.idx.msk [tilespmem:v36+s26+$0x0], $0xffff  }
0x7b6: {  	v59 =	vld [tilespmem:$0x1F2B0]  }
0x7b7: {  	v58 =	vld [tilespmem:$0x1F330]  }
0x7b8: {  	v63 =	vld [tilespmem:$0x1F320]  }
0x7b9: {  	v33 =	vld [tilespmem:$0x1F350]  }
0x7ba: {  	v60 =	vld [tilespmem:$0x1F310]  }
0x7bb: {  	v15 =	vld [tilespmem:$0x1FBE0]  }
0x7bc: {  	v61 =	vld [tilespmem:$0x1F260]  }
0x7bd: {  	v62 =	vld [tilespmem:$0x1F300]  }
0x7be: {  	[tilespmem:v38+s2+$0x0] =	vst.idx.msk $0xffff, v8;
	v7 =	vld [tilespmem:$0x1FC00]  }
0x7bf: {  	v55 =	vmov v26;
	[tilespmem:v39+s2+$0x0] =	vst.idx.msk $0xffff, v40;
	v26 =	vld.idx.msk [tilespmem:v45+s26+$0x0], $0xffff  }
0x7c0: {  	v54 =	vmov v0;
	v0 =	vmov v32;
	[tilespmem:$0x1F060] =	vst v6;
	v6 =	vld [tilespmem:$0x1F080]  }
0x7c1: {  	[tilespmem:$0x1F070] =	vst v0;
	v39 =	vld.idx.msk [tilespmem:v48+s26+$0x0], $0xffff  }
0x7c2: {  	v36 =	vld.idx.msk [tilespmem:v21+s26+$0x0], $0xffff;
	[tilespmem:v49+s2+$0x0] =	vst.idx.msk $0xffff, v41  }
0x7c3: {  	v34 =	vlaneseq.u32;
	[tilespmem:v51+s2+$0x0] =	vst.idx.msk $0xffff, v20;
	v0 =	vld [tilespmem:$0x1F090]  }
0x7c4: {  	s22 =	sadd.s32 $0xFFFFFFF0, s5;
	v52 =	vor.u32 s5, v34;
	v9 =	vld.idx.msk [tilespmem:v9+s26+$0x0], $0xffff;
	[tilespmem:v16+s2+$0x0] =	vst.idx.msk $0xffff, v19;
	v53 =	vor.u32 v59, v1  }
0x7c5: {  	v8 =	vmov v5;
	v5 =	vor.u32 s22, v34;
	v34 =	vshll.u32 v52, $0x6;
	v49 =	vld.idx.msk [tilespmem:v50+s26+$0x0], $0xffff;
	[tilespmem:v46+s2+$0x0] =	vst.idx.msk $0xffff, v22  }
0x7c6: {  	v38 =	vmov v3;
	v3 =	vshll.u32 v5, $0x6;
	v22 =	vld.idx.msk [tilespmem:v23+s26+$0x0], $0xffff;
	v32 =	vor.u32 v58, v34  }
0x7c7: {  	v45 =	vor.u32 v33, v3;
	v21 =	vor.u32 v33, v34;
	v33 =	vld [tilespmem:$0x1FC10]  }
0x7c8: {  	v41 =	vor.u32 v60, v3;
	v50 =	vor.u32 v60, v34;
	v60 =	vld [tilespmem:$0x1FB60];
	[tilespmem:v6+s2+$0x0] =	vst.idx.msk $0xffff, v44  }
0x7c9: {  	v40 =	vor.u32 v63, v34;
	v51 =	vld.idx.msk [tilespmem:v53+s26+$0x0], $0xffff  }
0x7ca: {  	[tilespmem:v47+s2+$0x0] =	vst.idx.msk $0xffff, v11;
	v11 =	vor.u32 v58, v3;
	v58 =	vld [tilespmem:$0x1F2D0]  }
0x7cb: {  	v29 =	vmov v4;
	v4 =	vand.u32 $0x78, v52;
	v47 =	vld.idx.msk [tilespmem:v32+s26+$0x0], $0xffff  }
0x7cc: {  	v5 =	vand.u32 $0x68, v5;
	v16 =	vor.u32 v56, v29;
	[tilespmem:v43+s2+$0x0] =	vst.idx.msk $0xffff, v13;
	v13 =	vor.u32 v63, v3;
	v63 =	vld [tilespmem:$0x1F2F0]  }
0x7cd: {  	v48 =	vor.u32 v57, v34;
	v52 =	vor.u32 v60, v5;
	v43 =	vor.u32 v60, v4;
	v60 =	vld [tilespmem:$0x1F2C0]  }
0x7ce: {  	v53 =	vld.idx.msk [tilespmem:v40+s26+$0x0], $0xffff;
	[tilespmem:v30+s2+$0x0] =	vst.idx.msk $0xffff, v27  }
0x7cf: {  	v32 =	vor.u32 v33, v54;
	v19 =	vld.idx.msk [tilespmem:v21+s26+$0x0], $0xffff  }
0x7d0: {  	v21 =	vld [tilespmem:$0x1FB70]  }
0x7d1: {  	[tilespmem:v18+s2+$0x0] =	vst.idx.msk $0xffff, v35;
	v18 =	vld [tilespmem:$0x1FB80]  }
0x7d2: {  	v23 =	vld.idx.msk [tilespmem:v48+s26+$0x0], $0xffff;
	[tilespmem:v16+s2+$0x0] =	vst.idx.msk $0xffff, v31  }
0x7d3: {  	v20 =	vor.u32 v57, v3;
	v31 =	vld.idx.msk [tilespmem:v50+s26+$0x0], $0xffff  }
0x7d4: {  	v40 =	vor.u32 v63, v34;
	v54 =	vor.u32 v63, v3;
	[tilespmem:v32+s2+$0x0] =	vst.idx.msk $0xffff, v24;
	v63 =	vld [tilespmem:$0x1F2A0]  }
0x7d5: {  	v56 =	vld.idx.msk [tilespmem:v13+s26+$0x0], $0xffff  }
0x7d6: {  	[tilespmem:v37+s2+$0x0] =	vst.idx.msk $0xffff, v42;
	v13 =	vld [tilespmem:$0x1F2E0]  }
0x7d7: {  	v24 =	vld.idx.msk [tilespmem:v45+s26+$0x0], $0xffff;
	[tilespmem:v28+s2+$0x0] =	vst.idx.msk $0xffff, v26  }
0x7d8: {  	v28 =	vld.idx.msk [tilespmem:v20+s26+$0x0], $0xffff  }
0x7d9: {  	v30 =	vor.u32 v58, v38;
	v20 =	vld [tilespmem:$0x1FB90]  }
0x7da: {  	v27 =	vor.u32 v62, v3;
	v45 =	vld [tilespmem:$0x1F290]  }
0x7db: {  	v35 =	vor.u32 v18, v4;
	v48 =	vor.u32 v18, v5;
	v18 =	vor.u32 v62, v34;
	v62 =	vld [tilespmem:$0x1FBA0]  }
0x7dc: {  	[tilespmem:v25+s2+$0x0] =	vst.idx.msk $0xffff, v9;
	v9 =	vmov v2;
	v2 =	vld [tilespmem:$0x1FBB0]  }
0x7dd: {  	v42 =	vor.u32 v13, v3;
	v37 =	vor.u32 v13, v34;
	v13 =	vmovc v51;
	v51 =	vor.u32 v33, v29;
	v33 =	vld [tilespmem:$0x1FBD0]  }
0x7de: {  	v57 =	vor.u32 v20, v5;
	v25 =	vor.u32 v20, v4;
	v20 =	vld.idx.msk [tilespmem:v30+s26+$0x0], $0xffff  }
0x7df: {  	v30 =	vor.u32 v60, v38;
	[tilespmem:v12+s2+$0x0] =	vst.idx.msk $0xffff, v22;
	v12 =	vld [tilespmem:$0x1FC50]  }
0x7e0: {  	[tilespmem:v43+s2+$0x0] =	vst.idx.msk $0xffff, v19;
	v50 =	vld.idx.msk [tilespmem:v11+s26+$0x0], $0xffff  }
0x7e1: {  	v46 =	vor.u32 v21, v5;
	v19 =	vld.idx.msk [tilespmem:v41+s26+$0x0], $0xffff;
	[tilespmem:v0+s2+$0x0] =	vst.idx.msk $0xffff, v10  }
0x7e2: {  	v6 =	vor.u32 v15, v4;
	v11 =	vmov v49;
	v49 =	vld.idx.msk [tilespmem:v18+s26+$0x0], $0xffff;
	[tilespmem:v52+s2+$0x0] =	vst.idx.msk $0xffff, v24  }
0x7e3: {  	v32 =	vor.u32 v21, v4;
	v10 =	vld.idx.msk [tilespmem:v27+s26+$0x0], $0xffff  }
0x7e4: {  	v44 =	vor.u32 v61, v3;
	[tilespmem:$0x1F080] =	vst v6;
	v22 =	vld.idx.msk [tilespmem:v30+s26+$0x0], $0xffff  }
0x7e5: {  	v6 =	vmov v44;
	v16 =	vor.u32 v62, v5;
	v0 =	vor.u32 v2, v5;
	[tilespmem:v55+s2+$0x0] =	vst.idx.msk $0xffff, v17;
	v17 =	vld [tilespmem:$0x1F270]  }
0x7e6: {  	[tilespmem:v46+s2+$0x0] =	vst.idx.msk $0xffff, v28;
	v46 =	vor.u32 v62, v4;
	v62 =	vor.u32 v2, v4;
	v2 =	vmov v6;
	v6 =	vld [tilespmem:$0x1F070]  }
0x7e7: {  	v41 =	vor.u32 v61, v1;
	v61 =	vld [tilespmem:$0x1FBC0]  }
0x7e8: {  	[tilespmem:v32+s2+$0x0] =	vst.idx.msk $0xffff, v23;
	v23 =	vld [tilespmem:$0x1F280]  }
0x7e9: {  	v24 =	vor.u32 v63, v38;
	v40 =	vld.idx.msk [tilespmem:v40+s26+$0x0], $0xffff  }
0x7ea: {  	v43 =	vor.u32 v7, v29;
	v52 =	vor.u32 v17, v38;
	v17 =	vld [tilespmem:$0x1F060]  }
0x7eb: {  	[tilespmem:$0x1F090] =	vst v0;
	v0 =	vld [tilespmem:$0x1FC40]  }
0x7ec: {  	[tilespmem:v35+s2+$0x0] =	vst.idx.msk $0xffff, v47;
	v55 =	vld [tilespmem:$0x1FC20]  }
0x7ed: {  	v27 =	vld.idx.msk [tilespmem:v41+s26+$0x0], $0xffff  }
0x7ee: {  	v1 =	vor.u32 v23, v1;
	v24 =	vld.idx.msk [tilespmem:v24+s26+$0x0], $0xffff;
	[tilespmem:v6+s2+$0x0] =	vst.idx.msk $0xffff, v14  }
0x7ef: {  	v41 =	vld.idx.msk [tilespmem:v37+s26+$0x0], $0xffff;
	[tilespmem:v43+s2+$0x0] =	vst.idx.msk $0xffff, v17  }
0x7f0: {  	v17 =	vld.idx.msk [tilespmem:v54+s26+$0x0], $0xffff;
	[tilespmem:v48+s2+$0x0] =	vst.idx.msk $0xffff, v50  }
0x7f1: {  	v44 =	vor.u32 v45, v34;
	[tilespmem:v25+s2+$0x0] =	vst.idx.msk $0xffff, v53;
	v14 =	vld.idx.msk [tilespmem:v42+s26+$0x0], $0xffff  }
0x7f2: {  	v21 =	vor.u32 v45, v3;
	v45 =	vor.u32 v59, v38;
	[tilespmem:v57+s2+$0x0] =	vst.idx.msk $0xffff, v56;
	v56 =	vld [tilespmem:$0x1FBF0]  }
0x7f3: {  	v59 =	vor.u32 v58, v34;
	v32 =	vor.u32 v33, v5;
	v18 =	vor.u32 v12, v29;
	v35 =	vld.idx.msk [tilespmem:v1+s26+$0x0], $0xffff  }
0x7f4: {  	s0 =	sadd.s32 $0x2, s0;
	v12 =	vor.u32 v12, v8;
	v26 =	vor.u32 v61, v5;
	v23 =	vor.u32 v23, v38;
	v1 =	vld [tilespmem:$0x1FC30]  }
0x7f5: {  	p1 =	slt.u32 s0, $0x6;
	v30 =	vor.u32 v0, v29;
	v38 =	vor.u32 v15, v8;
	v47 =	vor.u32 v55, v29;
	v53 =	vld [tilespmem:$0x1F270]  }
.Ltmp7:
0x7f6: {  	v25 =	vor.u32 v0, v8;
	v0 =	vmov v8;
	v44 =	vld.idx.msk [tilespmem:v44+s26+$0x0], $0xffff;
	[tilespmem:v51+s2+$0x0] =	vst.idx.msk $0xffff, v39;
	(pc) =	sbr.rel @p1 .LBB2_17-.Ltmp7, $4  }
0x7f7: {  	v39 =	vor.u32 v61, v4;
	v37 =	vor.u32 v55, v0;
	v42 =	vld.idx.msk [tilespmem:v52+s26+$0x0], $0xffff;
	[tilespmem:v46+s2+$0x0] =	vst.idx.msk $0xffff, v31  }
0x7f8: {  	v46 =	vor.u32 v7, v0;
	v31 =	vld.idx.msk [tilespmem:v59+s26+$0x0], $0xffff;
	[tilespmem:v62+s2+$0x0] =	vst.idx.msk $0xffff, v49;
	v49 =	vor.u32 v33, v4  }
0x7f9: {  	v51 =	vor.u32 v56, v0;
	v28 =	vor.u32 v1, v8;
	v43 =	vor.u32 v1, v29;
	v1 =	vmovc v34  }
0x7fa: {  	s5 =	sadd.s32 $0x20, s5;
	v57 =	vld [tilespmem:$0x1F340];
	v8 =	vmovc v36;
	v36 =	vor.u32 v60, v34;
	v48 =	vor.u32 v63, v1;
	v50 =	vor.u32 v53, v1  }
0x7fb: {  	_ =	sdelay $0x3  }
0x7fc: {  	v29 =	vld.idx.msk [tilespmem:v36+s26+$0x0], $0xffff;
	[tilespmem:v39+s2+$0x0] =	vst.idx.msk $0xffff, v40  }
0x7fd: {  	[tilespmem:v38+s2+$0x0] =	vst.idx.msk $0xffff, v8  }
0x7fe: {  	v8 =	vld.idx.msk [tilespmem:v48+s26+$0x0], $0xffff;
	[tilespmem:v49+s2+$0x0] =	vst.idx.msk $0xffff, v41  }
0x7ff: {  	v15 =	vld.idx.msk [tilespmem:v45+s26+$0x0], $0xffff;
	[tilespmem:v51+s2+$0x0] =	vst.idx.msk $0xffff, v20  }
0x800: {  	v6 =	vld [tilespmem:$0x1F080];
	_ =	sdelay $0x6  }
0x801: {  	[tilespmem:v47+s2+$0x0] =	vst.idx.msk $0xffff, v11  }
0x802: {  	v34 =	vld.idx.msk [tilespmem:v50+s26+$0x0], $0xffff;
	[tilespmem:v6+s2+$0x0] =	vst.idx.msk $0xffff, v44  }
0x803: {  	v33 =	vld [tilespmem:$0x1FC10];
	_ =	sdelay $0x4  }
0x804: {  	[tilespmem:v43+s2+$0x0] =	vst.idx.msk $0xffff, v13;
	v0 =	vor.u32 v33, v0  }
0x805: {  	v6 =	vld.idx.msk [tilespmem:v21+s26+$0x0], $0xffff;
	[tilespmem:v16+s2+$0x0] =	vst.idx.msk $0xffff, v19  }
0x806: {  	v9 =	vld.idx.msk [tilespmem:v9+s26+$0x0], $0xffff;
	[tilespmem:v30+s2+$0x0] =	vst.idx.msk $0xffff, v27  }
0x807: {  	v11 =	vld [tilespmem:$0x1F2D0];
	[tilespmem:v46+s2+$0x0] =	vst.idx.msk $0xffff, v22  }
0x808: {  	v47 =	vld [tilespmem:$0x1F2B0];
	[tilespmem:v18+s2+$0x0] =	vst.idx.msk $0xffff, v35  }
0x809: {  	v16 =	vld.idx.msk [tilespmem:v23+s26+$0x0], $0xffff;
	[tilespmem:v0+s2+$0x0] =	vst.idx.msk $0xffff, v24  }
0x80a: {  	v0 =	vld [tilespmem:$0x1F2C0];
	[tilespmem:v37+s2+$0x0] =	vst.idx.msk $0xffff, v42  }
0x80b: {  	[tilespmem:v28+s2+$0x0] =	vst.idx.msk $0xffff, v15  }
0x80c: {  	v15 =	vld [tilespmem:$0x1F2A0];
	[tilespmem:v25+s2+$0x0] =	vst.idx.msk $0xffff, v9  }
0x80d: {  	v7 =	vld [tilespmem:$0x1F090];
	_ =	sdelay $0x1  }
0x80e: {  	v11 =	vor.u32 v11, v3;
	_ =	sdelay $0x3  }
0x80f: {  	v48 =	vor.u32 v56, v4;
	v13 =	vor.u32 v47, v1  }
0x810: {  	v50 =	vld.idx.msk [tilespmem:v11+s26+$0x0], $0xffff  }
0x811: {  	v51 =	vld [tilespmem:$0x1F260];
	[tilespmem:v7+s2+$0x0] =	vst.idx.msk $0xffff, v10  }
0x812: {  	v49 =	vor.u32 v15, v3;
	v15 =	vld [tilespmem:$0x1FC00];
	_ =	sdelay $0x1  }
0x813: {  	v13 =	vld.idx.msk [tilespmem:v13+s26+$0x0], $0xffff;
	v0 =	vor.u32 v0, v3;
	[tilespmem:v48+s2+$0x0] =	vst.idx.msk $0xffff, v31  }
0x814: {  	v18 =	vld [tilespmem:$0x1FBE0]  }
0x815: {  	v22 =	vld [tilespmem:$0x1F280]  }
0x816: {  	v11 =	vor.u32 v51, v1;
	v7 =	vor.u32 v15, v4;
	_ =	sdelay $0x1  }
0x817: {  	v52 =	vor.u32 v53, v3;
	v0 =	vld.idx.msk [tilespmem:v0+s26+$0x0], $0xffff;
	[tilespmem:v26+s2+$0x0] =	vst.idx.msk $0xffff, v17  }
0x818: {  	[tilespmem:v12+s2+$0x0] =	vst.idx.msk $0xffff, v16;
	v18 =	vor.u32 v18, v5  }
0x819: {  	v54 =	vor.u32 v33, v4;
	v12 =	vld.idx.msk [tilespmem:v49+s26+$0x0], $0xffff;
	[tilespmem:v32+s2+$0x0] =	vst.idx.msk $0xffff, v14;
	v53 =	vor.u32 v22, v1  }
0x81a: {  	v11 =	vld.idx.msk [tilespmem:v11+s26+$0x0], $0xffff;
	[tilespmem:v7+s2+$0x0] =	vst.idx.msk $0xffff, v29  }
0x81b: {  	v57 =	vld [tilespmem:$0x1FC30]  }
0x81c: {  	v10 =	vld.idx.msk [tilespmem:v52+s26+$0x0], $0xffff  }
0x81d: {  	v14 =	vor.u32 v55, v4;
	v58 =	vld [tilespmem:$0x1FC40];
	[tilespmem:v18+s2+$0x0] =	vst.idx.msk $0xffff, v6  }
0x81e: {  	v17 =	vor.u32 v47, v3;
	v16 =	vor.u32 v56, v5;
	v1 =	vld.idx.msk [tilespmem:v53+s26+$0x0], $0xffff;
	[tilespmem:v54+s2+$0x0] =	vst.idx.msk $0xffff, v8  }
0x81f: {  	v6 =	vor.u32 v15, v5;
	v15 =	vld [tilespmem:$0x1FC50]  }
0x820: {  	v7 =	vor.u32 v57, v4  }
0x821: {  	v61 =	vor.u32 v33, v5;
	v60 =	vor.u32 v22, v3  }
0x822: {  	[tilespmem:v14+s2+$0x0] =	vst.idx.msk $0xffff, v34;
	v14 =	vor.u32 v55, v5  }
0x823: {  	v8 =	vld.idx.msk [tilespmem:v17+s26+$0x0], $0xffff;
	[tilespmem:v16+s2+$0x0] =	vst.idx.msk $0xffff, v50;
	v59 =	vor.u32 v58, v4  }
0x824: {  	v2 =	vld.idx.msk [tilespmem:v2+s26+$0x0], $0xffff;
	[tilespmem:v6+s2+$0x0] =	vst.idx.msk $0xffff, v0;
	v4 =	vor.u32 v15, v4  }
0x825: {  	[tilespmem:v7+s2+$0x0] =	vst.idx.msk $0xffff, v13;
	v7 =	vor.u32 v57, v5  }
0x826: {  	v62 =	vor.u32 v58, v5;
	v3 =	vld.idx.msk [tilespmem:v60+s26+$0x0], $0xffff;
	[tilespmem:v61+s2+$0x0] =	vst.idx.msk $0xffff, v12  }
0x827: {  	v63 =	vor.u32 v15, v5;
	[tilespmem:v14+s2+$0x0] =	vst.idx.msk $0xffff, v10  }
0x828: {  	[tilespmem:v59+s2+$0x0] =	vst.idx.msk $0xffff, v11  }
0x829: {  	[tilespmem:v4+s2+$0x0] =	vst.idx.msk $0xffff, v1  }
0x82a: {  	[tilespmem:v7+s2+$0x0] =	vst.idx.msk $0xffff, v8  }
0x82b: {  	[tilespmem:v62+s2+$0x0] =	vst.idx.msk $0xffff, v2  }
0x82c: {  	s0 =	sadd.s32 @!p0 $0x180, s1;
	s1 =	simm.s32 @!p0 $0x80;
	s5 =	simm.s32 @!p0 $0x3900;
	[tilespmem:v63+s2+$0x0] =	vst.idx.msk $0xffff, v3  }
0x82d: {  	[tilespmem:s5], [sflag:$0x2] =	stream.indirect.gather @!p0 [hbm4b:s4+s1], $0x40, s0, s1, $0xb8;
	[tilespmem:$0x9900] =	vst v63  }
0x82e: {  	s5 =	sadd.s32 s31, s13  }
0x82f: {  	[hbm4b:s5+s3] =	stream.linear.scatter [tilespmem:s2], [sflag:$0x4], $0x400, $0x38;
	[tilespmem:$0x9900] =	vst v63  }
0x830: {  	s22 =	sadd.s32 s31, s14;
	s24 =	simm.s32 $0x7D00  }
0x831: {  	v39 =	vld [tilespmem:$0x1FEE0];
	[hbm4b:s22+s3] =	stream.linear.scatter [tilespmem:s24], [sflag:$0x4], $0x400, $0x38  }
0x832: {  	s1 =	sadd.s32 s31, s15;
	v40 =	vld [tilespmem:$0x1FED0];
	s5 =	simm.s32 $0x8100  }
0x833: {  	v60 =	vld [tilespmem:$0x1FF30];
	[hbm4b:s1+s3] =	stream.linear.scatter [tilespmem:s5], [sflag:$0x4], $0x400, $0x38  }
0x834: {  	v61 =	vld [tilespmem:$0x1FF40];
	s22 =	sadd.s32 s31, s16;
	s24 =	simm.s32 $0x8500  }
0x835: {  	v50 =	vld [tilespmem:$0x1FF50];
	[hbm4b:s22+s3] =	stream.linear.scatter [tilespmem:s24], [sflag:$0x4], $0x400, $0x38  }
0x836: {  	s30 =	sadd.s32 $0x1, s30;
	v48 =	vld [tilespmem:$0x1FF60];
	s1 =	sadd.s32 s31, s17;
	s5 =	simm.s32 $0x8900  }
0x837: {  	v13 =	vld [tilespmem:$0x1FF70];
	[hbm4b:s1+s3] =	stream.linear.scatter [tilespmem:s5], [sflag:$0x4], $0x400, $0x38  }
0x838: {  	p0 =	sne.s32 s30, $0x19;
	v15 =	vld [tilespmem:$0x1FF80];
	s22 =	sadd.s32 s31, s19;
	s24 =	simm.s32 $0x8D00  }
0x839: {  	v59 =	vld [tilespmem:$0x1FF90];
	[hbm4b:s22+s3] =	stream.linear.scatter [tilespmem:s24], [sflag:$0x4], $0x400, $0x38  }
.Ltmp8:
0x83a: {  	v63 =	vld [tilespmem:$0x1FFA0];
	(pc) =	sbr.rel @p0 .LBB2_2-.Ltmp8, $4  }
0x83b: {  	v62 =	vld [tilespmem:$0x1FFB0];
	s5 =	sadd.s32 s31, s20;
	s22 =	simm.s32 $0x9100  }
0x83c: {  	v57 =	vld [tilespmem:$0x1FFC0];
	[hbm4b:s5+s3] =	stream.linear.scatter [tilespmem:s22], [sflag:$0x4], $0x400, $0x38  }
0x83d: {  	v56 =	vld [tilespmem:$0x1FFD0];
	s24 =	sadd.s32 s31, s21;
	s31 =	simm.s32 $0x9500  }
0x83e: {  	v7 =	vld [tilespmem:$0x1FA70];
	[hbm4b:s24+s3] =	stream.linear.scatter [tilespmem:s31], [sflag:$0x4], $0x400, $0x38  }
0x83f: {  	s0 =	simm.s32 $0x3  }
0x840: {  	_ =	swait.ge [sflag:s0], $0x400  }
0x841: {  	[sflag:s0] =	ssyncset.done $0x0  }
0x842: {  	[sflag:s0] =	ssyncadd.s32 $0xFFFFFC00  }
0x843: {  	_ =	swait.ge [sflag:s0], $0x400  }
0x844: {  	[sflag:s0] =	ssyncset.done $0x0  }
0x845: {  	[sflag:s0] =	ssyncadd.s32 $0xFFFFFC00  }
0x846: {  	_ =	swait.ge [sflag:s0], $0x400  }
0x847: {  	[sflag:s0] =	ssyncset.done $0x0  }
0x848: {  	[sflag:s0] =	ssyncadd.s32 $0xFFFFFC00  }
0x849: {  	_ =	swait.ge [sflag:s0], $0x400  }
0x84a: {  	[sflag:s0] =	ssyncset.done $0x0  }
0x84b: {  	[sflag:s0] =	ssyncadd.s32 $0xFFFFFC00  }
0x84c: {  	_ =	swait.ge [sflag:s0], $0x400  }
0x84d: {  	[sflag:s0] =	ssyncset.done $0x0  }
0x84e: {  	[sflag:s0] =	ssyncadd.s32 $0xFFFFFC00  }
0x84f: {  	_ =	swait.ge [sflag:s0], $0x400  }
0x850: {  	[sflag:s0] =	ssyncset.done $0x0  }
0x851: {  	[sflag:s0] =	ssyncadd.s32 $0xFFFFFC00  }
0x852: {  	_ =	swait.ge [sflag:s0], $0x400  }
0x853: {  	[sflag:s0] =	ssyncset.done $0x0  }
0x854: {  	[sflag:s0] =	ssyncadd.s32 $0xFFFFFC00  }
0x855: {  	_ =	swait.ge [sflag:s0], $0x400  }
0x856: {  	[sflag:s0] =	ssyncset.done $0x0  }
0x857: {  	s1 =	simm.s32 $0x4;
	[sflag:s0] =	ssyncadd.s32 $0xFFFFFC00  }
0x858: {  	_ =	swait.ge [sflag:s1], $0x400  }
0x859: {  	[sflag:s1] =	ssyncset.done $0x0  }
0x85a: {  	[sflag:s1] =	ssyncadd.s32 $0xFFFFFC00  }
0x85b: {  	_ =	swait.ge [sflag:s1], $0x400  }
0x85c: {  	[sflag:s1] =	ssyncset.done $0x0  }
0x85d: {  	[sflag:s1] =	ssyncadd.s32 $0xFFFFFC00  }
0x85e: {  	_ =	swait.ge [sflag:s1], $0x400  }
0x85f: {  	[sflag:s1] =	ssyncset.done $0x0  }
0x860: {  	[sflag:s1] =	ssyncadd.s32 $0xFFFFFC00  }
0x861: {  	_ =	swait.ge [sflag:s1], $0x400  }
0x862: {  	[sflag:s1] =	ssyncset.done $0x0  }
0x863: {  	[sflag:s1] =	ssyncadd.s32 $0xFFFFFC00  }
0x864: {  	_ =	swait.ge [sflag:s1], $0x400  }
0x865: {  	[sflag:s1] =	ssyncset.done $0x0  }
0x866: {  	[sflag:s1] =	ssyncadd.s32 $0xFFFFFC00  }
0x867: {  	_ =	swait.ge [sflag:s1], $0x400  }
0x868: {  	[sflag:s1] =	ssyncset.done $0x0  }
0x869: {  	[sflag:s1] =	ssyncadd.s32 $0xFFFFFC00  }
0x86a: {  	_ =	swait.ge [sflag:s1], $0x400  }
0x86b: {  	[sflag:s1] =	ssyncset.done $0x0  }
0x86c: {  	[sflag:s1] =	ssyncadd.s32 $0xFFFFFC00  }
0x86d: {  	_ =	swait.ge [sflag:s1], $0x400  }
0x86e: {  	s5 =	rddreg [dreg:$0x5]  }
0x86f: {  	s31 =	rddreg [dreg:$0x4];
	s5 =	sadd.s32 $0x1, s5  }
0x870: {  	p0 =	sne.s32 s5, s31  }
.Ltmp9:
0x871: {  	_ = 	snop;
	(pc) =	sbr.rel @p0 .LBB2_1-.Ltmp9, $3  }
0x872: {  	_ =	sdelay $0x1  }
0x873: {  	[sflag:s1] =	ssyncset.done $0x0  }
0x874: {  	[sflag:s1] =	ssyncadd.s32 $0xFFFFFC00  }
0x875: {  	_ =	sfence.sel $0x180000  }
0x876: {  	[bflag:$0x0] =	sbarrier.arrive $0xFFFF  }
0x877: {  	_ =	strace $0x90000047  }
0x878: {  	s0 =	stileid.u32;
	[bflag:$0x2] =	sbarrier.arrive $0xFFFF  }
0x879: {  	p0 =	sne.s32 s0, $0x0;
	s0 =	rddreg [dreg:$0x2]  }
0x87a: {  	s0 =	sadd.s32 @!p0 $0x100000, s0  }
0x87b: {  	[sflag:s0] =	ssyncadd.tile.s32 @!p0 $0x1;
	_ =	shalt  }
.Lfunc_end2:
_tile_overlayer_lowered:
.L_overlay_start_2:
0x87c: {  	(tag) =	ssettag $0x2  }
0x87d: {  	s0 =	rddreg [dreg:$0x0];
	s2 =	stileid.u32  }
0x87e: {  	s1 =	rddreg [dreg:$0x1];
	p0 =	sne.s32 s2, $0x0  }
0x87f: {  	s3 =	rddreg [dreg:$0x2];
	[bflag:$0x3] =	sbarrier.arrive $0xFFFF;
	s2 =	simm.s32 @!p0 $0x1C05  }
0x880: {  	[timem:s3], [sflag:s2] =	dma.local @!p0 [hbm:s0], s1  }
0x881: {  	s0 =	simm.s32 @!p0 $0x5  }
0x882: {  	_ =	swait.ge @!p0 [sflag:s0], s1  }
0x883: {  	s1 =	ssub.s32 @!p0 $0x0, s1;
	[sflag:s0] =	ssyncset.done @!p0 $0x0  }
0x884: {  	[sflag:s0] =	ssyncadd.s32 @!p0 s1  }
0x885: {  	[bflag:$0x3] =	sbarrier.arrive $0xFFFF  }
0x886: {  	_ =	shalt  }

</sc_bundles>
